<compile_context>
chip_gen: v7x
topology: tpu7x:2x2x1
jax: 0.10.2.dev20260603
libtpu: 0.0.44.dev20260713+nightly
codegen_flags: <defaults>
</compile_context>

<pallas_src>
import functools

import jax
import jax.numpy as jnp
from jax import lax
from jax.experimental import pallas as pl
from jax.experimental.pallas import tpu as pltpu
from jax.experimental.pallas import tpu_sc as plsc

N, E, D, H, C = 10000, 320000, 128, 32, 40
CP = 64

NC, NS = 2, 16
NTILES = NC * NS
EPT = E // NTILES
K = 125
NCHUNK = EPT // K
EK = E // K
NP = 10240
STRIPE = NP // NS
ZROWS = STRIPE // 8

GRID = 5
PB4 = NP // 4 // GRID
PB2 = NP // 2 // GRID

_mesh = plsc.VectorSubcoreMesh(core_axis_name="c", subcore_axis_name="s")



@functools.partial(
    pl.kernel,
    out_type=jax.ShapeDtypeStruct((NC, NP, 16), jnp.float32),
    mesh=_mesh,
    compiler_params=pltpu.CompilerParams(use_tc_tiling_on_sc=False),
    scratch_types=[
        pltpu.VMEM((NCHUNK, K), jnp.int32),
        pltpu.VMEM((K, 16), jnp.float32),
        pltpu.VMEM((ZROWS, 16), jnp.float32),
        pltpu.VMEM_SHARED((NP, 16), jnp.float32),
        pltpu.SemaphoreType.DMA,
    ],
)
def _sc_degree(eidx_hbm, out_hbm, didx, ones, zbuf, acc, dsem):
    cid = lax.axis_index("c")
    sid = lax.axis_index("s")
    tile = cid * NS + sid

    ci = pltpu.async_copy(
        eidx_hbm.at[1, pl.ds(tile * NCHUNK, NCHUNK)], didx, dsem)

    @pl.loop(0, ZROWS)
    def _(i):
        zbuf[i, :] = jnp.zeros((16,), jnp.float32)

    @pl.loop(0, 8)
    def _(r):
        pltpu.sync_copy(zbuf, acc.at[pl.ds(sid * STRIPE + r * ZROWS, ZROWS)])

    @pl.loop(0, K)
    def _(i):
        ones[i, :] = jnp.ones((16,), jnp.float32)

    ci.wait()
    plsc.subcore_barrier()

    @pl.loop(0, 8)
    def _(j):
        pltpu.async_copy(ones, acc.at[didx.at[j]], dsem, add=True)

    @pl.loop(8, NCHUNK)
    def _(j):
        pltpu.make_async_copy(ones, acc.at[didx.at[0]], dsem).wait()
        pltpu.async_copy(ones, acc.at[didx.at[j]], dsem, add=True)

    @pl.loop(0, 8)
    def _(j):
        pltpu.make_async_copy(ones, acc.at[didx.at[0]], dsem).wait()

    plsc.subcore_barrier()
    pltpu.sync_copy(acc.at[pl.ds(sid * STRIPE, STRIPE)],
                    out_hbm.at[cid, pl.ds(sid * STRIPE, STRIPE)])


def _make_sc_aggregate(width):
    nbuf = 8
    @functools.partial(
        pl.kernel,
        out_type=jax.ShapeDtypeStruct((NC, NP, width), jnp.float32),
        mesh=_mesh,
        compiler_params=pltpu.CompilerParams(use_tc_tiling_on_sc=False),
        scratch_types=(
            [pltpu.VMEM((NCHUNK, K), jnp.int32)] * 2
            + [pltpu.VMEM((K, width), jnp.float32)] * nbuf
            + [pltpu.VMEM((ZROWS, width), jnp.float32),
               pltpu.VMEM_SHARED((NP, width), jnp.float32)]
            + [pltpu.SemaphoreType.DMA] * (2 * nbuf + 1)
        ),
    )
    def agg(rows_hbm, eidx_hbm, out_hbm, *scr):
        sidx, didx = scr[0], scr[1]
        bufs = scr[2:2 + nbuf]
        zbuf, acc = scr[2 + nbuf], scr[3 + nbuf]
        gsem = scr[4 + nbuf:4 + 2 * nbuf]
        ssem = scr[4 + 2 * nbuf:4 + 3 * nbuf]
        isem = scr[4 + 3 * nbuf]
        cid = lax.axis_index("c")
        sid = lax.axis_index("s")
        tile = cid * NS + sid

        ca = pltpu.async_copy(
            eidx_hbm.at[0, pl.ds(tile * NCHUNK, NCHUNK)], sidx, isem)
        cb = pltpu.async_copy(
            eidx_hbm.at[1, pl.ds(tile * NCHUNK, NCHUNK)], didx, isem)

        @pl.loop(0, ZROWS)
        def _(i):
            @pl.loop(0, width // 16)
            def _(cc):
                zbuf[i, pl.ds(cc * 16, 16)] = jnp.zeros((16,), jnp.float32)

        @pl.loop(0, 8)
        def _(r):
            pltpu.sync_copy(
                zbuf, acc.at[pl.ds(sid * STRIPE + r * ZROWS, ZROWS)])

        ca.wait()
        cb.wait()

        for u in range(nbuf - 1):
            pltpu.async_copy(rows_hbm.at[sidx.at[u]], bufs[u], gsem[u])

        plsc.subcore_barrier()

        @pl.loop(0, NCHUNK, step=nbuf)
        def _(j):
            for u in range(nbuf):
                c = j + u
                pn = (u + nbuf - 1) % nbuf
                pltpu.make_async_copy(
                    rows_hbm.at[sidx.at[c]], bufs[u], gsem[u]).wait()
                pltpu.async_copy(bufs[u], acc.at[didx.at[c]], ssem[u],
                                 add=True)

                @pl.when(c >= 1)
                def _():
                    pltpu.make_async_copy(
                        bufs[pn], acc.at[didx.at[c - 1]], ssem[pn]).wait()

                @pl.when(c + nbuf - 1 < NCHUNK)
                def _():
                    pltpu.async_copy(
                        rows_hbm.at[sidx.at[c + nbuf - 1]], bufs[pn],
                        gsem[pn])

        pltpu.make_async_copy(
            bufs[(NCHUNK - 1) % nbuf], acc.at[didx.at[NCHUNK - 1]],
            ssem[(NCHUNK - 1) % nbuf]).wait()
        plsc.subcore_barrier()
        pltpu.sync_copy(acc.at[pl.ds(sid * STRIPE, STRIPE)],
                        out_hbm.at[cid, pl.ds(sid * STRIPE, STRIPE)])

    return agg


_sc_agg_h = _make_sc_aggregate(H)



def _lane_shift(w, off, total=128):
    parts = []
    if off:
        parts.append(jnp.zeros((w.shape[0], off), w.dtype))
    parts.append(w)
    rem = total - off - w.shape[1]
    if rem:
        parts.append(jnp.zeros((w.shape[0], rem), w.dtype))
    return jnp.concatenate(parts, axis=1) if len(parts) > 1 else w


def _blockdiag4(w):
    return jnp.concatenate([_lane_shift(w, 32 * a) for a in range(4)], axis=0)


def _expand16(x):
    return jnp.concatenate(
        [x[:, 16 * g:16 * g + 16] for g in (0, 0, 1, 1, 2, 2, 3, 3)], axis=1)


def _dinv4(degp_ref):
    d16 = lax.rsqrt(degp_ref[0] + degp_ref[1] + 1.0)
    return _interleave(_expand16(d16[:, :64]), _expand16(d16[:, 64:]))


def _tc_first_body(xp_ref, glove_ref, w0_ref, degp_ref, out_ref):
    w0p = jnp.dot(glove_ref[...], w0_ref[...],
                  preferred_element_type=jnp.float32)
    wblk = jnp.concatenate(
        [_lane_shift(w0p, 32 * a) for a in range(4)], axis=0)
    h = jnp.dot(xp_ref[...], wblk, preferred_element_type=jnp.float32)
    out_ref[...] = h * _dinv4(degp_ref)


def _tc_first(xp, glove, W0, degp):
    return pl.pallas_call(
        _tc_first_body,
        grid=(GRID,),
        in_specs=[
            pl.BlockSpec((PB4, 4 * D), lambda i: (i, 0)),
            pl.BlockSpec((D, D), lambda i: (0, 0)),
            pl.BlockSpec((D, H), lambda i: (0, 0)),
            pl.BlockSpec((NC, PB4 // 2, 128), lambda i: (0, i, 0)),
        ],
        out_specs=pl.BlockSpec((PB4, 128), lambda i: (i, 0)),
        out_shape=jax.ShapeDtypeStruct((NP // 4, 128), jnp.float32),
    )(xp, glove, W0, degp)


def _pre_act(p_ref, h_ref, b_ref, dinv):
    bt = jnp.concatenate([b_ref[...]] * 4, axis=1)
    pre = dinv * (p_ref[0] + p_ref[1] + h_ref[...]) + bt
    return jnp.maximum(pre, 0.0)


def _tc_mid_body(p_ref, h_ref, degp_ref, b_ref, w_ref, out_ref):
    dinv = _dinv4(degp_ref)
    act = _pre_act(p_ref, h_ref, b_ref, dinv)
    wblk = _blockdiag4(w_ref[...])
    out_ref[...] = jnp.dot(
        act, wblk, preferred_element_type=jnp.float32) * dinv


def _tc_mid(p, hprev, degp, b, w):
    return pl.pallas_call(
        _tc_mid_body,
        grid=(GRID,),
        in_specs=[
            pl.BlockSpec((NC, PB4, 128), lambda i: (0, i, 0)),
            pl.BlockSpec((PB4, 128), lambda i: (i, 0)),
            pl.BlockSpec((NC, PB4 // 2, 128), lambda i: (0, i, 0)),
            pl.BlockSpec((1, H), lambda i: (0, 0)),
            pl.BlockSpec((H, H), lambda i: (0, 0)),
        ],
        out_specs=pl.BlockSpec((PB4, 128), lambda i: (i, 0)),
        out_shape=jax.ShapeDtypeStruct((NP // 4, 128), jnp.float32),
    )(p, hprev, degp, b, w)


def _interleave(even, odd):
    r = even.shape[0]
    st = jnp.concatenate([jnp.reshape(even, (r, 1, 128)),
                          jnp.reshape(odd, (r, 1, 128))], axis=1)
    return jnp.reshape(st, (2 * r, 128))


def _regroup64(d4, lo):
    s = 0 if lo else 64
    a = d4[:, s:s + 32]
    b = d4[:, s + 32:s + 64]
    return jnp.concatenate([a, a, b, b], axis=1)


def _tc_mid2_body(p_ref, h_ref, degp_ref, b_ref, out_ref):
    dinv = _dinv4(degp_ref)
    act = _pre_act(p_ref, h_ref, b_ref, dinv)
    out_ref[...] = act * dinv


def _tc_mid2(p, hprev, degp, b):
    return pl.pallas_call(
        _tc_mid2_body,
        grid=(GRID,),
        in_specs=[
            pl.BlockSpec((NC, PB4, 128), lambda i: (0, i, 0)),
            pl.BlockSpec((PB4, 128), lambda i: (i, 0)),
            pl.BlockSpec((NC, PB4 // 2, 128), lambda i: (0, i, 0)),
            pl.BlockSpec((1, H), lambda i: (0, 0)),
        ],
        out_specs=pl.BlockSpec((PB4, 128), lambda i: (i, 0)),
        out_shape=jax.ShapeDtypeStruct((NP // 4, 128), jnp.float32),
    )(p, hprev, degp, b)


def _tc_final_body(p_ref, g_ref, degp_ref, b_ref, w_ref, out_ref):
    dinv = _dinv4(degp_ref)
    sagg = p_ref[0] + p_ref[1] + g_ref[...]
    w2e = _lane_shift(w_ref[...], 0, 128)
    bt = _lane_shift(b_ref[...], 0, 128)
    rows = []
    for a in range(4):
        sa = sagg[:, 32 * a:32 * a + 32]
        va = jnp.dot(sa, w2e, preferred_element_type=jnp.float32)
        da = dinv[:, 32 * a:32 * a + 1]
        rows.append(jnp.reshape(va * da + bt, (PB4, 1, 128)))
    pre = jnp.reshape(jnp.concatenate(rows, axis=1), (4 * PB4, 128))
    lane = lax.broadcasted_iota(jnp.int32, (1, 128), 1)
    mask = lane < C
    vm = jnp.where(mask, pre, -jnp.inf)
    m = jnp.max(vm, axis=1, keepdims=True)
    ex = jnp.where(mask, jnp.exp(pre - m), 0.0)
    lse = jnp.log(jnp.sum(ex, axis=1, keepdims=True)) + m
    out_ref[...] = pre - lse


def _tc_final(p, g, degp, b, w):
    return pl.pallas_call(
        _tc_final_body,
        grid=(GRID,),
        in_specs=[
            pl.BlockSpec((NC, PB4, 128), lambda i: (0, i, 0)),
            pl.BlockSpec((PB4, 128), lambda i: (i, 0)),
            pl.BlockSpec((NC, PB4 // 2, 128), lambda i: (0, i, 0)),
            pl.BlockSpec((1, C), lambda i: (0, 0)),
            pl.BlockSpec((H, C), lambda i: (0, 0)),
        ],
        out_specs=pl.BlockSpec((4 * PB4, 128), lambda i: (i, 0)),
        out_shape=jax.ShapeDtypeStruct((NP, 128), jnp.float32),
    )(p, g, degp, b, w)



def kernel(x, edge_index, glove, W0, b0, W1, b1, W2, b2):
    eidx = edge_index.astype(jnp.int32).reshape(2, EK, K)
    xp = jnp.pad(x, ((0, NP - N), (0, 0))).reshape(NP // 4, 4 * D)

    degp = _sc_degree(eidx)
    degpk = degp.reshape(NC, NP // 8, 128)

    h0 = _tc_first(xp, glove, W0, degpk)
    p0 = _sc_agg_h(h0.reshape(NP, H), eidx)
    h1 = _tc_mid(p0.reshape(NC, NP // 4, 128), h0, degpk,
                 b0.reshape(1, H), W1)
    p1 = _sc_agg_h(h1.reshape(NP, H), eidx)
    g = _tc_mid2(p1.reshape(NC, NP // 4, 128), h1, degpk,
                 b1.reshape(1, H))
    p2 = _sc_agg_h(g.reshape(NP, H), eidx)
    outp = _tc_final(p2.reshape(NC, NP // 4, 128), g, degpk,
                     b2.reshape(1, C), W2)
    return outp[:N, :C]

# --- scband reference (transcript-rebuilt; emitter-appended) ---
"""Pipeline reference for scband-node-model-82231443849794 (READ-ONLY COPY).

The authoritative reference and input builder live on the scoring server;
editing this copy changes nothing except your own understanding.
"""

import jax, jax.numpy as jnp
import numpy as np

N, E, D, H, C = 10000, 320000, 128, 32, 40


def setup_inputs(seed: int = 0) -> dict:
    key = jax.random.key(seed)
    ks = jax.random.split(key, 8)
    x = jax.random.normal(ks[0], (N, D), dtype=jnp.float32)
    edge_index = jax.random.randint(ks[1], (2, E), 0, N, dtype=jnp.int64)
    # glove_matrix defaults to identity when dataset has no glove matrix
    glove = jnp.eye(D, dtype=jnp.float32)
    W0 = jax.random.normal(ks[2], (D, H), dtype=jnp.float32) / np.sqrt(D)
    b0 = jnp.zeros((H,), dtype=jnp.float32)
    W1 = jax.random.normal(ks[3], (H, H), dtype=jnp.float32) / np.sqrt(H)
    b1 = jnp.zeros((H,), dtype=jnp.float32)
    W2 = jax.random.normal(ks[4], (H, C), dtype=jnp.float32) / np.sqrt(H)
    b2 = jnp.zeros((C,), dtype=jnp.float32)
    return {"x": x, "edge_index": edge_index, "glove": glove,
            "W0": W0, "b0": b0, "W1": W1, "b1": b1, "W2": W2, "b2": b2}


def _gcn_conv(x, W, b, src, dst, deg_inv_sqrt):
    # GCNConv with self-loops: out = D^{-1/2}(A+I)D^{-1/2} (x W) + b
    h = x @ W
    norm_e = deg_inv_sqrt[src] * deg_inv_sqrt[dst]
    msgs = h[src] * norm_e[:, None]                      # gather (memory-bound)
    agg = jax.ops.segment_sum(msgs, dst, num_segments=x.shape[0])  # scatter-add
    self_term = h * (deg_inv_sqrt * deg_inv_sqrt)[:, None]
    return agg + self_term + b


def reference(x, edge_index, glove, W0, b0, W1, b1, W2, b2):
    src = edge_index[0]
    dst = edge_index[1]
    n = x.shape[0]
    # degree with self-loops
    deg = jax.ops.segment_sum(jnp.ones((src.shape[0],), jnp.float32), dst, num_segments=n) + 1.0
    deg_inv_sqrt = jax.lax.rsqrt(deg)
    # x = x @ glove_matrix
    h = x @ glove
    # layer 0 + relu (dropout is identity in eval mode)
    h = jax.nn.relu(_gcn_conv(h, W0, b0, src, dst, deg_inv_sqrt))
    # layer 1 + relu
    h = jax.nn.relu(_gcn_conv(h, W1, b1, src, dst, deg_inv_sqrt))
    # final layer, then log_softmax over classes
    h = _gcn_conv(h, W2, b2, src, dst, deg_inv_sqrt)
    return jax.nn.log_softmax(h, axis=1)

if __name__ == "__main__":
    import jax
    _d = setup_inputs()
    print(jax.jit(kernel)(*tuple(_d.values())))

</pallas_src>

<mosaic_0001>
#map = affine_map<(d0, d1) -> (0, 0)>
#map1 = affine_map<(d0, d1) -> (0, 0, 0)>
module attributes {stable_mosaic.version = 14 : i64} {
  func.func @agg(%arg0: i32, %arg1: i32, %arg2: memref<10240x32xf32, #tpu.memory_space<hbm>>, %arg3: memref<2x2560x125xi32, #tpu.memory_space<hbm>>, %arg4: memref<2x10240x32xf32, #tpu.memory_space<hbm>>, %arg5: memref<80x125xi32, #tpu.memory_space<vmem>>, %arg6: memref<80x125xi32, #tpu.memory_space<vmem>>, %arg7: memref<125x32xf32, #tpu.memory_space<vmem>>, %arg8: memref<125x32xf32, #tpu.memory_space<vmem>>, %arg9: memref<125x32xf32, #tpu.memory_space<vmem>>, %arg10: memref<125x32xf32, #tpu.memory_space<vmem>>, %arg11: memref<125x32xf32, #tpu.memory_space<vmem>>, %arg12: memref<125x32xf32, #tpu.memory_space<vmem>>, %arg13: memref<125x32xf32, #tpu.memory_space<vmem>>, %arg14: memref<125x32xf32, #tpu.memory_space<vmem>>, %arg15: memref<80x32xf32, #tpu.memory_space<vmem>>, %arg16: memref<10240x32xf32, #tpu.memory_space<vmem_shared>>, %arg17: memref<!tpu.dma_semaphore, #tpu.memory_space<semaphore_mem>>, %arg18: memref<!tpu.dma_semaphore, #tpu.memory_space<semaphore_mem>>, %arg19: memref<!tpu.dma_semaphore, #tpu.memory_space<semaphore_mem>>, %arg20: memref<!tpu.dma_semaphore, #tpu.memory_space<semaphore_mem>>, %arg21: memref<!tpu.dma_semaphore, #tpu.memory_space<semaphore_mem>>, %arg22: memref<!tpu.dma_semaphore, #tpu.memory_space<semaphore_mem>>, %arg23: memref<!tpu.dma_semaphore, #tpu.memory_space<semaphore_mem>>, %arg24: memref<!tpu.dma_semaphore, #tpu.memory_space<semaphore_mem>>, %arg25: memref<!tpu.dma_semaphore, #tpu.memory_space<semaphore_mem>>, %arg26: memref<!tpu.dma_semaphore, #tpu.memory_space<semaphore_mem>>, %arg27: memref<!tpu.dma_semaphore, #tpu.memory_space<semaphore_mem>>, %arg28: memref<!tpu.dma_semaphore, #tpu.memory_space<semaphore_mem>>, %arg29: memref<!tpu.dma_semaphore, #tpu.memory_space<semaphore_mem>>, %arg30: memref<!tpu.dma_semaphore, #tpu.memory_space<semaphore_mem>>, %arg31: memref<!tpu.dma_semaphore, #tpu.memory_space<semaphore_mem>>, %arg32: memref<!tpu.dma_semaphore, #tpu.memory_space<semaphore_mem>>, %arg33: memref<!tpu.dma_semaphore, #tpu.memory_space<semaphore_mem>>) attributes {dimension_semantics = [#tpu.dimension_semantics<core_parallel>, #tpu.dimension_semantics<subcore_parallel>], iteration_bounds = array<i64: 2, 16>, scalar_prefetch = 0 : i64, scratch_operands = 29 : i64, tpu.core_type = #tpu.core_type<sc_vector_subcore>, window_params = [{transform_indices = #map}, {transform_indices = #map1}, {transform_indices = #map1}]} {
    %mul3A = arith.constant 16 : i32
    %mul3A_0 = arith.muli %arg0, %mul3A : i32
    %add3A = arith.addi %mul3A_0, %arg1 : i32
    %mul3A_1 = arith.constant 80 : i32
    %mul3A_2 = arith.muli %add3A, %mul3A_1 : i32
    %dma_start3A = arith.constant 0 : i32
    %dma_start3A_3 = arith.constant 0 : i32
    %dma_start3A_4 = tpu.memref_slice %arg3[%dma_start3A, %mul3A_2, %dma_start3A_3] : memref<2x2560x125xi32, #tpu.memory_space<hbm>> -> memref<1x80x125xi32, #tpu.memory_space<hbm>>
    %dma_start3A_5 = tpu.memref_squeeze %dma_start3A_4 : memref<1x80x125xi32, #tpu.memory_space<hbm>> -> memref<80x125xi32, #tpu.memory_space<hbm>>
    %dma_start3A_6 = arith.constant 0 : i32
    %dma_start3A_7 = tpu.memref_slice %arg3[%dma_start3A, %mul3A_2, %dma_start3A_6] : memref<2x2560x125xi32, #tpu.memory_space<hbm>> -> memref<1x80x125xi32, #tpu.memory_space<hbm>>
    %dma_start3A_8 = tpu.memref_squeeze %dma_start3A_7 : memref<1x80x125xi32, #tpu.memory_space<hbm>> -> memref<80x125xi32, #tpu.memory_space<hbm>>
    tpu.enqueue_dma source(%dma_start3A_8 : memref<80x125xi32, #tpu.memory_space<hbm>>) target(%arg5 : memref<80x125xi32, #tpu.memory_space<vmem>>) target_semaphore(%arg33 : memref<!tpu.dma_semaphore, #tpu.memory_space<semaphore_mem>>)
    %mul3A_9 = arith.constant 80 : i32
    %mul3A_10 = arith.muli %add3A, %mul3A_9 : i32
    %dma_start3A_11 = arith.constant 1 : i32
    %dma_start3A_12 = arith.constant 0 : i32
    %dma_start3A_13 = tpu.memref_slice %arg3[%dma_start3A_11, %mul3A_10, %dma_start3A_12] : memref<2x2560x125xi32, #tpu.memory_space<hbm>> -> memref<1x80x125xi32, #tpu.memory_space<hbm>>
    %dma_start3A_14 = tpu.memref_squeeze %dma_start3A_13 : memref<1x80x125xi32, #tpu.memory_space<hbm>> -> memref<80x125xi32, #tpu.memory_space<hbm>>
    %dma_start3A_15 = arith.constant 0 : i32
    %dma_start3A_16 = tpu.memref_slice %arg3[%dma_start3A_11, %mul3A_10, %dma_start3A_15] : memref<2x2560x125xi32, #tpu.memory_space<hbm>> -> memref<1x80x125xi32, #tpu.memory_space<hbm>>
    %dma_start3A_17 = tpu.memref_squeeze %dma_start3A_16 : memref<1x80x125xi32, #tpu.memory_space<hbm>> -> memref<80x125xi32, #tpu.memory_space<hbm>>
    tpu.enqueue_dma source(%dma_start3A_17 : memref<80x125xi32, #tpu.memory_space<hbm>>) target(%arg6 : memref<80x125xi32, #tpu.memory_space<vmem>>) target_semaphore(%arg33 : memref<!tpu.dma_semaphore, #tpu.memory_space<semaphore_mem>>)
    %scan3A = arith.constant 0 : i32
    %scan3A_18 = arith.constant 80 : i32
    %scan3A_19 = arith.addi %scan3A, %scan3A_18 : i32
    %scan3A_20 = arith.constant 1 : i32
    scf.for %scan3A_106 = %scan3A to %scan3A_19 step %scan3A_20  : i32 {
      %mul3A_107 = arith.constant 1 : i32
      %mul3A_108 = arith.muli %scan3A_106, %mul3A_107 : i32
      %add3A_109 = arith.constant 0 : i32
      %add3A_110 = arith.addi %add3A_109, %mul3A_108 : i32
      %scan3A_111 = arith.constant 0 : i32
      %scan3A_112 = arith.constant 2 : i32
      %scan3A_113 = arith.addi %scan3A_111, %scan3A_112 : i32
      %scan3A_114 = arith.constant 1 : i32
      scf.for %scan3A_116 = %scan3A_111 to %scan3A_113 step %scan3A_114  : i32 {
        %mul3A_117 = arith.constant 1 : i32
        %mul3A_118 = arith.muli %scan3A_116, %mul3A_117 : i32
        %add3A_119 = arith.constant 0 : i32
        %add3A_120 = arith.addi %add3A_119, %mul3A_118 : i32
        %broadcast_in_dim3A = arith.constant 0.000000e+00 : f32
        %broadcast_in_dim3A_121 = vector.broadcast %broadcast_in_dim3A : f32 to vector<16xf32>
        %mul3A_122 = arith.constant 16 : i32
        %mul3A_123 = arith.muli %add3A_120, %mul3A_122 : i32
        %swap3A = arith.index_cast %add3A_110 : i32 to index
        %swap3A_124 = arith.index_cast %mul3A_123 : i32 to index
        %swap3A_125 = tpu.vector_load %arg15[%swap3A, %swap3A_124] {strides = array<i32>} : memref<80x32xf32, #tpu.memory_space<vmem>>, vector<1x16xf32>,
        %swap3A_126 = vector.shape_cast %swap3A_125 : vector<1x16xf32> to vector<16xf32>
        %swap3A_127 = vector.shape_cast %broadcast_in_dim3A_121 : vector<16xf32> to vector<1x16xf32>
        tpu.vector_store %arg15[%swap3A, %swap3A_124], %swap3A_127 {strides = array<i32>} : memref<80x32xf32, #tpu.memory_space<vmem>>, vector<1x16xf32>,
      }
      %scan3A_115 = arith.constant 2 : i32
    }
    %scan3A_21 = arith.constant 80 : i32
    %scan3A_22 = arith.constant 0 : i32
    %scan3A_23 = arith.constant 8 : i32
    %scan3A_24 = arith.addi %scan3A_22, %scan3A_23 : i32
    %scan3A_25 = arith.constant 1 : i32
    scf.for %scan3A_106 = %scan3A_22 to %scan3A_24 step %scan3A_25  : i32 {
      %mul3A_107 = arith.constant 1 : i32
      %mul3A_108 = arith.muli %scan3A_106, %mul3A_107 : i32
      %add3A_109 = arith.constant 0 : i32
      %add3A_110 = arith.addi %add3A_109, %mul3A_108 : i32
      %mul3A_111 = arith.constant 640 : i32
      %mul3A_112 = arith.muli %arg1, %mul3A_111 : i32
      %mul3A_113 = arith.constant 80 : i32
      %mul3A_114 = arith.muli %add3A_110, %mul3A_113 : i32
      %add3A_115 = arith.addi %mul3A_112, %mul3A_114 : i32
      "tpu.region"() ({
        %run_scoped3A = tpu.sem_alloc : memref<!tpu.dma_semaphore, #tpu.memory_space<semaphore_mem>>
        %dma_start3A_116 = arith.constant 0 : i32
        %dma_start3A_117 = tpu.memref_slice %arg16[%add3A_115, %dma_start3A_116] : memref<10240x32xf32, #tpu.memory_space<vmem_shared>> -> memref<80x32xf32, #tpu.memory_space<vmem_shared>>
        %dma_start3A_118 = arith.constant 0 : i32
        %dma_start3A_119 = tpu.memref_slice %arg16[%add3A_115, %dma_start3A_118] : memref<10240x32xf32, #tpu.memory_space<vmem_shared>> -> memref<80x32xf32, #tpu.memory_space<vmem_shared>>
        tpu.enqueue_dma source(%arg15 : memref<80x32xf32, #tpu.memory_space<vmem>>) target(%dma_start3A_119 : memref<80x32xf32, #tpu.memory_space<vmem_shared>>) target_semaphore(%run_scoped3A : memref<!tpu.dma_semaphore, #tpu.memory_space<semaphore_mem>>)
        %dma_wait3A_120 = arith.constant 0 : i32
        %dma_wait3A_121 = tpu.memref_slice %arg16[%add3A_115, %dma_wait3A_120] : memref<10240x32xf32, #tpu.memory_space<vmem_shared>> -> memref<80x32xf32, #tpu.memory_space<vmem_shared>>
        %dma_wait3A_122 = arith.constant 0 : i32
        %dma_wait3A_123 = tpu.memref_slice %arg16[%add3A_115, %dma_wait3A_122] : memref<10240x32xf32, #tpu.memory_space<vmem_shared>> -> memref<80x32xf32, #tpu.memory_space<vmem_shared>>
        tpu.wait_dma2 semaphore(%run_scoped3A : memref<!tpu.dma_semaphore, #tpu.memory_space<semaphore_mem>>) src(%arg15 : memref<80x32xf32, #tpu.memory_space<vmem>>) dst(%dma_wait3A_123 : memref<80x32xf32, #tpu.memory_space<vmem_shared>>)
        tpu.yield
      }) : () -> ()
    }
    %scan3A_26 = arith.constant 8 : i32
    %dma_wait3A = arith.constant 0 : i32
    %dma_wait3A_27 = arith.constant 0 : i32
    %dma_wait3A_28 = tpu.memref_slice %arg3[%dma_wait3A, %mul3A_2, %dma_wait3A_27] : memref<2x2560x125xi32, #tpu.memory_space<hbm>> -> memref<1x80x125xi32, #tpu.memory_space<hbm>>
    %dma_wait3A_29 = tpu.memref_squeeze %dma_wait3A_28 : memref<1x80x125xi32, #tpu.memory_space<hbm>> -> memref<80x125xi32, #tpu.memory_space<hbm>>
    %dma_wait3A_30 = arith.constant 0 : i32
    %dma_wait3A_31 = tpu.memref_slice %arg3[%dma_wait3A, %mul3A_2, %dma_wait3A_30] : memref<2x2560x125xi32, #tpu.memory_space<hbm>> -> memref<1x80x125xi32, #tpu.memory_space<hbm>>
    %dma_wait3A_32 = tpu.memref_squeeze %dma_wait3A_31 : memref<1x80x125xi32, #tpu.memory_space<hbm>> -> memref<80x125xi32, #tpu.memory_space<hbm>>
    tpu.wait_dma2 semaphore(%arg33 : memref<!tpu.dma_semaphore, #tpu.memory_space<semaphore_mem>>) src(%dma_wait3A_32 : memref<80x125xi32, #tpu.memory_space<hbm>>) dst(%arg5 : memref<80x125xi32, #tpu.memory_space<vmem>>)
    %dma_wait3A_33 = arith.constant 1 : i32
    %dma_wait3A_34 = arith.constant 0 : i32
    %dma_wait3A_35 = tpu.memref_slice %arg3[%dma_wait3A_33, %mul3A_10, %dma_wait3A_34] : memref<2x2560x125xi32, #tpu.memory_space<hbm>> -> memref<1x80x125xi32, #tpu.memory_space<hbm>>
    %dma_wait3A_36 = tpu.memref_squeeze %dma_wait3A_35 : memref<1x80x125xi32, #tpu.memory_space<hbm>> -> memref<80x125xi32, #tpu.memory_space<hbm>>
    %dma_wait3A_37 = arith.constant 0 : i32
    %dma_wait3A_38 = tpu.memref_slice %arg3[%dma_wait3A_33, %mul3A_10, %dma_wait3A_37] : memref<2x2560x125xi32, #tpu.memory_space<hbm>> -> memref<1x80x125xi32, #tpu.memory_space<hbm>>
    %dma_wait3A_39 = tpu.memref_squeeze %dma_wait3A_38 : memref<1x80x125xi32, #tpu.memory_space<hbm>> -> memref<80x125xi32, #tpu.memory_space<hbm>>
    tpu.wait_dma2 semaphore(%arg33 : memref<!tpu.dma_semaphore, #tpu.memory_space<semaphore_mem>>) src(%dma_wait3A_39 : memref<80x125xi32, #tpu.memory_space<hbm>>) dst(%arg6 : memref<80x125xi32, #tpu.memory_space<vmem>>)
    %dma_start3A_40 = arith.constant 0 : i32
    %dma_start3A_41 = arith.constant 0 : i32
    %dma_start3A_42 = tpu.memref_slice %arg5[%dma_start3A_40, %dma_start3A_41] : memref<80x125xi32, #tpu.memory_space<vmem>> -> memref<1x125xi32, #tpu.memory_space<vmem>>
    %dma_start3A_43 = tpu.memref_squeeze %dma_start3A_42 : memref<1x125xi32, #tpu.memory_space<vmem>> -> memref<125xi32, #tpu.memory_space<vmem>>
    %dma_start3A_44 = arith.constant 0 : i32
    %dma_start3A_45 = arith.constant 0 : i32
    %dma_start3A_46 = tpu.memref_slice %arg2[%dma_start3A_44, %dma_start3A_45] : memref<10240x32xf32, #tpu.memory_space<hbm>> -> memref<10240x32xf32, #tpu.memory_space<hbm>>
    tpu.enqueue_indirect_dma source(%dma_start3A_46 : memref<10240x32xf32, #tpu.memory_space<hbm>>) target(%arg7 : memref<125x32xf32, #tpu.memory_space<vmem>>) offsets(%dma_start3A_43 : memref<125xi32, #tpu.memory_space<vmem>>) semaphore(%arg17 : memref<!tpu.dma_semaphore, #tpu.memory_space<semaphore_mem>>)
    %dma_start3A_47 = arith.constant 1 : i32
    %dma_start3A_48 = arith.constant 0 : i32
    %dma_start3A_49 = tpu.memref_slice %arg5[%dma_start3A_47, %dma_start3A_48] : memref<80x125xi32, #tpu.memory_space<vmem>> -> memref<1x125xi32, #tpu.memory_space<vmem>>
    %dma_start3A_50 = tpu.memref_squeeze %dma_start3A_49 : memref<1x125xi32, #tpu.memory_space<vmem>> -> memref<125xi32, #tpu.memory_space<vmem>>
    %dma_start3A_51 = arith.constant 0 : i32
    %dma_start3A_52 = arith.constant 0 : i32
    %dma_start3A_53 = tpu.memref_slice %arg2[%dma_start3A_51, %dma_start3A_52] : memref<10240x32xf32, #tpu.memory_space<hbm>> -> memref<10240x32xf32, #tpu.memory_space<hbm>>
    tpu.enqueue_indirect_dma source(%dma_start3A_53 : memref<10240x32xf32, #tpu.memory_space<hbm>>) target(%arg8 : memref<125x32xf32, #tpu.memory_space<vmem>>) offsets(%dma_start3A_50 : memref<125xi32, #tpu.memory_space<vmem>>) semaphore(%arg18 : memref<!tpu.dma_semaphore, #tpu.memory_space<semaphore_mem>>)
    %dma_start3A_54 = arith.constant 2 : i32
    %dma_start3A_55 = arith.constant 0 : i32
    %dma_start3A_56 = tpu.memref_slice %arg5[%dma_start3A_54, %dma_start3A_55] : memref<80x125xi32, #tpu.memory_space<vmem>> -> memref<1x125xi32, #tpu.memory_space<vmem>>
    %dma_start3A_57 = tpu.memref_squeeze %dma_start3A_56 : memref<1x125xi32, #tpu.memory_space<vmem>> -> memref<125xi32, #tpu.memory_space<vmem>>
    %dma_start3A_58 = arith.constant 0 : i32
    %dma_start3A_59 = arith.constant 0 : i32
    %dma_start3A_60 = tpu.memref_slice %arg2[%dma_start3A_58, %dma_start3A_59] : memref<10240x32xf32, #tpu.memory_space<hbm>> -> memref<10240x32xf32, #tpu.memory_space<hbm>>
    tpu.enqueue_indirect_dma source(%dma_start3A_60 : memref<10240x32xf32, #tpu.memory_space<hbm>>) target(%arg9 : memref<125x32xf32, #tpu.memory_space<vmem>>) offsets(%dma_start3A_57 : memref<125xi32, #tpu.memory_space<vmem>>) semaphore(%arg19 : memref<!tpu.dma_semaphore, #tpu.memory_space<semaphore_mem>>)
    %dma_start3A_61 = arith.constant 3 : i32
    %dma_start3A_62 = arith.constant 0 : i32
    %dma_start3A_63 = tpu.memref_slice %arg5[%dma_start3A_61, %dma_start3A_62] : memref<80x125xi32, #tpu.memory_space<vmem>> -> memref<1x125xi32, #tpu.memory_space<vmem>>
    %dma_start3A_64 = tpu.memref_squeeze %dma_start3A_63 : memref<1x125xi32, #tpu.memory_space<vmem>> -> memref<125xi32, #tpu.memory_space<vmem>>
    %dma_start3A_65 = arith.constant 0 : i32
    %dma_start3A_66 = arith.constant 0 : i32
    %dma_start3A_67 = tpu.memref_slice %arg2[%dma_start3A_65, %dma_start3A_66] : memref<10240x32xf32, #tpu.memory_space<hbm>> -> memref<10240x32xf32, #tpu.memory_space<hbm>>
    tpu.enqueue_indirect_dma source(%dma_start3A_67 : memref<10240x32xf32, #tpu.memory_space<hbm>>) target(%arg10 : memref<125x32xf32, #tpu.memory_space<vmem>>) offsets(%dma_start3A_64 : memref<125xi32, #tpu.memory_space<vmem>>) semaphore(%arg20 : memref<!tpu.dma_semaphore, #tpu.memory_space<semaphore_mem>>)
    %dma_start3A_68 = arith.constant 4 : i32
    %dma_start3A_69 = arith.constant 0 : i32
    %dma_start3A_70 = tpu.memref_slice %arg5[%dma_start3A_68, %dma_start3A_69] : memref<80x125xi32, #tpu.memory_space<vmem>> -> memref<1x125xi32, #tpu.memory_space<vmem>>
    %dma_start3A_71 = tpu.memref_squeeze %dma_start3A_70 : memref<1x125xi32, #tpu.memory_space<vmem>> -> memref<125xi32, #tpu.memory_space<vmem>>
    %dma_start3A_72 = arith.constant 0 : i32
    %dma_start3A_73 = arith.constant 0 : i32
    %dma_start3A_74 = tpu.memref_slice %arg2[%dma_start3A_72, %dma_start3A_73] : memref<10240x32xf32, #tpu.memory_space<hbm>> -> memref<10240x32xf32, #tpu.memory_space<hbm>>
    tpu.enqueue_indirect_dma source(%dma_start3A_74 : memref<10240x32xf32, #tpu.memory_space<hbm>>) target(%arg11 : memref<125x32xf32, #tpu.memory_space<vmem>>) offsets(%dma_start3A_71 : memref<125xi32, #tpu.memory_space<vmem>>) semaphore(%arg21 : memref<!tpu.dma_semaphore, #tpu.memory_space<semaphore_mem>>)
    %dma_start3A_75 = arith.constant 5 : i32
    %dma_start3A_76 = arith.constant 0 : i32
    %dma_start3A_77 = tpu.memref_slice %arg5[%dma_start3A_75, %dma_start3A_76] : memref<80x125xi32, #tpu.memory_space<vmem>> -> memref<1x125xi32, #tpu.memory_space<vmem>>
    %dma_start3A_78 = tpu.memref_squeeze %dma_start3A_77 : memref<1x125xi32, #tpu.memory_space<vmem>> -> memref<125xi32, #tpu.memory_space<vmem>>
    %dma_start3A_79 = arith.constant 0 : i32
    %dma_start3A_80 = arith.constant 0 : i32
    %dma_start3A_81 = tpu.memref_slice %arg2[%dma_start3A_79, %dma_start3A_80] : memref<10240x32xf32, #tpu.memory_space<hbm>> -> memref<10240x32xf32, #tpu.memory_space<hbm>>
    tpu.enqueue_indirect_dma source(%dma_start3A_81 : memref<10240x32xf32, #tpu.memory_space<hbm>>) target(%arg12 : memref<125x32xf32, #tpu.memory_space<vmem>>) offsets(%dma_start3A_78 : memref<125xi32, #tpu.memory_space<vmem>>) semaphore(%arg22 : memref<!tpu.dma_semaphore, #tpu.memory_space<semaphore_mem>>)
    %dma_start3A_82 = arith.constant 6 : i32
    %dma_start3A_83 = arith.constant 0 : i32
    %dma_start3A_84 = tpu.memref_slice %arg5[%dma_start3A_82, %dma_start3A_83] : memref<80x125xi32, #tpu.memory_space<vmem>> -> memref<1x125xi32, #tpu.memory_space<vmem>>
    %dma_start3A_85 = tpu.memref_squeeze %dma_start3A_84 : memref<1x125xi32, #tpu.memory_space<vmem>> -> memref<125xi32, #tpu.memory_space<vmem>>
    %dma_start3A_86 = arith.constant 0 : i32
    %dma_start3A_87 = arith.constant 0 : i32
    %dma_start3A_88 = tpu.memref_slice %arg2[%dma_start3A_86, %dma_start3A_87] : memref<10240x32xf32, #tpu.memory_space<hbm>> -> memref<10240x32xf32, #tpu.memory_space<hbm>>
    tpu.enqueue_indirect_dma source(%dma_start3A_88 : memref<10240x32xf32, #tpu.memory_space<hbm>>) target(%arg13 : memref<125x32xf32, #tpu.memory_space<vmem>>) offsets(%dma_start3A_85 : memref<125xi32, #tpu.memory_space<vmem>>) semaphore(%arg23 : memref<!tpu.dma_semaphore, #tpu.memory_space<semaphore_mem>>)
    %barrier3A = arith.constant 0 : index
    tpu.barrier barrier_id(%barrier3A)
    %scan3A_89 = arith.constant 0 : i32
    %scan3A_90 = arith.constant 10 : i32
    %scan3A_91 = arith.addi %scan3A_89, %scan3A_90 : i32
    %scan3A_92 = arith.constant 1 : i32
    scf.for %scan3A_106 = %scan3A_89 to %scan3A_91 step %scan3A_92  : i32 {
      %mul3A_107 = arith.constant 8 : i32
      %mul3A_108 = arith.muli %scan3A_106, %mul3A_107 : i32
      %add3A_109 = arith.constant 0 : i32
      %add3A_110 = arith.addi %add3A_109, %mul3A_108 : i32
      %add3A_111 = arith.constant 0 : i32
      %add3A_112 = arith.addi %add3A_110, %add3A_111 : i32
      %dma_wait3A_113 = arith.constant 0 : i32
      %dma_wait3A_114 = tpu.memref_slice %arg5[%add3A_112, %dma_wait3A_113] : memref<80x125xi32, #tpu.memory_space<vmem>> -> memref<1x125xi32, #tpu.memory_space<vmem>>
      %dma_wait3A_115 = tpu.memref_squeeze %dma_wait3A_114 : memref<1x125xi32, #tpu.memory_space<vmem>> -> memref<125xi32, #tpu.memory_space<vmem>>
      %dma_wait3A_116 = arith.constant 0 : i32
      %dma_wait3A_117 = arith.constant 0 : i32
      %dma_wait3A_118 = tpu.memref_slice %arg2[%dma_wait3A_116, %dma_wait3A_117] : memref<10240x32xf32, #tpu.memory_space<hbm>> -> memref<10240x32xf32, #tpu.memory_space<hbm>>
      tpu.wait_indirect_dma semaphore(%arg17 : memref<!tpu.dma_semaphore, #tpu.memory_space<semaphore_mem>>) src(%dma_wait3A_118 : memref<10240x32xf32, #tpu.memory_space<hbm>>) dst(%arg7 : memref<125x32xf32, #tpu.memory_space<vmem>>)
      %dma_start3A_119 = arith.constant 0 : i32
      %dma_start3A_120 = tpu.memref_slice %arg6[%add3A_112, %dma_start3A_119] : memref<80x125xi32, #tpu.memory_space<vmem>> -> memref<1x125xi32, #tpu.memory_space<vmem>>
      %dma_start3A_121 = tpu.memref_squeeze %dma_start3A_120 : memref<1x125xi32, #tpu.memory_space<vmem>> -> memref<125xi32, #tpu.memory_space<vmem>>
      %dma_start3A_122 = arith.constant 0 : i32
      %dma_start3A_123 = arith.constant 0 : i32
      %dma_start3A_124 = tpu.memref_slice %arg16[%dma_start3A_122, %dma_start3A_123] : memref<10240x32xf32, #tpu.memory_space<vmem_shared>> -> memref<10240x32xf32, #tpu.memory_space<vmem_shared>>
      tpu.enqueue_indirect_dma source(%arg7 : memref<125x32xf32, #tpu.memory_space<vmem>>) target(%dma_start3A_124 : memref<10240x32xf32, #tpu.memory_space<vmem_shared>>) offsets(%dma_start3A_121 : memref<125xi32, #tpu.memory_space<vmem>>) semaphore(%arg25 : memref<!tpu.dma_semaphore, #tpu.memory_space<semaphore_mem>>) {add = true}
      %ge3A = arith.constant 1 : i32
      %ge3A_125 = arith.cmpi sge, %add3A_112, %ge3A : i32
      %convert_element_type3A = arith.extui %ge3A_125 : i1 to i32
      %cond3A = arith.constant 0 : i32
      %cond3A_126 = arith.cmpi ne, %convert_element_type3A, %cond3A : i32
      scf.if %cond3A_126 {
        %sub3A_330 = arith.constant 1 : i32
        %sub3A_331 = arith.subi %add3A_112, %sub3A_330 : i32
        %dma_wait3A_332 = arith.constant 0 : i32
        %dma_wait3A_333 = tpu.memref_slice %arg6[%sub3A_331, %dma_wait3A_332] : memref<80x125xi32, #tpu.memory_space<vmem>> -> memref<1x125xi32, #tpu.memory_space<vmem>>
        %dma_wait3A_334 = tpu.memref_squeeze %dma_wait3A_333 : memref<1x125xi32, #tpu.memory_space<vmem>> -> memref<125xi32, #tpu.memory_space<vmem>>
        %dma_wait3A_335 = arith.constant 0 : i32
        %dma_wait3A_336 = arith.constant 0 : i32
        %dma_wait3A_337 = tpu.memref_slice %arg16[%dma_wait3A_335, %dma_wait3A_336] : memref<10240x32xf32, #tpu.memory_space<vmem_shared>> -> memref<10240x32xf32, #tpu.memory_space<vmem_shared>>
        tpu.wait_indirect_dma semaphore(%arg32 : memref<!tpu.dma_semaphore, #tpu.memory_space<semaphore_mem>>) src(%arg14 : memref<125x32xf32, #tpu.memory_space<vmem>>) dst(%dma_wait3A_337 : memref<10240x32xf32, #tpu.memory_space<vmem_shared>>)
      } else {
      }
      %add3A_127 = arith.constant 8 : i32
      %add3A_128 = arith.addi %add3A_112, %add3A_127 : i32
      %sub3A = arith.constant 1 : i32
      %sub3A_129 = arith.subi %add3A_128, %sub3A : i32
      %lt3A = arith.constant 80 : i32
      %lt3A_130 = arith.cmpi slt, %sub3A_129, %lt3A : i32
      %convert_element_type3A_131 = arith.extui %lt3A_130 : i1 to i32
      %cond3A_132 = arith.constant 0 : i32
      %cond3A_133 = arith.cmpi ne, %convert_element_type3A_131, %cond3A_132 : i32
      scf.if %cond3A_133 {
        %add3A_330 = arith.constant 8 : i32
        %add3A_331 = arith.addi %add3A_112, %add3A_330 : i32
        %sub3A_332 = arith.constant 1 : i32
        %sub3A_333 = arith.subi %add3A_331, %sub3A_332 : i32
        %dma_start3A_334 = arith.constant 0 : i32
        %dma_start3A_335 = tpu.memref_slice %arg5[%sub3A_333, %dma_start3A_334] : memref<80x125xi32, #tpu.memory_space<vmem>> -> memref<1x125xi32, #tpu.memory_space<vmem>>
        %dma_start3A_336 = tpu.memref_squeeze %dma_start3A_335 : memref<1x125xi32, #tpu.memory_space<vmem>> -> memref<125xi32, #tpu.memory_space<vmem>>
        %dma_start3A_337 = arith.constant 0 : i32
        %dma_start3A_338 = arith.constant 0 : i32
        %dma_start3A_339 = tpu.memref_slice %arg2[%dma_start3A_337, %dma_start3A_338] : memref<10240x32xf32, #tpu.memory_space<hbm>> -> memref<10240x32xf32, #tpu.memory_space<hbm>>
        tpu.enqueue_indirect_dma source(%dma_start3A_339 : memref<10240x32xf32, #tpu.memory_space<hbm>>) target(%arg14 : memref<125x32xf32, #tpu.memory_space<vmem>>) offsets(%dma_start3A_336 : memref<125xi32, #tpu.memory_space<vmem>>) semaphore(%arg24 : memref<!tpu.dma_semaphore, #tpu.memory_space<semaphore_mem>>)
      } else {
      }
      %add3A_134 = arith.constant 1 : i32
      %add3A_135 = arith.addi %add3A_110, %add3A_134 : i32
      %dma_wait3A_136 = arith.constant 0 : i32
      %dma_wait3A_137 = tpu.memref_slice %arg5[%add3A_135, %dma_wait3A_136] : memref<80x125xi32, #tpu.memory_space<vmem>> -> memref<1x125xi32, #tpu.memory_space<vmem>>
      %dma_wait3A_138 = tpu.memref_squeeze %dma_wait3A_137 : memref<1x125xi32, #tpu.memory_space<vmem>> -> memref<125xi32, #tpu.memory_space<vmem>>
      %dma_wait3A_139 = arith.constant 0 : i32
      %dma_wait3A_140 = arith.constant 0 : i32
      %dma_wait3A_141 = tpu.memref_slice %arg2[%dma_wait3A_139, %dma_wait3A_140] : memref<10240x32xf32, #tpu.memory_space<hbm>> -> memref<10240x32xf32, #tpu.memory_space<hbm>>
      tpu.wait_indirect_dma semaphore(%arg18 : memref<!tpu.dma_semaphore, #tpu.memory_space<semaphore_mem>>) src(%dma_wait3A_141 : memref<10240x32xf32, #tpu.memory_space<hbm>>) dst(%arg8 : memref<125x32xf32, #tpu.memory_space<vmem>>)
      %dma_start3A_142 = arith.constant 0 : i32
      %dma_start3A_143 = tpu.memref_slice %arg6[%add3A_135, %dma_start3A_142] : memref<80x125xi32, #tpu.memory_space<vmem>> -> memref<1x125xi32, #tpu.memory_space<vmem>>
      %dma_start3A_144 = tpu.memref_squeeze %dma_start3A_143 : memref<1x125xi32, #tpu.memory_space<vmem>> -> memref<125xi32, #tpu.memory_space<vmem>>
      %dma_start3A_145 = arith.constant 0 : i32
      %dma_start3A_146 = arith.constant 0 : i32
      %dma_start3A_147 = tpu.memref_slice %arg16[%dma_start3A_145, %dma_start3A_146] : memref<10240x32xf32, #tpu.memory_space<vmem_shared>> -> memref<10240x32xf32, #tpu.memory_space<vmem_shared>>
      tpu.enqueue_indirect_dma source(%arg8 : memref<125x32xf32, #tpu.memory_space<vmem>>) target(%dma_start3A_147 : memref<10240x32xf32, #tpu.memory_space<vmem_shared>>) offsets(%dma_start3A_144 : memref<125xi32, #tpu.memory_space<vmem>>) semaphore(%arg26 : memref<!tpu.dma_semaphore, #tpu.memory_space<semaphore_mem>>) {add = true}
      %ge3A_148 = arith.constant 1 : i32
      %ge3A_149 = arith.cmpi sge, %add3A_135, %ge3A_148 : i32
      %convert_element_type3A_150 = arith.extui %ge3A_149 : i1 to i32
      %cond3A_151 = arith.constant 0 : i32
      %cond3A_152 = arith.cmpi ne, %convert_element_type3A_150, %cond3A_151 : i32
      scf.if %cond3A_152 {
        %sub3A_330 = arith.constant 1 : i32
        %sub3A_331 = arith.subi %add3A_135, %sub3A_330 : i32
        %dma_wait3A_332 = arith.constant 0 : i32
        %dma_wait3A_333 = tpu.memref_slice %arg6[%sub3A_331, %dma_wait3A_332] : memref<80x125xi32, #tpu.memory_space<vmem>> -> memref<1x125xi32, #tpu.memory_space<vmem>>
        %dma_wait3A_334 = tpu.memref_squeeze %dma_wait3A_333 : memref<1x125xi32, #tpu.memory_space<vmem>> -> memref<125xi32, #tpu.memory_space<vmem>>
        %dma_wait3A_335 = arith.constant 0 : i32
        %dma_wait3A_336 = arith.constant 0 : i32
        %dma_wait3A_337 = tpu.memref_slice %arg16[%dma_wait3A_335, %dma_wait3A_336] : memref<10240x32xf32, #tpu.memory_space<vmem_shared>> -> memref<10240x32xf32, #tpu.memory_space<vmem_shared>>
        tpu.wait_indirect_dma semaphore(%arg25 : memref<!tpu.dma_semaphore, #tpu.memory_space<semaphore_mem>>) src(%arg7 : memref<125x32xf32, #tpu.memory_space<vmem>>) dst(%dma_wait3A_337 : memref<10240x32xf32, #tpu.memory_space<vmem_shared>>)
      } else {
      }
      %add3A_153 = arith.constant 8 : i32
      %add3A_154 = arith.addi %add3A_135, %add3A_153 : i32
      %sub3A_155 = arith.constant 1 : i32
      %sub3A_156 = arith.subi %add3A_154, %sub3A_155 : i32
      %lt3A_157 = arith.constant 80 : i32
      %lt3A_158 = arith.cmpi slt, %sub3A_156, %lt3A_157 : i32
      %convert_element_type3A_159 = arith.extui %lt3A_158 : i1 to i32
      %cond3A_160 = arith.constant 0 : i32
      %cond3A_161 = arith.cmpi ne, %convert_element_type3A_159, %cond3A_160 : i32
      scf.if %cond3A_161 {
        %add3A_330 = arith.constant 8 : i32
        %add3A_331 = arith.addi %add3A_135, %add3A_330 : i32
        %sub3A_332 = arith.constant 1 : i32
        %sub3A_333 = arith.subi %add3A_331, %sub3A_332 : i32
        %dma_start3A_334 = arith.constant 0 : i32
        %dma_start3A_335 = tpu.memref_slice %arg5[%sub3A_333, %dma_start3A_334] : memref<80x125xi32, #tpu.memory_space<vmem>> -> memref<1x125xi32, #tpu.memory_space<vmem>>
        %dma_start3A_336 = tpu.memref_squeeze %dma_start3A_335 : memref<1x125xi32, #tpu.memory_space<vmem>> -> memref<125xi32, #tpu.memory_space<vmem>>
        %dma_start3A_337 = arith.constant 0 : i32
        %dma_start3A_338 = arith.constant 0 : i32
        %dma_start3A_339 = tpu.memref_slice %arg2[%dma_start3A_337, %dma_start3A_338] : memref<10240x32xf32, #tpu.memory_space<hbm>> -> memref<10240x32xf32, #tpu.memory_space<hbm>>
        tpu.enqueue_indirect_dma source(%dma_start3A_339 : memref<10240x32xf32, #tpu.memory_space<hbm>>) target(%arg7 : memref<125x32xf32, #tpu.memory_space<vmem>>) offsets(%dma_start3A_336 : memref<125xi32, #tpu.memory_space<vmem>>) semaphore(%arg17 : memref<!tpu.dma_semaphore, #tpu.memory_space<semaphore_mem>>)
      } else {
      }
      %add3A_162 = arith.constant 2 : i32
      %add3A_163 = arith.addi %add3A_110, %add3A_162 : i32
      %dma_wait3A_164 = arith.constant 0 : i32
      %dma_wait3A_165 = tpu.memref_slice %arg5[%add3A_163, %dma_wait3A_164] : memref<80x125xi32, #tpu.memory_space<vmem>> -> memref<1x125xi32, #tpu.memory_space<vmem>>
      %dma_wait3A_166 = tpu.memref_squeeze %dma_wait3A_165 : memref<1x125xi32, #tpu.memory_space<vmem>> -> memref<125xi32, #tpu.memory_space<vmem>>
      %dma_wait3A_167 = arith.constant 0 : i32
      %dma_wait3A_168 = arith.constant 0 : i32
      %dma_wait3A_169 = tpu.memref_slice %arg2[%dma_wait3A_167, %dma_wait3A_168] : memref<10240x32xf32, #tpu.memory_space<hbm>> -> memref<10240x32xf32, #tpu.memory_space<hbm>>
      tpu.wait_indirect_dma semaphore(%arg19 : memref<!tpu.dma_semaphore, #tpu.memory_space<semaphore_mem>>) src(%dma_wait3A_169 : memref<10240x32xf32, #tpu.memory_space<hbm>>) dst(%arg9 : memref<125x32xf32, #tpu.memory_space<vmem>>)
      %dma_start3A_170 = arith.constant 0 : i32
      %dma_start3A_171 = tpu.memref_slice %arg6[%add3A_163, %dma_start3A_170] : memref<80x125xi32, #tpu.memory_space<vmem>> -> memref<1x125xi32, #tpu.memory_space<vmem>>
      %dma_start3A_172 = tpu.memref_squeeze %dma_start3A_171 : memref<1x125xi32, #tpu.memory_space<vmem>> -> memref<125xi32, #tpu.memory_space<vmem>>
      %dma_start3A_173 = arith.constant 0 : i32
      %dma_start3A_174 = arith.constant 0 : i32
      %dma_start3A_175 = tpu.memref_slice %arg16[%dma_start3A_173, %dma_start3A_174] : memref<10240x32xf32, #tpu.memory_space<vmem_shared>> -> memref<10240x32xf32, #tpu.memory_space<vmem_shared>>
      tpu.enqueue_indirect_dma source(%arg9 : memref<125x32xf32, #tpu.memory_space<vmem>>) target(%dma_start3A_175 : memref<10240x32xf32, #tpu.memory_space<vmem_shared>>) offsets(%dma_start3A_172 : memref<125xi32, #tpu.memory_space<vmem>>) semaphore(%arg27 : memref<!tpu.dma_semaphore, #tpu.memory_space<semaphore_mem>>) {add = true}
      %ge3A_176 = arith.constant 1 : i32
      %ge3A_177 = arith.cmpi sge, %add3A_163, %ge3A_176 : i32
      %convert_element_type3A_178 = arith.extui %ge3A_177 : i1 to i32
      %cond3A_179 = arith.constant 0 : i32
      %cond3A_180 = arith.cmpi ne, %convert_element_type3A_178, %cond3A_179 : i32
      scf.if %cond3A_180 {
        %sub3A_330 = arith.constant 1 : i32
        %sub3A_331 = arith.subi %add3A_163, %sub3A_330 : i32
        %dma_wait3A_332 = arith.constant 0 : i32
        %dma_wait3A_333 = tpu.memref_slice %arg6[%sub3A_331, %dma_wait3A_332] : memref<80x125xi32, #tpu.memory_space<vmem>> -> memref<1x125xi32, #tpu.memory_space<vmem>>
        %dma_wait3A_334 = tpu.memref_squeeze %dma_wait3A_333 : memref<1x125xi32, #tpu.memory_space<vmem>> -> memref<125xi32, #tpu.memory_space<vmem>>
        %dma_wait3A_335 = arith.constant 0 : i32
        %dma_wait3A_336 = arith.constant 0 : i32
        %dma_wait3A_337 = tpu.memref_slice %arg16[%dma_wait3A_335, %dma_wait3A_336] : memref<10240x32xf32, #tpu.memory_space<vmem_shared>> -> memref<10240x32xf32, #tpu.memory_space<vmem_shared>>
        tpu.wait_indirect_dma semaphore(%arg26 : memref<!tpu.dma_semaphore, #tpu.memory_space<semaphore_mem>>) src(%arg8 : memref<125x32xf32, #tpu.memory_space<vmem>>) dst(%dma_wait3A_337 : memref<10240x32xf32, #tpu.memory_space<vmem_shared>>)
      } else {
      }
      %add3A_181 = arith.constant 8 : i32
      %add3A_182 = arith.addi %add3A_163, %add3A_181 : i32
      %sub3A_183 = arith.constant 1 : i32
      %sub3A_184 = arith.subi %add3A_182, %sub3A_183 : i32
      %lt3A_185 = arith.constant 80 : i32
      %lt3A_186 = arith.cmpi slt, %sub3A_184, %lt3A_185 : i32
      %convert_element_type3A_187 = arith.extui %lt3A_186 : i1 to i32
      %cond3A_188 = arith.constant 0 : i32
      %cond3A_189 = arith.cmpi ne, %convert_element_type3A_187, %cond3A_188 : i32
      scf.if %cond3A_189 {
        %add3A_330 = arith.constant 8 : i32
        %add3A_331 = arith.addi %add3A_163, %add3A_330 : i32
        %sub3A_332 = arith.constant 1 : i32
        %sub3A_333 = arith.subi %add3A_331, %sub3A_332 : i32
        %dma_start3A_334 = arith.constant 0 : i32
        %dma_start3A_335 = tpu.memref_slice %arg5[%sub3A_333, %dma_start3A_334] : memref<80x125xi32, #tpu.memory_space<vmem>> -> memref<1x125xi32, #tpu.memory_space<vmem>>
        %dma_start3A_336 = tpu.memref_squeeze %dma_start3A_335 : memref<1x125xi32, #tpu.memory_space<vmem>> -> memref<125xi32, #tpu.memory_space<vmem>>
        %dma_start3A_337 = arith.constant 0 : i32
        %dma_start3A_338 = arith.constant 0 : i32
        %dma_start3A_339 = tpu.memref_slice %arg2[%dma_start3A_337, %dma_start3A_338] : memref<10240x32xf32, #tpu.memory_space<hbm>> -> memref<10240x32xf32, #tpu.memory_space<hbm>>
        tpu.enqueue_indirect_dma source(%dma_start3A_339 : memref<10240x32xf32, #tpu.memory_space<hbm>>) target(%arg8 : memref<125x32xf32, #tpu.memory_space<vmem>>) offsets(%dma_start3A_336 : memref<125xi32, #tpu.memory_space<vmem>>) semaphore(%arg18 : memref<!tpu.dma_semaphore, #tpu.memory_space<semaphore_mem>>)
      } else {
      }
      %add3A_190 = arith.constant 3 : i32
      %add3A_191 = arith.addi %add3A_110, %add3A_190 : i32
      %dma_wait3A_192 = arith.constant 0 : i32
      %dma_wait3A_193 = tpu.memref_slice %arg5[%add3A_191, %dma_wait3A_192] : memref<80x125xi32, #tpu.memory_space<vmem>> -> memref<1x125xi32, #tpu.memory_space<vmem>>
      %dma_wait3A_194 = tpu.memref_squeeze %dma_wait3A_193 : memref<1x125xi32, #tpu.memory_space<vmem>> -> memref<125xi32, #tpu.memory_space<vmem>>
      %dma_wait3A_195 = arith.constant 0 : i32
      %dma_wait3A_196 = arith.constant 0 : i32
      %dma_wait3A_197 = tpu.memref_slice %arg2[%dma_wait3A_195, %dma_wait3A_196] : memref<10240x32xf32, #tpu.memory_space<hbm>> -> memref<10240x32xf32, #tpu.memory_space<hbm>>
      tpu.wait_indirect_dma semaphore(%arg20 : memref<!tpu.dma_semaphore, #tpu.memory_space<semaphore_mem>>) src(%dma_wait3A_197 : memref<10240x32xf32, #tpu.memory_space<hbm>>) dst(%arg10 : memref<125x32xf32, #tpu.memory_space<vmem>>)
      %dma_start3A_198 = arith.constant 0 : i32
      %dma_start3A_199 = tpu.memref_slice %arg6[%add3A_191, %dma_start3A_198] : memref<80x125xi32, #tpu.memory_space<vmem>> -> memref<1x125xi32, #tpu.memory_space<vmem>>
      %dma_start3A_200 = tpu.memref_squeeze %dma_start3A_199 : memref<1x125xi32, #tpu.memory_space<vmem>> -> memref<125xi32, #tpu.memory_space<vmem>>
      %dma_start3A_201 = arith.constant 0 : i32
      %dma_start3A_202 = arith.constant 0 : i32
      %dma_start3A_203 = tpu.memref_slice %arg16[%dma_start3A_201, %dma_start3A_202] : memref<10240x32xf32, #tpu.memory_space<vmem_shared>> -> memref<10240x32xf32, #tpu.memory_space<vmem_shared>>
      tpu.enqueue_indirect_dma source(%arg10 : memref<125x32xf32, #tpu.memory_space<vmem>>) target(%dma_start3A_203 : memref<10240x32xf32, #tpu.memory_space<vmem_shared>>) offsets(%dma_start3A_200 : memref<125xi32, #tpu.memory_space<vmem>>) semaphore(%arg28 : memref<!tpu.dma_semaphore, #tpu.memory_space<semaphore_mem>>) {add = true}
      %ge3A_204 = arith.constant 1 : i32
      %ge3A_205 = arith.cmpi sge, %add3A_191, %ge3A_204 : i32
      %convert_element_type3A_206 = arith.extui %ge3A_205 : i1 to i32
      %cond3A_207 = arith.constant 0 : i32
      %cond3A_208 = arith.cmpi ne, %convert_element_type3A_206, %cond3A_207 : i32
      scf.if %cond3A_208 {
        %sub3A_330 = arith.constant 1 : i32
        %sub3A_331 = arith.subi %add3A_191, %sub3A_330 : i32
        %dma_wait3A_332 = arith.constant 0 : i32
        %dma_wait3A_333 = tpu.memref_slice %arg6[%sub3A_331, %dma_wait3A_332] : memref<80x125xi32, #tpu.memory_space<vmem>> -> memref<1x125xi32, #tpu.memory_space<vmem>>
        %dma_wait3A_334 = tpu.memref_squeeze %dma_wait3A_333 : memref<1x125xi32, #tpu.memory_space<vmem>> -> memref<125xi32, #tpu.memory_space<vmem>>
        %dma_wait3A_335 = arith.constant 0 : i32
        %dma_wait3A_336 = arith.constant 0 : i32
        %dma_wait3A_337 = tpu.memref_slice %arg16[%dma_wait3A_335, %dma_wait3A_336] : memref<10240x32xf32, #tpu.memory_space<vmem_shared>> -> memref<10240x32xf32, #tpu.memory_space<vmem_shared>>
        tpu.wait_indirect_dma semaphore(%arg27 : memref<!tpu.dma_semaphore, #tpu.memory_space<semaphore_mem>>) src(%arg9 : memref<125x32xf32, #tpu.memory_space<vmem>>) dst(%dma_wait3A_337 : memref<10240x32xf32, #tpu.memory_space<vmem_shared>>)
      } else {
      }
      %add3A_209 = arith.constant 8 : i32
      %add3A_210 = arith.addi %add3A_191, %add3A_209 : i32
      %sub3A_211 = arith.constant 1 : i32
      %sub3A_212 = arith.subi %add3A_210, %sub3A_211 : i32
      %lt3A_213 = arith.constant 80 : i32
      %lt3A_214 = arith.cmpi slt, %sub3A_212, %lt3A_213 : i32
      %convert_element_type3A_215 = arith.extui %lt3A_214 : i1 to i32
      %cond3A_216 = arith.constant 0 : i32
      %cond3A_217 = arith.cmpi ne, %convert_element_type3A_215, %cond3A_216 : i32
      scf.if %cond3A_217 {
        %add3A_330 = arith.constant 8 : i32
        %add3A_331 = arith.addi %add3A_191, %add3A_330 : i32
        %sub3A_332 = arith.constant 1 : i32
        %sub3A_333 = arith.subi %add3A_331, %sub3A_332 : i32
        %dma_start3A_334 = arith.constant 0 : i32
        %dma_start3A_335 = tpu.memref_slice %arg5[%sub3A_333, %dma_start3A_334] : memref<80x125xi32, #tpu.memory_space<vmem>> -> memref<1x125xi32, #tpu.memory_space<vmem>>
        %dma_start3A_336 = tpu.memref_squeeze %dma_start3A_335 : memref<1x125xi32, #tpu.memory_space<vmem>> -> memref<125xi32, #tpu.memory_space<vmem>>
        %dma_start3A_337 = arith.constant 0 : i32
        %dma_start3A_338 = arith.constant 0 : i32
        %dma_start3A_339 = tpu.memref_slice %arg2[%dma_start3A_337, %dma_start3A_338] : memref<10240x32xf32, #tpu.memory_space<hbm>> -> memref<10240x32xf32, #tpu.memory_space<hbm>>
        tpu.enqueue_indirect_dma source(%dma_start3A_339 : memref<10240x32xf32, #tpu.memory_space<hbm>>) target(%arg9 : memref<125x32xf32, #tpu.memory_space<vmem>>) offsets(%dma_start3A_336 : memref<125xi32, #tpu.memory_space<vmem>>) semaphore(%arg19 : memref<!tpu.dma_semaphore, #tpu.memory_space<semaphore_mem>>)
      } else {
      }
      %add3A_218 = arith.constant 4 : i32
      %add3A_219 = arith.addi %add3A_110, %add3A_218 : i32
      %dma_wait3A_220 = arith.constant 0 : i32
      %dma_wait3A_221 = tpu.memref_slice %arg5[%add3A_219, %dma_wait3A_220] : memref<80x125xi32, #tpu.memory_space<vmem>> -> memref<1x125xi32, #tpu.memory_space<vmem>>
      %dma_wait3A_222 = tpu.memref_squeeze %dma_wait3A_221 : memref<1x125xi32, #tpu.memory_space<vmem>> -> memref<125xi32, #tpu.memory_space<vmem>>
      %dma_wait3A_223 = arith.constant 0 : i32
      %dma_wait3A_224 = arith.constant 0 : i32
      %dma_wait3A_225 = tpu.memref_slice %arg2[%dma_wait3A_223, %dma_wait3A_224] : memref<10240x32xf32, #tpu.memory_space<hbm>> -> memref<10240x32xf32, #tpu.memory_space<hbm>>
      tpu.wait_indirect_dma semaphore(%arg21 : memref<!tpu.dma_semaphore, #tpu.memory_space<semaphore_mem>>) src(%dma_wait3A_225 : memref<10240x32xf32, #tpu.memory_space<hbm>>) dst(%arg11 : memref<125x32xf32, #tpu.memory_space<vmem>>)
      %dma_start3A_226 = arith.constant 0 : i32
      %dma_start3A_227 = tpu.memref_slice %arg6[%add3A_219, %dma_start3A_226] : memref<80x125xi32, #tpu.memory_space<vmem>> -> memref<1x125xi32, #tpu.memory_space<vmem>>
      %dma_start3A_228 = tpu.memref_squeeze %dma_start3A_227 : memref<1x125xi32, #tpu.memory_space<vmem>> -> memref<125xi32, #tpu.memory_space<vmem>>
      %dma_start3A_229 = arith.constant 0 : i32
      %dma_start3A_230 = arith.constant 0 : i32
      %dma_start3A_231 = tpu.memref_slice %arg16[%dma_start3A_229, %dma_start3A_230] : memref<10240x32xf32, #tpu.memory_space<vmem_shared>> -> memref<10240x32xf32, #tpu.memory_space<vmem_shared>>
      tpu.enqueue_indirect_dma source(%arg11 : memref<125x32xf32, #tpu.memory_space<vmem>>) target(%dma_start3A_231 : memref<10240x32xf32, #tpu.memory_space<vmem_shared>>) offsets(%dma_start3A_228 : memref<125xi32, #tpu.memory_space<vmem>>) semaphore(%arg29 : memref<!tpu.dma_semaphore, #tpu.memory_space<semaphore_mem>>) {add = true}
      %ge3A_232 = arith.constant 1 : i32
      %ge3A_233 = arith.cmpi sge, %add3A_219, %ge3A_232 : i32
      %convert_element_type3A_234 = arith.extui %ge3A_233 : i1 to i32
      %cond3A_235 = arith.constant 0 : i32
      %cond3A_236 = arith.cmpi ne, %convert_element_type3A_234, %cond3A_235 : i32
      scf.if %cond3A_236 {
        %sub3A_330 = arith.constant 1 : i32
        %sub3A_331 = arith.subi %add3A_219, %sub3A_330 : i32
        %dma_wait3A_332 = arith.constant 0 : i32
        %dma_wait3A_333 = tpu.memref_slice %arg6[%sub3A_331, %dma_wait3A_332] : memref<80x125xi32, #tpu.memory_space<vmem>> -> memref<1x125xi32, #tpu.memory_space<vmem>>
        %dma_wait3A_334 = tpu.memref_squeeze %dma_wait3A_333 : memref<1x125xi32, #tpu.memory_space<vmem>> -> memref<125xi32, #tpu.memory_space<vmem>>
        %dma_wait3A_335 = arith.constant 0 : i32
        %dma_wait3A_336 = arith.constant 0 : i32
        %dma_wait3A_337 = tpu.memref_slice %arg16[%dma_wait3A_335, %dma_wait3A_336] : memref<10240x32xf32, #tpu.memory_space<vmem_shared>> -> memref<10240x32xf32, #tpu.memory_space<vmem_shared>>
        tpu.wait_indirect_dma semaphore(%arg28 : memref<!tpu.dma_semaphore, #tpu.memory_space<semaphore_mem>>) src(%arg10 : memref<125x32xf32, #tpu.memory_space<vmem>>) dst(%dma_wait3A_337 : memref<10240x32xf32, #tpu.memory_space<vmem_shared>>)
      } else {
      }
      %add3A_237 = arith.constant 8 : i32
      %add3A_238 = arith.addi %add3A_219, %add3A_237 : i32
      %sub3A_239 = arith.constant 1 : i32
      %sub3A_240 = arith.subi %add3A_238, %sub3A_239 : i32
      %lt3A_241 = arith.constant 80 : i32
      %lt3A_242 = arith.cmpi slt, %sub3A_240, %lt3A_241 : i32
      %convert_element_type3A_243 = arith.extui %lt3A_242 : i1 to i32
      %cond3A_244 = arith.constant 0 : i32
      %cond3A_245 = arith.cmpi ne, %convert_element_type3A_243, %cond3A_244 : i32
      scf.if %cond3A_245 {
        %add3A_330 = arith.constant 8 : i32
        %add3A_331 = arith.addi %add3A_219, %add3A_330 : i32
        %sub3A_332 = arith.constant 1 : i32
        %sub3A_333 = arith.subi %add3A_331, %sub3A_332 : i32
        %dma_start3A_334 = arith.constant 0 : i32
        %dma_start3A_335 = tpu.memref_slice %arg5[%sub3A_333, %dma_start3A_334] : memref<80x125xi32, #tpu.memory_space<vmem>> -> memref<1x125xi32, #tpu.memory_space<vmem>>
        %dma_start3A_336 = tpu.memref_squeeze %dma_start3A_335 : memref<1x125xi32, #tpu.memory_space<vmem>> -> memref<125xi32, #tpu.memory_space<vmem>>
        %dma_start3A_337 = arith.constant 0 : i32
        %dma_start3A_338 = arith.constant 0 : i32
        %dma_start3A_339 = tpu.memref_slice %arg2[%dma_start3A_337, %dma_start3A_338] : memref<10240x32xf32, #tpu.memory_space<hbm>> -> memref<10240x32xf32, #tpu.memory_space<hbm>>
        tpu.enqueue_indirect_dma source(%dma_start3A_339 : memref<10240x32xf32, #tpu.memory_space<hbm>>) target(%arg10 : memref<125x32xf32, #tpu.memory_space<vmem>>) offsets(%dma_start3A_336 : memref<125xi32, #tpu.memory_space<vmem>>) semaphore(%arg20 : memref<!tpu.dma_semaphore, #tpu.memory_space<semaphore_mem>>)
      } else {
      }
      %add3A_246 = arith.constant 5 : i32
      %add3A_247 = arith.addi %add3A_110, %add3A_246 : i32
      %dma_wait3A_248 = arith.constant 0 : i32
      %dma_wait3A_249 = tpu.memref_slice %arg5[%add3A_247, %dma_wait3A_248] : memref<80x125xi32, #tpu.memory_space<vmem>> -> memref<1x125xi32, #tpu.memory_space<vmem>>
      %dma_wait3A_250 = tpu.memref_squeeze %dma_wait3A_249 : memref<1x125xi32, #tpu.memory_space<vmem>> -> memref<125xi32, #tpu.memory_space<vmem>>
      %dma_wait3A_251 = arith.constant 0 : i32
      %dma_wait3A_252 = arith.constant 0 : i32
      %dma_wait3A_253 = tpu.memref_slice %arg2[%dma_wait3A_251, %dma_wait3A_252] : memref<10240x32xf32, #tpu.memory_space<hbm>> -> memref<10240x32xf32, #tpu.memory_space<hbm>>
      tpu.wait_indirect_dma semaphore(%arg22 : memref<!tpu.dma_semaphore, #tpu.memory_space<semaphore_mem>>) src(%dma_wait3A_253 : memref<10240x32xf32, #tpu.memory_space<hbm>>) dst(%arg12 : memref<125x32xf32, #tpu.memory_space<vmem>>)
      %dma_start3A_254 = arith.constant 0 : i32
      %dma_start3A_255 = tpu.memref_slice %arg6[%add3A_247, %dma_start3A_254] : memref<80x125xi32, #tpu.memory_space<vmem>> -> memref<1x125xi32, #tpu.memory_space<vmem>>
      %dma_start3A_256 = tpu.memref_squeeze %dma_start3A_255 : memref<1x125xi32, #tpu.memory_space<vmem>> -> memref<125xi32, #tpu.memory_space<vmem>>
      %dma_start3A_257 = arith.constant 0 : i32
      %dma_start3A_258 = arith.constant 0 : i32
      %dma_start3A_259 = tpu.memref_slice %arg16[%dma_start3A_257, %dma_start3A_258] : memref<10240x32xf32, #tpu.memory_space<vmem_shared>> -> memref<10240x32xf32, #tpu.memory_space<vmem_shared>>
      tpu.enqueue_indirect_dma source(%arg12 : memref<125x32xf32, #tpu.memory_space<vmem>>) target(%dma_start3A_259 : memref<10240x32xf32, #tpu.memory_space<vmem_shared>>) offsets(%dma_start3A_256 : memref<125xi32, #tpu.memory_space<vmem>>) semaphore(%arg30 : memref<!tpu.dma_semaphore, #tpu.memory_space<semaphore_mem>>) {add = true}
      %ge3A_260 = arith.constant 1 : i32
      %ge3A_261 = arith.cmpi sge, %add3A_247, %ge3A_260 : i32
      %convert_element_type3A_262 = arith.extui %ge3A_261 : i1 to i32
      %cond3A_263 = arith.constant 0 : i32
      %cond3A_264 = arith.cmpi ne, %convert_element_type3A_262, %cond3A_263 : i32
      scf.if %cond3A_264 {
        %sub3A_330 = arith.constant 1 : i32
        %sub3A_331 = arith.subi %add3A_247, %sub3A_330 : i32
        %dma_wait3A_332 = arith.constant 0 : i32
        %dma_wait3A_333 = tpu.memref_slice %arg6[%sub3A_331, %dma_wait3A_332] : memref<80x125xi32, #tpu.memory_space<vmem>> -> memref<1x125xi32, #tpu.memory_space<vmem>>
        %dma_wait3A_334 = tpu.memref_squeeze %dma_wait3A_333 : memref<1x125xi32, #tpu.memory_space<vmem>> -> memref<125xi32, #tpu.memory_space<vmem>>
        %dma_wait3A_335 = arith.constant 0 : i32
        %dma_wait3A_336 = arith.constant 0 : i32
        %dma_wait3A_337 = tpu.memref_slice %arg16[%dma_wait3A_335, %dma_wait3A_336] : memref<10240x32xf32, #tpu.memory_space<vmem_shared>> -> memref<10240x32xf32, #tpu.memory_space<vmem_shared>>
        tpu.wait_indirect_dma semaphore(%arg29 : memref<!tpu.dma_semaphore, #tpu.memory_space<semaphore_mem>>) src(%arg11 : memref<125x32xf32, #tpu.memory_space<vmem>>) dst(%dma_wait3A_337 : memref<10240x32xf32, #tpu.memory_space<vmem_shared>>)
      } else {
      }
      %add3A_265 = arith.constant 8 : i32
      %add3A_266 = arith.addi %add3A_247, %add3A_265 : i32
      %sub3A_267 = arith.constant 1 : i32
      %sub3A_268 = arith.subi %add3A_266, %sub3A_267 : i32
      %lt3A_269 = arith.constant 80 : i32
      %lt3A_270 = arith.cmpi slt, %sub3A_268, %lt3A_269 : i32
      %convert_element_type3A_271 = arith.extui %lt3A_270 : i1 to i32
      %cond3A_272 = arith.constant 0 : i32
      %cond3A_273 = arith.cmpi ne, %convert_element_type3A_271, %cond3A_272 : i32
      scf.if %cond3A_273 {
        %add3A_330 = arith.constant 8 : i32
        %add3A_331 = arith.addi %add3A_247, %add3A_330 : i32
        %sub3A_332 = arith.constant 1 : i32
        %sub3A_333 = arith.subi %add3A_331, %sub3A_332 : i32
        %dma_start3A_334 = arith.constant 0 : i32
        %dma_start3A_335 = tpu.memref_slice %arg5[%sub3A_333, %dma_start3A_334] : memref<80x125xi32, #tpu.memory_space<vmem>> -> memref<1x125xi32, #tpu.memory_space<vmem>>
        %dma_start3A_336 = tpu.memref_squeeze %dma_start3A_335 : memref<1x125xi32, #tpu.memory_space<vmem>> -> memref<125xi32, #tpu.memory_space<vmem>>
        %dma_start3A_337 = arith.constant 0 : i32
        %dma_start3A_338 = arith.constant 0 : i32
        %dma_start3A_339 = tpu.memref_slice %arg2[%dma_start3A_337, %dma_start3A_338] : memref<10240x32xf32, #tpu.memory_space<hbm>> -> memref<10240x32xf32, #tpu.memory_space<hbm>>
        tpu.enqueue_indirect_dma source(%dma_start3A_339 : memref<10240x32xf32, #tpu.memory_space<hbm>>) target(%arg11 : memref<125x32xf32, #tpu.memory_space<vmem>>) offsets(%dma_start3A_336 : memref<125xi32, #tpu.memory_space<vmem>>) semaphore(%arg21 : memref<!tpu.dma_semaphore, #tpu.memory_space<semaphore_mem>>)
      } else {
      }
      %add3A_274 = arith.constant 6 : i32
      %add3A_275 = arith.addi %add3A_110, %add3A_274 : i32
      %dma_wait3A_276 = arith.constant 0 : i32
      %dma_wait3A_277 = tpu.memref_slice %arg5[%add3A_275, %dma_wait3A_276] : memref<80x125xi32, #tpu.memory_space<vmem>> -> memref<1x125xi32, #tpu.memory_space<vmem>>
      %dma_wait3A_278 = tpu.memref_squeeze %dma_wait3A_277 : memref<1x125xi32, #tpu.memory_space<vmem>> -> memref<125xi32, #tpu.memory_space<vmem>>
      %dma_wait3A_279 = arith.constant 0 : i32
      %dma_wait3A_280 = arith.constant 0 : i32
      %dma_wait3A_281 = tpu.memref_slice %arg2[%dma_wait3A_279, %dma_wait3A_280] : memref<10240x32xf32, #tpu.memory_space<hbm>> -> memref<10240x32xf32, #tpu.memory_space<hbm>>
      tpu.wait_indirect_dma semaphore(%arg23 : memref<!tpu.dma_semaphore, #tpu.memory_space<semaphore_mem>>) src(%dma_wait3A_281 : memref<10240x32xf32, #tpu.memory_space<hbm>>) dst(%arg13 : memref<125x32xf32, #tpu.memory_space<vmem>>)
      %dma_start3A_282 = arith.constant 0 : i32
      %dma_start3A_283 = tpu.memref_slice %arg6[%add3A_275, %dma_start3A_282] : memref<80x125xi32, #tpu.memory_space<vmem>> -> memref<1x125xi32, #tpu.memory_space<vmem>>
      %dma_start3A_284 = tpu.memref_squeeze %dma_start3A_283 : memref<1x125xi32, #tpu.memory_space<vmem>> -> memref<125xi32, #tpu.memory_space<vmem>>
      %dma_start3A_285 = arith.constant 0 : i32
      %dma_start3A_286 = arith.constant 0 : i32
      %dma_start3A_287 = tpu.memref_slice %arg16[%dma_start3A_285, %dma_start3A_286] : memref<10240x32xf32, #tpu.memory_space<vmem_shared>> -> memref<10240x32xf32, #tpu.memory_space<vmem_shared>>
      tpu.enqueue_indirect_dma source(%arg13 : memref<125x32xf32, #tpu.memory_space<vmem>>) target(%dma_start3A_287 : memref<10240x32xf32, #tpu.memory_space<vmem_shared>>) offsets(%dma_start3A_284 : memref<125xi32, #tpu.memory_space<vmem>>) semaphore(%arg31 : memref<!tpu.dma_semaphore, #tpu.memory_space<semaphore_mem>>) {add = true}
      %ge3A_288 = arith.constant 1 : i32
      %ge3A_289 = arith.cmpi sge, %add3A_275, %ge3A_288 : i32
      %convert_element_type3A_290 = arith.extui %ge3A_289 : i1 to i32
      %cond3A_291 = arith.constant 0 : i32
      %cond3A_292 = arith.cmpi ne, %convert_element_type3A_290, %cond3A_291 : i32
      scf.if %cond3A_292 {
        %sub3A_330 = arith.constant 1 : i32
        %sub3A_331 = arith.subi %add3A_275, %sub3A_330 : i32
        %dma_wait3A_332 = arith.constant 0 : i32
        %dma_wait3A_333 = tpu.memref_slice %arg6[%sub3A_331, %dma_wait3A_332] : memref<80x125xi32, #tpu.memory_space<vmem>> -> memref<1x125xi32, #tpu.memory_space<vmem>>
        %dma_wait3A_334 = tpu.memref_squeeze %dma_wait3A_333 : memref<1x125xi32, #tpu.memory_space<vmem>> -> memref<125xi32, #tpu.memory_space<vmem>>
        %dma_wait3A_335 = arith.constant 0 : i32
        %dma_wait3A_336 = arith.constant 0 : i32
        %dma_wait3A_337 = tpu.memref_slice %arg16[%dma_wait3A_335, %dma_wait3A_336] : memref<10240x32xf32, #tpu.memory_space<vmem_shared>> -> memref<10240x32xf32, #tpu.memory_space<vmem_shared>>
        tpu.wait_indirect_dma semaphore(%arg30 : memref<!tpu.dma_semaphore, #tpu.memory_space<semaphore_mem>>) src(%arg12 : memref<125x32xf32, #tpu.memory_space<vmem>>) dst(%dma_wait3A_337 : memref<10240x32xf32, #tpu.memory_space<vmem_shared>>)
      } else {
      }
      %add3A_293 = arith.constant 8 : i32
      %add3A_294 = arith.addi %add3A_275, %add3A_293 : i32
      %sub3A_295 = arith.constant 1 : i32
      %sub3A_296 = arith.subi %add3A_294, %sub3A_295 : i32
      %lt3A_297 = arith.constant 80 : i32
      %lt3A_298 = arith.cmpi slt, %sub3A_296, %lt3A_297 : i32
      %convert_element_type3A_299 = arith.extui %lt3A_298 : i1 to i32
      %cond3A_300 = arith.constant 0 : i32
      %cond3A_301 = arith.cmpi ne, %convert_element_type3A_299, %cond3A_300 : i32
      scf.if %cond3A_301 {
        %add3A_330 = arith.constant 8 : i32
        %add3A_331 = arith.addi %add3A_275, %add3A_330 : i32
        %sub3A_332 = arith.constant 1 : i32
        %sub3A_333 = arith.subi %add3A_331, %sub3A_332 : i32
        %dma_start3A_334 = arith.constant 0 : i32
        %dma_start3A_335 = tpu.memref_slice %arg5[%sub3A_333, %dma_start3A_334] : memref<80x125xi32, #tpu.memory_space<vmem>> -> memref<1x125xi32, #tpu.memory_space<vmem>>
        %dma_start3A_336 = tpu.memref_squeeze %dma_start3A_335 : memref<1x125xi32, #tpu.memory_space<vmem>> -> memref<125xi32, #tpu.memory_space<vmem>>
        %dma_start3A_337 = arith.constant 0 : i32
        %dma_start3A_338 = arith.constant 0 : i32
        %dma_start3A_339 = tpu.memref_slice %arg2[%dma_start3A_337, %dma_start3A_338] : memref<10240x32xf32, #tpu.memory_space<hbm>> -> memref<10240x32xf32, #tpu.memory_space<hbm>>
        tpu.enqueue_indirect_dma source(%dma_start3A_339 : memref<10240x32xf32, #tpu.memory_space<hbm>>) target(%arg12 : memref<125x32xf32, #tpu.memory_space<vmem>>) offsets(%dma_start3A_336 : memref<125xi32, #tpu.memory_space<vmem>>) semaphore(%arg22 : memref<!tpu.dma_semaphore, #tpu.memory_space<semaphore_mem>>)
      } else {
      }
      %add3A_302 = arith.constant 7 : i32
      %add3A_303 = arith.addi %add3A_110, %add3A_302 : i32
      %dma_wait3A_304 = arith.constant 0 : i32
      %dma_wait3A_305 = tpu.memref_slice %arg5[%add3A_303, %dma_wait3A_304] : memref<80x125xi32, #tpu.memory_space<vmem>> -> memref<1x125xi32, #tpu.memory_space<vmem>>
      %dma_wait3A_306 = tpu.memref_squeeze %dma_wait3A_305 : memref<1x125xi32, #tpu.memory_space<vmem>> -> memref<125xi32, #tpu.memory_space<vmem>>
      %dma_wait3A_307 = arith.constant 0 : i32
      %dma_wait3A_308 = arith.constant 0 : i32
      %dma_wait3A_309 = tpu.memref_slice %arg2[%dma_wait3A_307, %dma_wait3A_308] : memref<10240x32xf32, #tpu.memory_space<hbm>> -> memref<10240x32xf32, #tpu.memory_space<hbm>>
      tpu.wait_indirect_dma semaphore(%arg24 : memref<!tpu.dma_semaphore, #tpu.memory_space<semaphore_mem>>) src(%dma_wait3A_309 : memref<10240x32xf32, #tpu.memory_space<hbm>>) dst(%arg14 : memref<125x32xf32, #tpu.memory_space<vmem>>)
      %dma_start3A_310 = arith.constant 0 : i32
      %dma_start3A_311 = tpu.memref_slice %arg6[%add3A_303, %dma_start3A_310] : memref<80x125xi32, #tpu.memory_space<vmem>> -> memref<1x125xi32, #tpu.memory_space<vmem>>
      %dma_start3A_312 = tpu.memref_squeeze %dma_start3A_311 : memref<1x125xi32, #tpu.memory_space<vmem>> -> memref<125xi32, #tpu.memory_space<vmem>>
      %dma_start3A_313 = arith.constant 0 : i32
      %dma_start3A_314 = arith.constant 0 : i32
      %dma_start3A_315 = tpu.memref_slice %arg16[%dma_start3A_313, %dma_start3A_314] : memref<10240x32xf32, #tpu.memory_space<vmem_shared>> -> memref<10240x32xf32, #tpu.memory_space<vmem_shared>>
      tpu.enqueue_indirect_dma source(%arg14 : memref<125x32xf32, #tpu.memory_space<vmem>>) target(%dma_start3A_315 : memref<10240x32xf32, #tpu.memory_space<vmem_shared>>) offsets(%dma_start3A_312 : memref<125xi32, #tpu.memory_space<vmem>>) semaphore(%arg32 : memref<!tpu.dma_semaphore, #tpu.memory_space<semaphore_mem>>) {add = true}
      %ge3A_316 = arith.constant 1 : i32
      %ge3A_317 = arith.cmpi sge, %add3A_303, %ge3A_316 : i32
      %convert_element_type3A_318 = arith.extui %ge3A_317 : i1 to i32
      %cond3A_319 = arith.constant 0 : i32
      %cond3A_320 = arith.cmpi ne, %convert_element_type3A_318, %cond3A_319 : i32
      scf.if %cond3A_320 {
        %sub3A_330 = arith.constant 1 : i32
        %sub3A_331 = arith.subi %add3A_303, %sub3A_330 : i32
        %dma_wait3A_332 = arith.constant 0 : i32
        %dma_wait3A_333 = tpu.memref_slice %arg6[%sub3A_331, %dma_wait3A_332] : memref<80x125xi32, #tpu.memory_space<vmem>> -> memref<1x125xi32, #tpu.memory_space<vmem>>
        %dma_wait3A_334 = tpu.memref_squeeze %dma_wait3A_333 : memref<1x125xi32, #tpu.memory_space<vmem>> -> memref<125xi32, #tpu.memory_space<vmem>>
        %dma_wait3A_335 = arith.constant 0 : i32
        %dma_wait3A_336 = arith.constant 0 : i32
        %dma_wait3A_337 = tpu.memref_slice %arg16[%dma_wait3A_335, %dma_wait3A_336] : memref<10240x32xf32, #tpu.memory_space<vmem_shared>> -> memref<10240x32xf32, #tpu.memory_space<vmem_shared>>
        tpu.wait_indirect_dma semaphore(%arg31 : memref<!tpu.dma_semaphore, #tpu.memory_space<semaphore_mem>>) src(%arg13 : memref<125x32xf32, #tpu.memory_space<vmem>>) dst(%dma_wait3A_337 : memref<10240x32xf32, #tpu.memory_space<vmem_shared>>)
      } else {
      }
      %add3A_321 = arith.constant 8 : i32
      %add3A_322 = arith.addi %add3A_303, %add3A_321 : i32
      %sub3A_323 = arith.constant 1 : i32
      %sub3A_324 = arith.subi %add3A_322, %sub3A_323 : i32
      %lt3A_325 = arith.constant 80 : i32
      %lt3A_326 = arith.cmpi slt, %sub3A_324, %lt3A_325 : i32
      %convert_element_type3A_327 = arith.extui %lt3A_326 : i1 to i32
      %cond3A_328 = arith.constant 0 : i32
      %cond3A_329 = arith.cmpi ne, %convert_element_type3A_327, %cond3A_328 : i32
      scf.if %cond3A_329 {
        %add3A_330 = arith.constant 8 : i32
        %add3A_331 = arith.addi %add3A_303, %add3A_330 : i32
        %sub3A_332 = arith.constant 1 : i32
        %sub3A_333 = arith.subi %add3A_331, %sub3A_332 : i32
        %dma_start3A_334 = arith.constant 0 : i32
        %dma_start3A_335 = tpu.memref_slice %arg5[%sub3A_333, %dma_start3A_334] : memref<80x125xi32, #tpu.memory_space<vmem>> -> memref<1x125xi32, #tpu.memory_space<vmem>>
        %dma_start3A_336 = tpu.memref_squeeze %dma_start3A_335 : memref<1x125xi32, #tpu.memory_space<vmem>> -> memref<125xi32, #tpu.memory_space<vmem>>
        %dma_start3A_337 = arith.constant 0 : i32
        %dma_start3A_338 = arith.constant 0 : i32
        %dma_start3A_339 = tpu.memref_slice %arg2[%dma_start3A_337, %dma_start3A_338] : memref<10240x32xf32, #tpu.memory_space<hbm>> -> memref<10240x32xf32, #tpu.memory_space<hbm>>
        tpu.enqueue_indirect_dma source(%dma_start3A_339 : memref<10240x32xf32, #tpu.memory_space<hbm>>) target(%arg13 : memref<125x32xf32, #tpu.memory_space<vmem>>) offsets(%dma_start3A_336 : memref<125xi32, #tpu.memory_space<vmem>>) semaphore(%arg23 : memref<!tpu.dma_semaphore, #tpu.memory_space<semaphore_mem>>)
      } else {
      }
    }
    %scan3A_93 = arith.constant 10 : i32
    %dma_wait3A_94 = arith.constant 79 : i32
    %dma_wait3A_95 = arith.constant 0 : i32
    %dma_wait3A_96 = tpu.memref_slice %arg6[%dma_wait3A_94, %dma_wait3A_95] : memref<80x125xi32, #tpu.memory_space<vmem>> -> memref<1x125xi32, #tpu.memory_space<vmem>>
    %dma_wait3A_97 = tpu.memref_squeeze %dma_wait3A_96 : memref<1x125xi32, #tpu.memory_space<vmem>> -> memref<125xi32, #tpu.memory_space<vmem>>
    %dma_wait3A_98 = arith.constant 0 : i32
    %dma_wait3A_99 = arith.constant 0 : i32
    %dma_wait3A_100 = tpu.memref_slice %arg16[%dma_wait3A_98, %dma_wait3A_99] : memref<10240x32xf32, #tpu.memory_space<vmem_shared>> -> memref<10240x32xf32, #tpu.memory_space<vmem_shared>>
    tpu.wait_indirect_dma semaphore(%arg32 : memref<!tpu.dma_semaphore, #tpu.memory_space<semaphore_mem>>) src(%arg14 : memref<125x32xf32, #tpu.memory_space<vmem>>) dst(%dma_wait3A_100 : memref<10240x32xf32, #tpu.memory_space<vmem_shared>>)
    %barrier3A_101 = arith.constant 0 : index
    tpu.barrier barrier_id(%barrier3A_101)
    %mul3A_102 = arith.constant 640 : i32
    %mul3A_103 = arith.muli %arg1, %mul3A_102 : i32
    %mul3A_104 = arith.constant 640 : i32
    %mul3A_105 = arith.muli %arg1, %mul3A_104 : i32
    "tpu.region"() ({
      %run_scoped3A = tpu.sem_alloc : memref<!tpu.dma_semaphore, #tpu.memory_space<semaphore_mem>>
      %dma_start3A_106 = arith.constant 0 : i32
      %dma_start3A_107 = tpu.memref_slice %arg4[%arg0, %mul3A_105, %dma_start3A_106] : memref<2x10240x32xf32, #tpu.memory_space<hbm>> -> memref<1x640x32xf32, #tpu.memory_space<hbm>>
      %dma_start3A_108 = tpu.memref_squeeze %dma_start3A_107 : memref<1x640x32xf32, #tpu.memory_space<hbm>> -> memref<640x32xf32, #tpu.memory_space<hbm>>
      %dma_start3A_109 = arith.constant 0 : i32
      %dma_start3A_110 = tpu.memref_slice %arg16[%mul3A_103, %dma_start3A_109] : memref<10240x32xf32, #tpu.memory_space<vmem_shared>> -> memref<640x32xf32, #tpu.memory_space<vmem_shared>>
      tpu.enqueue_dma source(%dma_start3A_110 : memref<640x32xf32, #tpu.memory_space<vmem_shared>>) target(%dma_start3A_108 : memref<640x32xf32, #tpu.memory_space<hbm>>) target_semaphore(%run_scoped3A : memref<!tpu.dma_semaphore, #tpu.memory_space<semaphore_mem>>)
      %dma_wait3A_111 = arith.constant 0 : i32
      %dma_wait3A_112 = tpu.memref_slice %arg4[%arg0, %mul3A_105, %dma_wait3A_111] : memref<2x10240x32xf32, #tpu.memory_space<hbm>> -> memref<1x640x32xf32, #tpu.memory_space<hbm>>
      %dma_wait3A_113 = tpu.memref_squeeze %dma_wait3A_112 : memref<1x640x32xf32, #tpu.memory_space<hbm>> -> memref<640x32xf32, #tpu.memory_space<hbm>>
      %dma_wait3A_114 = arith.constant 0 : i32
      %dma_wait3A_115 = tpu.memref_slice %arg16[%mul3A_103, %dma_wait3A_114] : memref<10240x32xf32, #tpu.memory_space<vmem_shared>> -> memref<640x32xf32, #tpu.memory_space<vmem_shared>>
      tpu.wait_dma2 semaphore(%run_scoped3A : memref<!tpu.dma_semaphore, #tpu.memory_space<semaphore_mem>>) src(%dma_wait3A_115 : memref<640x32xf32, #tpu.memory_space<vmem_shared>>) dst(%dma_wait3A_113 : memref<640x32xf32, #tpu.memory_space<hbm>>)
      tpu.yield
    }) : () -> ()
    return
  }
}

#map = affine_map<(d0, d1) -> (0, 0, 0)>
module attributes {stable_mosaic.version = 14 : i64} {
  func.func @_sc_degree(%arg0: i32, %arg1: i32, %arg2: memref<2x2560x125xi32, #tpu.memory_space<hbm>>, %arg3: memref<2x10240x16xf32, #tpu.memory_space<hbm>>, %arg4: memref<80x125xi32, #tpu.memory_space<vmem>>, %arg5: memref<125x16xf32, #tpu.memory_space<vmem>>, %arg6: memref<80x16xf32, #tpu.memory_space<vmem>>, %arg7: memref<10240x16xf32, #tpu.memory_space<vmem_shared>>, %arg8: memref<!tpu.dma_semaphore, #tpu.memory_space<semaphore_mem>>) attributes {dimension_semantics = [#tpu.dimension_semantics<core_parallel>, #tpu.dimension_semantics<subcore_parallel>], iteration_bounds = array<i64: 2, 16>, scalar_prefetch = 0 : i64, scratch_operands = 5 : i64, tpu.core_type = #tpu.core_type<sc_vector_subcore>, window_params = [{transform_indices = #map}, {transform_indices = #map}]} {
    %mul3A = arith.constant 16 : i32
    %mul3A_0 = arith.muli %arg0, %mul3A : i32
    %add3A = arith.addi %mul3A_0, %arg1 : i32
    %mul3A_1 = arith.constant 80 : i32
    %mul3A_2 = arith.muli %add3A, %mul3A_1 : i32
    %dma_start3A = arith.constant 1 : i32
    %dma_start3A_3 = arith.constant 0 : i32
    %dma_start3A_4 = tpu.memref_slice %arg2[%dma_start3A, %mul3A_2, %dma_start3A_3] : memref<2x2560x125xi32, #tpu.memory_space<hbm>> -> memref<1x80x125xi32, #tpu.memory_space<hbm>>
    %dma_start3A_5 = tpu.memref_squeeze %dma_start3A_4 : memref<1x80x125xi32, #tpu.memory_space<hbm>> -> memref<80x125xi32, #tpu.memory_space<hbm>>
    %dma_start3A_6 = arith.constant 0 : i32
    %dma_start3A_7 = tpu.memref_slice %arg2[%dma_start3A, %mul3A_2, %dma_start3A_6] : memref<2x2560x125xi32, #tpu.memory_space<hbm>> -> memref<1x80x125xi32, #tpu.memory_space<hbm>>
    %dma_start3A_8 = tpu.memref_squeeze %dma_start3A_7 : memref<1x80x125xi32, #tpu.memory_space<hbm>> -> memref<80x125xi32, #tpu.memory_space<hbm>>
    tpu.enqueue_dma source(%dma_start3A_8 : memref<80x125xi32, #tpu.memory_space<hbm>>) target(%arg4 : memref<80x125xi32, #tpu.memory_space<vmem>>) target_semaphore(%arg8 : memref<!tpu.dma_semaphore, #tpu.memory_space<semaphore_mem>>)
    %scan3A = arith.constant 0 : i32
    %scan3A_9 = arith.constant 80 : i32
    %scan3A_10 = arith.addi %scan3A, %scan3A_9 : i32
    %scan3A_11 = arith.constant 1 : i32
    scf.for %scan3A_49 = %scan3A to %scan3A_10 step %scan3A_11  : i32 {
      %mul3A_50 = arith.constant 1 : i32
      %mul3A_51 = arith.muli %scan3A_49, %mul3A_50 : i32
      %add3A_52 = arith.constant 0 : i32
      %add3A_53 = arith.addi %add3A_52, %mul3A_51 : i32
      %broadcast_in_dim3A = arith.constant 0.000000e+00 : f32
      %broadcast_in_dim3A_54 = vector.broadcast %broadcast_in_dim3A : f32 to vector<16xf32>
      %swap3A = arith.index_cast %add3A_53 : i32 to index
      %swap3A_55 = arith.constant 0 : index
      %swap3A_56 = tpu.vector_load %arg6[%swap3A, %swap3A_55] {strides = array<i32>} : memref<80x16xf32, #tpu.memory_space<vmem>>, vector<1x16xf32>,
      %swap3A_57 = vector.shape_cast %swap3A_56 : vector<1x16xf32> to vector<16xf32>
      %swap3A_58 = vector.shape_cast %broadcast_in_dim3A_54 : vector<16xf32> to vector<1x16xf32>
      tpu.vector_store %arg6[%swap3A, %swap3A_55], %swap3A_58 {strides = array<i32>} : memref<80x16xf32, #tpu.memory_space<vmem>>, vector<1x16xf32>,
    }
    %scan3A_12 = arith.constant 80 : i32
    %scan3A_13 = arith.constant 0 : i32
    %scan3A_14 = arith.constant 8 : i32
    %scan3A_15 = arith.addi %scan3A_13, %scan3A_14 : i32
    %scan3A_16 = arith.constant 1 : i32
    scf.for %scan3A_49 = %scan3A_13 to %scan3A_15 step %scan3A_16  : i32 {
      %mul3A_50 = arith.constant 1 : i32
      %mul3A_51 = arith.muli %scan3A_49, %mul3A_50 : i32
      %add3A_52 = arith.constant 0 : i32
      %add3A_53 = arith.addi %add3A_52, %mul3A_51 : i32
      %mul3A_54 = arith.constant 640 : i32
      %mul3A_55 = arith.muli %arg1, %mul3A_54 : i32
      %mul3A_56 = arith.constant 80 : i32
      %mul3A_57 = arith.muli %add3A_53, %mul3A_56 : i32
      %add3A_58 = arith.addi %mul3A_55, %mul3A_57 : i32
      "tpu.region"() ({
        %run_scoped3A = tpu.sem_alloc : memref<!tpu.dma_semaphore, #tpu.memory_space<semaphore_mem>>
        %dma_start3A_59 = arith.constant 0 : i32
        %dma_start3A_60 = tpu.memref_slice %arg7[%add3A_58, %dma_start3A_59] : memref<10240x16xf32, #tpu.memory_space<vmem_shared>> -> memref<80x16xf32, #tpu.memory_space<vmem_shared>>
        %dma_start3A_61 = arith.constant 0 : i32
        %dma_start3A_62 = tpu.memref_slice %arg7[%add3A_58, %dma_start3A_61] : memref<10240x16xf32, #tpu.memory_space<vmem_shared>> -> memref<80x16xf32, #tpu.memory_space<vmem_shared>>
        tpu.enqueue_dma source(%arg6 : memref<80x16xf32, #tpu.memory_space<vmem>>) target(%dma_start3A_62 : memref<80x16xf32, #tpu.memory_space<vmem_shared>>) target_semaphore(%run_scoped3A : memref<!tpu.dma_semaphore, #tpu.memory_space<semaphore_mem>>)
        %dma_wait3A_63 = arith.constant 0 : i32
        %dma_wait3A_64 = tpu.memref_slice %arg7[%add3A_58, %dma_wait3A_63] : memref<10240x16xf32, #tpu.memory_space<vmem_shared>> -> memref<80x16xf32, #tpu.memory_space<vmem_shared>>
        %dma_wait3A_65 = arith.constant 0 : i32
        %dma_wait3A_66 = tpu.memref_slice %arg7[%add3A_58, %dma_wait3A_65] : memref<10240x16xf32, #tpu.memory_space<vmem_shared>> -> memref<80x16xf32, #tpu.memory_space<vmem_shared>>
        tpu.wait_dma2 semaphore(%run_scoped3A : memref<!tpu.dma_semaphore, #tpu.memory_space<semaphore_mem>>) src(%arg6 : memref<80x16xf32, #tpu.memory_space<vmem>>) dst(%dma_wait3A_66 : memref<80x16xf32, #tpu.memory_space<vmem_shared>>)
        tpu.yield
      }) : () -> ()
    }
    %scan3A_17 = arith.constant 8 : i32
    %scan3A_18 = arith.constant 0 : i32
    %scan3A_19 = arith.constant 125 : i32
    %scan3A_20 = arith.addi %scan3A_18, %scan3A_19 : i32
    %scan3A_21 = arith.constant 1 : i32
    scf.for %scan3A_49 = %scan3A_18 to %scan3A_20 step %scan3A_21  : i32 {
      %mul3A_50 = arith.constant 1 : i32
      %mul3A_51 = arith.muli %scan3A_49, %mul3A_50 : i32
      %add3A_52 = arith.constant 0 : i32
      %add3A_53 = arith.addi %add3A_52, %mul3A_51 : i32
      %broadcast_in_dim3A = arith.constant 1.000000e+00 : f32
      %broadcast_in_dim3A_54 = vector.broadcast %broadcast_in_dim3A : f32 to vector<16xf32>
      %swap3A = arith.index_cast %add3A_53 : i32 to index
      %swap3A_55 = arith.constant 0 : index
      %swap3A_56 = tpu.vector_load %arg5[%swap3A, %swap3A_55] {strides = array<i32>} : memref<125x16xf32, #tpu.memory_space<vmem>>, vector<1x16xf32>,
      %swap3A_57 = vector.shape_cast %swap3A_56 : vector<1x16xf32> to vector<16xf32>
      %swap3A_58 = vector.shape_cast %broadcast_in_dim3A_54 : vector<16xf32> to vector<1x16xf32>
      tpu.vector_store %arg5[%swap3A, %swap3A_55], %swap3A_58 {strides = array<i32>} : memref<125x16xf32, #tpu.memory_space<vmem>>, vector<1x16xf32>,
    }
    %scan3A_22 = arith.constant 125 : i32
    %dma_wait3A = arith.constant 1 : i32
    %dma_wait3A_23 = arith.constant 0 : i32
    %dma_wait3A_24 = tpu.memref_slice %arg2[%dma_wait3A, %mul3A_2, %dma_wait3A_23] : memref<2x2560x125xi32, #tpu.memory_space<hbm>> -> memref<1x80x125xi32, #tpu.memory_space<hbm>>
    %dma_wait3A_25 = tpu.memref_squeeze %dma_wait3A_24 : memref<1x80x125xi32, #tpu.memory_space<hbm>> -> memref<80x125xi32, #tpu.memory_space<hbm>>
    %dma_wait3A_26 = arith.constant 0 : i32
    %dma_wait3A_27 = tpu.memref_slice %arg2[%dma_wait3A, %mul3A_2, %dma_wait3A_26] : memref<2x2560x125xi32, #tpu.memory_space<hbm>> -> memref<1x80x125xi32, #tpu.memory_space<hbm>>
    %dma_wait3A_28 = tpu.memref_squeeze %dma_wait3A_27 : memref<1x80x125xi32, #tpu.memory_space<hbm>> -> memref<80x125xi32, #tpu.memory_space<hbm>>
    tpu.wait_dma2 semaphore(%arg8 : memref<!tpu.dma_semaphore, #tpu.memory_space<semaphore_mem>>) src(%dma_wait3A_28 : memref<80x125xi32, #tpu.memory_space<hbm>>) dst(%arg4 : memref<80x125xi32, #tpu.memory_space<vmem>>)
    %barrier3A = arith.constant 0 : index
    tpu.barrier barrier_id(%barrier3A)
    %scan3A_29 = arith.constant 0 : i32
    %scan3A_30 = arith.constant 8 : i32
    %scan3A_31 = arith.addi %scan3A_29, %scan3A_30 : i32
    %scan3A_32 = arith.constant 1 : i32
    scf.for %scan3A_49 = %scan3A_29 to %scan3A_31 step %scan3A_32  : i32 {
      %mul3A_50 = arith.constant 1 : i32
      %mul3A_51 = arith.muli %scan3A_49, %mul3A_50 : i32
      %add3A_52 = arith.constant 0 : i32
      %add3A_53 = arith.addi %add3A_52, %mul3A_51 : i32
      %dma_start3A_54 = arith.constant 0 : i32
      %dma_start3A_55 = tpu.memref_slice %arg4[%add3A_53, %dma_start3A_54] : memref<80x125xi32, #tpu.memory_space<vmem>> -> memref<1x125xi32, #tpu.memory_space<vmem>>
      %dma_start3A_56 = tpu.memref_squeeze %dma_start3A_55 : memref<1x125xi32, #tpu.memory_space<vmem>> -> memref<125xi32, #tpu.memory_space<vmem>>
      %dma_start3A_57 = arith.constant 0 : i32
      %dma_start3A_58 = arith.constant 0 : i32
      %dma_start3A_59 = tpu.memref_slice %arg7[%dma_start3A_57, %dma_start3A_58] : memref<10240x16xf32, #tpu.memory_space<vmem_shared>> -> memref<10240x16xf32, #tpu.memory_space<vmem_shared>>
      tpu.enqueue_indirect_dma source(%arg5 : memref<125x16xf32, #tpu.memory_space<vmem>>) target(%dma_start3A_59 : memref<10240x16xf32, #tpu.memory_space<vmem_shared>>) offsets(%dma_start3A_56 : memref<125xi32, #tpu.memory_space<vmem>>) semaphore(%arg8 : memref<!tpu.dma_semaphore, #tpu.memory_space<semaphore_mem>>) {add = true}
    }
    %scan3A_33 = arith.constant 8 : i32
    %scan3A_34 = arith.constant 0 : i32
    %scan3A_35 = arith.constant 72 : i32
    %scan3A_36 = arith.addi %scan3A_34, %scan3A_35 : i32
    %scan3A_37 = arith.constant 1 : i32
    scf.for %scan3A_49 = %scan3A_34 to %scan3A_36 step %scan3A_37  : i32 {
      %mul3A_50 = arith.constant 1 : i32
      %mul3A_51 = arith.muli %scan3A_49, %mul3A_50 : i32
      %add3A_52 = arith.constant 8 : i32
      %add3A_53 = arith.addi %add3A_52, %mul3A_51 : i32
      %dma_wait3A_54 = arith.constant 0 : i32
      %dma_wait3A_55 = arith.constant 0 : i32
      %dma_wait3A_56 = tpu.memref_slice %arg4[%dma_wait3A_54, %dma_wait3A_55] : memref<80x125xi32, #tpu.memory_space<vmem>> -> memref<1x125xi32, #tpu.memory_space<vmem>>
      %dma_wait3A_57 = tpu.memref_squeeze %dma_wait3A_56 : memref<1x125xi32, #tpu.memory_space<vmem>> -> memref<125xi32, #tpu.memory_space<vmem>>
      %dma_wait3A_58 = arith.constant 0 : i32
      %dma_wait3A_59 = arith.constant 0 : i32
      %dma_wait3A_60 = tpu.memref_slice %arg7[%dma_wait3A_58, %dma_wait3A_59] : memref<10240x16xf32, #tpu.memory_space<vmem_shared>> -> memref<10240x16xf32, #tpu.memory_space<vmem_shared>>
      tpu.wait_indirect_dma semaphore(%arg8 : memref<!tpu.dma_semaphore, #tpu.memory_space<semaphore_mem>>) src(%arg5 : memref<125x16xf32, #tpu.memory_space<vmem>>) dst(%dma_wait3A_60 : memref<10240x16xf32, #tpu.memory_space<vmem_shared>>)
      %dma_start3A_61 = arith.constant 0 : i32
      %dma_start3A_62 = tpu.memref_slice %arg4[%add3A_53, %dma_start3A_61] : memref<80x125xi32, #tpu.memory_space<vmem>> -> memref<1x125xi32, #tpu.memory_space<vmem>>
      %dma_start3A_63 = tpu.memref_squeeze %dma_start3A_62 : memref<1x125xi32, #tpu.memory_space<vmem>> -> memref<125xi32, #tpu.memory_space<vmem>>
      %dma_start3A_64 = arith.constant 0 : i32
      %dma_start3A_65 = arith.constant 0 : i32
      %dma_start3A_66 = tpu.memref_slice %arg7[%dma_start3A_64, %dma_start3A_65] : memref<10240x16xf32, #tpu.memory_space<vmem_shared>> -> memref<10240x16xf32, #tpu.memory_space<vmem_shared>>
      tpu.enqueue_indirect_dma source(%arg5 : memref<125x16xf32, #tpu.memory_space<vmem>>) target(%dma_start3A_66 : memref<10240x16xf32, #tpu.memory_space<vmem_shared>>) offsets(%dma_start3A_63 : memref<125xi32, #tpu.memory_space<vmem>>) semaphore(%arg8 : memref<!tpu.dma_semaphore, #tpu.memory_space<semaphore_mem>>) {add = true}
    }
    %scan3A_38 = arith.constant 72 : i32
    %scan3A_39 = arith.constant 0 : i32
    %scan3A_40 = arith.constant 8 : i32
    %scan3A_41 = arith.addi %scan3A_39, %scan3A_40 : i32
    %scan3A_42 = arith.constant 1 : i32
    scf.for %scan3A_49 = %scan3A_39 to %scan3A_41 step %scan3A_42  : i32 {
      %mul3A_50 = arith.constant 1 : i32
      %mul3A_51 = arith.muli %scan3A_49, %mul3A_50 : i32
      %add3A_52 = arith.constant 0 : i32
      %add3A_53 = arith.addi %add3A_52, %mul3A_51 : i32
      %dma_wait3A_54 = arith.constant 0 : i32
      %dma_wait3A_55 = arith.constant 0 : i32
      %dma_wait3A_56 = tpu.memref_slice %arg4[%dma_wait3A_54, %dma_wait3A_55] : memref<80x125xi32, #tpu.memory_space<vmem>> -> memref<1x125xi32, #tpu.memory_space<vmem>>
      %dma_wait3A_57 = tpu.memref_squeeze %dma_wait3A_56 : memref<1x125xi32, #tpu.memory_space<vmem>> -> memref<125xi32, #tpu.memory_space<vmem>>
      %dma_wait3A_58 = arith.constant 0 : i32
      %dma_wait3A_59 = arith.constant 0 : i32
      %dma_wait3A_60 = tpu.memref_slice %arg7[%dma_wait3A_58, %dma_wait3A_59] : memref<10240x16xf32, #tpu.memory_space<vmem_shared>> -> memref<10240x16xf32, #tpu.memory_space<vmem_shared>>
      tpu.wait_indirect_dma semaphore(%arg8 : memref<!tpu.dma_semaphore, #tpu.memory_space<semaphore_mem>>) src(%arg5 : memref<125x16xf32, #tpu.memory_space<vmem>>) dst(%dma_wait3A_60 : memref<10240x16xf32, #tpu.memory_space<vmem_shared>>)
    }
    %scan3A_43 = arith.constant 8 : i32
    %barrier3A_44 = arith.constant 0 : index
    tpu.barrier barrier_id(%barrier3A_44)
    %mul3A_45 = arith.constant 640 : i32
    %mul3A_46 = arith.muli %arg1, %mul3A_45 : i32
    %mul3A_47 = arith.constant 640 : i32
    %mul3A_48 = arith.muli %arg1, %mul3A_47 : i32
    "tpu.region"() ({
      %run_scoped3A = tpu.sem_alloc : memref<!tpu.dma_semaphore, #tpu.memory_space<semaphore_mem>>
      %dma_start3A_49 = arith.constant 0 : i32
      %dma_start3A_50 = tpu.memref_slice %arg3[%arg0, %mul3A_48, %dma_start3A_49] : memref<2x10240x16xf32, #tpu.memory_space<hbm>> -> memref<1x640x16xf32, #tpu.memory_space<hbm>>
      %dma_start3A_51 = tpu.memref_squeeze %dma_start3A_50 : memref<1x640x16xf32, #tpu.memory_space<hbm>> -> memref<640x16xf32, #tpu.memory_space<hbm>>
      %dma_start3A_52 = arith.constant 0 : i32
      %dma_start3A_53 = tpu.memref_slice %arg7[%mul3A_46, %dma_start3A_52] : memref<10240x16xf32, #tpu.memory_space<vmem_shared>> -> memref<640x16xf32, #tpu.memory_space<vmem_shared>>
      tpu.enqueue_dma source(%dma_start3A_53 : memref<640x16xf32, #tpu.memory_space<vmem_shared>>) target(%dma_start3A_51 : memref<640x16xf32, #tpu.memory_space<hbm>>) target_semaphore(%run_scoped3A : memref<!tpu.dma_semaphore, #tpu.memory_space<semaphore_mem>>)
      %dma_wait3A_54 = arith.constant 0 : i32
      %dma_wait3A_55 = tpu.memref_slice %arg3[%arg0, %mul3A_48, %dma_wait3A_54] : memref<2x10240x16xf32, #tpu.memory_space<hbm>> -> memref<1x640x16xf32, #tpu.memory_space<hbm>>
      %dma_wait3A_56 = tpu.memref_squeeze %dma_wait3A_55 : memref<1x640x16xf32, #tpu.memory_space<hbm>> -> memref<640x16xf32, #tpu.memory_space<hbm>>
      %dma_wait3A_57 = arith.constant 0 : i32
      %dma_wait3A_58 = tpu.memref_slice %arg7[%mul3A_46, %dma_wait3A_57] : memref<10240x16xf32, #tpu.memory_space<vmem_shared>> -> memref<640x16xf32, #tpu.memory_space<vmem_shared>>
      tpu.wait_dma2 semaphore(%run_scoped3A : memref<!tpu.dma_semaphore, #tpu.memory_space<semaphore_mem>>) src(%dma_wait3A_58 : memref<640x16xf32, #tpu.memory_space<vmem_shared>>) dst(%dma_wait3A_56 : memref<640x16xf32, #tpu.memory_space<hbm>>)
      tpu.yield
    }) : () -> ()
    return
  }
}

#map = affine_map<(d0, d1) -> (0, 0)>
#map1 = affine_map<(d0, d1) -> (0, 0, 0)>
module attributes {stable_mosaic.version = 14 : i64} {
  func.func @agg(%arg0: i32, %arg1: i32, %arg2: memref<10240x32xf32, #tpu.memory_space<hbm>>, %arg3: memref<2x2560x125xi32, #tpu.memory_space<hbm>>, %arg4: memref<2x10240x32xf32, #tpu.memory_space<hbm>>, %arg5: memref<80x125xi32, #tpu.memory_space<vmem>>, %arg6: memref<80x125xi32, #tpu.memory_space<vmem>>, %arg7: memref<125x32xf32, #tpu.memory_space<vmem>>, %arg8: memref<125x32xf32, #tpu.memory_space<vmem>>, %arg9: memref<125x32xf32, #tpu.memory_space<vmem>>, %arg10: memref<125x32xf32, #tpu.memory_space<vmem>>, %arg11: memref<125x32xf32, #tpu.memory_space<vmem>>, %arg12: memref<125x32xf32, #tpu.memory_space<vmem>>, %arg13: memref<125x32xf32, #tpu.memory_space<vmem>>, %arg14: memref<125x32xf32, #tpu.memory_space<vmem>>, %arg15: memref<80x32xf32, #tpu.memory_space<vmem>>, %arg16: memref<10240x32xf32, #tpu.memory_space<vmem_shared>>, %arg17: memref<!tpu.dma_semaphore, #tpu.memory_space<semaphore_mem>>, %arg18: memref<!tpu.dma_semaphore, #tpu.memory_space<semaphore_mem>>, %arg19: memref<!tpu.dma_semaphore, #tpu.memory_space<semaphore_mem>>, %arg20: memref<!tpu.dma_semaphore, #tpu.memory_space<semaphore_mem>>, %arg21: memref<!tpu.dma_semaphore, #tpu.memory_space<semaphore_mem>>, %arg22: memref<!tpu.dma_semaphore, #tpu.memory_space<semaphore_mem>>, %arg23: memref<!tpu.dma_semaphore, #tpu.memory_space<semaphore_mem>>, %arg24: memref<!tpu.dma_semaphore, #tpu.memory_space<semaphore_mem>>, %arg25: memref<!tpu.dma_semaphore, #tpu.memory_space<semaphore_mem>>, %arg26: memref<!tpu.dma_semaphore, #tpu.memory_space<semaphore_mem>>, %arg27: memref<!tpu.dma_semaphore, #tpu.memory_space<semaphore_mem>>, %arg28: memref<!tpu.dma_semaphore, #tpu.memory_space<semaphore_mem>>, %arg29: memref<!tpu.dma_semaphore, #tpu.memory_space<semaphore_mem>>, %arg30: memref<!tpu.dma_semaphore, #tpu.memory_space<semaphore_mem>>, %arg31: memref<!tpu.dma_semaphore, #tpu.memory_space<semaphore_mem>>, %arg32: memref<!tpu.dma_semaphore, #tpu.memory_space<semaphore_mem>>, %arg33: memref<!tpu.dma_semaphore, #tpu.memory_space<semaphore_mem>>) attributes {dimension_semantics = [#tpu.dimension_semantics<core_parallel>, #tpu.dimension_semantics<subcore_parallel>], iteration_bounds = array<i64: 2, 16>, scalar_prefetch = 0 : i64, scratch_operands = 29 : i64, tpu.core_type = #tpu.core_type<sc_vector_subcore>, window_params = [{transform_indices = #map}, {transform_indices = #map1}, {transform_indices = #map1}]} {
    %mul3A = arith.constant 16 : i32
    %mul3A_0 = arith.muli %arg0, %mul3A : i32
    %add3A = arith.addi %mul3A_0, %arg1 : i32
    %mul3A_1 = arith.constant 80 : i32
    %mul3A_2 = arith.muli %add3A, %mul3A_1 : i32
    %dma_start3A = arith.constant 0 : i32
    %dma_start3A_3 = arith.constant 0 : i32
    %dma_start3A_4 = tpu.memref_slice %arg3[%dma_start3A, %mul3A_2, %dma_start3A_3] : memref<2x2560x125xi32, #tpu.memory_space<hbm>> -> memref<1x80x125xi32, #tpu.memory_space<hbm>>
    %dma_start3A_5 = tpu.memref_squeeze %dma_start3A_4 : memref<1x80x125xi32, #tpu.memory_space<hbm>> -> memref<80x125xi32, #tpu.memory_space<hbm>>
    %dma_start3A_6 = arith.constant 0 : i32
    %dma_start3A_7 = tpu.memref_slice %arg3[%dma_start3A, %mul3A_2, %dma_start3A_6] : memref<2x2560x125xi32, #tpu.memory_space<hbm>> -> memref<1x80x125xi32, #tpu.memory_space<hbm>>
    %dma_start3A_8 = tpu.memref_squeeze %dma_start3A_7 : memref<1x80x125xi32, #tpu.memory_space<hbm>> -> memref<80x125xi32, #tpu.memory_space<hbm>>
    tpu.enqueue_dma source(%dma_start3A_8 : memref<80x125xi32, #tpu.memory_space<hbm>>) target(%arg5 : memref<80x125xi32, #tpu.memory_space<vmem>>) target_semaphore(%arg33 : memref<!tpu.dma_semaphore, #tpu.memory_space<semaphore_mem>>)
    %mul3A_9 = arith.constant 80 : i32
    %mul3A_10 = arith.muli %add3A, %mul3A_9 : i32
    %dma_start3A_11 = arith.constant 1 : i32
    %dma_start3A_12 = arith.constant 0 : i32
    %dma_start3A_13 = tpu.memref_slice %arg3[%dma_start3A_11, %mul3A_10, %dma_start3A_12] : memref<2x2560x125xi32, #tpu.memory_space<hbm>> -> memref<1x80x125xi32, #tpu.memory_space<hbm>>
    %dma_start3A_14 = tpu.memref_squeeze %dma_start3A_13 : memref<1x80x125xi32, #tpu.memory_space<hbm>> -> memref<80x125xi32, #tpu.memory_space<hbm>>
    %dma_start3A_15 = arith.constant 0 : i32
    %dma_start3A_16 = tpu.memref_slice %arg3[%dma_start3A_11, %mul3A_10, %dma_start3A_15] : memref<2x2560x125xi32, #tpu.memory_space<hbm>> -> memref<1x80x125xi32, #tpu.memory_space<hbm>>
    %dma_start3A_17 = tpu.memref_squeeze %dma_start3A_16 : memref<1x80x125xi32, #tpu.memory_space<hbm>> -> memref<80x125xi32, #tpu.memory_space<hbm>>
    tpu.enqueue_dma source(%dma_start3A_17 : memref<80x125xi32, #tpu.memory_space<hbm>>) target(%arg6 : memref<80x125xi32, #tpu.memory_space<vmem>>) target_semaphore(%arg33 : memref<!tpu.dma_semaphore, #tpu.memory_space<semaphore_mem>>)
    %scan3A = arith.constant 0 : i32
    %scan3A_18 = arith.constant 80 : i32
    %scan3A_19 = arith.addi %scan3A, %scan3A_18 : i32
    %scan3A_20 = arith.constant 1 : i32
    scf.for %scan3A_106 = %scan3A to %scan3A_19 step %scan3A_20  : i32 {
      %mul3A_107 = arith.constant 1 : i32
      %mul3A_108 = arith.muli %scan3A_106, %mul3A_107 : i32
      %add3A_109 = arith.constant 0 : i32
      %add3A_110 = arith.addi %add3A_109, %mul3A_108 : i32
      %scan3A_111 = arith.constant 0 : i32
      %scan3A_112 = arith.constant 2 : i32
      %scan3A_113 = arith.addi %scan3A_111, %scan3A_112 : i32
      %scan3A_114 = arith.constant 1 : i32
      scf.for %scan3A_116 = %scan3A_111 to %scan3A_113 step %scan3A_114  : i32 {
        %mul3A_117 = arith.constant 1 : i32
        %mul3A_118 = arith.muli %scan3A_116, %mul3A_117 : i32
        %add3A_119 = arith.constant 0 : i32
        %add3A_120 = arith.addi %add3A_119, %mul3A_118 : i32
        %broadcast_in_dim3A = arith.constant 0.000000e+00 : f32
        %broadcast_in_dim3A_121 = vector.broadcast %broadcast_in_dim3A : f32 to vector<16xf32>
        %mul3A_122 = arith.constant 16 : i32
        %mul3A_123 = arith.muli %add3A_120, %mul3A_122 : i32
        %swap3A = arith.index_cast %add3A_110 : i32 to index
        %swap3A_124 = arith.index_cast %mul3A_123 : i32 to index
        %swap3A_125 = tpu.vector_load %arg15[%swap3A, %swap3A_124] {strides = array<i32>} : memref<80x32xf32, #tpu.memory_space<vmem>>, vector<1x16xf32>,
        %swap3A_126 = vector.shape_cast %swap3A_125 : vector<1x16xf32> to vector<16xf32>
        %swap3A_127 = vector.shape_cast %broadcast_in_dim3A_121 : vector<16xf32> to vector<1x16xf32>
        tpu.vector_store %arg15[%swap3A, %swap3A_124], %swap3A_127 {strides = array<i32>} : memref<80x32xf32, #tpu.memory_space<vmem>>, vector<1x16xf32>,
      }
      %scan3A_115 = arith.constant 2 : i32
    }
    %scan3A_21 = arith.constant 80 : i32
    %scan3A_22 = arith.constant 0 : i32
    %scan3A_23 = arith.constant 8 : i32
    %scan3A_24 = arith.addi %scan3A_22, %scan3A_23 : i32
    %scan3A_25 = arith.constant 1 : i32
    scf.for %scan3A_106 = %scan3A_22 to %scan3A_24 step %scan3A_25  : i32 {
      %mul3A_107 = arith.constant 1 : i32
      %mul3A_108 = arith.muli %scan3A_106, %mul3A_107 : i32
      %add3A_109 = arith.constant 0 : i32
      %add3A_110 = arith.addi %add3A_109, %mul3A_108 : i32
      %mul3A_111 = arith.constant 640 : i32
      %mul3A_112 = arith.muli %arg1, %mul3A_111 : i32
      %mul3A_113 = arith.constant 80 : i32
      %mul3A_114 = arith.muli %add3A_110, %mul3A_113 : i32
      %add3A_115 = arith.addi %mul3A_112, %mul3A_114 : i32
      "tpu.region"() ({
        %run_scoped3A = tpu.sem_alloc : memref<!tpu.dma_semaphore, #tpu.memory_space<semaphore_mem>>
        %dma_start3A_116 = arith.constant 0 : i32
        %dma_start3A_117 = tpu.memref_slice %arg16[%add3A_115, %dma_start3A_116] : memref<10240x32xf32, #tpu.memory_space<vmem_shared>> -> memref<80x32xf32, #tpu.memory_space<vmem_shared>>
        %dma_start3A_118 = arith.constant 0 : i32
        %dma_start3A_119 = tpu.memref_slice %arg16[%add3A_115, %dma_start3A_118] : memref<10240x32xf32, #tpu.memory_space<vmem_shared>> -> memref<80x32xf32, #tpu.memory_space<vmem_shared>>
        tpu.enqueue_dma source(%arg15 : memref<80x32xf32, #tpu.memory_space<vmem>>) target(%dma_start3A_119 : memref<80x32xf32, #tpu.memory_space<vmem_shared>>) target_semaphore(%run_scoped3A : memref<!tpu.dma_semaphore, #tpu.memory_space<semaphore_mem>>)
        %dma_wait3A_120 = arith.constant 0 : i32
        %dma_wait3A_121 = tpu.memref_slice %arg16[%add3A_115, %dma_wait3A_120] : memref<10240x32xf32, #tpu.memory_space<vmem_shared>> -> memref<80x32xf32, #tpu.memory_space<vmem_shared>>
        %dma_wait3A_122 = arith.constant 0 : i32
        %dma_wait3A_123 = tpu.memref_slice %arg16[%add3A_115, %dma_wait3A_122] : memref<10240x32xf32, #tpu.memory_space<vmem_shared>> -> memref<80x32xf32, #tpu.memory_space<vmem_shared>>
        tpu.wait_dma2 semaphore(%run_scoped3A : memref<!tpu.dma_semaphore, #tpu.memory_space<semaphore_mem>>) src(%arg15 : memref<80x32xf32, #tpu.memory_space<vmem>>) dst(%dma_wait3A_123 : memref<80x32xf32, #tpu.memory_space<vmem_shared>>)
        tpu.yield
      }) : () -> ()
    }
    %scan3A_26 = arith.constant 8 : i32
    %dma_wait3A = arith.constant 0 : i32
    %dma_wait3A_27 = arith.constant 0 : i32
    %dma_wait3A_28 = tpu.memref_slice %arg3[%dma_wait3A, %mul3A_2, %dma_wait3A_27] : memref<2x2560x125xi32, #tpu.memory_space<hbm>> -> memref<1x80x125xi32, #tpu.memory_space<hbm>>
    %dma_wait3A_29 = tpu.memref_squeeze %dma_wait3A_28 : memref<1x80x125xi32, #tpu.memory_space<hbm>> -> memref<80x125xi32, #tpu.memory_space<hbm>>
    %dma_wait3A_30 = arith.constant 0 : i32
    %dma_wait3A_31 = tpu.memref_slice %arg3[%dma_wait3A, %mul3A_2, %dma_wait3A_30] : memref<2x2560x125xi32, #tpu.memory_space<hbm>> -> memref<1x80x125xi32, #tpu.memory_space<hbm>>
    %dma_wait3A_32 = tpu.memref_squeeze %dma_wait3A_31 : memref<1x80x125xi32, #tpu.memory_space<hbm>> -> memref<80x125xi32, #tpu.memory_space<hbm>>
    tpu.wait_dma2 semaphore(%arg33 : memref<!tpu.dma_semaphore, #tpu.memory_space<semaphore_mem>>) src(%dma_wait3A_32 : memref<80x125xi32, #tpu.memory_space<hbm>>) dst(%arg5 : memref<80x125xi32, #tpu.memory_space<vmem>>)
    %dma_wait3A_33 = arith.constant 1 : i32
    %dma_wait3A_34 = arith.constant 0 : i32
    %dma_wait3A_35 = tpu.memref_slice %arg3[%dma_wait3A_33, %mul3A_10, %dma_wait3A_34] : memref<2x2560x125xi32, #tpu.memory_space<hbm>> -> memref<1x80x125xi32, #tpu.memory_space<hbm>>
    %dma_wait3A_36 = tpu.memref_squeeze %dma_wait3A_35 : memref<1x80x125xi32, #tpu.memory_space<hbm>> -> memref<80x125xi32, #tpu.memory_space<hbm>>
    %dma_wait3A_37 = arith.constant 0 : i32
    %dma_wait3A_38 = tpu.memref_slice %arg3[%dma_wait3A_33, %mul3A_10, %dma_wait3A_37] : memref<2x2560x125xi32, #tpu.memory_space<hbm>> -> memref<1x80x125xi32, #tpu.memory_space<hbm>>
    %dma_wait3A_39 = tpu.memref_squeeze %dma_wait3A_38 : memref<1x80x125xi32, #tpu.memory_space<hbm>> -> memref<80x125xi32, #tpu.memory_space<hbm>>
    tpu.wait_dma2 semaphore(%arg33 : memref<!tpu.dma_semaphore, #tpu.memory_space<semaphore_mem>>) src(%dma_wait3A_39 : memref<80x125xi32, #tpu.memory_space<hbm>>) dst(%arg6 : memref<80x125xi32, #tpu.memory_space<vmem>>)
    %dma_start3A_40 = arith.constant 0 : i32
    %dma_start3A_41 = arith.constant 0 : i32
    %dma_start3A_42 = tpu.memref_slice %arg5[%dma_start3A_40, %dma_start3A_41] : memref<80x125xi32, #tpu.memory_space<vmem>> -> memref<1x125xi32, #tpu.memory_space<vmem>>
    %dma_start3A_43 = tpu.memref_squeeze %dma_start3A_42 : memref<1x125xi32, #tpu.memory_space<vmem>> -> memref<125xi32, #tpu.memory_space<vmem>>
    %dma_start3A_44 = arith.constant 0 : i32
    %dma_start3A_45 = arith.constant 0 : i32
    %dma_start3A_46 = tpu.memref_slice %arg2[%dma_start3A_44, %dma_start3A_45] : memref<10240x32xf32, #tpu.memory_space<hbm>> -> memref<10240x32xf32, #tpu.memory_space<hbm>>
    tpu.enqueue_indirect_dma source(%dma_start3A_46 : memref<10240x32xf32, #tpu.memory_space<hbm>>) target(%arg7 : memref<125x32xf32, #tpu.memory_space<vmem>>) offsets(%dma_start3A_43 : memref<125xi32, #tpu.memory_space<vmem>>) semaphore(%arg17 : memref<!tpu.dma_semaphore, #tpu.memory_space<semaphore_mem>>)
    %dma_start3A_47 = arith.constant 1 : i32
    %dma_start3A_48 = arith.constant 0 : i32
    %dma_start3A_49 = tpu.memref_slice %arg5[%dma_start3A_47, %dma_start3A_48] : memref<80x125xi32, #tpu.memory_space<vmem>> -> memref<1x125xi32, #tpu.memory_space<vmem>>
    %dma_start3A_50 = tpu.memref_squeeze %dma_start3A_49 : memref<1x125xi32, #tpu.memory_space<vmem>> -> memref<125xi32, #tpu.memory_space<vmem>>
    %dma_start3A_51 = arith.constant 0 : i32
    %dma_start3A_52 = arith.constant 0 : i32
    %dma_start3A_53 = tpu.memref_slice %arg2[%dma_start3A_51, %dma_start3A_52] : memref<10240x32xf32, #tpu.memory_space<hbm>> -> memref<10240x32xf32, #tpu.memory_space<hbm>>
    tpu.enqueue_indirect_dma source(%dma_start3A_53 : memref<10240x32xf32, #tpu.memory_space<hbm>>) target(%arg8 : memref<125x32xf32, #tpu.memory_space<vmem>>) offsets(%dma_start3A_50 : memref<125xi32, #tpu.memory_space<vmem>>) semaphore(%arg18 : memref<!tpu.dma_semaphore, #tpu.memory_space<semaphore_mem>>)
    %dma_start3A_54 = arith.constant 2 : i32
    %dma_start3A_55 = arith.constant 0 : i32
    %dma_start3A_56 = tpu.memref_slice %arg5[%dma_start3A_54, %dma_start3A_55] : memref<80x125xi32, #tpu.memory_space<vmem>> -> memref<1x125xi32, #tpu.memory_space<vmem>>
    %dma_start3A_57 = tpu.memref_squeeze %dma_start3A_56 : memref<1x125xi32, #tpu.memory_space<vmem>> -> memref<125xi32, #tpu.memory_space<vmem>>
    %dma_start3A_58 = arith.constant 0 : i32
    %dma_start3A_59 = arith.constant 0 : i32
    %dma_start3A_60 = tpu.memref_slice %arg2[%dma_start3A_58, %dma_start3A_59] : memref<10240x32xf32, #tpu.memory_space<hbm>> -> memref<10240x32xf32, #tpu.memory_space<hbm>>
    tpu.enqueue_indirect_dma source(%dma_start3A_60 : memref<10240x32xf32, #tpu.memory_space<hbm>>) target(%arg9 : memref<125x32xf32, #tpu.memory_space<vmem>>) offsets(%dma_start3A_57 : memref<125xi32, #tpu.memory_space<vmem>>) semaphore(%arg19 : memref<!tpu.dma_semaphore, #tpu.memory_space<semaphore_mem>>)
    %dma_start3A_61 = arith.constant 3 : i32
    %dma_start3A_62 = arith.constant 0 : i32
    %dma_start3A_63 = tpu.memref_slice %arg5[%dma_start3A_61, %dma_start3A_62] : memref<80x125xi32, #tpu.memory_space<vmem>> -> memref<1x125xi32, #tpu.memory_space<vmem>>
    %dma_start3A_64 = tpu.memref_squeeze %dma_start3A_63 : memref<1x125xi32, #tpu.memory_space<vmem>> -> memref<125xi32, #tpu.memory_space<vmem>>
    %dma_start3A_65 = arith.constant 0 : i32
    %dma_start3A_66 = arith.constant 0 : i32
    %dma_start3A_67 = tpu.memref_slice %arg2[%dma_start3A_65, %dma_start3A_66] : memref<10240x32xf32, #tpu.memory_space<hbm>> -> memref<10240x32xf32, #tpu.memory_space<hbm>>
    tpu.enqueue_indirect_dma source(%dma_start3A_67 : memref<10240x32xf32, #tpu.memory_space<hbm>>) target(%arg10 : memref<125x32xf32, #tpu.memory_space<vmem>>) offsets(%dma_start3A_64 : memref<125xi32, #tpu.memory_space<vmem>>) semaphore(%arg20 : memref<!tpu.dma_semaphore, #tpu.memory_space<semaphore_mem>>)
    %dma_start3A_68 = arith.constant 4 : i32
    %dma_start3A_69 = arith.constant 0 : i32
    %dma_start3A_70 = tpu.memref_slice %arg5[%dma_start3A_68, %dma_start3A_69] : memref<80x125xi32, #tpu.memory_space<vmem>> -> memref<1x125xi32, #tpu.memory_space<vmem>>
    %dma_start3A_71 = tpu.memref_squeeze %dma_start3A_70 : memref<1x125xi32, #tpu.memory_space<vmem>> -> memref<125xi32, #tpu.memory_space<vmem>>
    %dma_start3A_72 = arith.constant 0 : i32
    %dma_start3A_73 = arith.constant 0 : i32
    %dma_start3A_74 = tpu.memref_slice %arg2[%dma_start3A_72, %dma_start3A_73] : memref<10240x32xf32, #tpu.memory_space<hbm>> -> memref<10240x32xf32, #tpu.memory_space<hbm>>
    tpu.enqueue_indirect_dma source(%dma_start3A_74 : memref<10240x32xf32, #tpu.memory_space<hbm>>) target(%arg11 : memref<125x32xf32, #tpu.memory_space<vmem>>) offsets(%dma_start3A_71 : memref<125xi32, #tpu.memory_space<vmem>>) semaphore(%arg21 : memref<!tpu.dma_semaphore, #tpu.memory_space<semaphore_mem>>)
    %dma_start3A_75 = arith.constant 5 : i32
    %dma_start3A_76 = arith.constant 0 : i32
    %dma_start3A_77 = tpu.memref_slice %arg5[%dma_start3A_75, %dma_start3A_76] : memref<80x125xi32, #tpu.memory_space<vmem>> -> memref<1x125xi32, #tpu.memory_space<vmem>>
    %dma_start3A_78 = tpu.memref_squeeze %dma_start3A_77 : memref<1x125xi32, #tpu.memory_space<vmem>> -> memref<125xi32, #tpu.memory_space<vmem>>
    %dma_start3A_79 = arith.constant 0 : i32
    %dma_start3A_80 = arith.constant 0 : i32
    %dma_start3A_81 = tpu.memref_slice %arg2[%dma_start3A_79, %dma_start3A_80] : memref<10240x32xf32, #tpu.memory_space<hbm>> -> memref<10240x32xf32, #tpu.memory_space<hbm>>
    tpu.enqueue_indirect_dma source(%dma_start3A_81 : memref<10240x32xf32, #tpu.memory_space<hbm>>) target(%arg12 : memref<125x32xf32, #tpu.memory_space<vmem>>) offsets(%dma_start3A_78 : memref<125xi32, #tpu.memory_space<vmem>>) semaphore(%arg22 : memref<!tpu.dma_semaphore, #tpu.memory_space<semaphore_mem>>)
    %dma_start3A_82 = arith.constant 6 : i32
    %dma_start3A_83 = arith.constant 0 : i32
    %dma_start3A_84 = tpu.memref_slice %arg5[%dma_start3A_82, %dma_start3A_83] : memref<80x125xi32, #tpu.memory_space<vmem>> -> memref<1x125xi32, #tpu.memory_space<vmem>>
    %dma_start3A_85 = tpu.memref_squeeze %dma_start3A_84 : memref<1x125xi32, #tpu.memory_space<vmem>> -> memref<125xi32, #tpu.memory_space<vmem>>
    %dma_start3A_86 = arith.constant 0 : i32
    %dma_start3A_87 = arith.constant 0 : i32
    %dma_start3A_88 = tpu.memref_slice %arg2[%dma_start3A_86, %dma_start3A_87] : memref<10240x32xf32, #tpu.memory_space<hbm>> -> memref<10240x32xf32, #tpu.memory_space<hbm>>
    tpu.enqueue_indirect_dma source(%dma_start3A_88 : memref<10240x32xf32, #tpu.memory_space<hbm>>) target(%arg13 : memref<125x32xf32, #tpu.memory_space<vmem>>) offsets(%dma_start3A_85 : memref<125xi32, #tpu.memory_space<vmem>>) semaphore(%arg23 : memref<!tpu.dma_semaphore, #tpu.memory_space<semaphore_mem>>)
    %barrier3A = arith.constant 0 : index
    tpu.barrier barrier_id(%barrier3A)
    %scan3A_89 = arith.constant 0 : i32
    %scan3A_90 = arith.constant 10 : i32
    %scan3A_91 = arith.addi %scan3A_89, %scan3A_90 : i32
    %scan3A_92 = arith.constant 1 : i32
    scf.for %scan3A_106 = %scan3A_89 to %scan3A_91 step %scan3A_92  : i32 {
      %mul3A_107 = arith.constant 8 : i32
      %mul3A_108 = arith.muli %scan3A_106, %mul3A_107 : i32
      %add3A_109 = arith.constant 0 : i32
      %add3A_110 = arith.addi %add3A_109, %mul3A_108 : i32
      %add3A_111 = arith.constant 0 : i32
      %add3A_112 = arith.addi %add3A_110, %add3A_111 : i32
      %dma_wait3A_113 = arith.constant 0 : i32
      %dma_wait3A_114 = tpu.memref_slice %arg5[%add3A_112, %dma_wait3A_113] : memref<80x125xi32, #tpu.memory_space<vmem>> -> memref<1x125xi32, #tpu.memory_space<vmem>>
      %dma_wait3A_115 = tpu.memref_squeeze %dma_wait3A_114 : memref<1x125xi32, #tpu.memory_space<vmem>> -> memref<125xi32, #tpu.memory_space<vmem>>
      %dma_wait3A_116 = arith.constant 0 : i32
      %dma_wait3A_117 = arith.constant 0 : i32
      %dma_wait3A_118 = tpu.memref_slice %arg2[%dma_wait3A_116, %dma_wait3A_117] : memref<10240x32xf32, #tpu.memory_space<hbm>> -> memref<10240x32xf32, #tpu.memory_space<hbm>>
      tpu.wait_indirect_dma semaphore(%arg17 : memref<!tpu.dma_semaphore, #tpu.memory_space<semaphore_mem>>) src(%dma_wait3A_118 : memref<10240x32xf32, #tpu.memory_space<hbm>>) dst(%arg7 : memref<125x32xf32, #tpu.memory_space<vmem>>)
      %dma_start3A_119 = arith.constant 0 : i32
      %dma_start3A_120 = tpu.memref_slice %arg6[%add3A_112, %dma_start3A_119] : memref<80x125xi32, #tpu.memory_space<vmem>> -> memref<1x125xi32, #tpu.memory_space<vmem>>
      %dma_start3A_121 = tpu.memref_squeeze %dma_start3A_120 : memref<1x125xi32, #tpu.memory_space<vmem>> -> memref<125xi32, #tpu.memory_space<vmem>>
      %dma_start3A_122 = arith.constant 0 : i32
      %dma_start3A_123 = arith.constant 0 : i32
      %dma_start3A_124 = tpu.memref_slice %arg16[%dma_start3A_122, %dma_start3A_123] : memref<10240x32xf32, #tpu.memory_space<vmem_shared>> -> memref<10240x32xf32, #tpu.memory_space<vmem_shared>>
      tpu.enqueue_indirect_dma source(%arg7 : memref<125x32xf32, #tpu.memory_space<vmem>>) target(%dma_start3A_124 : memref<10240x32xf32, #tpu.memory_space<vmem_shared>>) offsets(%dma_start3A_121 : memref<125xi32, #tpu.memory_space<vmem>>) semaphore(%arg25 : memref<!tpu.dma_semaphore, #tpu.memory_space<semaphore_mem>>) {add = true}
      %ge3A = arith.constant 1 : i32
      %ge3A_125 = arith.cmpi sge, %add3A_112, %ge3A : i32
      %convert_element_type3A = arith.extui %ge3A_125 : i1 to i32
      %cond3A = arith.constant 0 : i32
      %cond3A_126 = arith.cmpi ne, %convert_element_type3A, %cond3A : i32
      scf.if %cond3A_126 {
        %sub3A_330 = arith.constant 1 : i32
        %sub3A_331 = arith.subi %add3A_112, %sub3A_330 : i32
        %dma_wait3A_332 = arith.constant 0 : i32
        %dma_wait3A_333 = tpu.memref_slice %arg6[%sub3A_331, %dma_wait3A_332] : memref<80x125xi32, #tpu.memory_space<vmem>> -> memref<1x125xi32, #tpu.memory_space<vmem>>
        %dma_wait3A_334 = tpu.memref_squeeze %dma_wait3A_333 : memref<1x125xi32, #tpu.memory_space<vmem>> -> memref<125xi32, #tpu.memory_space<vmem>>
        %dma_wait3A_335 = arith.constant 0 : i32
        %dma_wait3A_336 = arith.constant 0 : i32
        %dma_wait3A_337 = tpu.memref_slice %arg16[%dma_wait3A_335, %dma_wait3A_336] : memref<10240x32xf32, #tpu.memory_space<vmem_shared>> -> memref<10240x32xf32, #tpu.memory_space<vmem_shared>>
        tpu.wait_indirect_dma semaphore(%arg32 : memref<!tpu.dma_semaphore, #tpu.memory_space<semaphore_mem>>) src(%arg14 : memref<125x32xf32, #tpu.memory_space<vmem>>) dst(%dma_wait3A_337 : memref<10240x32xf32, #tpu.memory_space<vmem_shared>>)
      } else {
      }
      %add3A_127 = arith.constant 8 : i32
      %add3A_128 = arith.addi %add3A_112, %add3A_127 : i32
      %sub3A = arith.constant 1 : i32
      %sub3A_129 = arith.subi %add3A_128, %sub3A : i32
      %lt3A = arith.constant 80 : i32
      %lt3A_130 = arith.cmpi slt, %sub3A_129, %lt3A : i32
      %convert_element_type3A_131 = arith.extui %lt3A_130 : i1 to i32
      %cond3A_132 = arith.constant 0 : i32
      %cond3A_133 = arith.cmpi ne, %convert_element_type3A_131, %cond3A_132 : i32
      scf.if %cond3A_133 {
        %add3A_330 = arith.constant 8 : i32
        %add3A_331 = arith.addi %add3A_112, %add3A_330 : i32
        %sub3A_332 = arith.constant 1 : i32
        %sub3A_333 = arith.subi %add3A_331, %sub3A_332 : i32
        %dma_start3A_334 = arith.constant 0 : i32
        %dma_start3A_335 = tpu.memref_slice %arg5[%sub3A_333, %dma_start3A_334] : memref<80x125xi32, #tpu.memory_space<vmem>> -> memref<1x125xi32, #tpu.memory_space<vmem>>
        %dma_start3A_336 = tpu.memref_squeeze %dma_start3A_335 : memref<1x125xi32, #tpu.memory_space<vmem>> -> memref<125xi32, #tpu.memory_space<vmem>>
        %dma_start3A_337 = arith.constant 0 : i32
        %dma_start3A_338 = arith.constant 0 : i32
        %dma_start3A_339 = tpu.memref_slice %arg2[%dma_start3A_337, %dma_start3A_338] : memref<10240x32xf32, #tpu.memory_space<hbm>> -> memref<10240x32xf32, #tpu.memory_space<hbm>>
        tpu.enqueue_indirect_dma source(%dma_start3A_339 : memref<10240x32xf32, #tpu.memory_space<hbm>>) target(%arg14 : memref<125x32xf32, #tpu.memory_space<vmem>>) offsets(%dma_start3A_336 : memref<125xi32, #tpu.memory_space<vmem>>) semaphore(%arg24 : memref<!tpu.dma_semaphore, #tpu.memory_space<semaphore_mem>>)
      } else {
      }
      %add3A_134 = arith.constant 1 : i32
      %add3A_135 = arith.addi %add3A_110, %add3A_134 : i32
      %dma_wait3A_136 = arith.constant 0 : i32
      %dma_wait3A_137 = tpu.memref_slice %arg5[%add3A_135, %dma_wait3A_136] : memref<80x125xi32, #tpu.memory_space<vmem>> -> memref<1x125xi32, #tpu.memory_space<vmem>>
      %dma_wait3A_138 = tpu.memref_squeeze %dma_wait3A_137 : memref<1x125xi32, #tpu.memory_space<vmem>> -> memref<125xi32, #tpu.memory_space<vmem>>
      %dma_wait3A_139 = arith.constant 0 : i32
      %dma_wait3A_140 = arith.constant 0 : i32
      %dma_wait3A_141 = tpu.memref_slice %arg2[%dma_wait3A_139, %dma_wait3A_140] : memref<10240x32xf32, #tpu.memory_space<hbm>> -> memref<10240x32xf32, #tpu.memory_space<hbm>>
      tpu.wait_indirect_dma semaphore(%arg18 : memref<!tpu.dma_semaphore, #tpu.memory_space<semaphore_mem>>) src(%dma_wait3A_141 : memref<10240x32xf32, #tpu.memory_space<hbm>>) dst(%arg8 : memref<125x32xf32, #tpu.memory_space<vmem>>)
      %dma_start3A_142 = arith.constant 0 : i32
      %dma_start3A_143 = tpu.memref_slice %arg6[%add3A_135, %dma_start3A_142] : memref<80x125xi32, #tpu.memory_space<vmem>> -> memref<1x125xi32, #tpu.memory_space<vmem>>
      %dma_start3A_144 = tpu.memref_squeeze %dma_start3A_143 : memref<1x125xi32, #tpu.memory_space<vmem>> -> memref<125xi32, #tpu.memory_space<vmem>>
      %dma_start3A_145 = arith.constant 0 : i32
      %dma_start3A_146 = arith.constant 0 : i32
      %dma_start3A_147 = tpu.memref_slice %arg16[%dma_start3A_145, %dma_start3A_146] : memref<10240x32xf32, #tpu.memory_space<vmem_shared>> -> memref<10240x32xf32, #tpu.memory_space<vmem_shared>>
      tpu.enqueue_indirect_dma source(%arg8 : memref<125x32xf32, #tpu.memory_space<vmem>>) target(%dma_start3A_147 : memref<10240x32xf32, #tpu.memory_space<vmem_shared>>) offsets(%dma_start3A_144 : memref<125xi32, #tpu.memory_space<vmem>>) semaphore(%arg26 : memref<!tpu.dma_semaphore, #tpu.memory_space<semaphore_mem>>) {add = true}
      %ge3A_148 = arith.constant 1 : i32
      %ge3A_149 = arith.cmpi sge, %add3A_135, %ge3A_148 : i32
      %convert_element_type3A_150 = arith.extui %ge3A_149 : i1 to i32
      %cond3A_151 = arith.constant 0 : i32
      %cond3A_152 = arith.cmpi ne, %convert_element_type3A_150, %cond3A_151 : i32
      scf.if %cond3A_152 {
        %sub3A_330 = arith.constant 1 : i32
        %sub3A_331 = arith.subi %add3A_135, %sub3A_330 : i32
        %dma_wait3A_332 = arith.constant 0 : i32
        %dma_wait3A_333 = tpu.memref_slice %arg6[%sub3A_331, %dma_wait3A_332] : memref<80x125xi32, #tpu.memory_space<vmem>> -> memref<1x125xi32, #tpu.memory_space<vmem>>
        %dma_wait3A_334 = tpu.memref_squeeze %dma_wait3A_333 : memref<1x125xi32, #tpu.memory_space<vmem>> -> memref<125xi32, #tpu.memory_space<vmem>>
        %dma_wait3A_335 = arith.constant 0 : i32
        %dma_wait3A_336 = arith.constant 0 : i32
        %dma_wait3A_337 = tpu.memref_slice %arg16[%dma_wait3A_335, %dma_wait3A_336] : memref<10240x32xf32, #tpu.memory_space<vmem_shared>> -> memref<10240x32xf32, #tpu.memory_space<vmem_shared>>
        tpu.wait_indirect_dma semaphore(%arg25 : memref<!tpu.dma_semaphore, #tpu.memory_space<semaphore_mem>>) src(%arg7 : memref<125x32xf32, #tpu.memory_space<vmem>>) dst(%dma_wait3A_337 : memref<10240x32xf32, #tpu.memory_space<vmem_shared>>)
      } else {
      }
      %add3A_153 = arith.constant 8 : i32
      %add3A_154 = arith.addi %add3A_135, %add3A_153 : i32
      %sub3A_155 = arith.constant 1 : i32
      %sub3A_156 = arith.subi %add3A_154, %sub3A_155 : i32
      %lt3A_157 = arith.constant 80 : i32
      %lt3A_158 = arith.cmpi slt, %sub3A_156, %lt3A_157 : i32
      %convert_element_type3A_159 = arith.extui %lt3A_158 : i1 to i32
      %cond3A_160 = arith.constant 0 : i32
      %cond3A_161 = arith.cmpi ne, %convert_element_type3A_159, %cond3A_160 : i32
      scf.if %cond3A_161 {
        %add3A_330 = arith.constant 8 : i32
        %add3A_331 = arith.addi %add3A_135, %add3A_330 : i32
        %sub3A_332 = arith.constant 1 : i32
        %sub3A_333 = arith.subi %add3A_331, %sub3A_332 : i32
        %dma_start3A_334 = arith.constant 0 : i32
        %dma_start3A_335 = tpu.memref_slice %arg5[%sub3A_333, %dma_start3A_334] : memref<80x125xi32, #tpu.memory_space<vmem>> -> memref<1x125xi32, #tpu.memory_space<vmem>>
        %dma_start3A_336 = tpu.memref_squeeze %dma_start3A_335 : memref<1x125xi32, #tpu.memory_space<vmem>> -> memref<125xi32, #tpu.memory_space<vmem>>
        %dma_start3A_337 = arith.constant 0 : i32
        %dma_start3A_338 = arith.constant 0 : i32
        %dma_start3A_339 = tpu.memref_slice %arg2[%dma_start3A_337, %dma_start3A_338] : memref<10240x32xf32, #tpu.memory_space<hbm>> -> memref<10240x32xf32, #tpu.memory_space<hbm>>
        tpu.enqueue_indirect_dma source(%dma_start3A_339 : memref<10240x32xf32, #tpu.memory_space<hbm>>) target(%arg7 : memref<125x32xf32, #tpu.memory_space<vmem>>) offsets(%dma_start3A_336 : memref<125xi32, #tpu.memory_space<vmem>>) semaphore(%arg17 : memref<!tpu.dma_semaphore, #tpu.memory_space<semaphore_mem>>)
      } else {
      }
      %add3A_162 = arith.constant 2 : i32
      %add3A_163 = arith.addi %add3A_110, %add3A_162 : i32
      %dma_wait3A_164 = arith.constant 0 : i32
      %dma_wait3A_165 = tpu.memref_slice %arg5[%add3A_163, %dma_wait3A_164] : memref<80x125xi32, #tpu.memory_space<vmem>> -> memref<1x125xi32, #tpu.memory_space<vmem>>
      %dma_wait3A_166 = tpu.memref_squeeze %dma_wait3A_165 : memref<1x125xi32, #tpu.memory_space<vmem>> -> memref<125xi32, #tpu.memory_space<vmem>>
      %dma_wait3A_167 = arith.constant 0 : i32
      %dma_wait3A_168 = arith.constant 0 : i32
      %dma_wait3A_169 = tpu.memref_slice %arg2[%dma_wait3A_167, %dma_wait3A_168] : memref<10240x32xf32, #tpu.memory_space<hbm>> -> memref<10240x32xf32, #tpu.memory_space<hbm>>
      tpu.wait_indirect_dma semaphore(%arg19 : memref<!tpu.dma_semaphore, #tpu.memory_space<semaphore_mem>>) src(%dma_wait3A_169 : memref<10240x32xf32, #tpu.memory_space<hbm>>) dst(%arg9 : memref<125x32xf32, #tpu.memory_space<vmem>>)
      %dma_start3A_170 = arith.constant 0 : i32
      %dma_start3A_171 = tpu.memref_slice %arg6[%add3A_163, %dma_start3A_170] : memref<80x125xi32, #tpu.memory_space<vmem>> -> memref<1x125xi32, #tpu.memory_space<vmem>>
      %dma_start3A_172 = tpu.memref_squeeze %dma_start3A_171 : memref<1x125xi32, #tpu.memory_space<vmem>> -> memref<125xi32, #tpu.memory_space<vmem>>
      %dma_start3A_173 = arith.constant 0 : i32
      %dma_start3A_174 = arith.constant 0 : i32
      %dma_start3A_175 = tpu.memref_slice %arg16[%dma_start3A_173, %dma_start3A_174] : memref<10240x32xf32, #tpu.memory_space<vmem_shared>> -> memref<10240x32xf32, #tpu.memory_space<vmem_shared>>
      tpu.enqueue_indirect_dma source(%arg9 : memref<125x32xf32, #tpu.memory_space<vmem>>) target(%dma_start3A_175 : memref<10240x32xf32, #tpu.memory_space<vmem_shared>>) offsets(%dma_start3A_172 : memref<125xi32, #tpu.memory_space<vmem>>) semaphore(%arg27 : memref<!tpu.dma_semaphore, #tpu.memory_space<semaphore_mem>>) {add = true}
      %ge3A_176 = arith.constant 1 : i32
      %ge3A_177 = arith.cmpi sge, %add3A_163, %ge3A_176 : i32
      %convert_element_type3A_178 = arith.extui %ge3A_177 : i1 to i32
      %cond3A_179 = arith.constant 0 : i32
      %cond3A_180 = arith.cmpi ne, %convert_element_type3A_178, %cond3A_179 : i32
      scf.if %cond3A_180 {
        %sub3A_330 = arith.constant 1 : i32
        %sub3A_331 = arith.subi %add3A_163, %sub3A_330 : i32
        %dma_wait3A_332 = arith.constant 0 : i32
        %dma_wait3A_333 = tpu.memref_slice %arg6[%sub3A_331, %dma_wait3A_332] : memref<80x125xi32, #tpu.memory_space<vmem>> -> memref<1x125xi32, #tpu.memory_space<vmem>>
        %dma_wait3A_334 = tpu.memref_squeeze %dma_wait3A_333 : memref<1x125xi32, #tpu.memory_space<vmem>> -> memref<125xi32, #tpu.memory_space<vmem>>
        %dma_wait3A_335 = arith.constant 0 : i32
        %dma_wait3A_336 = arith.constant 0 : i32
        %dma_wait3A_337 = tpu.memref_slice %arg16[%dma_wait3A_335, %dma_wait3A_336] : memref<10240x32xf32, #tpu.memory_space<vmem_shared>> -> memref<10240x32xf32, #tpu.memory_space<vmem_shared>>
        tpu.wait_indirect_dma semaphore(%arg26 : memref<!tpu.dma_semaphore, #tpu.memory_space<semaphore_mem>>) src(%arg8 : memref<125x32xf32, #tpu.memory_space<vmem>>) dst(%dma_wait3A_337 : memref<10240x32xf32, #tpu.memory_space<vmem_shared>>)
      } else {
      }
      %add3A_181 = arith.constant 8 : i32
      %add3A_182 = arith.addi %add3A_163, %add3A_181 : i32
      %sub3A_183 = arith.constant 1 : i32
      %sub3A_184 = arith.subi %add3A_182, %sub3A_183 : i32
      %lt3A_185 = arith.constant 80 : i32
      %lt3A_186 = arith.cmpi slt, %sub3A_184, %lt3A_185 : i32
      %convert_element_type3A_187 = arith.extui %lt3A_186 : i1 to i32
      %cond3A_188 = arith.constant 0 : i32
      %cond3A_189 = arith.cmpi ne, %convert_element_type3A_187, %cond3A_188 : i32
      scf.if %cond3A_189 {
        %add3A_330 = arith.constant 8 : i32
        %add3A_331 = arith.addi %add3A_163, %add3A_330 : i32
        %sub3A_332 = arith.constant 1 : i32
        %sub3A_333 = arith.subi %add3A_331, %sub3A_332 : i32
        %dma_start3A_334 = arith.constant 0 : i32
        %dma_start3A_335 = tpu.memref_slice %arg5[%sub3A_333, %dma_start3A_334] : memref<80x125xi32, #tpu.memory_space<vmem>> -> memref<1x125xi32, #tpu.memory_space<vmem>>
        %dma_start3A_336 = tpu.memref_squeeze %dma_start3A_335 : memref<1x125xi32, #tpu.memory_space<vmem>> -> memref<125xi32, #tpu.memory_space<vmem>>
        %dma_start3A_337 = arith.constant 0 : i32
        %dma_start3A_338 = arith.constant 0 : i32
        %dma_start3A_339 = tpu.memref_slice %arg2[%dma_start3A_337, %dma_start3A_338] : memref<10240x32xf32, #tpu.memory_space<hbm>> -> memref<10240x32xf32, #tpu.memory_space<hbm>>
        tpu.enqueue_indirect_dma source(%dma_start3A_339 : memref<10240x32xf32, #tpu.memory_space<hbm>>) target(%arg8 : memref<125x32xf32, #tpu.memory_space<vmem>>) offsets(%dma_start3A_336 : memref<125xi32, #tpu.memory_space<vmem>>) semaphore(%arg18 : memref<!tpu.dma_semaphore, #tpu.memory_space<semaphore_mem>>)
      } else {
      }
      %add3A_190 = arith.constant 3 : i32
      %add3A_191 = arith.addi %add3A_110, %add3A_190 : i32
      %dma_wait3A_192 = arith.constant 0 : i32
      %dma_wait3A_193 = tpu.memref_slice %arg5[%add3A_191, %dma_wait3A_192] : memref<80x125xi32, #tpu.memory_space<vmem>> -> memref<1x125xi32, #tpu.memory_space<vmem>>
      %dma_wait3A_194 = tpu.memref_squeeze %dma_wait3A_193 : memref<1x125xi32, #tpu.memory_space<vmem>> -> memref<125xi32, #tpu.memory_space<vmem>>
      %dma_wait3A_195 = arith.constant 0 : i32
      %dma_wait3A_196 = arith.constant 0 : i32
      %dma_wait3A_197 = tpu.memref_slice %arg2[%dma_wait3A_195, %dma_wait3A_196] : memref<10240x32xf32, #tpu.memory_space<hbm>> -> memref<10240x32xf32, #tpu.memory_space<hbm>>
      tpu.wait_indirect_dma semaphore(%arg20 : memref<!tpu.dma_semaphore, #tpu.memory_space<semaphore_mem>>) src(%dma_wait3A_197 : memref<10240x32xf32, #tpu.memory_space<hbm>>) dst(%arg10 : memref<125x32xf32, #tpu.memory_space<vmem>>)
      %dma_start3A_198 = arith.constant 0 : i32
      %dma_start3A_199 = tpu.memref_slice %arg6[%add3A_191, %dma_start3A_198] : memref<80x125xi32, #tpu.memory_space<vmem>> -> memref<1x125xi32, #tpu.memory_space<vmem>>
      %dma_start3A_200 = tpu.memref_squeeze %dma_start3A_199 : memref<1x125xi32, #tpu.memory_space<vmem>> -> memref<125xi32, #tpu.memory_space<vmem>>
      %dma_start3A_201 = arith.constant 0 : i32
      %dma_start3A_202 = arith.constant 0 : i32
      %dma_start3A_203 = tpu.memref_slice %arg16[%dma_start3A_201, %dma_start3A_202] : memref<10240x32xf32, #tpu.memory_space<vmem_shared>> -> memref<10240x32xf32, #tpu.memory_space<vmem_shared>>
      tpu.enqueue_indirect_dma source(%arg10 : memref<125x32xf32, #tpu.memory_space<vmem>>) target(%dma_start3A_203 : memref<10240x32xf32, #tpu.memory_space<vmem_shared>>) offsets(%dma_start3A_200 : memref<125xi32, #tpu.memory_space<vmem>>) semaphore(%arg28 : memref<!tpu.dma_semaphore, #tpu.memory_space<semaphore_mem>>) {add = true}
      %ge3A_204 = arith.constant 1 : i32
      %ge3A_205 = arith.cmpi sge, %add3A_191, %ge3A_204 : i32
      %convert_element_type3A_206 = arith.extui %ge3A_205 : i1 to i32
      %cond3A_207 = arith.constant 0 : i32
      %cond3A_208 = arith.cmpi ne, %convert_element_type3A_206, %cond3A_207 : i32
      scf.if %cond3A_208 {
        %sub3A_330 = arith.constant 1 : i32
        %sub3A_331 = arith.subi %add3A_191, %sub3A_330 : i32
        %dma_wait3A_332 = arith.constant 0 : i32
        %dma_wait3A_333 = tpu.memref_slice %arg6[%sub3A_331, %dma_wait3A_332] : memref<80x125xi32, #tpu.memory_space<vmem>> -> memref<1x125xi32, #tpu.memory_space<vmem>>
        %dma_wait3A_334 = tpu.memref_squeeze %dma_wait3A_333 : memref<1x125xi32, #tpu.memory_space<vmem>> -> memref<125xi32, #tpu.memory_space<vmem>>
        %dma_wait3A_335 = arith.constant 0 : i32
        %dma_wait3A_336 = arith.constant 0 : i32
        %dma_wait3A_337 = tpu.memref_slice %arg16[%dma_wait3A_335, %dma_wait3A_336] : memref<10240x32xf32, #tpu.memory_space<vmem_shared>> -> memref<10240x32xf32, #tpu.memory_space<vmem_shared>>
        tpu.wait_indirect_dma semaphore(%arg27 : memref<!tpu.dma_semaphore, #tpu.memory_space<semaphore_mem>>) src(%arg9 : memref<125x32xf32, #tpu.memory_space<vmem>>) dst(%dma_wait3A_337 : memref<10240x32xf32, #tpu.memory_space<vmem_shared>>)
      } else {
      }
      %add3A_209 = arith.constant 8 : i32
      %add3A_210 = arith.addi %add3A_191, %add3A_209 : i32
      %sub3A_211 = arith.constant 1 : i32
      %sub3A_212 = arith.subi %add3A_210, %sub3A_211 : i32
      %lt3A_213 = arith.constant 80 : i32
      %lt3A_214 = arith.cmpi slt, %sub3A_212, %lt3A_213 : i32
      %convert_element_type3A_215 = arith.extui %lt3A_214 : i1 to i32
      %cond3A_216 = arith.constant 0 : i32
      %cond3A_217 = arith.cmpi ne, %convert_element_type3A_215, %cond3A_216 : i32
      scf.if %cond3A_217 {
        %add3A_330 = arith.constant 8 : i32
        %add3A_331 = arith.addi %add3A_191, %add3A_330 : i32
        %sub3A_332 = arith.constant 1 : i32
        %sub3A_333 = arith.subi %add3A_331, %sub3A_332 : i32
        %dma_start3A_334 = arith.constant 0 : i32
        %dma_start3A_335 = tpu.memref_slice %arg5[%sub3A_333, %dma_start3A_334] : memref<80x125xi32, #tpu.memory_space<vmem>> -> memref<1x125xi32, #tpu.memory_space<vmem>>
        %dma_start3A_336 = tpu.memref_squeeze %dma_start3A_335 : memref<1x125xi32, #tpu.memory_space<vmem>> -> memref<125xi32, #tpu.memory_space<vmem>>
        %dma_start3A_337 = arith.constant 0 : i32
        %dma_start3A_338 = arith.constant 0 : i32
        %dma_start3A_339 = tpu.memref_slice %arg2[%dma_start3A_337, %dma_start3A_338] : memref<10240x32xf32, #tpu.memory_space<hbm>> -> memref<10240x32xf32, #tpu.memory_space<hbm>>
        tpu.enqueue_indirect_dma source(%dma_start3A_339 : memref<10240x32xf32, #tpu.memory_space<hbm>>) target(%arg9 : memref<125x32xf32, #tpu.memory_space<vmem>>) offsets(%dma_start3A_336 : memref<125xi32, #tpu.memory_space<vmem>>) semaphore(%arg19 : memref<!tpu.dma_semaphore, #tpu.memory_space<semaphore_mem>>)
      } else {
      }
      %add3A_218 = arith.constant 4 : i32
      %add3A_219 = arith.addi %add3A_110, %add3A_218 : i32
      %dma_wait3A_220 = arith.constant 0 : i32
      %dma_wait3A_221 = tpu.memref_slice %arg5[%add3A_219, %dma_wait3A_220] : memref<80x125xi32, #tpu.memory_space<vmem>> -> memref<1x125xi32, #tpu.memory_space<vmem>>
      %dma_wait3A_222 = tpu.memref_squeeze %dma_wait3A_221 : memref<1x125xi32, #tpu.memory_space<vmem>> -> memref<125xi32, #tpu.memory_space<vmem>>
      %dma_wait3A_223 = arith.constant 0 : i32
      %dma_wait3A_224 = arith.constant 0 : i32
      %dma_wait3A_225 = tpu.memref_slice %arg2[%dma_wait3A_223, %dma_wait3A_224] : memref<10240x32xf32, #tpu.memory_space<hbm>> -> memref<10240x32xf32, #tpu.memory_space<hbm>>
      tpu.wait_indirect_dma semaphore(%arg21 : memref<!tpu.dma_semaphore, #tpu.memory_space<semaphore_mem>>) src(%dma_wait3A_225 : memref<10240x32xf32, #tpu.memory_space<hbm>>) dst(%arg11 : memref<125x32xf32, #tpu.memory_space<vmem>>)
      %dma_start3A_226 = arith.constant 0 : i32
      %dma_start3A_227 = tpu.memref_slice %arg6[%add3A_219, %dma_start3A_226] : memref<80x125xi32, #tpu.memory_space<vmem>> -> memref<1x125xi32, #tpu.memory_space<vmem>>
      %dma_start3A_228 = tpu.memref_squeeze %dma_start3A_227 : memref<1x125xi32, #tpu.memory_space<vmem>> -> memref<125xi32, #tpu.memory_space<vmem>>
      %dma_start3A_229 = arith.constant 0 : i32
      %dma_start3A_230 = arith.constant 0 : i32
      %dma_start3A_231 = tpu.memref_slice %arg16[%dma_start3A_229, %dma_start3A_230] : memref<10240x32xf32, #tpu.memory_space<vmem_shared>> -> memref<10240x32xf32, #tpu.memory_space<vmem_shared>>
      tpu.enqueue_indirect_dma source(%arg11 : memref<125x32xf32, #tpu.memory_space<vmem>>) target(%dma_start3A_231 : memref<10240x32xf32, #tpu.memory_space<vmem_shared>>) offsets(%dma_start3A_228 : memref<125xi32, #tpu.memory_space<vmem>>) semaphore(%arg29 : memref<!tpu.dma_semaphore, #tpu.memory_space<semaphore_mem>>) {add = true}
      %ge3A_232 = arith.constant 1 : i32
      %ge3A_233 = arith.cmpi sge, %add3A_219, %ge3A_232 : i32
      %convert_element_type3A_234 = arith.extui %ge3A_233 : i1 to i32
      %cond3A_235 = arith.constant 0 : i32
      %cond3A_236 = arith.cmpi ne, %convert_element_type3A_234, %cond3A_235 : i32
      scf.if %cond3A_236 {
        %sub3A_330 = arith.constant 1 : i32
        %sub3A_331 = arith.subi %add3A_219, %sub3A_330 : i32
        %dma_wait3A_332 = arith.constant 0 : i32
        %dma_wait3A_333 = tpu.memref_slice %arg6[%sub3A_331, %dma_wait3A_332] : memref<80x125xi32, #tpu.memory_space<vmem>> -> memref<1x125xi32, #tpu.memory_space<vmem>>
        %dma_wait3A_334 = tpu.memref_squeeze %dma_wait3A_333 : memref<1x125xi32, #tpu.memory_space<vmem>> -> memref<125xi32, #tpu.memory_space<vmem>>
        %dma_wait3A_335 = arith.constant 0 : i32
        %dma_wait3A_336 = arith.constant 0 : i32
        %dma_wait3A_337 = tpu.memref_slice %arg16[%dma_wait3A_335, %dma_wait3A_336] : memref<10240x32xf32, #tpu.memory_space<vmem_shared>> -> memref<10240x32xf32, #tpu.memory_space<vmem_shared>>
        tpu.wait_indirect_dma semaphore(%arg28 : memref<!tpu.dma_semaphore, #tpu.memory_space<semaphore_mem>>) src(%arg10 : memref<125x32xf32, #tpu.memory_space<vmem>>) dst(%dma_wait3A_337 : memref<10240x32xf32, #tpu.memory_space<vmem_shared>>)
      } else {
      }
      %add3A_237 = arith.constant 8 : i32
      %add3A_238 = arith.addi %add3A_219, %add3A_237 : i32
      %sub3A_239 = arith.constant 1 : i32
      %sub3A_240 = arith.subi %add3A_238, %sub3A_239 : i32
      %lt3A_241 = arith.constant 80 : i32
      %lt3A_242 = arith.cmpi slt, %sub3A_240, %lt3A_241 : i32
      %convert_element_type3A_243 = arith.extui %lt3A_242 : i1 to i32
      %cond3A_244 = arith.constant 0 : i32
      %cond3A_245 = arith.cmpi ne, %convert_element_type3A_243, %cond3A_244 : i32
      scf.if %cond3A_245 {
        %add3A_330 = arith.constant 8 : i32
        %add3A_331 = arith.addi %add3A_219, %add3A_330 : i32
        %sub3A_332 = arith.constant 1 : i32
        %sub3A_333 = arith.subi %add3A_331, %sub3A_332 : i32
        %dma_start3A_334 = arith.constant 0 : i32
        %dma_start3A_335 = tpu.memref_slice %arg5[%sub3A_333, %dma_start3A_334] : memref<80x125xi32, #tpu.memory_space<vmem>> -> memref<1x125xi32, #tpu.memory_space<vmem>>
        %dma_start3A_336 = tpu.memref_squeeze %dma_start3A_335 : memref<1x125xi32, #tpu.memory_space<vmem>> -> memref<125xi32, #tpu.memory_space<vmem>>
        %dma_start3A_337 = arith.constant 0 : i32
        %dma_start3A_338 = arith.constant 0 : i32
        %dma_start3A_339 = tpu.memref_slice %arg2[%dma_start3A_337, %dma_start3A_338] : memref<10240x32xf32, #tpu.memory_space<hbm>> -> memref<10240x32xf32, #tpu.memory_space<hbm>>
        tpu.enqueue_indirect_dma source(%dma_start3A_339 : memref<10240x32xf32, #tpu.memory_space<hbm>>) target(%arg10 : memref<125x32xf32, #tpu.memory_space<vmem>>) offsets(%dma_start3A_336 : memref<125xi32, #tpu.memory_space<vmem>>) semaphore(%arg20 : memref<!tpu.dma_semaphore, #tpu.memory_space<semaphore_mem>>)
      } else {
      }
      %add3A_246 = arith.constant 5 : i32
      %add3A_247 = arith.addi %add3A_110, %add3A_246 : i32
      %dma_wait3A_248 = arith.constant 0 : i32
      %dma_wait3A_249 = tpu.memref_slice %arg5[%add3A_247, %dma_wait3A_248] : memref<80x125xi32, #tpu.memory_space<vmem>> -> memref<1x125xi32, #tpu.memory_space<vmem>>
      %dma_wait3A_250 = tpu.memref_squeeze %dma_wait3A_249 : memref<1x125xi32, #tpu.memory_space<vmem>> -> memref<125xi32, #tpu.memory_space<vmem>>
      %dma_wait3A_251 = arith.constant 0 : i32
      %dma_wait3A_252 = arith.constant 0 : i32
      %dma_wait3A_253 = tpu.memref_slice %arg2[%dma_wait3A_251, %dma_wait3A_252] : memref<10240x32xf32, #tpu.memory_space<hbm>> -> memref<10240x32xf32, #tpu.memory_space<hbm>>
      tpu.wait_indirect_dma semaphore(%arg22 : memref<!tpu.dma_semaphore, #tpu.memory_space<semaphore_mem>>) src(%dma_wait3A_253 : memref<10240x32xf32, #tpu.memory_space<hbm>>) dst(%arg12 : memref<125x32xf32, #tpu.memory_space<vmem>>)
      %dma_start3A_254 = arith.constant 0 : i32
      %dma_start3A_255 = tpu.memref_slice %arg6[%add3A_247, %dma_start3A_254] : memref<80x125xi32, #tpu.memory_space<vmem>> -> memref<1x125xi32, #tpu.memory_space<vmem>>
      %dma_start3A_256 = tpu.memref_squeeze %dma_start3A_255 : memref<1x125xi32, #tpu.memory_space<vmem>> -> memref<125xi32, #tpu.memory_space<vmem>>
      %dma_start3A_257 = arith.constant 0 : i32
      %dma_start3A_258 = arith.constant 0 : i32
      %dma_start3A_259 = tpu.memref_slice %arg16[%dma_start3A_257, %dma_start3A_258] : memref<10240x32xf32, #tpu.memory_space<vmem_shared>> -> memref<10240x32xf32, #tpu.memory_space<vmem_shared>>
      tpu.enqueue_indirect_dma source(%arg12 : memref<125x32xf32, #tpu.memory_space<vmem>>) target(%dma_start3A_259 : memref<10240x32xf32, #tpu.memory_space<vmem_shared>>) offsets(%dma_start3A_256 : memref<125xi32, #tpu.memory_space<vmem>>) semaphore(%arg30 : memref<!tpu.dma_semaphore, #tpu.memory_space<semaphore_mem>>) {add = true}
      %ge3A_260 = arith.constant 1 : i32
      %ge3A_261 = arith.cmpi sge, %add3A_247, %ge3A_260 : i32
      %convert_element_type3A_262 = arith.extui %ge3A_261 : i1 to i32
      %cond3A_263 = arith.constant 0 : i32
      %cond3A_264 = arith.cmpi ne, %convert_element_type3A_262, %cond3A_263 : i32
      scf.if %cond3A_264 {
        %sub3A_330 = arith.constant 1 : i32
        %sub3A_331 = arith.subi %add3A_247, %sub3A_330 : i32
        %dma_wait3A_332 = arith.constant 0 : i32
        %dma_wait3A_333 = tpu.memref_slice %arg6[%sub3A_331, %dma_wait3A_332] : memref<80x125xi32, #tpu.memory_space<vmem>> -> memref<1x125xi32, #tpu.memory_space<vmem>>
        %dma_wait3A_334 = tpu.memref_squeeze %dma_wait3A_333 : memref<1x125xi32, #tpu.memory_space<vmem>> -> memref<125xi32, #tpu.memory_space<vmem>>
        %dma_wait3A_335 = arith.constant 0 : i32
        %dma_wait3A_336 = arith.constant 0 : i32
        %dma_wait3A_337 = tpu.memref_slice %arg16[%dma_wait3A_335, %dma_wait3A_336] : memref<10240x32xf32, #tpu.memory_space<vmem_shared>> -> memref<10240x32xf32, #tpu.memory_space<vmem_shared>>
        tpu.wait_indirect_dma semaphore(%arg29 : memref<!tpu.dma_semaphore, #tpu.memory_space<semaphore_mem>>) src(%arg11 : memref<125x32xf32, #tpu.memory_space<vmem>>) dst(%dma_wait3A_337 : memref<10240x32xf32, #tpu.memory_space<vmem_shared>>)
      } else {
      }
      %add3A_265 = arith.constant 8 : i32
      %add3A_266 = arith.addi %add3A_247, %add3A_265 : i32
      %sub3A_267 = arith.constant 1 : i32
      %sub3A_268 = arith.subi %add3A_266, %sub3A_267 : i32
      %lt3A_269 = arith.constant 80 : i32
      %lt3A_270 = arith.cmpi slt, %sub3A_268, %lt3A_269 : i32
      %convert_element_type3A_271 = arith.extui %lt3A_270 : i1 to i32
      %cond3A_272 = arith.constant 0 : i32
      %cond3A_273 = arith.cmpi ne, %convert_element_type3A_271, %cond3A_272 : i32
      scf.if %cond3A_273 {
        %add3A_330 = arith.constant 8 : i32
        %add3A_331 = arith.addi %add3A_247, %add3A_330 : i32
        %sub3A_332 = arith.constant 1 : i32
        %sub3A_333 = arith.subi %add3A_331, %sub3A_332 : i32
        %dma_start3A_334 = arith.constant 0 : i32
        %dma_start3A_335 = tpu.memref_slice %arg5[%sub3A_333, %dma_start3A_334] : memref<80x125xi32, #tpu.memory_space<vmem>> -> memref<1x125xi32, #tpu.memory_space<vmem>>
        %dma_start3A_336 = tpu.memref_squeeze %dma_start3A_335 : memref<1x125xi32, #tpu.memory_space<vmem>> -> memref<125xi32, #tpu.memory_space<vmem>>
        %dma_start3A_337 = arith.constant 0 : i32
        %dma_start3A_338 = arith.constant 0 : i32
        %dma_start3A_339 = tpu.memref_slice %arg2[%dma_start3A_337, %dma_start3A_338] : memref<10240x32xf32, #tpu.memory_space<hbm>> -> memref<10240x32xf32, #tpu.memory_space<hbm>>
        tpu.enqueue_indirect_dma source(%dma_start3A_339 : memref<10240x32xf32, #tpu.memory_space<hbm>>) target(%arg11 : memref<125x32xf32, #tpu.memory_space<vmem>>) offsets(%dma_start3A_336 : memref<125xi32, #tpu.memory_space<vmem>>) semaphore(%arg21 : memref<!tpu.dma_semaphore, #tpu.memory_space<semaphore_mem>>)
      } else {
      }
      %add3A_274 = arith.constant 6 : i32
      %add3A_275 = arith.addi %add3A_110, %add3A_274 : i32
      %dma_wait3A_276 = arith.constant 0 : i32
      %dma_wait3A_277 = tpu.memref_slice %arg5[%add3A_275, %dma_wait3A_276] : memref<80x125xi32, #tpu.memory_space<vmem>> -> memref<1x125xi32, #tpu.memory_space<vmem>>
      %dma_wait3A_278 = tpu.memref_squeeze %dma_wait3A_277 : memref<1x125xi32, #tpu.memory_space<vmem>> -> memref<125xi32, #tpu.memory_space<vmem>>
      %dma_wait3A_279 = arith.constant 0 : i32
      %dma_wait3A_280 = arith.constant 0 : i32
      %dma_wait3A_281 = tpu.memref_slice %arg2[%dma_wait3A_279, %dma_wait3A_280] : memref<10240x32xf32, #tpu.memory_space<hbm>> -> memref<10240x32xf32, #tpu.memory_space<hbm>>
      tpu.wait_indirect_dma semaphore(%arg23 : memref<!tpu.dma_semaphore, #tpu.memory_space<semaphore_mem>>) src(%dma_wait3A_281 : memref<10240x32xf32, #tpu.memory_space<hbm>>) dst(%arg13 : memref<125x32xf32, #tpu.memory_space<vmem>>)
      %dma_start3A_282 = arith.constant 0 : i32
      %dma_start3A_283 = tpu.memref_slice %arg6[%add3A_275, %dma_start3A_282] : memref<80x125xi32, #tpu.memory_space<vmem>> -> memref<1x125xi32, #tpu.memory_space<vmem>>
      %dma_start3A_284 = tpu.memref_squeeze %dma_start3A_283 : memref<1x125xi32, #tpu.memory_space<vmem>> -> memref<125xi32, #tpu.memory_space<vmem>>
      %dma_start3A_285 = arith.constant 0 : i32
      %dma_start3A_286 = arith.constant 0 : i32
      %dma_start3A_287 = tpu.memref_slice %arg16[%dma_start3A_285, %dma_start3A_286] : memref<10240x32xf32, #tpu.memory_space<vmem_shared>> -> memref<10240x32xf32, #tpu.memory_space<vmem_shared>>
      tpu.enqueue_indirect_dma source(%arg13 : memref<125x32xf32, #tpu.memory_space<vmem>>) target(%dma_start3A_287 : memref<10240x32xf32, #tpu.memory_space<vmem_shared>>) offsets(%dma_start3A_284 : memref<125xi32, #tpu.memory_space<vmem>>) semaphore(%arg31 : memref<!tpu.dma_semaphore, #tpu.memory_space<semaphore_mem>>) {add = true}
      %ge3A_288 = arith.constant 1 : i32
      %ge3A_289 = arith.cmpi sge, %add3A_275, %ge3A_288 : i32
      %convert_element_type3A_290 = arith.extui %ge3A_289 : i1 to i32
      %cond3A_291 = arith.constant 0 : i32
      %cond3A_292 = arith.cmpi ne, %convert_element_type3A_290, %cond3A_291 : i32
      scf.if %cond3A_292 {
        %sub3A_330 = arith.constant 1 : i32
        %sub3A_331 = arith.subi %add3A_275, %sub3A_330 : i32
        %dma_wait3A_332 = arith.constant 0 : i32
        %dma_wait3A_333 = tpu.memref_slice %arg6[%sub3A_331, %dma_wait3A_332] : memref<80x125xi32, #tpu.memory_space<vmem>> -> memref<1x125xi32, #tpu.memory_space<vmem>>
        %dma_wait3A_334 = tpu.memref_squeeze %dma_wait3A_333 : memref<1x125xi32, #tpu.memory_space<vmem>> -> memref<125xi32, #tpu.memory_space<vmem>>
        %dma_wait3A_335 = arith.constant 0 : i32
        %dma_wait3A_336 = arith.constant 0 : i32
        %dma_wait3A_337 = tpu.memref_slice %arg16[%dma_wait3A_335, %dma_wait3A_336] : memref<10240x32xf32, #tpu.memory_space<vmem_shared>> -> memref<10240x32xf32, #tpu.memory_space<vmem_shared>>
        tpu.wait_indirect_dma semaphore(%arg30 : memref<!tpu.dma_semaphore, #tpu.memory_space<semaphore_mem>>) src(%arg12 : memref<125x32xf32, #tpu.memory_space<vmem>>) dst(%dma_wait3A_337 : memref<10240x32xf32, #tpu.memory_space<vmem_shared>>)
      } else {
      }
      %add3A_293 = arith.constant 8 : i32
      %add3A_294 = arith.addi %add3A_275, %add3A_293 : i32
      %sub3A_295 = arith.constant 1 : i32
      %sub3A_296 = arith.subi %add3A_294, %sub3A_295 : i32
      %lt3A_297 = arith.constant 80 : i32
      %lt3A_298 = arith.cmpi slt, %sub3A_296, %lt3A_297 : i32
      %convert_element_type3A_299 = arith.extui %lt3A_298 : i1 to i32
      %cond3A_300 = arith.constant 0 : i32
      %cond3A_301 = arith.cmpi ne, %convert_element_type3A_299, %cond3A_300 : i32
      scf.if %cond3A_301 {
        %add3A_330 = arith.constant 8 : i32
        %add3A_331 = arith.addi %add3A_275, %add3A_330 : i32
        %sub3A_332 = arith.constant 1 : i32
        %sub3A_333 = arith.subi %add3A_331, %sub3A_332 : i32
        %dma_start3A_334 = arith.constant 0 : i32
        %dma_start3A_335 = tpu.memref_slice %arg5[%sub3A_333, %dma_start3A_334] : memref<80x125xi32, #tpu.memory_space<vmem>> -> memref<1x125xi32, #tpu.memory_space<vmem>>
        %dma_start3A_336 = tpu.memref_squeeze %dma_start3A_335 : memref<1x125xi32, #tpu.memory_space<vmem>> -> memref<125xi32, #tpu.memory_space<vmem>>
        %dma_start3A_337 = arith.constant 0 : i32
        %dma_start3A_338 = arith.constant 0 : i32
        %dma_start3A_339 = tpu.memref_slice %arg2[%dma_start3A_337, %dma_start3A_338] : memref<10240x32xf32, #tpu.memory_space<hbm>> -> memref<10240x32xf32, #tpu.memory_space<hbm>>
        tpu.enqueue_indirect_dma source(%dma_start3A_339 : memref<10240x32xf32, #tpu.memory_space<hbm>>) target(%arg12 : memref<125x32xf32, #tpu.memory_space<vmem>>) offsets(%dma_start3A_336 : memref<125xi32, #tpu.memory_space<vmem>>) semaphore(%arg22 : memref<!tpu.dma_semaphore, #tpu.memory_space<semaphore_mem>>)
      } else {
      }
      %add3A_302 = arith.constant 7 : i32
      %add3A_303 = arith.addi %add3A_110, %add3A_302 : i32
      %dma_wait3A_304 = arith.constant 0 : i32
      %dma_wait3A_305 = tpu.memref_slice %arg5[%add3A_303, %dma_wait3A_304] : memref<80x125xi32, #tpu.memory_space<vmem>> -> memref<1x125xi32, #tpu.memory_space<vmem>>
      %dma_wait3A_306 = tpu.memref_squeeze %dma_wait3A_305 : memref<1x125xi32, #tpu.memory_space<vmem>> -> memref<125xi32, #tpu.memory_space<vmem>>
      %dma_wait3A_307 = arith.constant 0 : i32
      %dma_wait3A_308 = arith.constant 0 : i32
      %dma_wait3A_309 = tpu.memref_slice %arg2[%dma_wait3A_307, %dma_wait3A_308] : memref<10240x32xf32, #tpu.memory_space<hbm>> -> memref<10240x32xf32, #tpu.memory_space<hbm>>
      tpu.wait_indirect_dma semaphore(%arg24 : memref<!tpu.dma_semaphore, #tpu.memory_space<semaphore_mem>>) src(%dma_wait3A_309 : memref<10240x32xf32, #tpu.memory_space<hbm>>) dst(%arg14 : memref<125x32xf32, #tpu.memory_space<vmem>>)
      %dma_start3A_310 = arith.constant 0 : i32
      %dma_start3A_311 = tpu.memref_slice %arg6[%add3A_303, %dma_start3A_310] : memref<80x125xi32, #tpu.memory_space<vmem>> -> memref<1x125xi32, #tpu.memory_space<vmem>>
      %dma_start3A_312 = tpu.memref_squeeze %dma_start3A_311 : memref<1x125xi32, #tpu.memory_space<vmem>> -> memref<125xi32, #tpu.memory_space<vmem>>
      %dma_start3A_313 = arith.constant 0 : i32
      %dma_start3A_314 = arith.constant 0 : i32
      %dma_start3A_315 = tpu.memref_slice %arg16[%dma_start3A_313, %dma_start3A_314] : memref<10240x32xf32, #tpu.memory_space<vmem_shared>> -> memref<10240x32xf32, #tpu.memory_space<vmem_shared>>
      tpu.enqueue_indirect_dma source(%arg14 : memref<125x32xf32, #tpu.memory_space<vmem>>) target(%dma_start3A_315 : memref<10240x32xf32, #tpu.memory_space<vmem_shared>>) offsets(%dma_start3A_312 : memref<125xi32, #tpu.memory_space<vmem>>) semaphore(%arg32 : memref<!tpu.dma_semaphore, #tpu.memory_space<semaphore_mem>>) {add = true}
      %ge3A_316 = arith.constant 1 : i32
      %ge3A_317 = arith.cmpi sge, %add3A_303, %ge3A_316 : i32
      %convert_element_type3A_318 = arith.extui %ge3A_317 : i1 to i32
      %cond3A_319 = arith.constant 0 : i32
      %cond3A_320 = arith.cmpi ne, %convert_element_type3A_318, %cond3A_319 : i32
      scf.if %cond3A_320 {
        %sub3A_330 = arith.constant 1 : i32
        %sub3A_331 = arith.subi %add3A_303, %sub3A_330 : i32
        %dma_wait3A_332 = arith.constant 0 : i32
        %dma_wait3A_333 = tpu.memref_slice %arg6[%sub3A_331, %dma_wait3A_332] : memref<80x125xi32, #tpu.memory_space<vmem>> -> memref<1x125xi32, #tpu.memory_space<vmem>>
        %dma_wait3A_334 = tpu.memref_squeeze %dma_wait3A_333 : memref<1x125xi32, #tpu.memory_space<vmem>> -> memref<125xi32, #tpu.memory_space<vmem>>
        %dma_wait3A_335 = arith.constant 0 : i32
        %dma_wait3A_336 = arith.constant 0 : i32
        %dma_wait3A_337 = tpu.memref_slice %arg16[%dma_wait3A_335, %dma_wait3A_336] : memref<10240x32xf32, #tpu.memory_space<vmem_shared>> -> memref<10240x32xf32, #tpu.memory_space<vmem_shared>>
        tpu.wait_indirect_dma semaphore(%arg31 : memref<!tpu.dma_semaphore, #tpu.memory_space<semaphore_mem>>) src(%arg13 : memref<125x32xf32, #tpu.memory_space<vmem>>) dst(%dma_wait3A_337 : memref<10240x32xf32, #tpu.memory_space<vmem_shared>>)
      } else {
      }
      %add3A_321 = arith.constant 8 : i32
      %add3A_322 = arith.addi %add3A_303, %add3A_321 : i32
      %sub3A_323 = arith.constant 1 : i32
      %sub3A_324 = arith.subi %add3A_322, %sub3A_323 : i32
      %lt3A_325 = arith.constant 80 : i32
      %lt3A_326 = arith.cmpi slt, %sub3A_324, %lt3A_325 : i32
      %convert_element_type3A_327 = arith.extui %lt3A_326 : i1 to i32
      %cond3A_328 = arith.constant 0 : i32
      %cond3A_329 = arith.cmpi ne, %convert_element_type3A_327, %cond3A_328 : i32
      scf.if %cond3A_329 {
        %add3A_330 = arith.constant 8 : i32
        %add3A_331 = arith.addi %add3A_303, %add3A_330 : i32
        %sub3A_332 = arith.constant 1 : i32
        %sub3A_333 = arith.subi %add3A_331, %sub3A_332 : i32
        %dma_start3A_334 = arith.constant 0 : i32
        %dma_start3A_335 = tpu.memref_slice %arg5[%sub3A_333, %dma_start3A_334] : memref<80x125xi32, #tpu.memory_space<vmem>> -> memref<1x125xi32, #tpu.memory_space<vmem>>
        %dma_start3A_336 = tpu.memref_squeeze %dma_start3A_335 : memref<1x125xi32, #tpu.memory_space<vmem>> -> memref<125xi32, #tpu.memory_space<vmem>>
        %dma_start3A_337 = arith.constant 0 : i32
        %dma_start3A_338 = arith.constant 0 : i32
        %dma_start3A_339 = tpu.memref_slice %arg2[%dma_start3A_337, %dma_start3A_338] : memref<10240x32xf32, #tpu.memory_space<hbm>> -> memref<10240x32xf32, #tpu.memory_space<hbm>>
        tpu.enqueue_indirect_dma source(%dma_start3A_339 : memref<10240x32xf32, #tpu.memory_space<hbm>>) target(%arg13 : memref<125x32xf32, #tpu.memory_space<vmem>>) offsets(%dma_start3A_336 : memref<125xi32, #tpu.memory_space<vmem>>) semaphore(%arg23 : memref<!tpu.dma_semaphore, #tpu.memory_space<semaphore_mem>>)
      } else {
      }
    }
    %scan3A_93 = arith.constant 10 : i32
    %dma_wait3A_94 = arith.constant 79 : i32
    %dma_wait3A_95 = arith.constant 0 : i32
    %dma_wait3A_96 = tpu.memref_slice %arg6[%dma_wait3A_94, %dma_wait3A_95] : memref<80x125xi32, #tpu.memory_space<vmem>> -> memref<1x125xi32, #tpu.memory_space<vmem>>
    %dma_wait3A_97 = tpu.memref_squeeze %dma_wait3A_96 : memref<1x125xi32, #tpu.memory_space<vmem>> -> memref<125xi32, #tpu.memory_space<vmem>>
    %dma_wait3A_98 = arith.constant 0 : i32
    %dma_wait3A_99 = arith.constant 0 : i32
    %dma_wait3A_100 = tpu.memref_slice %arg16[%dma_wait3A_98, %dma_wait3A_99] : memref<10240x32xf32, #tpu.memory_space<vmem_shared>> -> memref<10240x32xf32, #tpu.memory_space<vmem_shared>>
    tpu.wait_indirect_dma semaphore(%arg32 : memref<!tpu.dma_semaphore, #tpu.memory_space<semaphore_mem>>) src(%arg14 : memref<125x32xf32, #tpu.memory_space<vmem>>) dst(%dma_wait3A_100 : memref<10240x32xf32, #tpu.memory_space<vmem_shared>>)
    %barrier3A_101 = arith.constant 0 : index
    tpu.barrier barrier_id(%barrier3A_101)
    %mul3A_102 = arith.constant 640 : i32
    %mul3A_103 = arith.muli %arg1, %mul3A_102 : i32
    %mul3A_104 = arith.constant 640 : i32
    %mul3A_105 = arith.muli %arg1, %mul3A_104 : i32
    "tpu.region"() ({
      %run_scoped3A = tpu.sem_alloc : memref<!tpu.dma_semaphore, #tpu.memory_space<semaphore_mem>>
      %dma_start3A_106 = arith.constant 0 : i32
      %dma_start3A_107 = tpu.memref_slice %arg4[%arg0, %mul3A_105, %dma_start3A_106] : memref<2x10240x32xf32, #tpu.memory_space<hbm>> -> memref<1x640x32xf32, #tpu.memory_space<hbm>>
      %dma_start3A_108 = tpu.memref_squeeze %dma_start3A_107 : memref<1x640x32xf32, #tpu.memory_space<hbm>> -> memref<640x32xf32, #tpu.memory_space<hbm>>
      %dma_start3A_109 = arith.constant 0 : i32
      %dma_start3A_110 = tpu.memref_slice %arg16[%mul3A_103, %dma_start3A_109] : memref<10240x32xf32, #tpu.memory_space<vmem_shared>> -> memref<640x32xf32, #tpu.memory_space<vmem_shared>>
      tpu.enqueue_dma source(%dma_start3A_110 : memref<640x32xf32, #tpu.memory_space<vmem_shared>>) target(%dma_start3A_108 : memref<640x32xf32, #tpu.memory_space<hbm>>) target_semaphore(%run_scoped3A : memref<!tpu.dma_semaphore, #tpu.memory_space<semaphore_mem>>)
      %dma_wait3A_111 = arith.constant 0 : i32
      %dma_wait3A_112 = tpu.memref_slice %arg4[%arg0, %mul3A_105, %dma_wait3A_111] : memref<2x10240x32xf32, #tpu.memory_space<hbm>> -> memref<1x640x32xf32, #tpu.memory_space<hbm>>
      %dma_wait3A_113 = tpu.memref_squeeze %dma_wait3A_112 : memref<1x640x32xf32, #tpu.memory_space<hbm>> -> memref<640x32xf32, #tpu.memory_space<hbm>>
      %dma_wait3A_114 = arith.constant 0 : i32
      %dma_wait3A_115 = tpu.memref_slice %arg16[%mul3A_103, %dma_wait3A_114] : memref<10240x32xf32, #tpu.memory_space<vmem_shared>> -> memref<640x32xf32, #tpu.memory_space<vmem_shared>>
      tpu.wait_dma2 semaphore(%run_scoped3A : memref<!tpu.dma_semaphore, #tpu.memory_space<semaphore_mem>>) src(%dma_wait3A_115 : memref<640x32xf32, #tpu.memory_space<vmem_shared>>) dst(%dma_wait3A_113 : memref<640x32xf32, #tpu.memory_space<hbm>>)
      tpu.yield
    }) : () -> ()
    return
  }
}

#map = affine_map<(d0, d1) -> (0, 0)>
#map1 = affine_map<(d0, d1) -> (0, 0, 0)>
module attributes {stable_mosaic.version = 14 : i64} {
  func.func @agg(%arg0: i32, %arg1: i32, %arg2: memref<10240x32xf32, #tpu.memory_space<hbm>>, %arg3: memref<2x2560x125xi32, #tpu.memory_space<hbm>>, %arg4: memref<2x10240x32xf32, #tpu.memory_space<hbm>>, %arg5: memref<80x125xi32, #tpu.memory_space<vmem>>, %arg6: memref<80x125xi32, #tpu.memory_space<vmem>>, %arg7: memref<125x32xf32, #tpu.memory_space<vmem>>, %arg8: memref<125x32xf32, #tpu.memory_space<vmem>>, %arg9: memref<125x32xf32, #tpu.memory_space<vmem>>, %arg10: memref<125x32xf32, #tpu.memory_space<vmem>>, %arg11: memref<125x32xf32, #tpu.memory_space<vmem>>, %arg12: memref<125x32xf32, #tpu.memory_space<vmem>>, %arg13: memref<125x32xf32, #tpu.memory_space<vmem>>, %arg14: memref<125x32xf32, #tpu.memory_space<vmem>>, %arg15: memref<80x32xf32, #tpu.memory_space<vmem>>, %arg16: memref<10240x32xf32, #tpu.memory_space<vmem_shared>>, %arg17: memref<!tpu.dma_semaphore, #tpu.memory_space<semaphore_mem>>, %arg18: memref<!tpu.dma_semaphore, #tpu.memory_space<semaphore_mem>>, %arg19: memref<!tpu.dma_semaphore, #tpu.memory_space<semaphore_mem>>, %arg20: memref<!tpu.dma_semaphore, #tpu.memory_space<semaphore_mem>>, %arg21: memref<!tpu.dma_semaphore, #tpu.memory_space<semaphore_mem>>, %arg22: memref<!tpu.dma_semaphore, #tpu.memory_space<semaphore_mem>>, %arg23: memref<!tpu.dma_semaphore, #tpu.memory_space<semaphore_mem>>, %arg24: memref<!tpu.dma_semaphore, #tpu.memory_space<semaphore_mem>>, %arg25: memref<!tpu.dma_semaphore, #tpu.memory_space<semaphore_mem>>, %arg26: memref<!tpu.dma_semaphore, #tpu.memory_space<semaphore_mem>>, %arg27: memref<!tpu.dma_semaphore, #tpu.memory_space<semaphore_mem>>, %arg28: memref<!tpu.dma_semaphore, #tpu.memory_space<semaphore_mem>>, %arg29: memref<!tpu.dma_semaphore, #tpu.memory_space<semaphore_mem>>, %arg30: memref<!tpu.dma_semaphore, #tpu.memory_space<semaphore_mem>>, %arg31: memref<!tpu.dma_semaphore, #tpu.memory_space<semaphore_mem>>, %arg32: memref<!tpu.dma_semaphore, #tpu.memory_space<semaphore_mem>>, %arg33: memref<!tpu.dma_semaphore, #tpu.memory_space<semaphore_mem>>) attributes {dimension_semantics = [#tpu.dimension_semantics<core_parallel>, #tpu.dimension_semantics<subcore_parallel>], iteration_bounds = array<i64: 2, 16>, scalar_prefetch = 0 : i64, scratch_operands = 29 : i64, tpu.core_type = #tpu.core_type<sc_vector_subcore>, window_params = [{transform_indices = #map}, {transform_indices = #map1}, {transform_indices = #map1}]} {
    %mul3A = arith.constant 16 : i32
    %mul3A_0 = arith.muli %arg0, %mul3A : i32
    %add3A = arith.addi %mul3A_0, %arg1 : i32
    %mul3A_1 = arith.constant 80 : i32
    %mul3A_2 = arith.muli %add3A, %mul3A_1 : i32
    %dma_start3A = arith.constant 0 : i32
    %dma_start3A_3 = arith.constant 0 : i32
    %dma_start3A_4 = tpu.memref_slice %arg3[%dma_start3A, %mul3A_2, %dma_start3A_3] : memref<2x2560x125xi32, #tpu.memory_space<hbm>> -> memref<1x80x125xi32, #tpu.memory_space<hbm>>
    %dma_start3A_5 = tpu.memref_squeeze %dma_start3A_4 : memref<1x80x125xi32, #tpu.memory_space<hbm>> -> memref<80x125xi32, #tpu.memory_space<hbm>>
    %dma_start3A_6 = arith.constant 0 : i32
    %dma_start3A_7 = tpu.memref_slice %arg3[%dma_start3A, %mul3A_2, %dma_start3A_6] : memref<2x2560x125xi32, #tpu.memory_space<hbm>> -> memref<1x80x125xi32, #tpu.memory_space<hbm>>
    %dma_start3A_8 = tpu.memref_squeeze %dma_start3A_7 : memref<1x80x125xi32, #tpu.memory_space<hbm>> -> memref<80x125xi32, #tpu.memory_space<hbm>>
    tpu.enqueue_dma source(%dma_start3A_8 : memref<80x125xi32, #tpu.memory_space<hbm>>) target(%arg5 : memref<80x125xi32, #tpu.memory_space<vmem>>) target_semaphore(%arg33 : memref<!tpu.dma_semaphore, #tpu.memory_space<semaphore_mem>>)
    %mul3A_9 = arith.constant 80 : i32
    %mul3A_10 = arith.muli %add3A, %mul3A_9 : i32
    %dma_start3A_11 = arith.constant 1 : i32
    %dma_start3A_12 = arith.constant 0 : i32
    %dma_start3A_13 = tpu.memref_slice %arg3[%dma_start3A_11, %mul3A_10, %dma_start3A_12] : memref<2x2560x125xi32, #tpu.memory_space<hbm>> -> memref<1x80x125xi32, #tpu.memory_space<hbm>>
    %dma_start3A_14 = tpu.memref_squeeze %dma_start3A_13 : memref<1x80x125xi32, #tpu.memory_space<hbm>> -> memref<80x125xi32, #tpu.memory_space<hbm>>
    %dma_start3A_15 = arith.constant 0 : i32
    %dma_start3A_16 = tpu.memref_slice %arg3[%dma_start3A_11, %mul3A_10, %dma_start3A_15] : memref<2x2560x125xi32, #tpu.memory_space<hbm>> -> memref<1x80x125xi32, #tpu.memory_space<hbm>>
    %dma_start3A_17 = tpu.memref_squeeze %dma_start3A_16 : memref<1x80x125xi32, #tpu.memory_space<hbm>> -> memref<80x125xi32, #tpu.memory_space<hbm>>
    tpu.enqueue_dma source(%dma_start3A_17 : memref<80x125xi32, #tpu.memory_space<hbm>>) target(%arg6 : memref<80x125xi32, #tpu.memory_space<vmem>>) target_semaphore(%arg33 : memref<!tpu.dma_semaphore, #tpu.memory_space<semaphore_mem>>)
    %scan3A = arith.constant 0 : i32
    %scan3A_18 = arith.constant 80 : i32
    %scan3A_19 = arith.addi %scan3A, %scan3A_18 : i32
    %scan3A_20 = arith.constant 1 : i32
    scf.for %scan3A_106 = %scan3A to %scan3A_19 step %scan3A_20  : i32 {
      %mul3A_107 = arith.constant 1 : i32
      %mul3A_108 = arith.muli %scan3A_106, %mul3A_107 : i32
      %add3A_109 = arith.constant 0 : i32
      %add3A_110 = arith.addi %add3A_109, %mul3A_108 : i32
      %scan3A_111 = arith.constant 0 : i32
      %scan3A_112 = arith.constant 2 : i32
      %scan3A_113 = arith.addi %scan3A_111, %scan3A_112 : i32
      %scan3A_114 = arith.constant 1 : i32
      scf.for %scan3A_116 = %scan3A_111 to %scan3A_113 step %scan3A_114  : i32 {
        %mul3A_117 = arith.constant 1 : i32
        %mul3A_118 = arith.muli %scan3A_116, %mul3A_117 : i32
        %add3A_119 = arith.constant 0 : i32
        %add3A_120 = arith.addi %add3A_119, %mul3A_118 : i32
        %broadcast_in_dim3A = arith.constant 0.000000e+00 : f32
        %broadcast_in_dim3A_121 = vector.broadcast %broadcast_in_dim3A : f32 to vector<16xf32>
        %mul3A_122 = arith.constant 16 : i32
        %mul3A_123 = arith.muli %add3A_120, %mul3A_122 : i32
        %swap3A = arith.index_cast %add3A_110 : i32 to index
        %swap3A_124 = arith.index_cast %mul3A_123 : i32 to index
        %swap3A_125 = tpu.vector_load %arg15[%swap3A, %swap3A_124] {strides = array<i32>} : memref<80x32xf32, #tpu.memory_space<vmem>>, vector<1x16xf32>,
        %swap3A_126 = vector.shape_cast %swap3A_125 : vector<1x16xf32> to vector<16xf32>
        %swap3A_127 = vector.shape_cast %broadcast_in_dim3A_121 : vector<16xf32> to vector<1x16xf32>
        tpu.vector_store %arg15[%swap3A, %swap3A_124], %swap3A_127 {strides = array<i32>} : memref<80x32xf32, #tpu.memory_space<vmem>>, vector<1x16xf32>,
      }
      %scan3A_115 = arith.constant 2 : i32
    }
    %scan3A_21 = arith.constant 80 : i32
    %scan3A_22 = arith.constant 0 : i32
    %scan3A_23 = arith.constant 8 : i32
    %scan3A_24 = arith.addi %scan3A_22, %scan3A_23 : i32
    %scan3A_25 = arith.constant 1 : i32
    scf.for %scan3A_106 = %scan3A_22 to %scan3A_24 step %scan3A_25  : i32 {
      %mul3A_107 = arith.constant 1 : i32
      %mul3A_108 = arith.muli %scan3A_106, %mul3A_107 : i32
      %add3A_109 = arith.constant 0 : i32
      %add3A_110 = arith.addi %add3A_109, %mul3A_108 : i32
      %mul3A_111 = arith.constant 640 : i32
      %mul3A_112 = arith.muli %arg1, %mul3A_111 : i32
      %mul3A_113 = arith.constant 80 : i32
      %mul3A_114 = arith.muli %add3A_110, %mul3A_113 : i32
      %add3A_115 = arith.addi %mul3A_112, %mul3A_114 : i32
      "tpu.region"() ({
        %run_scoped3A = tpu.sem_alloc : memref<!tpu.dma_semaphore, #tpu.memory_space<semaphore_mem>>
        %dma_start3A_116 = arith.constant 0 : i32
        %dma_start3A_117 = tpu.memref_slice %arg16[%add3A_115, %dma_start3A_116] : memref<10240x32xf32, #tpu.memory_space<vmem_shared>> -> memref<80x32xf32, #tpu.memory_space<vmem_shared>>
        %dma_start3A_118 = arith.constant 0 : i32
        %dma_start3A_119 = tpu.memref_slice %arg16[%add3A_115, %dma_start3A_118] : memref<10240x32xf32, #tpu.memory_space<vmem_shared>> -> memref<80x32xf32, #tpu.memory_space<vmem_shared>>
        tpu.enqueue_dma source(%arg15 : memref<80x32xf32, #tpu.memory_space<vmem>>) target(%dma_start3A_119 : memref<80x32xf32, #tpu.memory_space<vmem_shared>>) target_semaphore(%run_scoped3A : memref<!tpu.dma_semaphore, #tpu.memory_space<semaphore_mem>>)
        %dma_wait3A_120 = arith.constant 0 : i32
        %dma_wait3A_121 = tpu.memref_slice %arg16[%add3A_115, %dma_wait3A_120] : memref<10240x32xf32, #tpu.memory_space<vmem_shared>> -> memref<80x32xf32, #tpu.memory_space<vmem_shared>>
        %dma_wait3A_122 = arith.constant 0 : i32
        %dma_wait3A_123 = tpu.memref_slice %arg16[%add3A_115, %dma_wait3A_122] : memref<10240x32xf32, #tpu.memory_space<vmem_shared>> -> memref<80x32xf32, #tpu.memory_space<vmem_shared>>
        tpu.wait_dma2 semaphore(%run_scoped3A : memref<!tpu.dma_semaphore, #tpu.memory_space<semaphore_mem>>) src(%arg15 : memref<80x32xf32, #tpu.memory_space<vmem>>) dst(%dma_wait3A_123 : memref<80x32xf32, #tpu.memory_space<vmem_shared>>)
        tpu.yield
      }) : () -> ()
    }
    %scan3A_26 = arith.constant 8 : i32
    %dma_wait3A = arith.constant 0 : i32
    %dma_wait3A_27 = arith.constant 0 : i32
    %dma_wait3A_28 = tpu.memref_slice %arg3[%dma_wait3A, %mul3A_2, %dma_wait3A_27] : memref<2x2560x125xi32, #tpu.memory_space<hbm>> -> memref<1x80x125xi32, #tpu.memory_space<hbm>>
    %dma_wait3A_29 = tpu.memref_squeeze %dma_wait3A_28 : memref<1x80x125xi32, #tpu.memory_space<hbm>> -> memref<80x125xi32, #tpu.memory_space<hbm>>
    %dma_wait3A_30 = arith.constant 0 : i32
    %dma_wait3A_31 = tpu.memref_slice %arg3[%dma_wait3A, %mul3A_2, %dma_wait3A_30] : memref<2x2560x125xi32, #tpu.memory_space<hbm>> -> memref<1x80x125xi32, #tpu.memory_space<hbm>>
    %dma_wait3A_32 = tpu.memref_squeeze %dma_wait3A_31 : memref<1x80x125xi32, #tpu.memory_space<hbm>> -> memref<80x125xi32, #tpu.memory_space<hbm>>
    tpu.wait_dma2 semaphore(%arg33 : memref<!tpu.dma_semaphore, #tpu.memory_space<semaphore_mem>>) src(%dma_wait3A_32 : memref<80x125xi32, #tpu.memory_space<hbm>>) dst(%arg5 : memref<80x125xi32, #tpu.memory_space<vmem>>)
    %dma_wait3A_33 = arith.constant 1 : i32
    %dma_wait3A_34 = arith.constant 0 : i32
    %dma_wait3A_35 = tpu.memref_slice %arg3[%dma_wait3A_33, %mul3A_10, %dma_wait3A_34] : memref<2x2560x125xi32, #tpu.memory_space<hbm>> -> memref<1x80x125xi32, #tpu.memory_space<hbm>>
    %dma_wait3A_36 = tpu.memref_squeeze %dma_wait3A_35 : memref<1x80x125xi32, #tpu.memory_space<hbm>> -> memref<80x125xi32, #tpu.memory_space<hbm>>
    %dma_wait3A_37 = arith.constant 0 : i32
    %dma_wait3A_38 = tpu.memref_slice %arg3[%dma_wait3A_33, %mul3A_10, %dma_wait3A_37] : memref<2x2560x125xi32, #tpu.memory_space<hbm>> -> memref<1x80x125xi32, #tpu.memory_space<hbm>>
    %dma_wait3A_39 = tpu.memref_squeeze %dma_wait3A_38 : memref<1x80x125xi32, #tpu.memory_space<hbm>> -> memref<80x125xi32, #tpu.memory_space<hbm>>
    tpu.wait_dma2 semaphore(%arg33 : memref<!tpu.dma_semaphore, #tpu.memory_space<semaphore_mem>>) src(%dma_wait3A_39 : memref<80x125xi32, #tpu.memory_space<hbm>>) dst(%arg6 : memref<80x125xi32, #tpu.memory_space<vmem>>)
    %dma_start3A_40 = arith.constant 0 : i32
    %dma_start3A_41 = arith.constant 0 : i32
    %dma_start3A_42 = tpu.memref_slice %arg5[%dma_start3A_40, %dma_start3A_41] : memref<80x125xi32, #tpu.memory_space<vmem>> -> memref<1x125xi32, #tpu.memory_space<vmem>>
    %dma_start3A_43 = tpu.memref_squeeze %dma_start3A_42 : memref<1x125xi32, #tpu.memory_space<vmem>> -> memref<125xi32, #tpu.memory_space<vmem>>
    %dma_start3A_44 = arith.constant 0 : i32
    %dma_start3A_45 = arith.constant 0 : i32
    %dma_start3A_46 = tpu.memref_slice %arg2[%dma_start3A_44, %dma_start3A_45] : memref<10240x32xf32, #tpu.memory_space<hbm>> -> memref<10240x32xf32, #tpu.memory_space<hbm>>
    tpu.enqueue_indirect_dma source(%dma_start3A_46 : memref<10240x32xf32, #tpu.memory_space<hbm>>) target(%arg7 : memref<125x32xf32, #tpu.memory_space<vmem>>) offsets(%dma_start3A_43 : memref<125xi32, #tpu.memory_space<vmem>>) semaphore(%arg17 : memref<!tpu.dma_semaphore, #tpu.memory_space<semaphore_mem>>)
    %dma_start3A_47 = arith.constant 1 : i32
    %dma_start3A_48 = arith.constant 0 : i32
    %dma_start3A_49 = tpu.memref_slice %arg5[%dma_start3A_47, %dma_start3A_48] : memref<80x125xi32, #tpu.memory_space<vmem>> -> memref<1x125xi32, #tpu.memory_space<vmem>>
    %dma_start3A_50 = tpu.memref_squeeze %dma_start3A_49 : memref<1x125xi32, #tpu.memory_space<vmem>> -> memref<125xi32, #tpu.memory_space<vmem>>
    %dma_start3A_51 = arith.constant 0 : i32
    %dma_start3A_52 = arith.constant 0 : i32
    %dma_start3A_53 = tpu.memref_slice %arg2[%dma_start3A_51, %dma_start3A_52] : memref<10240x32xf32, #tpu.memory_space<hbm>> -> memref<10240x32xf32, #tpu.memory_space<hbm>>
    tpu.enqueue_indirect_dma source(%dma_start3A_53 : memref<10240x32xf32, #tpu.memory_space<hbm>>) target(%arg8 : memref<125x32xf32, #tpu.memory_space<vmem>>) offsets(%dma_start3A_50 : memref<125xi32, #tpu.memory_space<vmem>>) semaphore(%arg18 : memref<!tpu.dma_semaphore, #tpu.memory_space<semaphore_mem>>)
    %dma_start3A_54 = arith.constant 2 : i32
    %dma_start3A_55 = arith.constant 0 : i32
    %dma_start3A_56 = tpu.memref_slice %arg5[%dma_start3A_54, %dma_start3A_55] : memref<80x125xi32, #tpu.memory_space<vmem>> -> memref<1x125xi32, #tpu.memory_space<vmem>>
    %dma_start3A_57 = tpu.memref_squeeze %dma_start3A_56 : memref<1x125xi32, #tpu.memory_space<vmem>> -> memref<125xi32, #tpu.memory_space<vmem>>
    %dma_start3A_58 = arith.constant 0 : i32
    %dma_start3A_59 = arith.constant 0 : i32
    %dma_start3A_60 = tpu.memref_slice %arg2[%dma_start3A_58, %dma_start3A_59] : memref<10240x32xf32, #tpu.memory_space<hbm>> -> memref<10240x32xf32, #tpu.memory_space<hbm>>
    tpu.enqueue_indirect_dma source(%dma_start3A_60 : memref<10240x32xf32, #tpu.memory_space<hbm>>) target(%arg9 : memref<125x32xf32, #tpu.memory_space<vmem>>) offsets(%dma_start3A_57 : memref<125xi32, #tpu.memory_space<vmem>>) semaphore(%arg19 : memref<!tpu.dma_semaphore, #tpu.memory_space<semaphore_mem>>)
    %dma_start3A_61 = arith.constant 3 : i32
    %dma_start3A_62 = arith.constant 0 : i32
    %dma_start3A_63 = tpu.memref_slice %arg5[%dma_start3A_61, %dma_start3A_62] : memref<80x125xi32, #tpu.memory_space<vmem>> -> memref<1x125xi32, #tpu.memory_space<vmem>>
    %dma_start3A_64 = tpu.memref_squeeze %dma_start3A_63 : memref<1x125xi32, #tpu.memory_space<vmem>> -> memref<125xi32, #tpu.memory_space<vmem>>
    %dma_start3A_65 = arith.constant 0 : i32
    %dma_start3A_66 = arith.constant 0 : i32
    %dma_start3A_67 = tpu.memref_slice %arg2[%dma_start3A_65, %dma_start3A_66] : memref<10240x32xf32, #tpu.memory_space<hbm>> -> memref<10240x32xf32, #tpu.memory_space<hbm>>
    tpu.enqueue_indirect_dma source(%dma_start3A_67 : memref<10240x32xf32, #tpu.memory_space<hbm>>) target(%arg10 : memref<125x32xf32, #tpu.memory_space<vmem>>) offsets(%dma_start3A_64 : memref<125xi32, #tpu.memory_space<vmem>>) semaphore(%arg20 : memref<!tpu.dma_semaphore, #tpu.memory_space<semaphore_mem>>)
    %dma_start3A_68 = arith.constant 4 : i32
    %dma_start3A_69 = arith.constant 0 : i32
    %dma_start3A_70 = tpu.memref_slice %arg5[%dma_start3A_68, %dma_start3A_69] : memref<80x125xi32, #tpu.memory_space<vmem>> -> memref<1x125xi32, #tpu.memory_space<vmem>>
    %dma_start3A_71 = tpu.memref_squeeze %dma_start3A_70 : memref<1x125xi32, #tpu.memory_space<vmem>> -> memref<125xi32, #tpu.memory_space<vmem>>
    %dma_start3A_72 = arith.constant 0 : i32
    %dma_start3A_73 = arith.constant 0 : i32
    %dma_start3A_74 = tpu.memref_slice %arg2[%dma_start3A_72, %dma_start3A_73] : memref<10240x32xf32, #tpu.memory_space<hbm>> -> memref<10240x32xf32, #tpu.memory_space<hbm>>
    tpu.enqueue_indirect_dma source(%dma_start3A_74 : memref<10240x32xf32, #tpu.memory_space<hbm>>) target(%arg11 : memref<125x32xf32, #tpu.memory_space<vmem>>) offsets(%dma_start3A_71 : memref<125xi32, #tpu.memory_space<vmem>>) semaphore(%arg21 : memref<!tpu.dma_semaphore, #tpu.memory_space<semaphore_mem>>)
    %dma_start3A_75 = arith.constant 5 : i32
    %dma_start3A_76 = arith.constant 0 : i32
    %dma_start3A_77 = tpu.memref_slice %arg5[%dma_start3A_75, %dma_start3A_76] : memref<80x125xi32, #tpu.memory_space<vmem>> -> memref<1x125xi32, #tpu.memory_space<vmem>>
    %dma_start3A_78 = tpu.memref_squeeze %dma_start3A_77 : memref<1x125xi32, #tpu.memory_space<vmem>> -> memref<125xi32, #tpu.memory_space<vmem>>
    %dma_start3A_79 = arith.constant 0 : i32
    %dma_start3A_80 = arith.constant 0 : i32
    %dma_start3A_81 = tpu.memref_slice %arg2[%dma_start3A_79, %dma_start3A_80] : memref<10240x32xf32, #tpu.memory_space<hbm>> -> memref<10240x32xf32, #tpu.memory_space<hbm>>
    tpu.enqueue_indirect_dma source(%dma_start3A_81 : memref<10240x32xf32, #tpu.memory_space<hbm>>) target(%arg12 : memref<125x32xf32, #tpu.memory_space<vmem>>) offsets(%dma_start3A_78 : memref<125xi32, #tpu.memory_space<vmem>>) semaphore(%arg22 : memref<!tpu.dma_semaphore, #tpu.memory_space<semaphore_mem>>)
    %dma_start3A_82 = arith.constant 6 : i32
    %dma_start3A_83 = arith.constant 0 : i32
    %dma_start3A_84 = tpu.memref_slice %arg5[%dma_start3A_82, %dma_start3A_83] : memref<80x125xi32, #tpu.memory_space<vmem>> -> memref<1x125xi32, #tpu.memory_space<vmem>>
    %dma_start3A_85 = tpu.memref_squeeze %dma_start3A_84 : memref<1x125xi32, #tpu.memory_space<vmem>> -> memref<125xi32, #tpu.memory_space<vmem>>
    %dma_start3A_86 = arith.constant 0 : i32
    %dma_start3A_87 = arith.constant 0 : i32
    %dma_start3A_88 = tpu.memref_slice %arg2[%dma_start3A_86, %dma_start3A_87] : memref<10240x32xf32, #tpu.memory_space<hbm>> -> memref<10240x32xf32, #tpu.memory_space<hbm>>
    tpu.enqueue_indirect_dma source(%dma_start3A_88 : memref<10240x32xf32, #tpu.memory_space<hbm>>) target(%arg13 : memref<125x32xf32, #tpu.memory_space<vmem>>) offsets(%dma_start3A_85 : memref<125xi32, #tpu.memory_space<vmem>>) semaphore(%arg23 : memref<!tpu.dma_semaphore, #tpu.memory_space<semaphore_mem>>)
    %barrier3A = arith.constant 0 : index
    tpu.barrier barrier_id(%barrier3A)
    %scan3A_89 = arith.constant 0 : i32
    %scan3A_90 = arith.constant 10 : i32
    %scan3A_91 = arith.addi %scan3A_89, %scan3A_90 : i32
    %scan3A_92 = arith.constant 1 : i32
    scf.for %scan3A_106 = %scan3A_89 to %scan3A_91 step %scan3A_92  : i32 {
      %mul3A_107 = arith.constant 8 : i32
      %mul3A_108 = arith.muli %scan3A_106, %mul3A_107 : i32
      %add3A_109 = arith.constant 0 : i32
      %add3A_110 = arith.addi %add3A_109, %mul3A_108 : i32
      %add3A_111 = arith.constant 0 : i32
      %add3A_112 = arith.addi %add3A_110, %add3A_111 : i32
      %dma_wait3A_113 = arith.constant 0 : i32
      %dma_wait3A_114 = tpu.memref_slice %arg5[%add3A_112, %dma_wait3A_113] : memref<80x125xi32, #tpu.memory_space<vmem>> -> memref<1x125xi32, #tpu.memory_space<vmem>>
      %dma_wait3A_115 = tpu.memref_squeeze %dma_wait3A_114 : memref<1x125xi32, #tpu.memory_space<vmem>> -> memref<125xi32, #tpu.memory_space<vmem>>
      %dma_wait3A_116 = arith.constant 0 : i32
      %dma_wait3A_117 = arith.constant 0 : i32
      %dma_wait3A_118 = tpu.memref_slice %arg2[%dma_wait3A_116, %dma_wait3A_117] : memref<10240x32xf32, #tpu.memory_space<hbm>> -> memref<10240x32xf32, #tpu.memory_space<hbm>>
      tpu.wait_indirect_dma semaphore(%arg17 : memref<!tpu.dma_semaphore, #tpu.memory_space<semaphore_mem>>) src(%dma_wait3A_118 : memref<10240x32xf32, #tpu.memory_space<hbm>>) dst(%arg7 : memref<125x32xf32, #tpu.memory_space<vmem>>)
      %dma_start3A_119 = arith.constant 0 : i32
      %dma_start3A_120 = tpu.memref_slice %arg6[%add3A_112, %dma_start3A_119] : memref<80x125xi32, #tpu.memory_space<vmem>> -> memref<1x125xi32, #tpu.memory_space<vmem>>
      %dma_start3A_121 = tpu.memref_squeeze %dma_start3A_120 : memref<1x125xi32, #tpu.memory_space<vmem>> -> memref<125xi32, #tpu.memory_space<vmem>>
      %dma_start3A_122 = arith.constant 0 : i32
      %dma_start3A_123 = arith.constant 0 : i32
      %dma_start3A_124 = tpu.memref_slice %arg16[%dma_start3A_122, %dma_start3A_123] : memref<10240x32xf32, #tpu.memory_space<vmem_shared>> -> memref<10240x32xf32, #tpu.memory_space<vmem_shared>>
      tpu.enqueue_indirect_dma source(%arg7 : memref<125x32xf32, #tpu.memory_space<vmem>>) target(%dma_start3A_124 : memref<10240x32xf32, #tpu.memory_space<vmem_shared>>) offsets(%dma_start3A_121 : memref<125xi32, #tpu.memory_space<vmem>>) semaphore(%arg25 : memref<!tpu.dma_semaphore, #tpu.memory_space<semaphore_mem>>) {add = true}
      %ge3A = arith.constant 1 : i32
      %ge3A_125 = arith.cmpi sge, %add3A_112, %ge3A : i32
      %convert_element_type3A = arith.extui %ge3A_125 : i1 to i32
      %cond3A = arith.constant 0 : i32
      %cond3A_126 = arith.cmpi ne, %convert_element_type3A, %cond3A : i32
      scf.if %cond3A_126 {
        %sub3A_330 = arith.constant 1 : i32
        %sub3A_331 = arith.subi %add3A_112, %sub3A_330 : i32
        %dma_wait3A_332 = arith.constant 0 : i32
        %dma_wait3A_333 = tpu.memref_slice %arg6[%sub3A_331, %dma_wait3A_332] : memref<80x125xi32, #tpu.memory_space<vmem>> -> memref<1x125xi32, #tpu.memory_space<vmem>>
        %dma_wait3A_334 = tpu.memref_squeeze %dma_wait3A_333 : memref<1x125xi32, #tpu.memory_space<vmem>> -> memref<125xi32, #tpu.memory_space<vmem>>
        %dma_wait3A_335 = arith.constant 0 : i32
        %dma_wait3A_336 = arith.constant 0 : i32
        %dma_wait3A_337 = tpu.memref_slice %arg16[%dma_wait3A_335, %dma_wait3A_336] : memref<10240x32xf32, #tpu.memory_space<vmem_shared>> -> memref<10240x32xf32, #tpu.memory_space<vmem_shared>>
        tpu.wait_indirect_dma semaphore(%arg32 : memref<!tpu.dma_semaphore, #tpu.memory_space<semaphore_mem>>) src(%arg14 : memref<125x32xf32, #tpu.memory_space<vmem>>) dst(%dma_wait3A_337 : memref<10240x32xf32, #tpu.memory_space<vmem_shared>>)
      } else {
      }
      %add3A_127 = arith.constant 8 : i32
      %add3A_128 = arith.addi %add3A_112, %add3A_127 : i32
      %sub3A = arith.constant 1 : i32
      %sub3A_129 = arith.subi %add3A_128, %sub3A : i32
      %lt3A = arith.constant 80 : i32
      %lt3A_130 = arith.cmpi slt, %sub3A_129, %lt3A : i32
      %convert_element_type3A_131 = arith.extui %lt3A_130 : i1 to i32
      %cond3A_132 = arith.constant 0 : i32
      %cond3A_133 = arith.cmpi ne, %convert_element_type3A_131, %cond3A_132 : i32
      scf.if %cond3A_133 {
        %add3A_330 = arith.constant 8 : i32
        %add3A_331 = arith.addi %add3A_112, %add3A_330 : i32
        %sub3A_332 = arith.constant 1 : i32
        %sub3A_333 = arith.subi %add3A_331, %sub3A_332 : i32
        %dma_start3A_334 = arith.constant 0 : i32
        %dma_start3A_335 = tpu.memref_slice %arg5[%sub3A_333, %dma_start3A_334] : memref<80x125xi32, #tpu.memory_space<vmem>> -> memref<1x125xi32, #tpu.memory_space<vmem>>
        %dma_start3A_336 = tpu.memref_squeeze %dma_start3A_335 : memref<1x125xi32, #tpu.memory_space<vmem>> -> memref<125xi32, #tpu.memory_space<vmem>>
        %dma_start3A_337 = arith.constant 0 : i32
        %dma_start3A_338 = arith.constant 0 : i32
        %dma_start3A_339 = tpu.memref_slice %arg2[%dma_start3A_337, %dma_start3A_338] : memref<10240x32xf32, #tpu.memory_space<hbm>> -> memref<10240x32xf32, #tpu.memory_space<hbm>>
        tpu.enqueue_indirect_dma source(%dma_start3A_339 : memref<10240x32xf32, #tpu.memory_space<hbm>>) target(%arg14 : memref<125x32xf32, #tpu.memory_space<vmem>>) offsets(%dma_start3A_336 : memref<125xi32, #tpu.memory_space<vmem>>) semaphore(%arg24 : memref<!tpu.dma_semaphore, #tpu.memory_space<semaphore_mem>>)
      } else {
      }
      %add3A_134 = arith.constant 1 : i32
      %add3A_135 = arith.addi %add3A_110, %add3A_134 : i32
      %dma_wait3A_136 = arith.constant 0 : i32
      %dma_wait3A_137 = tpu.memref_slice %arg5[%add3A_135, %dma_wait3A_136] : memref<80x125xi32, #tpu.memory_space<vmem>> -> memref<1x125xi32, #tpu.memory_space<vmem>>
      %dma_wait3A_138 = tpu.memref_squeeze %dma_wait3A_137 : memref<1x125xi32, #tpu.memory_space<vmem>> -> memref<125xi32, #tpu.memory_space<vmem>>
      %dma_wait3A_139 = arith.constant 0 : i32
      %dma_wait3A_140 = arith.constant 0 : i32
      %dma_wait3A_141 = tpu.memref_slice %arg2[%dma_wait3A_139, %dma_wait3A_140] : memref<10240x32xf32, #tpu.memory_space<hbm>> -> memref<10240x32xf32, #tpu.memory_space<hbm>>
      tpu.wait_indirect_dma semaphore(%arg18 : memref<!tpu.dma_semaphore, #tpu.memory_space<semaphore_mem>>) src(%dma_wait3A_141 : memref<10240x32xf32, #tpu.memory_space<hbm>>) dst(%arg8 : memref<125x32xf32, #tpu.memory_space<vmem>>)
      %dma_start3A_142 = arith.constant 0 : i32
      %dma_start3A_143 = tpu.memref_slice %arg6[%add3A_135, %dma_start3A_142] : memref<80x125xi32, #tpu.memory_space<vmem>> -> memref<1x125xi32, #tpu.memory_space<vmem>>
      %dma_start3A_144 = tpu.memref_squeeze %dma_start3A_143 : memref<1x125xi32, #tpu.memory_space<vmem>> -> memref<125xi32, #tpu.memory_space<vmem>>
      %dma_start3A_145 = arith.constant 0 : i32
      %dma_start3A_146 = arith.constant 0 : i32
      %dma_start3A_147 = tpu.memref_slice %arg16[%dma_start3A_145, %dma_start3A_146] : memref<10240x32xf32, #tpu.memory_space<vmem_shared>> -> memref<10240x32xf32, #tpu.memory_space<vmem_shared>>
      tpu.enqueue_indirect_dma source(%arg8 : memref<125x32xf32, #tpu.memory_space<vmem>>) target(%dma_start3A_147 : memref<10240x32xf32, #tpu.memory_space<vmem_shared>>) offsets(%dma_start3A_144 : memref<125xi32, #tpu.memory_space<vmem>>) semaphore(%arg26 : memref<!tpu.dma_semaphore, #tpu.memory_space<semaphore_mem>>) {add = true}
      %ge3A_148 = arith.constant 1 : i32
      %ge3A_149 = arith.cmpi sge, %add3A_135, %ge3A_148 : i32
      %convert_element_type3A_150 = arith.extui %ge3A_149 : i1 to i32
      %cond3A_151 = arith.constant 0 : i32
      %cond3A_152 = arith.cmpi ne, %convert_element_type3A_150, %cond3A_151 : i32
      scf.if %cond3A_152 {
        %sub3A_330 = arith.constant 1 : i32
        %sub3A_331 = arith.subi %add3A_135, %sub3A_330 : i32
        %dma_wait3A_332 = arith.constant 0 : i32
        %dma_wait3A_333 = tpu.memref_slice %arg6[%sub3A_331, %dma_wait3A_332] : memref<80x125xi32, #tpu.memory_space<vmem>> -> memref<1x125xi32, #tpu.memory_space<vmem>>
        %dma_wait3A_334 = tpu.memref_squeeze %dma_wait3A_333 : memref<1x125xi32, #tpu.memory_space<vmem>> -> memref<125xi32, #tpu.memory_space<vmem>>
        %dma_wait3A_335 = arith.constant 0 : i32
        %dma_wait3A_336 = arith.constant 0 : i32
        %dma_wait3A_337 = tpu.memref_slice %arg16[%dma_wait3A_335, %dma_wait3A_336] : memref<10240x32xf32, #tpu.memory_space<vmem_shared>> -> memref<10240x32xf32, #tpu.memory_space<vmem_shared>>
        tpu.wait_indirect_dma semaphore(%arg25 : memref<!tpu.dma_semaphore, #tpu.memory_space<semaphore_mem>>) src(%arg7 : memref<125x32xf32, #tpu.memory_space<vmem>>) dst(%dma_wait3A_337 : memref<10240x32xf32, #tpu.memory_space<vmem_shared>>)
      } else {
      }
      %add3A_153 = arith.constant 8 : i32
      %add3A_154 = arith.addi %add3A_135, %add3A_153 : i32
      %sub3A_155 = arith.constant 1 : i32
      %sub3A_156 = arith.subi %add3A_154, %sub3A_155 : i32
      %lt3A_157 = arith.constant 80 : i32
      %lt3A_158 = arith.cmpi slt, %sub3A_156, %lt3A_157 : i32
      %convert_element_type3A_159 = arith.extui %lt3A_158 : i1 to i32
      %cond3A_160 = arith.constant 0 : i32
      %cond3A_161 = arith.cmpi ne, %convert_element_type3A_159, %cond3A_160 : i32
      scf.if %cond3A_161 {
        %add3A_330 = arith.constant 8 : i32
        %add3A_331 = arith.addi %add3A_135, %add3A_330 : i32
        %sub3A_332 = arith.constant 1 : i32
        %sub3A_333 = arith.subi %add3A_331, %sub3A_332 : i32
        %dma_start3A_334 = arith.constant 0 : i32
        %dma_start3A_335 = tpu.memref_slice %arg5[%sub3A_333, %dma_start3A_334] : memref<80x125xi32, #tpu.memory_space<vmem>> -> memref<1x125xi32, #tpu.memory_space<vmem>>
        %dma_start3A_336 = tpu.memref_squeeze %dma_start3A_335 : memref<1x125xi32, #tpu.memory_space<vmem>> -> memref<125xi32, #tpu.memory_space<vmem>>
        %dma_start3A_337 = arith.constant 0 : i32
        %dma_start3A_338 = arith.constant 0 : i32
        %dma_start3A_339 = tpu.memref_slice %arg2[%dma_start3A_337, %dma_start3A_338] : memref<10240x32xf32, #tpu.memory_space<hbm>> -> memref<10240x32xf32, #tpu.memory_space<hbm>>
        tpu.enqueue_indirect_dma source(%dma_start3A_339 : memref<10240x32xf32, #tpu.memory_space<hbm>>) target(%arg7 : memref<125x32xf32, #tpu.memory_space<vmem>>) offsets(%dma_start3A_336 : memref<125xi32, #tpu.memory_space<vmem>>) semaphore(%arg17 : memref<!tpu.dma_semaphore, #tpu.memory_space<semaphore_mem>>)
      } else {
      }
      %add3A_162 = arith.constant 2 : i32
      %add3A_163 = arith.addi %add3A_110, %add3A_162 : i32
      %dma_wait3A_164 = arith.constant 0 : i32
      %dma_wait3A_165 = tpu.memref_slice %arg5[%add3A_163, %dma_wait3A_164] : memref<80x125xi32, #tpu.memory_space<vmem>> -> memref<1x125xi32, #tpu.memory_space<vmem>>
      %dma_wait3A_166 = tpu.memref_squeeze %dma_wait3A_165 : memref<1x125xi32, #tpu.memory_space<vmem>> -> memref<125xi32, #tpu.memory_space<vmem>>
      %dma_wait3A_167 = arith.constant 0 : i32
      %dma_wait3A_168 = arith.constant 0 : i32
      %dma_wait3A_169 = tpu.memref_slice %arg2[%dma_wait3A_167, %dma_wait3A_168] : memref<10240x32xf32, #tpu.memory_space<hbm>> -> memref<10240x32xf32, #tpu.memory_space<hbm>>
      tpu.wait_indirect_dma semaphore(%arg19 : memref<!tpu.dma_semaphore, #tpu.memory_space<semaphore_mem>>) src(%dma_wait3A_169 : memref<10240x32xf32, #tpu.memory_space<hbm>>) dst(%arg9 : memref<125x32xf32, #tpu.memory_space<vmem>>)
      %dma_start3A_170 = arith.constant 0 : i32
      %dma_start3A_171 = tpu.memref_slice %arg6[%add3A_163, %dma_start3A_170] : memref<80x125xi32, #tpu.memory_space<vmem>> -> memref<1x125xi32, #tpu.memory_space<vmem>>
      %dma_start3A_172 = tpu.memref_squeeze %dma_start3A_171 : memref<1x125xi32, #tpu.memory_space<vmem>> -> memref<125xi32, #tpu.memory_space<vmem>>
      %dma_start3A_173 = arith.constant 0 : i32
      %dma_start3A_174 = arith.constant 0 : i32
      %dma_start3A_175 = tpu.memref_slice %arg16[%dma_start3A_173, %dma_start3A_174] : memref<10240x32xf32, #tpu.memory_space<vmem_shared>> -> memref<10240x32xf32, #tpu.memory_space<vmem_shared>>
      tpu.enqueue_indirect_dma source(%arg9 : memref<125x32xf32, #tpu.memory_space<vmem>>) target(%dma_start3A_175 : memref<10240x32xf32, #tpu.memory_space<vmem_shared>>) offsets(%dma_start3A_172 : memref<125xi32, #tpu.memory_space<vmem>>) semaphore(%arg27 : memref<!tpu.dma_semaphore, #tpu.memory_space<semaphore_mem>>) {add = true}
      %ge3A_176 = arith.constant 1 : i32
      %ge3A_177 = arith.cmpi sge, %add3A_163, %ge3A_176 : i32
      %convert_element_type3A_178 = arith.extui %ge3A_177 : i1 to i32
      %cond3A_179 = arith.constant 0 : i32
      %cond3A_180 = arith.cmpi ne, %convert_element_type3A_178, %cond3A_179 : i32
      scf.if %cond3A_180 {
        %sub3A_330 = arith.constant 1 : i32
        %sub3A_331 = arith.subi %add3A_163, %sub3A_330 : i32
        %dma_wait3A_332 = arith.constant 0 : i32
        %dma_wait3A_333 = tpu.memref_slice %arg6[%sub3A_331, %dma_wait3A_332] : memref<80x125xi32, #tpu.memory_space<vmem>> -> memref<1x125xi32, #tpu.memory_space<vmem>>
        %dma_wait3A_334 = tpu.memref_squeeze %dma_wait3A_333 : memref<1x125xi32, #tpu.memory_space<vmem>> -> memref<125xi32, #tpu.memory_space<vmem>>
        %dma_wait3A_335 = arith.constant 0 : i32
        %dma_wait3A_336 = arith.constant 0 : i32
        %dma_wait3A_337 = tpu.memref_slice %arg16[%dma_wait3A_335, %dma_wait3A_336] : memref<10240x32xf32, #tpu.memory_space<vmem_shared>> -> memref<10240x32xf32, #tpu.memory_space<vmem_shared>>
        tpu.wait_indirect_dma semaphore(%arg26 : memref<!tpu.dma_semaphore, #tpu.memory_space<semaphore_mem>>) src(%arg8 : memref<125x32xf32, #tpu.memory_space<vmem>>) dst(%dma_wait3A_337 : memref<10240x32xf32, #tpu.memory_space<vmem_shared>>)
      } else {
      }
      %add3A_181 = arith.constant 8 : i32
      %add3A_182 = arith.addi %add3A_163, %add3A_181 : i32
      %sub3A_183 = arith.constant 1 : i32
      %sub3A_184 = arith.subi %add3A_182, %sub3A_183 : i32
      %lt3A_185 = arith.constant 80 : i32
      %lt3A_186 = arith.cmpi slt, %sub3A_184, %lt3A_185 : i32
      %convert_element_type3A_187 = arith.extui %lt3A_186 : i1 to i32
      %cond3A_188 = arith.constant 0 : i32
      %cond3A_189 = arith.cmpi ne, %convert_element_type3A_187, %cond3A_188 : i32
      scf.if %cond3A_189 {
        %add3A_330 = arith.constant 8 : i32
        %add3A_331 = arith.addi %add3A_163, %add3A_330 : i32
        %sub3A_332 = arith.constant 1 : i32
        %sub3A_333 = arith.subi %add3A_331, %sub3A_332 : i32
        %dma_start3A_334 = arith.constant 0 : i32
        %dma_start3A_335 = tpu.memref_slice %arg5[%sub3A_333, %dma_start3A_334] : memref<80x125xi32, #tpu.memory_space<vmem>> -> memref<1x125xi32, #tpu.memory_space<vmem>>
        %dma_start3A_336 = tpu.memref_squeeze %dma_start3A_335 : memref<1x125xi32, #tpu.memory_space<vmem>> -> memref<125xi32, #tpu.memory_space<vmem>>
        %dma_start3A_337 = arith.constant 0 : i32
        %dma_start3A_338 = arith.constant 0 : i32
        %dma_start3A_339 = tpu.memref_slice %arg2[%dma_start3A_337, %dma_start3A_338] : memref<10240x32xf32, #tpu.memory_space<hbm>> -> memref<10240x32xf32, #tpu.memory_space<hbm>>
        tpu.enqueue_indirect_dma source(%dma_start3A_339 : memref<10240x32xf32, #tpu.memory_space<hbm>>) target(%arg8 : memref<125x32xf32, #tpu.memory_space<vmem>>) offsets(%dma_start3A_336 : memref<125xi32, #tpu.memory_space<vmem>>) semaphore(%arg18 : memref<!tpu.dma_semaphore, #tpu.memory_space<semaphore_mem>>)
      } else {
      }
      %add3A_190 = arith.constant 3 : i32
      %add3A_191 = arith.addi %add3A_110, %add3A_190 : i32
      %dma_wait3A_192 = arith.constant 0 : i32
      %dma_wait3A_193 = tpu.memref_slice %arg5[%add3A_191, %dma_wait3A_192] : memref<80x125xi32, #tpu.memory_space<vmem>> -> memref<1x125xi32, #tpu.memory_space<vmem>>
      %dma_wait3A_194 = tpu.memref_squeeze %dma_wait3A_193 : memref<1x125xi32, #tpu.memory_space<vmem>> -> memref<125xi32, #tpu.memory_space<vmem>>
      %dma_wait3A_195 = arith.constant 0 : i32
      %dma_wait3A_196 = arith.constant 0 : i32
      %dma_wait3A_197 = tpu.memref_slice %arg2[%dma_wait3A_195, %dma_wait3A_196] : memref<10240x32xf32, #tpu.memory_space<hbm>> -> memref<10240x32xf32, #tpu.memory_space<hbm>>
      tpu.wait_indirect_dma semaphore(%arg20 : memref<!tpu.dma_semaphore, #tpu.memory_space<semaphore_mem>>) src(%dma_wait3A_197 : memref<10240x32xf32, #tpu.memory_space<hbm>>) dst(%arg10 : memref<125x32xf32, #tpu.memory_space<vmem>>)
      %dma_start3A_198 = arith.constant 0 : i32
      %dma_start3A_199 = tpu.memref_slice %arg6[%add3A_191, %dma_start3A_198] : memref<80x125xi32, #tpu.memory_space<vmem>> -> memref<1x125xi32, #tpu.memory_space<vmem>>
      %dma_start3A_200 = tpu.memref_squeeze %dma_start3A_199 : memref<1x125xi32, #tpu.memory_space<vmem>> -> memref<125xi32, #tpu.memory_space<vmem>>
      %dma_start3A_201 = arith.constant 0 : i32
      %dma_start3A_202 = arith.constant 0 : i32
      %dma_start3A_203 = tpu.memref_slice %arg16[%dma_start3A_201, %dma_start3A_202] : memref<10240x32xf32, #tpu.memory_space<vmem_shared>> -> memref<10240x32xf32, #tpu.memory_space<vmem_shared>>
      tpu.enqueue_indirect_dma source(%arg10 : memref<125x32xf32, #tpu.memory_space<vmem>>) target(%dma_start3A_203 : memref<10240x32xf32, #tpu.memory_space<vmem_shared>>) offsets(%dma_start3A_200 : memref<125xi32, #tpu.memory_space<vmem>>) semaphore(%arg28 : memref<!tpu.dma_semaphore, #tpu.memory_space<semaphore_mem>>) {add = true}
      %ge3A_204 = arith.constant 1 : i32
      %ge3A_205 = arith.cmpi sge, %add3A_191, %ge3A_204 : i32
      %convert_element_type3A_206 = arith.extui %ge3A_205 : i1 to i32
      %cond3A_207 = arith.constant 0 : i32
      %cond3A_208 = arith.cmpi ne, %convert_element_type3A_206, %cond3A_207 : i32
      scf.if %cond3A_208 {
        %sub3A_330 = arith.constant 1 : i32
        %sub3A_331 = arith.subi %add3A_191, %sub3A_330 : i32
        %dma_wait3A_332 = arith.constant 0 : i32
        %dma_wait3A_333 = tpu.memref_slice %arg6[%sub3A_331, %dma_wait3A_332] : memref<80x125xi32, #tpu.memory_space<vmem>> -> memref<1x125xi32, #tpu.memory_space<vmem>>
        %dma_wait3A_334 = tpu.memref_squeeze %dma_wait3A_333 : memref<1x125xi32, #tpu.memory_space<vmem>> -> memref<125xi32, #tpu.memory_space<vmem>>
        %dma_wait3A_335 = arith.constant 0 : i32
        %dma_wait3A_336 = arith.constant 0 : i32
        %dma_wait3A_337 = tpu.memref_slice %arg16[%dma_wait3A_335, %dma_wait3A_336] : memref<10240x32xf32, #tpu.memory_space<vmem_shared>> -> memref<10240x32xf32, #tpu.memory_space<vmem_shared>>
        tpu.wait_indirect_dma semaphore(%arg27 : memref<!tpu.dma_semaphore, #tpu.memory_space<semaphore_mem>>) src(%arg9 : memref<125x32xf32, #tpu.memory_space<vmem>>) dst(%dma_wait3A_337 : memref<10240x32xf32, #tpu.memory_space<vmem_shared>>)
      } else {
      }
      %add3A_209 = arith.constant 8 : i32
      %add3A_210 = arith.addi %add3A_191, %add3A_209 : i32
      %sub3A_211 = arith.constant 1 : i32
      %sub3A_212 = arith.subi %add3A_210, %sub3A_211 : i32
      %lt3A_213 = arith.constant 80 : i32
      %lt3A_214 = arith.cmpi slt, %sub3A_212, %lt3A_213 : i32
      %convert_element_type3A_215 = arith.extui %lt3A_214 : i1 to i32
      %cond3A_216 = arith.constant 0 : i32
      %cond3A_217 = arith.cmpi ne, %convert_element_type3A_215, %cond3A_216 : i32
      scf.if %cond3A_217 {
        %add3A_330 = arith.constant 8 : i32
        %add3A_331 = arith.addi %add3A_191, %add3A_330 : i32
        %sub3A_332 = arith.constant 1 : i32
        %sub3A_333 = arith.subi %add3A_331, %sub3A_332 : i32
        %dma_start3A_334 = arith.constant 0 : i32
        %dma_start3A_335 = tpu.memref_slice %arg5[%sub3A_333, %dma_start3A_334] : memref<80x125xi32, #tpu.memory_space<vmem>> -> memref<1x125xi32, #tpu.memory_space<vmem>>
        %dma_start3A_336 = tpu.memref_squeeze %dma_start3A_335 : memref<1x125xi32, #tpu.memory_space<vmem>> -> memref<125xi32, #tpu.memory_space<vmem>>
        %dma_start3A_337 = arith.constant 0 : i32
        %dma_start3A_338 = arith.constant 0 : i32
        %dma_start3A_339 = tpu.memref_slice %arg2[%dma_start3A_337, %dma_start3A_338] : memref<10240x32xf32, #tpu.memory_space<hbm>> -> memref<10240x32xf32, #tpu.memory_space<hbm>>
        tpu.enqueue_indirect_dma source(%dma_start3A_339 : memref<10240x32xf32, #tpu.memory_space<hbm>>) target(%arg9 : memref<125x32xf32, #tpu.memory_space<vmem>>) offsets(%dma_start3A_336 : memref<125xi32, #tpu.memory_space<vmem>>) semaphore(%arg19 : memref<!tpu.dma_semaphore, #tpu.memory_space<semaphore_mem>>)
      } else {
      }
      %add3A_218 = arith.constant 4 : i32
      %add3A_219 = arith.addi %add3A_110, %add3A_218 : i32
      %dma_wait3A_220 = arith.constant 0 : i32
      %dma_wait3A_221 = tpu.memref_slice %arg5[%add3A_219, %dma_wait3A_220] : memref<80x125xi32, #tpu.memory_space<vmem>> -> memref<1x125xi32, #tpu.memory_space<vmem>>
      %dma_wait3A_222 = tpu.memref_squeeze %dma_wait3A_221 : memref<1x125xi32, #tpu.memory_space<vmem>> -> memref<125xi32, #tpu.memory_space<vmem>>
      %dma_wait3A_223 = arith.constant 0 : i32
      %dma_wait3A_224 = arith.constant 0 : i32
      %dma_wait3A_225 = tpu.memref_slice %arg2[%dma_wait3A_223, %dma_wait3A_224] : memref<10240x32xf32, #tpu.memory_space<hbm>> -> memref<10240x32xf32, #tpu.memory_space<hbm>>
      tpu.wait_indirect_dma semaphore(%arg21 : memref<!tpu.dma_semaphore, #tpu.memory_space<semaphore_mem>>) src(%dma_wait3A_225 : memref<10240x32xf32, #tpu.memory_space<hbm>>) dst(%arg11 : memref<125x32xf32, #tpu.memory_space<vmem>>)
      %dma_start3A_226 = arith.constant 0 : i32
      %dma_start3A_227 = tpu.memref_slice %arg6[%add3A_219, %dma_start3A_226] : memref<80x125xi32, #tpu.memory_space<vmem>> -> memref<1x125xi32, #tpu.memory_space<vmem>>
      %dma_start3A_228 = tpu.memref_squeeze %dma_start3A_227 : memref<1x125xi32, #tpu.memory_space<vmem>> -> memref<125xi32, #tpu.memory_space<vmem>>
      %dma_start3A_229 = arith.constant 0 : i32
      %dma_start3A_230 = arith.constant 0 : i32
      %dma_start3A_231 = tpu.memref_slice %arg16[%dma_start3A_229, %dma_start3A_230] : memref<10240x32xf32, #tpu.memory_space<vmem_shared>> -> memref<10240x32xf32, #tpu.memory_space<vmem_shared>>
      tpu.enqueue_indirect_dma source(%arg11 : memref<125x32xf32, #tpu.memory_space<vmem>>) target(%dma_start3A_231 : memref<10240x32xf32, #tpu.memory_space<vmem_shared>>) offsets(%dma_start3A_228 : memref<125xi32, #tpu.memory_space<vmem>>) semaphore(%arg29 : memref<!tpu.dma_semaphore, #tpu.memory_space<semaphore_mem>>) {add = true}
      %ge3A_232 = arith.constant 1 : i32
      %ge3A_233 = arith.cmpi sge, %add3A_219, %ge3A_232 : i32
      %convert_element_type3A_234 = arith.extui %ge3A_233 : i1 to i32
      %cond3A_235 = arith.constant 0 : i32
      %cond3A_236 = arith.cmpi ne, %convert_element_type3A_234, %cond3A_235 : i32
      scf.if %cond3A_236 {
        %sub3A_330 = arith.constant 1 : i32
        %sub3A_331 = arith.subi %add3A_219, %sub3A_330 : i32
        %dma_wait3A_332 = arith.constant 0 : i32
        %dma_wait3A_333 = tpu.memref_slice %arg6[%sub3A_331, %dma_wait3A_332] : memref<80x125xi32, #tpu.memory_space<vmem>> -> memref<1x125xi32, #tpu.memory_space<vmem>>
        %dma_wait3A_334 = tpu.memref_squeeze %dma_wait3A_333 : memref<1x125xi32, #tpu.memory_space<vmem>> -> memref<125xi32, #tpu.memory_space<vmem>>
        %dma_wait3A_335 = arith.constant 0 : i32
        %dma_wait3A_336 = arith.constant 0 : i32
        %dma_wait3A_337 = tpu.memref_slice %arg16[%dma_wait3A_335, %dma_wait3A_336] : memref<10240x32xf32, #tpu.memory_space<vmem_shared>> -> memref<10240x32xf32, #tpu.memory_space<vmem_shared>>
        tpu.wait_indirect_dma semaphore(%arg28 : memref<!tpu.dma_semaphore, #tpu.memory_space<semaphore_mem>>) src(%arg10 : memref<125x32xf32, #tpu.memory_space<vmem>>) dst(%dma_wait3A_337 : memref<10240x32xf32, #tpu.memory_space<vmem_shared>>)
      } else {
      }
      %add3A_237 = arith.constant 8 : i32
      %add3A_238 = arith.addi %add3A_219, %add3A_237 : i32
      %sub3A_239 = arith.constant 1 : i32
      %sub3A_240 = arith.subi %add3A_238, %sub3A_239 : i32
      %lt3A_241 = arith.constant 80 : i32
      %lt3A_242 = arith.cmpi slt, %sub3A_240, %lt3A_241 : i32
      %convert_element_type3A_243 = arith.extui %lt3A_242 : i1 to i32
      %cond3A_244 = arith.constant 0 : i32
      %cond3A_245 = arith.cmpi ne, %convert_element_type3A_243, %cond3A_244 : i32
      scf.if %cond3A_245 {
        %add3A_330 = arith.constant 8 : i32
        %add3A_331 = arith.addi %add3A_219, %add3A_330 : i32
        %sub3A_332 = arith.constant 1 : i32
        %sub3A_333 = arith.subi %add3A_331, %sub3A_332 : i32
        %dma_start3A_334 = arith.constant 0 : i32
        %dma_start3A_335 = tpu.memref_slice %arg5[%sub3A_333, %dma_start3A_334] : memref<80x125xi32, #tpu.memory_space<vmem>> -> memref<1x125xi32, #tpu.memory_space<vmem>>
        %dma_start3A_336 = tpu.memref_squeeze %dma_start3A_335 : memref<1x125xi32, #tpu.memory_space<vmem>> -> memref<125xi32, #tpu.memory_space<vmem>>
        %dma_start3A_337 = arith.constant 0 : i32
        %dma_start3A_338 = arith.constant 0 : i32
        %dma_start3A_339 = tpu.memref_slice %arg2[%dma_start3A_337, %dma_start3A_338] : memref<10240x32xf32, #tpu.memory_space<hbm>> -> memref<10240x32xf32, #tpu.memory_space<hbm>>
        tpu.enqueue_indirect_dma source(%dma_start3A_339 : memref<10240x32xf32, #tpu.memory_space<hbm>>) target(%arg10 : memref<125x32xf32, #tpu.memory_space<vmem>>) offsets(%dma_start3A_336 : memref<125xi32, #tpu.memory_space<vmem>>) semaphore(%arg20 : memref<!tpu.dma_semaphore, #tpu.memory_space<semaphore_mem>>)
      } else {
      }
      %add3A_246 = arith.constant 5 : i32
      %add3A_247 = arith.addi %add3A_110, %add3A_246 : i32
      %dma_wait3A_248 = arith.constant 0 : i32
      %dma_wait3A_249 = tpu.memref_slice %arg5[%add3A_247, %dma_wait3A_248] : memref<80x125xi32, #tpu.memory_space<vmem>> -> memref<1x125xi32, #tpu.memory_space<vmem>>
      %dma_wait3A_250 = tpu.memref_squeeze %dma_wait3A_249 : memref<1x125xi32, #tpu.memory_space<vmem>> -> memref<125xi32, #tpu.memory_space<vmem>>
      %dma_wait3A_251 = arith.constant 0 : i32
      %dma_wait3A_252 = arith.constant 0 : i32
      %dma_wait3A_253 = tpu.memref_slice %arg2[%dma_wait3A_251, %dma_wait3A_252] : memref<10240x32xf32, #tpu.memory_space<hbm>> -> memref<10240x32xf32, #tpu.memory_space<hbm>>
      tpu.wait_indirect_dma semaphore(%arg22 : memref<!tpu.dma_semaphore, #tpu.memory_space<semaphore_mem>>) src(%dma_wait3A_253 : memref<10240x32xf32, #tpu.memory_space<hbm>>) dst(%arg12 : memref<125x32xf32, #tpu.memory_space<vmem>>)
      %dma_start3A_254 = arith.constant 0 : i32
      %dma_start3A_255 = tpu.memref_slice %arg6[%add3A_247, %dma_start3A_254] : memref<80x125xi32, #tpu.memory_space<vmem>> -> memref<1x125xi32, #tpu.memory_space<vmem>>
      %dma_start3A_256 = tpu.memref_squeeze %dma_start3A_255 : memref<1x125xi32, #tpu.memory_space<vmem>> -> memref<125xi32, #tpu.memory_space<vmem>>
      %dma_start3A_257 = arith.constant 0 : i32
      %dma_start3A_258 = arith.constant 0 : i32
      %dma_start3A_259 = tpu.memref_slice %arg16[%dma_start3A_257, %dma_start3A_258] : memref<10240x32xf32, #tpu.memory_space<vmem_shared>> -> memref<10240x32xf32, #tpu.memory_space<vmem_shared>>
      tpu.enqueue_indirect_dma source(%arg12 : memref<125x32xf32, #tpu.memory_space<vmem>>) target(%dma_start3A_259 : memref<10240x32xf32, #tpu.memory_space<vmem_shared>>) offsets(%dma_start3A_256 : memref<125xi32, #tpu.memory_space<vmem>>) semaphore(%arg30 : memref<!tpu.dma_semaphore, #tpu.memory_space<semaphore_mem>>) {add = true}
      %ge3A_260 = arith.constant 1 : i32
      %ge3A_261 = arith.cmpi sge, %add3A_247, %ge3A_260 : i32
      %convert_element_type3A_262 = arith.extui %ge3A_261 : i1 to i32
      %cond3A_263 = arith.constant 0 : i32
      %cond3A_264 = arith.cmpi ne, %convert_element_type3A_262, %cond3A_263 : i32
      scf.if %cond3A_264 {
        %sub3A_330 = arith.constant 1 : i32
        %sub3A_331 = arith.subi %add3A_247, %sub3A_330 : i32
        %dma_wait3A_332 = arith.constant 0 : i32
        %dma_wait3A_333 = tpu.memref_slice %arg6[%sub3A_331, %dma_wait3A_332] : memref<80x125xi32, #tpu.memory_space<vmem>> -> memref<1x125xi32, #tpu.memory_space<vmem>>
        %dma_wait3A_334 = tpu.memref_squeeze %dma_wait3A_333 : memref<1x125xi32, #tpu.memory_space<vmem>> -> memref<125xi32, #tpu.memory_space<vmem>>
        %dma_wait3A_335 = arith.constant 0 : i32
        %dma_wait3A_336 = arith.constant 0 : i32
        %dma_wait3A_337 = tpu.memref_slice %arg16[%dma_wait3A_335, %dma_wait3A_336] : memref<10240x32xf32, #tpu.memory_space<vmem_shared>> -> memref<10240x32xf32, #tpu.memory_space<vmem_shared>>
        tpu.wait_indirect_dma semaphore(%arg29 : memref<!tpu.dma_semaphore, #tpu.memory_space<semaphore_mem>>) src(%arg11 : memref<125x32xf32, #tpu.memory_space<vmem>>) dst(%dma_wait3A_337 : memref<10240x32xf32, #tpu.memory_space<vmem_shared>>)
      } else {
      }
      %add3A_265 = arith.constant 8 : i32
      %add3A_266 = arith.addi %add3A_247, %add3A_265 : i32
      %sub3A_267 = arith.constant 1 : i32
      %sub3A_268 = arith.subi %add3A_266, %sub3A_267 : i32
      %lt3A_269 = arith.constant 80 : i32
      %lt3A_270 = arith.cmpi slt, %sub3A_268, %lt3A_269 : i32
      %convert_element_type3A_271 = arith.extui %lt3A_270 : i1 to i32
      %cond3A_272 = arith.constant 0 : i32
      %cond3A_273 = arith.cmpi ne, %convert_element_type3A_271, %cond3A_272 : i32
      scf.if %cond3A_273 {
        %add3A_330 = arith.constant 8 : i32
        %add3A_331 = arith.addi %add3A_247, %add3A_330 : i32
        %sub3A_332 = arith.constant 1 : i32
        %sub3A_333 = arith.subi %add3A_331, %sub3A_332 : i32
        %dma_start3A_334 = arith.constant 0 : i32
        %dma_start3A_335 = tpu.memref_slice %arg5[%sub3A_333, %dma_start3A_334] : memref<80x125xi32, #tpu.memory_space<vmem>> -> memref<1x125xi32, #tpu.memory_space<vmem>>
        %dma_start3A_336 = tpu.memref_squeeze %dma_start3A_335 : memref<1x125xi32, #tpu.memory_space<vmem>> -> memref<125xi32, #tpu.memory_space<vmem>>
        %dma_start3A_337 = arith.constant 0 : i32
        %dma_start3A_338 = arith.constant 0 : i32
        %dma_start3A_339 = tpu.memref_slice %arg2[%dma_start3A_337, %dma_start3A_338] : memref<10240x32xf32, #tpu.memory_space<hbm>> -> memref<10240x32xf32, #tpu.memory_space<hbm>>
        tpu.enqueue_indirect_dma source(%dma_start3A_339 : memref<10240x32xf32, #tpu.memory_space<hbm>>) target(%arg11 : memref<125x32xf32, #tpu.memory_space<vmem>>) offsets(%dma_start3A_336 : memref<125xi32, #tpu.memory_space<vmem>>) semaphore(%arg21 : memref<!tpu.dma_semaphore, #tpu.memory_space<semaphore_mem>>)
      } else {
      }
      %add3A_274 = arith.constant 6 : i32
      %add3A_275 = arith.addi %add3A_110, %add3A_274 : i32
      %dma_wait3A_276 = arith.constant 0 : i32
      %dma_wait3A_277 = tpu.memref_slice %arg5[%add3A_275, %dma_wait3A_276] : memref<80x125xi32, #tpu.memory_space<vmem>> -> memref<1x125xi32, #tpu.memory_space<vmem>>
      %dma_wait3A_278 = tpu.memref_squeeze %dma_wait3A_277 : memref<1x125xi32, #tpu.memory_space<vmem>> -> memref<125xi32, #tpu.memory_space<vmem>>
      %dma_wait3A_279 = arith.constant 0 : i32
      %dma_wait3A_280 = arith.constant 0 : i32
      %dma_wait3A_281 = tpu.memref_slice %arg2[%dma_wait3A_279, %dma_wait3A_280] : memref<10240x32xf32, #tpu.memory_space<hbm>> -> memref<10240x32xf32, #tpu.memory_space<hbm>>
      tpu.wait_indirect_dma semaphore(%arg23 : memref<!tpu.dma_semaphore, #tpu.memory_space<semaphore_mem>>) src(%dma_wait3A_281 : memref<10240x32xf32, #tpu.memory_space<hbm>>) dst(%arg13 : memref<125x32xf32, #tpu.memory_space<vmem>>)
      %dma_start3A_282 = arith.constant 0 : i32
      %dma_start3A_283 = tpu.memref_slice %arg6[%add3A_275, %dma_start3A_282] : memref<80x125xi32, #tpu.memory_space<vmem>> -> memref<1x125xi32, #tpu.memory_space<vmem>>
      %dma_start3A_284 = tpu.memref_squeeze %dma_start3A_283 : memref<1x125xi32, #tpu.memory_space<vmem>> -> memref<125xi32, #tpu.memory_space<vmem>>
      %dma_start3A_285 = arith.constant 0 : i32
      %dma_start3A_286 = arith.constant 0 : i32
      %dma_start3A_287 = tpu.memref_slice %arg16[%dma_start3A_285, %dma_start3A_286] : memref<10240x32xf32, #tpu.memory_space<vmem_shared>> -> memref<10240x32xf32, #tpu.memory_space<vmem_shared>>
      tpu.enqueue_indirect_dma source(%arg13 : memref<125x32xf32, #tpu.memory_space<vmem>>) target(%dma_start3A_287 : memref<10240x32xf32, #tpu.memory_space<vmem_shared>>) offsets(%dma_start3A_284 : memref<125xi32, #tpu.memory_space<vmem>>) semaphore(%arg31 : memref<!tpu.dma_semaphore, #tpu.memory_space<semaphore_mem>>) {add = true}
      %ge3A_288 = arith.constant 1 : i32
      %ge3A_289 = arith.cmpi sge, %add3A_275, %ge3A_288 : i32
      %convert_element_type3A_290 = arith.extui %ge3A_289 : i1 to i32
      %cond3A_291 = arith.constant 0 : i32
      %cond3A_292 = arith.cmpi ne, %convert_element_type3A_290, %cond3A_291 : i32
      scf.if %cond3A_292 {
        %sub3A_330 = arith.constant 1 : i32
        %sub3A_331 = arith.subi %add3A_275, %sub3A_330 : i32
        %dma_wait3A_332 = arith.constant 0 : i32
        %dma_wait3A_333 = tpu.memref_slice %arg6[%sub3A_331, %dma_wait3A_332] : memref<80x125xi32, #tpu.memory_space<vmem>> -> memref<1x125xi32, #tpu.memory_space<vmem>>
        %dma_wait3A_334 = tpu.memref_squeeze %dma_wait3A_333 : memref<1x125xi32, #tpu.memory_space<vmem>> -> memref<125xi32, #tpu.memory_space<vmem>>
        %dma_wait3A_335 = arith.constant 0 : i32
        %dma_wait3A_336 = arith.constant 0 : i32
        %dma_wait3A_337 = tpu.memref_slice %arg16[%dma_wait3A_335, %dma_wait3A_336] : memref<10240x32xf32, #tpu.memory_space<vmem_shared>> -> memref<10240x32xf32, #tpu.memory_space<vmem_shared>>
        tpu.wait_indirect_dma semaphore(%arg30 : memref<!tpu.dma_semaphore, #tpu.memory_space<semaphore_mem>>) src(%arg12 : memref<125x32xf32, #tpu.memory_space<vmem>>) dst(%dma_wait3A_337 : memref<10240x32xf32, #tpu.memory_space<vmem_shared>>)
      } else {
      }
      %add3A_293 = arith.constant 8 : i32
      %add3A_294 = arith.addi %add3A_275, %add3A_293 : i32
      %sub3A_295 = arith.constant 1 : i32
      %sub3A_296 = arith.subi %add3A_294, %sub3A_295 : i32
      %lt3A_297 = arith.constant 80 : i32
      %lt3A_298 = arith.cmpi slt, %sub3A_296, %lt3A_297 : i32
      %convert_element_type3A_299 = arith.extui %lt3A_298 : i1 to i32
      %cond3A_300 = arith.constant 0 : i32
      %cond3A_301 = arith.cmpi ne, %convert_element_type3A_299, %cond3A_300 : i32
      scf.if %cond3A_301 {
        %add3A_330 = arith.constant 8 : i32
        %add3A_331 = arith.addi %add3A_275, %add3A_330 : i32
        %sub3A_332 = arith.constant 1 : i32
        %sub3A_333 = arith.subi %add3A_331, %sub3A_332 : i32
        %dma_start3A_334 = arith.constant 0 : i32
        %dma_start3A_335 = tpu.memref_slice %arg5[%sub3A_333, %dma_start3A_334] : memref<80x125xi32, #tpu.memory_space<vmem>> -> memref<1x125xi32, #tpu.memory_space<vmem>>
        %dma_start3A_336 = tpu.memref_squeeze %dma_start3A_335 : memref<1x125xi32, #tpu.memory_space<vmem>> -> memref<125xi32, #tpu.memory_space<vmem>>
        %dma_start3A_337 = arith.constant 0 : i32
        %dma_start3A_338 = arith.constant 0 : i32
        %dma_start3A_339 = tpu.memref_slice %arg2[%dma_start3A_337, %dma_start3A_338] : memref<10240x32xf32, #tpu.memory_space<hbm>> -> memref<10240x32xf32, #tpu.memory_space<hbm>>
        tpu.enqueue_indirect_dma source(%dma_start3A_339 : memref<10240x32xf32, #tpu.memory_space<hbm>>) target(%arg12 : memref<125x32xf32, #tpu.memory_space<vmem>>) offsets(%dma_start3A_336 : memref<125xi32, #tpu.memory_space<vmem>>) semaphore(%arg22 : memref<!tpu.dma_semaphore, #tpu.memory_space<semaphore_mem>>)
      } else {
      }
      %add3A_302 = arith.constant 7 : i32
      %add3A_303 = arith.addi %add3A_110, %add3A_302 : i32
      %dma_wait3A_304 = arith.constant 0 : i32
      %dma_wait3A_305 = tpu.memref_slice %arg5[%add3A_303, %dma_wait3A_304] : memref<80x125xi32, #tpu.memory_space<vmem>> -> memref<1x125xi32, #tpu.memory_space<vmem>>
      %dma_wait3A_306 = tpu.memref_squeeze %dma_wait3A_305 : memref<1x125xi32, #tpu.memory_space<vmem>> -> memref<125xi32, #tpu.memory_space<vmem>>
      %dma_wait3A_307 = arith.constant 0 : i32
      %dma_wait3A_308 = arith.constant 0 : i32
      %dma_wait3A_309 = tpu.memref_slice %arg2[%dma_wait3A_307, %dma_wait3A_308] : memref<10240x32xf32, #tpu.memory_space<hbm>> -> memref<10240x32xf32, #tpu.memory_space<hbm>>
      tpu.wait_indirect_dma semaphore(%arg24 : memref<!tpu.dma_semaphore, #tpu.memory_space<semaphore_mem>>) src(%dma_wait3A_309 : memref<10240x32xf32, #tpu.memory_space<hbm>>) dst(%arg14 : memref<125x32xf32, #tpu.memory_space<vmem>>)
      %dma_start3A_310 = arith.constant 0 : i32
      %dma_start3A_311 = tpu.memref_slice %arg6[%add3A_303, %dma_start3A_310] : memref<80x125xi32, #tpu.memory_space<vmem>> -> memref<1x125xi32, #tpu.memory_space<vmem>>
      %dma_start3A_312 = tpu.memref_squeeze %dma_start3A_311 : memref<1x125xi32, #tpu.memory_space<vmem>> -> memref<125xi32, #tpu.memory_space<vmem>>
      %dma_start3A_313 = arith.constant 0 : i32
      %dma_start3A_314 = arith.constant 0 : i32
      %dma_start3A_315 = tpu.memref_slice %arg16[%dma_start3A_313, %dma_start3A_314] : memref<10240x32xf32, #tpu.memory_space<vmem_shared>> -> memref<10240x32xf32, #tpu.memory_space<vmem_shared>>
      tpu.enqueue_indirect_dma source(%arg14 : memref<125x32xf32, #tpu.memory_space<vmem>>) target(%dma_start3A_315 : memref<10240x32xf32, #tpu.memory_space<vmem_shared>>) offsets(%dma_start3A_312 : memref<125xi32, #tpu.memory_space<vmem>>) semaphore(%arg32 : memref<!tpu.dma_semaphore, #tpu.memory_space<semaphore_mem>>) {add = true}
      %ge3A_316 = arith.constant 1 : i32
      %ge3A_317 = arith.cmpi sge, %add3A_303, %ge3A_316 : i32
      %convert_element_type3A_318 = arith.extui %ge3A_317 : i1 to i32
      %cond3A_319 = arith.constant 0 : i32
      %cond3A_320 = arith.cmpi ne, %convert_element_type3A_318, %cond3A_319 : i32
      scf.if %cond3A_320 {
        %sub3A_330 = arith.constant 1 : i32
        %sub3A_331 = arith.subi %add3A_303, %sub3A_330 : i32
        %dma_wait3A_332 = arith.constant 0 : i32
        %dma_wait3A_333 = tpu.memref_slice %arg6[%sub3A_331, %dma_wait3A_332] : memref<80x125xi32, #tpu.memory_space<vmem>> -> memref<1x125xi32, #tpu.memory_space<vmem>>
        %dma_wait3A_334 = tpu.memref_squeeze %dma_wait3A_333 : memref<1x125xi32, #tpu.memory_space<vmem>> -> memref<125xi32, #tpu.memory_space<vmem>>
        %dma_wait3A_335 = arith.constant 0 : i32
        %dma_wait3A_336 = arith.constant 0 : i32
        %dma_wait3A_337 = tpu.memref_slice %arg16[%dma_wait3A_335, %dma_wait3A_336] : memref<10240x32xf32, #tpu.memory_space<vmem_shared>> -> memref<10240x32xf32, #tpu.memory_space<vmem_shared>>
        tpu.wait_indirect_dma semaphore(%arg31 : memref<!tpu.dma_semaphore, #tpu.memory_space<semaphore_mem>>) src(%arg13 : memref<125x32xf32, #tpu.memory_space<vmem>>) dst(%dma_wait3A_337 : memref<10240x32xf32, #tpu.memory_space<vmem_shared>>)
      } else {
      }
      %add3A_321 = arith.constant 8 : i32
      %add3A_322 = arith.addi %add3A_303, %add3A_321 : i32
      %sub3A_323 = arith.constant 1 : i32
      %sub3A_324 = arith.subi %add3A_322, %sub3A_323 : i32
      %lt3A_325 = arith.constant 80 : i32
      %lt3A_326 = arith.cmpi slt, %sub3A_324, %lt3A_325 : i32
      %convert_element_type3A_327 = arith.extui %lt3A_326 : i1 to i32
      %cond3A_328 = arith.constant 0 : i32
      %cond3A_329 = arith.cmpi ne, %convert_element_type3A_327, %cond3A_328 : i32
      scf.if %cond3A_329 {
        %add3A_330 = arith.constant 8 : i32
        %add3A_331 = arith.addi %add3A_303, %add3A_330 : i32
        %sub3A_332 = arith.constant 1 : i32
        %sub3A_333 = arith.subi %add3A_331, %sub3A_332 : i32
        %dma_start3A_334 = arith.constant 0 : i32
        %dma_start3A_335 = tpu.memref_slice %arg5[%sub3A_333, %dma_start3A_334] : memref<80x125xi32, #tpu.memory_space<vmem>> -> memref<1x125xi32, #tpu.memory_space<vmem>>
        %dma_start3A_336 = tpu.memref_squeeze %dma_start3A_335 : memref<1x125xi32, #tpu.memory_space<vmem>> -> memref<125xi32, #tpu.memory_space<vmem>>
        %dma_start3A_337 = arith.constant 0 : i32
        %dma_start3A_338 = arith.constant 0 : i32
        %dma_start3A_339 = tpu.memref_slice %arg2[%dma_start3A_337, %dma_start3A_338] : memref<10240x32xf32, #tpu.memory_space<hbm>> -> memref<10240x32xf32, #tpu.memory_space<hbm>>
        tpu.enqueue_indirect_dma source(%dma_start3A_339 : memref<10240x32xf32, #tpu.memory_space<hbm>>) target(%arg13 : memref<125x32xf32, #tpu.memory_space<vmem>>) offsets(%dma_start3A_336 : memref<125xi32, #tpu.memory_space<vmem>>) semaphore(%arg23 : memref<!tpu.dma_semaphore, #tpu.memory_space<semaphore_mem>>)
      } else {
      }
    }
    %scan3A_93 = arith.constant 10 : i32
    %dma_wait3A_94 = arith.constant 79 : i32
    %dma_wait3A_95 = arith.constant 0 : i32
    %dma_wait3A_96 = tpu.memref_slice %arg6[%dma_wait3A_94, %dma_wait3A_95] : memref<80x125xi32, #tpu.memory_space<vmem>> -> memref<1x125xi32, #tpu.memory_space<vmem>>
    %dma_wait3A_97 = tpu.memref_squeeze %dma_wait3A_96 : memref<1x125xi32, #tpu.memory_space<vmem>> -> memref<125xi32, #tpu.memory_space<vmem>>
    %dma_wait3A_98 = arith.constant 0 : i32
    %dma_wait3A_99 = arith.constant 0 : i32
    %dma_wait3A_100 = tpu.memref_slice %arg16[%dma_wait3A_98, %dma_wait3A_99] : memref<10240x32xf32, #tpu.memory_space<vmem_shared>> -> memref<10240x32xf32, #tpu.memory_space<vmem_shared>>
    tpu.wait_indirect_dma semaphore(%arg32 : memref<!tpu.dma_semaphore, #tpu.memory_space<semaphore_mem>>) src(%arg14 : memref<125x32xf32, #tpu.memory_space<vmem>>) dst(%dma_wait3A_100 : memref<10240x32xf32, #tpu.memory_space<vmem_shared>>)
    %barrier3A_101 = arith.constant 0 : index
    tpu.barrier barrier_id(%barrier3A_101)
    %mul3A_102 = arith.constant 640 : i32
    %mul3A_103 = arith.muli %arg1, %mul3A_102 : i32
    %mul3A_104 = arith.constant 640 : i32
    %mul3A_105 = arith.muli %arg1, %mul3A_104 : i32
    "tpu.region"() ({
      %run_scoped3A = tpu.sem_alloc : memref<!tpu.dma_semaphore, #tpu.memory_space<semaphore_mem>>
      %dma_start3A_106 = arith.constant 0 : i32
      %dma_start3A_107 = tpu.memref_slice %arg4[%arg0, %mul3A_105, %dma_start3A_106] : memref<2x10240x32xf32, #tpu.memory_space<hbm>> -> memref<1x640x32xf32, #tpu.memory_space<hbm>>
      %dma_start3A_108 = tpu.memref_squeeze %dma_start3A_107 : memref<1x640x32xf32, #tpu.memory_space<hbm>> -> memref<640x32xf32, #tpu.memory_space<hbm>>
      %dma_start3A_109 = arith.constant 0 : i32
      %dma_start3A_110 = tpu.memref_slice %arg16[%mul3A_103, %dma_start3A_109] : memref<10240x32xf32, #tpu.memory_space<vmem_shared>> -> memref<640x32xf32, #tpu.memory_space<vmem_shared>>
      tpu.enqueue_dma source(%dma_start3A_110 : memref<640x32xf32, #tpu.memory_space<vmem_shared>>) target(%dma_start3A_108 : memref<640x32xf32, #tpu.memory_space<hbm>>) target_semaphore(%run_scoped3A : memref<!tpu.dma_semaphore, #tpu.memory_space<semaphore_mem>>)
      %dma_wait3A_111 = arith.constant 0 : i32
      %dma_wait3A_112 = tpu.memref_slice %arg4[%arg0, %mul3A_105, %dma_wait3A_111] : memref<2x10240x32xf32, #tpu.memory_space<hbm>> -> memref<1x640x32xf32, #tpu.memory_space<hbm>>
      %dma_wait3A_113 = tpu.memref_squeeze %dma_wait3A_112 : memref<1x640x32xf32, #tpu.memory_space<hbm>> -> memref<640x32xf32, #tpu.memory_space<hbm>>
      %dma_wait3A_114 = arith.constant 0 : i32
      %dma_wait3A_115 = tpu.memref_slice %arg16[%mul3A_103, %dma_wait3A_114] : memref<10240x32xf32, #tpu.memory_space<vmem_shared>> -> memref<640x32xf32, #tpu.memory_space<vmem_shared>>
      tpu.wait_dma2 semaphore(%run_scoped3A : memref<!tpu.dma_semaphore, #tpu.memory_space<semaphore_mem>>) src(%dma_wait3A_115 : memref<640x32xf32, #tpu.memory_space<vmem_shared>>) dst(%dma_wait3A_113 : memref<640x32xf32, #tpu.memory_space<hbm>>)
      tpu.yield
    }) : () -> ()
    return
  }
}

module attributes {stable_mosaic.version = 14 : i64} {
  func.func @_tc_first_body(%arg0: i32, %arg1: memref<512x512xf32, #tpu.memory_space<vmem>>, %arg2: memref<128x128xf32, #tpu.memory_space<vmem>>, %arg3: memref<128x32xf32, #tpu.memory_space<vmem>>, %arg4: memref<2x256x128xf32, #tpu.memory_space<vmem>>, %arg5: memref<512x128xf32, #tpu.memory_space<vmem>>) attributes {dimension_semantics = [#tpu.dimension_semantics<arbitrary>], iteration_bounds = array<i64: 5>, scalar_prefetch = 0 : i64, scratch_operands = 0 : i64, tpu.core_type = #tpu.core_type<tc>, window_params = [{transform_indices = @transform_0, window_bounds = array<i64: 512, 512>}, {pipeline_mode = #tpu.pipeline_mode<synchronous>, transform_indices = @transform_1, window_bounds = array<i64: 128, 128>}, {pipeline_mode = #tpu.pipeline_mode<synchronous>, transform_indices = @transform_2, window_bounds = array<i64: 128, 32>}, {transform_indices = @transform_3, window_bounds = array<i64: 2, 256, 128>}, {transform_indices = @transform_4, window_bounds = array<i64: 512, 128>}]} {
    %get3A = arith.constant 0 : index
    %get3A_0 = arith.constant 0 : index
    %get3A_1 = vector.load %arg2[%get3A, %get3A_0] : memref<128x128xf32, #tpu.memory_space<vmem>>, vector<128x128xf32>
    %get3A_2 = arith.constant 0 : index
    %get3A_3 = arith.constant 0 : index
    %get3A_4 = vector.load %arg3[%get3A_2, %get3A_3] : memref<128x32xf32, #tpu.memory_space<vmem>>, vector<128x32xf32>
    %dot_general3A = arith.constant dense<0.000000e+00> : vector<128x32xf32>
    %dot_general3A_5 = tpu.matmul %get3A_1, %get3A_4, %dot_general3A {dimension_numbers = #tpu.dot_dimension_numbers<[1], [0], [0], [1], [0, 0, 1, 1], [], []>, transpose_lhs_hint = false} : vector<128x128xf32>, vector<128x32xf32>, vector<128x32xf32> -> vector<128x32xf32>
    %broadcast_in_dim3A = arith.constant 0.000000e+00 : f32
    %broadcast_in_dim3A_6 = vector.broadcast %broadcast_in_dim3A : f32 to vector<128x96xf32>
    %concatenate3A = tpu.concatenate %dot_general3A_5, %broadcast_in_dim3A_6 in 1 : vector<128x32xf32>, vector<128x96xf32> -> vector<128x128xf32>
    %broadcast_in_dim3A_7 = arith.constant 0.000000e+00 : f32
    %broadcast_in_dim3A_8 = vector.broadcast %broadcast_in_dim3A_7 : f32 to vector<128x32xf32>
    %broadcast_in_dim3A_9 = arith.constant 0.000000e+00 : f32
    %broadcast_in_dim3A_10 = vector.broadcast %broadcast_in_dim3A_9 : f32 to vector<128x64xf32>
    %concatenate3A_11 = tpu.concatenate %broadcast_in_dim3A_8, %dot_general3A_5, %broadcast_in_dim3A_10 in 1 : vector<128x32xf32>, vector<128x32xf32>, vector<128x64xf32> -> vector<128x128xf32>
    %broadcast_in_dim3A_12 = arith.constant 0.000000e+00 : f32
    %broadcast_in_dim3A_13 = vector.broadcast %broadcast_in_dim3A_12 : f32 to vector<128x64xf32>
    %broadcast_in_dim3A_14 = arith.constant 0.000000e+00 : f32
    %broadcast_in_dim3A_15 = vector.broadcast %broadcast_in_dim3A_14 : f32 to vector<128x32xf32>
    %concatenate3A_16 = tpu.concatenate %broadcast_in_dim3A_13, %dot_general3A_5, %broadcast_in_dim3A_15 in 1 : vector<128x64xf32>, vector<128x32xf32>, vector<128x32xf32> -> vector<128x128xf32>
    %broadcast_in_dim3A_17 = arith.constant 0.000000e+00 : f32
    %broadcast_in_dim3A_18 = vector.broadcast %broadcast_in_dim3A_17 : f32 to vector<128x96xf32>
    %concatenate3A_19 = tpu.concatenate %broadcast_in_dim3A_18, %dot_general3A_5 in 1 : vector<128x96xf32>, vector<128x32xf32> -> vector<128x128xf32>
    %concatenate3A_20 = tpu.concatenate %concatenate3A, %concatenate3A_11, %concatenate3A_16, %concatenate3A_19 in 0 : vector<128x128xf32>, vector<128x128xf32>, vector<128x128xf32>, vector<128x128xf32> -> vector<512x128xf32>
    %get3A_21 = arith.constant 0 : index
    %get3A_22 = arith.constant 0 : index
    %get3A_23 = vector.load %arg1[%get3A_21, %get3A_22] : memref<512x512xf32, #tpu.memory_space<vmem>>, vector<512x512xf32>
    %dot_general3A_24 = arith.constant dense<0.000000e+00> : vector<512x128xf32>
    %dot_general3A_25 = tpu.matmul %get3A_23, %concatenate3A_20, %dot_general3A_24 {dimension_numbers = #tpu.dot_dimension_numbers<[1], [0], [0], [1], [0, 0, 1, 1], [], []>, transpose_lhs_hint = false} : vector<512x512xf32>, vector<512x128xf32>, vector<512x128xf32> -> vector<512x128xf32>
    %get3A_26 = arith.constant 0 : index
    %get3A_27 = arith.constant 0 : index
    %get3A_28 = arith.constant 0 : index
    %get3A_29 = vector.load %arg4[%get3A_26, %get3A_27, %get3A_28] : memref<2x256x128xf32, #tpu.memory_space<vmem>>, vector<1x256x128xf32>
    %get3A_30 = vector.shape_cast %get3A_29 : vector<1x256x128xf32> to vector<256x128xf32>
    %get3A_31 = arith.constant 1 : index
    %get3A_32 = arith.constant 0 : index
    %get3A_33 = arith.constant 0 : index
    %get3A_34 = vector.load %arg4[%get3A_31, %get3A_32, %get3A_33] : memref<2x256x128xf32, #tpu.memory_space<vmem>>, vector<1x256x128xf32>
    %get3A_35 = vector.shape_cast %get3A_34 : vector<1x256x128xf32> to vector<256x128xf32>
    %add3A = arith.addf %get3A_30, %get3A_35 : vector<256x128xf32>
    %add3A_36 = arith.constant 1.000000e+00 : f32
    %add3A_37 = vector.broadcast %add3A_36 : f32 to vector<256x128xf32>
    %add3A_38 = arith.addf %add3A, %add3A_37 : vector<256x128xf32>
    %rsqrt3A = math.rsqrt %add3A_38 : vector<256x128xf32>
    %slice3A = vector.extract_strided_slice %rsqrt3A {offsets = [0, 0], sizes = [256, 64], strides = [1, 1]} : vector<256x128xf32> to vector<256x64xf32>
    %slice3A_39 = vector.extract_strided_slice %slice3A {offsets = [0, 0], sizes = [256, 16], strides = [1, 1]} : vector<256x64xf32> to vector<256x16xf32>
    %slice3A_40 = vector.extract_strided_slice %slice3A {offsets = [0, 0], sizes = [256, 16], strides = [1, 1]} : vector<256x64xf32> to vector<256x16xf32>
    %slice3A_41 = vector.extract_strided_slice %slice3A {offsets = [0, 16], sizes = [256, 16], strides = [1, 1]} : vector<256x64xf32> to vector<256x16xf32>
    %slice3A_42 = vector.extract_strided_slice %slice3A {offsets = [0, 16], sizes = [256, 16], strides = [1, 1]} : vector<256x64xf32> to vector<256x16xf32>
    %slice3A_43 = vector.extract_strided_slice %slice3A {offsets = [0, 32], sizes = [256, 16], strides = [1, 1]} : vector<256x64xf32> to vector<256x16xf32>
    %slice3A_44 = vector.extract_strided_slice %slice3A {offsets = [0, 32], sizes = [256, 16], strides = [1, 1]} : vector<256x64xf32> to vector<256x16xf32>
    %slice3A_45 = vector.extract_strided_slice %slice3A {offsets = [0, 48], sizes = [256, 16], strides = [1, 1]} : vector<256x64xf32> to vector<256x16xf32>
    %slice3A_46 = vector.extract_strided_slice %slice3A {offsets = [0, 48], sizes = [256, 16], strides = [1, 1]} : vector<256x64xf32> to vector<256x16xf32>
    %concatenate3A_47 = tpu.concatenate %slice3A_39, %slice3A_40, %slice3A_41, %slice3A_42, %slice3A_43, %slice3A_44, %slice3A_45, %slice3A_46 in 1 : vector<256x16xf32>, vector<256x16xf32>, vector<256x16xf32>, vector<256x16xf32>, vector<256x16xf32>, vector<256x16xf32>, vector<256x16xf32>, vector<256x16xf32> -> vector<256x128xf32>
    %slice3A_48 = vector.extract_strided_slice %rsqrt3A {offsets = [0, 64], sizes = [256, 64], strides = [1, 1]} : vector<256x128xf32> to vector<256x64xf32>
    %slice3A_49 = vector.extract_strided_slice %slice3A_48 {offsets = [0, 0], sizes = [256, 16], strides = [1, 1]} : vector<256x64xf32> to vector<256x16xf32>
    %slice3A_50 = vector.extract_strided_slice %slice3A_48 {offsets = [0, 0], sizes = [256, 16], strides = [1, 1]} : vector<256x64xf32> to vector<256x16xf32>
    %slice3A_51 = vector.extract_strided_slice %slice3A_48 {offsets = [0, 16], sizes = [256, 16], strides = [1, 1]} : vector<256x64xf32> to vector<256x16xf32>
    %slice3A_52 = vector.extract_strided_slice %slice3A_48 {offsets = [0, 16], sizes = [256, 16], strides = [1, 1]} : vector<256x64xf32> to vector<256x16xf32>
    %slice3A_53 = vector.extract_strided_slice %slice3A_48 {offsets = [0, 32], sizes = [256, 16], strides = [1, 1]} : vector<256x64xf32> to vector<256x16xf32>
    %slice3A_54 = vector.extract_strided_slice %slice3A_48 {offsets = [0, 32], sizes = [256, 16], strides = [1, 1]} : vector<256x64xf32> to vector<256x16xf32>
    %slice3A_55 = vector.extract_strided_slice %slice3A_48 {offsets = [0, 48], sizes = [256, 16], strides = [1, 1]} : vector<256x64xf32> to vector<256x16xf32>
    %slice3A_56 = vector.extract_strided_slice %slice3A_48 {offsets = [0, 48], sizes = [256, 16], strides = [1, 1]} : vector<256x64xf32> to vector<256x16xf32>
    %concatenate3A_57 = tpu.concatenate %slice3A_49, %slice3A_50, %slice3A_51, %slice3A_52, %slice3A_53, %slice3A_54, %slice3A_55, %slice3A_56 in 1 : vector<256x16xf32>, vector<256x16xf32>, vector<256x16xf32>, vector<256x16xf32>, vector<256x16xf32>, vector<256x16xf32>, vector<256x16xf32>, vector<256x16xf32> -> vector<256x128xf32>
    %reshape3A = vector.shape_cast %concatenate3A_47 : vector<256x128xf32> to vector<256x1x128xf32>
    %reshape3A_58 = vector.shape_cast %concatenate3A_57 : vector<256x128xf32> to vector<256x1x128xf32>
    %concatenate3A_59 = tpu.concatenate %reshape3A, %reshape3A_58 in 1 : vector<256x1x128xf32>, vector<256x1x128xf32> -> vector<256x2x128xf32>
    %reshape3A_60 = vector.shape_cast %concatenate3A_59 : vector<256x2x128xf32> to vector<512x128xf32>
    %mul3A = arith.mulf %dot_general3A_25, %reshape3A_60 : vector<512x128xf32>
    %swap3A = arith.constant 0 : index
    %swap3A_61 = arith.constant 0 : index
    %swap3A_62 = vector.load %arg5[%swap3A, %swap3A_61] : memref<512x128xf32, #tpu.memory_space<vmem>>, vector<512x128xf32>
    tpu.vector_store %arg5[%swap3A, %swap3A_61], %mul3A {strides = array<i32>} : memref<512x128xf32, #tpu.memory_space<vmem>>, vector<512x128xf32>,
    return
  }
  func.func @transform_0(%arg0: i32) -> (i32, i32) {
    %c0_i32 = arith.constant 0 : i32
    %c0_i32_0 = arith.constant 0 : i32
    return %arg0, %c0_i32 : i32, i32
  }
  func.func @transform_1(%arg0: i32) -> (i32, i32) {
    %c0_i32 = arith.constant 0 : i32
    %c0_i32_0 = arith.constant 0 : i32
    %c0_i32_1 = arith.constant 0 : i32
    return %c0_i32, %c0_i32_0 : i32, i32
  }
  func.func @transform_2(%arg0: i32) -> (i32, i32) {
    %c0_i32 = arith.constant 0 : i32
    %c0_i32_0 = arith.constant 0 : i32
    %c0_i32_1 = arith.constant 0 : i32
    return %c0_i32, %c0_i32_0 : i32, i32
  }
  func.func @transform_3(%arg0: i32) -> (i32, i32, i32) {
    %c0_i32 = arith.constant 0 : i32
    %c0_i32_0 = arith.constant 0 : i32
    %c0_i32_1 = arith.constant 0 : i32
    return %c0_i32, %arg0, %c0_i32_0 : i32, i32, i32
  }
  func.func @transform_4(%arg0: i32) -> (i32, i32) {
    %c0_i32 = arith.constant 0 : i32
    %c0_i32_0 = arith.constant 0 : i32
    return %arg0, %c0_i32 : i32, i32
  }
}

module attributes {stable_mosaic.version = 14 : i64} {
  func.func @_tc_mid_body(%arg0: i32, %arg1: memref<2x512x128xf32, #tpu.memory_space<vmem>>, %arg2: memref<512x128xf32, #tpu.memory_space<vmem>>, %arg3: memref<2x256x128xf32, #tpu.memory_space<vmem>>, %arg4: memref<1x32xf32, #tpu.memory_space<vmem>>, %arg5: memref<32x32xf32, #tpu.memory_space<vmem>>, %arg6: memref<512x128xf32, #tpu.memory_space<vmem>>) attributes {dimension_semantics = [#tpu.dimension_semantics<arbitrary>], iteration_bounds = array<i64: 5>, scalar_prefetch = 0 : i64, scratch_operands = 0 : i64, tpu.core_type = #tpu.core_type<tc>, window_params = [{transform_indices = @transform_0, window_bounds = array<i64: 2, 512, 128>}, {transform_indices = @transform_1, window_bounds = array<i64: 512, 128>}, {transform_indices = @transform_2, window_bounds = array<i64: 2, 256, 128>}, {pipeline_mode = #tpu.pipeline_mode<synchronous>, transform_indices = @transform_3, window_bounds = array<i64: 1, 32>}, {pipeline_mode = #tpu.pipeline_mode<synchronous>, transform_indices = @transform_4, window_bounds = array<i64: 32, 32>}, {transform_indices = @transform_5, window_bounds = array<i64: 512, 128>}]} {
    %get3A = arith.constant 0 : index
    %get3A_0 = arith.constant 0 : index
    %get3A_1 = arith.constant 0 : index
    %get3A_2 = vector.load %arg3[%get3A, %get3A_0, %get3A_1] : memref<2x256x128xf32, #tpu.memory_space<vmem>>, vector<1x256x128xf32>
    %get3A_3 = vector.shape_cast %get3A_2 : vector<1x256x128xf32> to vector<256x128xf32>
    %get3A_4 = arith.constant 1 : index
    %get3A_5 = arith.constant 0 : index
    %get3A_6 = arith.constant 0 : index
    %get3A_7 = vector.load %arg3[%get3A_4, %get3A_5, %get3A_6] : memref<2x256x128xf32, #tpu.memory_space<vmem>>, vector<1x256x128xf32>
    %get3A_8 = vector.shape_cast %get3A_7 : vector<1x256x128xf32> to vector<256x128xf32>
    %add3A = arith.addf %get3A_3, %get3A_8 : vector<256x128xf32>
    %add3A_9 = arith.constant 1.000000e+00 : f32
    %add3A_10 = vector.broadcast %add3A_9 : f32 to vector<256x128xf32>
    %add3A_11 = arith.addf %add3A, %add3A_10 : vector<256x128xf32>
    %rsqrt3A = math.rsqrt %add3A_11 : vector<256x128xf32>
    %slice3A = vector.extract_strided_slice %rsqrt3A {offsets = [0, 0], sizes = [256, 64], strides = [1, 1]} : vector<256x128xf32> to vector<256x64xf32>
    %slice3A_12 = vector.extract_strided_slice %slice3A {offsets = [0, 0], sizes = [256, 16], strides = [1, 1]} : vector<256x64xf32> to vector<256x16xf32>
    %slice3A_13 = vector.extract_strided_slice %slice3A {offsets = [0, 0], sizes = [256, 16], strides = [1, 1]} : vector<256x64xf32> to vector<256x16xf32>
    %slice3A_14 = vector.extract_strided_slice %slice3A {offsets = [0, 16], sizes = [256, 16], strides = [1, 1]} : vector<256x64xf32> to vector<256x16xf32>
    %slice3A_15 = vector.extract_strided_slice %slice3A {offsets = [0, 16], sizes = [256, 16], strides = [1, 1]} : vector<256x64xf32> to vector<256x16xf32>
    %slice3A_16 = vector.extract_strided_slice %slice3A {offsets = [0, 32], sizes = [256, 16], strides = [1, 1]} : vector<256x64xf32> to vector<256x16xf32>
    %slice3A_17 = vector.extract_strided_slice %slice3A {offsets = [0, 32], sizes = [256, 16], strides = [1, 1]} : vector<256x64xf32> to vector<256x16xf32>
    %slice3A_18 = vector.extract_strided_slice %slice3A {offsets = [0, 48], sizes = [256, 16], strides = [1, 1]} : vector<256x64xf32> to vector<256x16xf32>
    %slice3A_19 = vector.extract_strided_slice %slice3A {offsets = [0, 48], sizes = [256, 16], strides = [1, 1]} : vector<256x64xf32> to vector<256x16xf32>
    %concatenate3A = tpu.concatenate %slice3A_12, %slice3A_13, %slice3A_14, %slice3A_15, %slice3A_16, %slice3A_17, %slice3A_18, %slice3A_19 in 1 : vector<256x16xf32>, vector<256x16xf32>, vector<256x16xf32>, vector<256x16xf32>, vector<256x16xf32>, vector<256x16xf32>, vector<256x16xf32>, vector<256x16xf32> -> vector<256x128xf32>
    %slice3A_20 = vector.extract_strided_slice %rsqrt3A {offsets = [0, 64], sizes = [256, 64], strides = [1, 1]} : vector<256x128xf32> to vector<256x64xf32>
    %slice3A_21 = vector.extract_strided_slice %slice3A_20 {offsets = [0, 0], sizes = [256, 16], strides = [1, 1]} : vector<256x64xf32> to vector<256x16xf32>
    %slice3A_22 = vector.extract_strided_slice %slice3A_20 {offsets = [0, 0], sizes = [256, 16], strides = [1, 1]} : vector<256x64xf32> to vector<256x16xf32>
    %slice3A_23 = vector.extract_strided_slice %slice3A_20 {offsets = [0, 16], sizes = [256, 16], strides = [1, 1]} : vector<256x64xf32> to vector<256x16xf32>
    %slice3A_24 = vector.extract_strided_slice %slice3A_20 {offsets = [0, 16], sizes = [256, 16], strides = [1, 1]} : vector<256x64xf32> to vector<256x16xf32>
    %slice3A_25 = vector.extract_strided_slice %slice3A_20 {offsets = [0, 32], sizes = [256, 16], strides = [1, 1]} : vector<256x64xf32> to vector<256x16xf32>
    %slice3A_26 = vector.extract_strided_slice %slice3A_20 {offsets = [0, 32], sizes = [256, 16], strides = [1, 1]} : vector<256x64xf32> to vector<256x16xf32>
    %slice3A_27 = vector.extract_strided_slice %slice3A_20 {offsets = [0, 48], sizes = [256, 16], strides = [1, 1]} : vector<256x64xf32> to vector<256x16xf32>
    %slice3A_28 = vector.extract_strided_slice %slice3A_20 {offsets = [0, 48], sizes = [256, 16], strides = [1, 1]} : vector<256x64xf32> to vector<256x16xf32>
    %concatenate3A_29 = tpu.concatenate %slice3A_21, %slice3A_22, %slice3A_23, %slice3A_24, %slice3A_25, %slice3A_26, %slice3A_27, %slice3A_28 in 1 : vector<256x16xf32>, vector<256x16xf32>, vector<256x16xf32>, vector<256x16xf32>, vector<256x16xf32>, vector<256x16xf32>, vector<256x16xf32>, vector<256x16xf32> -> vector<256x128xf32>
    %reshape3A = vector.shape_cast %concatenate3A : vector<256x128xf32> to vector<256x1x128xf32>
    %reshape3A_30 = vector.shape_cast %concatenate3A_29 : vector<256x128xf32> to vector<256x1x128xf32>
    %concatenate3A_31 = tpu.concatenate %reshape3A, %reshape3A_30 in 1 : vector<256x1x128xf32>, vector<256x1x128xf32> -> vector<256x2x128xf32>
    %reshape3A_32 = vector.shape_cast %concatenate3A_31 : vector<256x2x128xf32> to vector<512x128xf32>
    %get3A_33 = arith.constant 0 : index
    %get3A_34 = arith.constant 0 : index
    %get3A_35 = vector.load %arg4[%get3A_33, %get3A_34] : memref<1x32xf32, #tpu.memory_space<vmem>>, vector<1x32xf32>
    %concatenate3A_36 = tpu.concatenate %get3A_35, %get3A_35, %get3A_35, %get3A_35 in 1 : vector<1x32xf32>, vector<1x32xf32>, vector<1x32xf32>, vector<1x32xf32> -> vector<1x128xf32>
    %get3A_37 = arith.constant 0 : index
    %get3A_38 = arith.constant 0 : index
    %get3A_39 = arith.constant 0 : index
    %get3A_40 = vector.load %arg1[%get3A_37, %get3A_38, %get3A_39] : memref<2x512x128xf32, #tpu.memory_space<vmem>>, vector<1x512x128xf32>
    %get3A_41 = vector.shape_cast %get3A_40 : vector<1x512x128xf32> to vector<512x128xf32>
    %get3A_42 = arith.constant 1 : index
    %get3A_43 = arith.constant 0 : index
    %get3A_44 = arith.constant 0 : index
    %get3A_45 = vector.load %arg1[%get3A_42, %get3A_43, %get3A_44] : memref<2x512x128xf32, #tpu.memory_space<vmem>>, vector<1x512x128xf32>
    %get3A_46 = vector.shape_cast %get3A_45 : vector<1x512x128xf32> to vector<512x128xf32>
    %add3A_47 = arith.addf %get3A_41, %get3A_46 : vector<512x128xf32>
    %get3A_48 = arith.constant 0 : index
    %get3A_49 = arith.constant 0 : index
    %get3A_50 = vector.load %arg2[%get3A_48, %get3A_49] : memref<512x128xf32, #tpu.memory_space<vmem>>, vector<512x128xf32>
    %add3A_51 = arith.addf %add3A_47, %get3A_50 : vector<512x128xf32>
    %mul3A = arith.mulf %reshape3A_32, %add3A_51 : vector<512x128xf32>
    %add3A_52 = vector.broadcast %concatenate3A_36 : vector<1x128xf32> to vector<512x128xf32>
    %add3A_53 = arith.addf %mul3A, %add3A_52 : vector<512x128xf32>
    %max3A = arith.constant 0.000000e+00 : f32
    %max3A_54 = vector.broadcast %max3A : f32 to vector<512x128xf32>
    %max3A_55 = arith.maximumf %add3A_53, %max3A_54 : vector<512x128xf32>
    %get3A_56 = arith.constant 0 : index
    %get3A_57 = arith.constant 0 : index
    %get3A_58 = vector.load %arg5[%get3A_56, %get3A_57] : memref<32x32xf32, #tpu.memory_space<vmem>>, vector<32x32xf32>
    %broadcast_in_dim3A = arith.constant 0.000000e+00 : f32
    %broadcast_in_dim3A_59 = vector.broadcast %broadcast_in_dim3A : f32 to vector<32x96xf32>
    %concatenate3A_60 = tpu.concatenate %get3A_58, %broadcast_in_dim3A_59 in 1 : vector<32x32xf32>, vector<32x96xf32> -> vector<32x128xf32>
    %broadcast_in_dim3A_61 = arith.constant 0.000000e+00 : f32
    %broadcast_in_dim3A_62 = vector.broadcast %broadcast_in_dim3A_61 : f32 to vector<32x32xf32>
    %broadcast_in_dim3A_63 = arith.constant 0.000000e+00 : f32
    %broadcast_in_dim3A_64 = vector.broadcast %broadcast_in_dim3A_63 : f32 to vector<32x64xf32>
    %concatenate3A_65 = tpu.concatenate %broadcast_in_dim3A_62, %get3A_58, %broadcast_in_dim3A_64 in 1 : vector<32x32xf32>, vector<32x32xf32>, vector<32x64xf32> -> vector<32x128xf32>
    %broadcast_in_dim3A_66 = arith.constant 0.000000e+00 : f32
    %broadcast_in_dim3A_67 = vector.broadcast %broadcast_in_dim3A_66 : f32 to vector<32x64xf32>
    %broadcast_in_dim3A_68 = arith.constant 0.000000e+00 : f32
    %broadcast_in_dim3A_69 = vector.broadcast %broadcast_in_dim3A_68 : f32 to vector<32x32xf32>
    %concatenate3A_70 = tpu.concatenate %broadcast_in_dim3A_67, %get3A_58, %broadcast_in_dim3A_69 in 1 : vector<32x64xf32>, vector<32x32xf32>, vector<32x32xf32> -> vector<32x128xf32>
    %broadcast_in_dim3A_71 = arith.constant 0.000000e+00 : f32
    %broadcast_in_dim3A_72 = vector.broadcast %broadcast_in_dim3A_71 : f32 to vector<32x96xf32>
    %concatenate3A_73 = tpu.concatenate %broadcast_in_dim3A_72, %get3A_58 in 1 : vector<32x96xf32>, vector<32x32xf32> -> vector<32x128xf32>
    %concatenate3A_74 = tpu.concatenate %concatenate3A_60, %concatenate3A_65, %concatenate3A_70, %concatenate3A_73 in 0 : vector<32x128xf32>, vector<32x128xf32>, vector<32x128xf32>, vector<32x128xf32> -> vector<128x128xf32>
    %dot_general3A = arith.constant dense<0.000000e+00> : vector<512x128xf32>
    %dot_general3A_75 = tpu.matmul %max3A_55, %concatenate3A_74, %dot_general3A {dimension_numbers = #tpu.dot_dimension_numbers<[1], [0], [0], [1], [0, 0, 1, 1], [], []>, transpose_lhs_hint = false} : vector<512x128xf32>, vector<128x128xf32>, vector<512x128xf32> -> vector<512x128xf32>
    %mul3A_76 = arith.mulf %dot_general3A_75, %reshape3A_32 : vector<512x128xf32>
    %swap3A = arith.constant 0 : index
    %swap3A_77 = arith.constant 0 : index
    %swap3A_78 = vector.load %arg6[%swap3A, %swap3A_77] : memref<512x128xf32, #tpu.memory_space<vmem>>, vector<512x128xf32>
    tpu.vector_store %arg6[%swap3A, %swap3A_77], %mul3A_76 {strides = array<i32>} : memref<512x128xf32, #tpu.memory_space<vmem>>, vector<512x128xf32>,
    return
  }
  func.func @transform_0(%arg0: i32) -> (i32, i32, i32) {
    %c0_i32 = arith.constant 0 : i32
    %c0_i32_0 = arith.constant 0 : i32
    %c0_i32_1 = arith.constant 0 : i32
    return %c0_i32, %arg0, %c0_i32_0 : i32, i32, i32
  }
  func.func @transform_1(%arg0: i32) -> (i32, i32) {
    %c0_i32 = arith.constant 0 : i32
    %c0_i32_0 = arith.constant 0 : i32
    return %arg0, %c0_i32 : i32, i32
  }
  func.func @transform_2(%arg0: i32) -> (i32, i32, i32) {
    %c0_i32 = arith.constant 0 : i32
    %c0_i32_0 = arith.constant 0 : i32
    %c0_i32_1 = arith.constant 0 : i32
    return %c0_i32, %arg0, %c0_i32_0 : i32, i32, i32
  }
  func.func @transform_3(%arg0: i32) -> (i32, i32) {
    %c0_i32 = arith.constant 0 : i32
    %c0_i32_0 = arith.constant 0 : i32
    %c0_i32_1 = arith.constant 0 : i32
    return %c0_i32, %c0_i32_0 : i32, i32
  }
  func.func @transform_4(%arg0: i32) -> (i32, i32) {
    %c0_i32 = arith.constant 0 : i32
    %c0_i32_0 = arith.constant 0 : i32
    %c0_i32_1 = arith.constant 0 : i32
    return %c0_i32, %c0_i32_0 : i32, i32
  }
  func.func @transform_5(%arg0: i32) -> (i32, i32) {
    %c0_i32 = arith.constant 0 : i32
    %c0_i32_0 = arith.constant 0 : i32
    return %arg0, %c0_i32 : i32, i32
  }
}

module attributes {stable_mosaic.version = 14 : i64} {
  func.func @_tc_mid2_body(%arg0: i32, %arg1: memref<2x512x128xf32, #tpu.memory_space<vmem>>, %arg2: memref<512x128xf32, #tpu.memory_space<vmem>>, %arg3: memref<2x256x128xf32, #tpu.memory_space<vmem>>, %arg4: memref<1x32xf32, #tpu.memory_space<vmem>>, %arg5: memref<512x128xf32, #tpu.memory_space<vmem>>) attributes {dimension_semantics = [#tpu.dimension_semantics<arbitrary>], iteration_bounds = array<i64: 5>, scalar_prefetch = 0 : i64, scratch_operands = 0 : i64, tpu.core_type = #tpu.core_type<tc>, window_params = [{transform_indices = @transform_0, window_bounds = array<i64: 2, 512, 128>}, {transform_indices = @transform_1, window_bounds = array<i64: 512, 128>}, {transform_indices = @transform_2, window_bounds = array<i64: 2, 256, 128>}, {pipeline_mode = #tpu.pipeline_mode<synchronous>, transform_indices = @transform_3, window_bounds = array<i64: 1, 32>}, {transform_indices = @transform_4, window_bounds = array<i64: 512, 128>}]} {
    %get3A = arith.constant 0 : index
    %get3A_0 = arith.constant 0 : index
    %get3A_1 = arith.constant 0 : index
    %get3A_2 = vector.load %arg3[%get3A, %get3A_0, %get3A_1] : memref<2x256x128xf32, #tpu.memory_space<vmem>>, vector<1x256x128xf32>
    %get3A_3 = vector.shape_cast %get3A_2 : vector<1x256x128xf32> to vector<256x128xf32>
    %get3A_4 = arith.constant 1 : index
    %get3A_5 = arith.constant 0 : index
    %get3A_6 = arith.constant 0 : index
    %get3A_7 = vector.load %arg3[%get3A_4, %get3A_5, %get3A_6] : memref<2x256x128xf32, #tpu.memory_space<vmem>>, vector<1x256x128xf32>
    %get3A_8 = vector.shape_cast %get3A_7 : vector<1x256x128xf32> to vector<256x128xf32>
    %add3A = arith.addf %get3A_3, %get3A_8 : vector<256x128xf32>
    %add3A_9 = arith.constant 1.000000e+00 : f32
    %add3A_10 = vector.broadcast %add3A_9 : f32 to vector<256x128xf32>
    %add3A_11 = arith.addf %add3A, %add3A_10 : vector<256x128xf32>
    %rsqrt3A = math.rsqrt %add3A_11 : vector<256x128xf32>
    %slice3A = vector.extract_strided_slice %rsqrt3A {offsets = [0, 0], sizes = [256, 64], strides = [1, 1]} : vector<256x128xf32> to vector<256x64xf32>
    %slice3A_12 = vector.extract_strided_slice %slice3A {offsets = [0, 0], sizes = [256, 16], strides = [1, 1]} : vector<256x64xf32> to vector<256x16xf32>
    %slice3A_13 = vector.extract_strided_slice %slice3A {offsets = [0, 0], sizes = [256, 16], strides = [1, 1]} : vector<256x64xf32> to vector<256x16xf32>
    %slice3A_14 = vector.extract_strided_slice %slice3A {offsets = [0, 16], sizes = [256, 16], strides = [1, 1]} : vector<256x64xf32> to vector<256x16xf32>
    %slice3A_15 = vector.extract_strided_slice %slice3A {offsets = [0, 16], sizes = [256, 16], strides = [1, 1]} : vector<256x64xf32> to vector<256x16xf32>
    %slice3A_16 = vector.extract_strided_slice %slice3A {offsets = [0, 32], sizes = [256, 16], strides = [1, 1]} : vector<256x64xf32> to vector<256x16xf32>
    %slice3A_17 = vector.extract_strided_slice %slice3A {offsets = [0, 32], sizes = [256, 16], strides = [1, 1]} : vector<256x64xf32> to vector<256x16xf32>
    %slice3A_18 = vector.extract_strided_slice %slice3A {offsets = [0, 48], sizes = [256, 16], strides = [1, 1]} : vector<256x64xf32> to vector<256x16xf32>
    %slice3A_19 = vector.extract_strided_slice %slice3A {offsets = [0, 48], sizes = [256, 16], strides = [1, 1]} : vector<256x64xf32> to vector<256x16xf32>
    %concatenate3A = tpu.concatenate %slice3A_12, %slice3A_13, %slice3A_14, %slice3A_15, %slice3A_16, %slice3A_17, %slice3A_18, %slice3A_19 in 1 : vector<256x16xf32>, vector<256x16xf32>, vector<256x16xf32>, vector<256x16xf32>, vector<256x16xf32>, vector<256x16xf32>, vector<256x16xf32>, vector<256x16xf32> -> vector<256x128xf32>
    %slice3A_20 = vector.extract_strided_slice %rsqrt3A {offsets = [0, 64], sizes = [256, 64], strides = [1, 1]} : vector<256x128xf32> to vector<256x64xf32>
    %slice3A_21 = vector.extract_strided_slice %slice3A_20 {offsets = [0, 0], sizes = [256, 16], strides = [1, 1]} : vector<256x64xf32> to vector<256x16xf32>
    %slice3A_22 = vector.extract_strided_slice %slice3A_20 {offsets = [0, 0], sizes = [256, 16], strides = [1, 1]} : vector<256x64xf32> to vector<256x16xf32>
    %slice3A_23 = vector.extract_strided_slice %slice3A_20 {offsets = [0, 16], sizes = [256, 16], strides = [1, 1]} : vector<256x64xf32> to vector<256x16xf32>
    %slice3A_24 = vector.extract_strided_slice %slice3A_20 {offsets = [0, 16], sizes = [256, 16], strides = [1, 1]} : vector<256x64xf32> to vector<256x16xf32>
    %slice3A_25 = vector.extract_strided_slice %slice3A_20 {offsets = [0, 32], sizes = [256, 16], strides = [1, 1]} : vector<256x64xf32> to vector<256x16xf32>
    %slice3A_26 = vector.extract_strided_slice %slice3A_20 {offsets = [0, 32], sizes = [256, 16], strides = [1, 1]} : vector<256x64xf32> to vector<256x16xf32>
    %slice3A_27 = vector.extract_strided_slice %slice3A_20 {offsets = [0, 48], sizes = [256, 16], strides = [1, 1]} : vector<256x64xf32> to vector<256x16xf32>
    %slice3A_28 = vector.extract_strided_slice %slice3A_20 {offsets = [0, 48], sizes = [256, 16], strides = [1, 1]} : vector<256x64xf32> to vector<256x16xf32>
    %concatenate3A_29 = tpu.concatenate %slice3A_21, %slice3A_22, %slice3A_23, %slice3A_24, %slice3A_25, %slice3A_26, %slice3A_27, %slice3A_28 in 1 : vector<256x16xf32>, vector<256x16xf32>, vector<256x16xf32>, vector<256x16xf32>, vector<256x16xf32>, vector<256x16xf32>, vector<256x16xf32>, vector<256x16xf32> -> vector<256x128xf32>
    %reshape3A = vector.shape_cast %concatenate3A : vector<256x128xf32> to vector<256x1x128xf32>
    %reshape3A_30 = vector.shape_cast %concatenate3A_29 : vector<256x128xf32> to vector<256x1x128xf32>
    %concatenate3A_31 = tpu.concatenate %reshape3A, %reshape3A_30 in 1 : vector<256x1x128xf32>, vector<256x1x128xf32> -> vector<256x2x128xf32>
    %reshape3A_32 = vector.shape_cast %concatenate3A_31 : vector<256x2x128xf32> to vector<512x128xf32>
    %get3A_33 = arith.constant 0 : index
    %get3A_34 = arith.constant 0 : index
    %get3A_35 = vector.load %arg4[%get3A_33, %get3A_34] : memref<1x32xf32, #tpu.memory_space<vmem>>, vector<1x32xf32>
    %concatenate3A_36 = tpu.concatenate %get3A_35, %get3A_35, %get3A_35, %get3A_35 in 1 : vector<1x32xf32>, vector<1x32xf32>, vector<1x32xf32>, vector<1x32xf32> -> vector<1x128xf32>
    %get3A_37 = arith.constant 0 : index
    %get3A_38 = arith.constant 0 : index
    %get3A_39 = arith.constant 0 : index
    %get3A_40 = vector.load %arg1[%get3A_37, %get3A_38, %get3A_39] : memref<2x512x128xf32, #tpu.memory_space<vmem>>, vector<1x512x128xf32>
    %get3A_41 = vector.shape_cast %get3A_40 : vector<1x512x128xf32> to vector<512x128xf32>
    %get3A_42 = arith.constant 1 : index
    %get3A_43 = arith.constant 0 : index
    %get3A_44 = arith.constant 0 : index
    %get3A_45 = vector.load %arg1[%get3A_42, %get3A_43, %get3A_44] : memref<2x512x128xf32, #tpu.memory_space<vmem>>, vector<1x512x128xf32>
    %get3A_46 = vector.shape_cast %get3A_45 : vector<1x512x128xf32> to vector<512x128xf32>
    %add3A_47 = arith.addf %get3A_41, %get3A_46 : vector<512x128xf32>
    %get3A_48 = arith.constant 0 : index
    %get3A_49 = arith.constant 0 : index
    %get3A_50 = vector.load %arg2[%get3A_48, %get3A_49] : memref<512x128xf32, #tpu.memory_space<vmem>>, vector<512x128xf32>
    %add3A_51 = arith.addf %add3A_47, %get3A_50 : vector<512x128xf32>
    %mul3A = arith.mulf %reshape3A_32, %add3A_51 : vector<512x128xf32>
    %add3A_52 = vector.broadcast %concatenate3A_36 : vector<1x128xf32> to vector<512x128xf32>
    %add3A_53 = arith.addf %mul3A, %add3A_52 : vector<512x128xf32>
    %max3A = arith.constant 0.000000e+00 : f32
    %max3A_54 = vector.broadcast %max3A : f32 to vector<512x128xf32>
    %max3A_55 = arith.maximumf %add3A_53, %max3A_54 : vector<512x128xf32>
    %mul3A_56 = arith.mulf %max3A_55, %reshape3A_32 : vector<512x128xf32>
    %swap3A = arith.constant 0 : index
    %swap3A_57 = arith.constant 0 : index
    %swap3A_58 = vector.load %arg5[%swap3A, %swap3A_57] : memref<512x128xf32, #tpu.memory_space<vmem>>, vector<512x128xf32>
    tpu.vector_store %arg5[%swap3A, %swap3A_57], %mul3A_56 {strides = array<i32>} : memref<512x128xf32, #tpu.memory_space<vmem>>, vector<512x128xf32>,
    return
  }
  func.func @transform_0(%arg0: i32) -> (i32, i32, i32) {
    %c0_i32 = arith.constant 0 : i32
    %c0_i32_0 = arith.constant 0 : i32
    %c0_i32_1 = arith.constant 0 : i32
    return %c0_i32, %arg0, %c0_i32_0 : i32, i32, i32
  }
  func.func @transform_1(%arg0: i32) -> (i32, i32) {
    %c0_i32 = arith.constant 0 : i32
    %c0_i32_0 = arith.constant 0 : i32
    return %arg0, %c0_i32 : i32, i32
  }
  func.func @transform_2(%arg0: i32) -> (i32, i32, i32) {
    %c0_i32 = arith.constant 0 : i32
    %c0_i32_0 = arith.constant 0 : i32
    %c0_i32_1 = arith.constant 0 : i32
    return %c0_i32, %arg0, %c0_i32_0 : i32, i32, i32
  }
  func.func @transform_3(%arg0: i32) -> (i32, i32) {
    %c0_i32 = arith.constant 0 : i32
    %c0_i32_0 = arith.constant 0 : i32
    %c0_i32_1 = arith.constant 0 : i32
    return %c0_i32, %c0_i32_0 : i32, i32
  }
  func.func @transform_4(%arg0: i32) -> (i32, i32) {
    %c0_i32 = arith.constant 0 : i32
    %c0_i32_0 = arith.constant 0 : i32
    return %arg0, %c0_i32 : i32, i32
  }
}

module attributes {stable_mosaic.version = 14 : i64} {
  func.func @_tc_final_body(%arg0: i32, %arg1: memref<2x512x128xf32, #tpu.memory_space<vmem>>, %arg2: memref<512x128xf32, #tpu.memory_space<vmem>>, %arg3: memref<2x256x128xf32, #tpu.memory_space<vmem>>, %arg4: memref<1x40xf32, #tpu.memory_space<vmem>>, %arg5: memref<32x40xf32, #tpu.memory_space<vmem>>, %arg6: memref<2048x128xf32, #tpu.memory_space<vmem>>) attributes {dimension_semantics = [#tpu.dimension_semantics<arbitrary>], iteration_bounds = array<i64: 5>, scalar_prefetch = 0 : i64, scratch_operands = 0 : i64, tpu.core_type = #tpu.core_type<tc>, window_params = [{transform_indices = @transform_0, window_bounds = array<i64: 2, 512, 128>}, {transform_indices = @transform_1, window_bounds = array<i64: 512, 128>}, {transform_indices = @transform_2, window_bounds = array<i64: 2, 256, 128>}, {pipeline_mode = #tpu.pipeline_mode<synchronous>, transform_indices = @transform_3, window_bounds = array<i64: 1, 40>}, {pipeline_mode = #tpu.pipeline_mode<synchronous>, transform_indices = @transform_4, window_bounds = array<i64: 32, 40>}, {transform_indices = @transform_5, window_bounds = array<i64: 2048, 128>}]} {
    %get3A = arith.constant 0 : index
    %get3A_0 = arith.constant 0 : index
    %get3A_1 = arith.constant 0 : index
    %get3A_2 = vector.load %arg3[%get3A, %get3A_0, %get3A_1] : memref<2x256x128xf32, #tpu.memory_space<vmem>>, vector<1x256x128xf32>
    %get3A_3 = vector.shape_cast %get3A_2 : vector<1x256x128xf32> to vector<256x128xf32>
    %get3A_4 = arith.constant 1 : index
    %get3A_5 = arith.constant 0 : index
    %get3A_6 = arith.constant 0 : index
    %get3A_7 = vector.load %arg3[%get3A_4, %get3A_5, %get3A_6] : memref<2x256x128xf32, #tpu.memory_space<vmem>>, vector<1x256x128xf32>
    %get3A_8 = vector.shape_cast %get3A_7 : vector<1x256x128xf32> to vector<256x128xf32>
    %add3A = arith.addf %get3A_3, %get3A_8 : vector<256x128xf32>
    %add3A_9 = arith.constant 1.000000e+00 : f32
    %add3A_10 = vector.broadcast %add3A_9 : f32 to vector<256x128xf32>
    %add3A_11 = arith.addf %add3A, %add3A_10 : vector<256x128xf32>
    %rsqrt3A = math.rsqrt %add3A_11 : vector<256x128xf32>
    %slice3A = vector.extract_strided_slice %rsqrt3A {offsets = [0, 0], sizes = [256, 64], strides = [1, 1]} : vector<256x128xf32> to vector<256x64xf32>
    %slice3A_12 = vector.extract_strided_slice %slice3A {offsets = [0, 0], sizes = [256, 16], strides = [1, 1]} : vector<256x64xf32> to vector<256x16xf32>
    %slice3A_13 = vector.extract_strided_slice %slice3A {offsets = [0, 0], sizes = [256, 16], strides = [1, 1]} : vector<256x64xf32> to vector<256x16xf32>
    %slice3A_14 = vector.extract_strided_slice %slice3A {offsets = [0, 16], sizes = [256, 16], strides = [1, 1]} : vector<256x64xf32> to vector<256x16xf32>
    %slice3A_15 = vector.extract_strided_slice %slice3A {offsets = [0, 16], sizes = [256, 16], strides = [1, 1]} : vector<256x64xf32> to vector<256x16xf32>
    %slice3A_16 = vector.extract_strided_slice %slice3A {offsets = [0, 32], sizes = [256, 16], strides = [1, 1]} : vector<256x64xf32> to vector<256x16xf32>
    %slice3A_17 = vector.extract_strided_slice %slice3A {offsets = [0, 32], sizes = [256, 16], strides = [1, 1]} : vector<256x64xf32> to vector<256x16xf32>
    %slice3A_18 = vector.extract_strided_slice %slice3A {offsets = [0, 48], sizes = [256, 16], strides = [1, 1]} : vector<256x64xf32> to vector<256x16xf32>
    %slice3A_19 = vector.extract_strided_slice %slice3A {offsets = [0, 48], sizes = [256, 16], strides = [1, 1]} : vector<256x64xf32> to vector<256x16xf32>
    %concatenate3A = tpu.concatenate %slice3A_12, %slice3A_13, %slice3A_14, %slice3A_15, %slice3A_16, %slice3A_17, %slice3A_18, %slice3A_19 in 1 : vector<256x16xf32>, vector<256x16xf32>, vector<256x16xf32>, vector<256x16xf32>, vector<256x16xf32>, vector<256x16xf32>, vector<256x16xf32>, vector<256x16xf32> -> vector<256x128xf32>
    %slice3A_20 = vector.extract_strided_slice %rsqrt3A {offsets = [0, 64], sizes = [256, 64], strides = [1, 1]} : vector<256x128xf32> to vector<256x64xf32>
    %slice3A_21 = vector.extract_strided_slice %slice3A_20 {offsets = [0, 0], sizes = [256, 16], strides = [1, 1]} : vector<256x64xf32> to vector<256x16xf32>
    %slice3A_22 = vector.extract_strided_slice %slice3A_20 {offsets = [0, 0], sizes = [256, 16], strides = [1, 1]} : vector<256x64xf32> to vector<256x16xf32>
    %slice3A_23 = vector.extract_strided_slice %slice3A_20 {offsets = [0, 16], sizes = [256, 16], strides = [1, 1]} : vector<256x64xf32> to vector<256x16xf32>
    %slice3A_24 = vector.extract_strided_slice %slice3A_20 {offsets = [0, 16], sizes = [256, 16], strides = [1, 1]} : vector<256x64xf32> to vector<256x16xf32>
    %slice3A_25 = vector.extract_strided_slice %slice3A_20 {offsets = [0, 32], sizes = [256, 16], strides = [1, 1]} : vector<256x64xf32> to vector<256x16xf32>
    %slice3A_26 = vector.extract_strided_slice %slice3A_20 {offsets = [0, 32], sizes = [256, 16], strides = [1, 1]} : vector<256x64xf32> to vector<256x16xf32>
    %slice3A_27 = vector.extract_strided_slice %slice3A_20 {offsets = [0, 48], sizes = [256, 16], strides = [1, 1]} : vector<256x64xf32> to vector<256x16xf32>
    %slice3A_28 = vector.extract_strided_slice %slice3A_20 {offsets = [0, 48], sizes = [256, 16], strides = [1, 1]} : vector<256x64xf32> to vector<256x16xf32>
    %concatenate3A_29 = tpu.concatenate %slice3A_21, %slice3A_22, %slice3A_23, %slice3A_24, %slice3A_25, %slice3A_26, %slice3A_27, %slice3A_28 in 1 : vector<256x16xf32>, vector<256x16xf32>, vector<256x16xf32>, vector<256x16xf32>, vector<256x16xf32>, vector<256x16xf32>, vector<256x16xf32>, vector<256x16xf32> -> vector<256x128xf32>
    %reshape3A = vector.shape_cast %concatenate3A : vector<256x128xf32> to vector<256x1x128xf32>
    %reshape3A_30 = vector.shape_cast %concatenate3A_29 : vector<256x128xf32> to vector<256x1x128xf32>
    %concatenate3A_31 = tpu.concatenate %reshape3A, %reshape3A_30 in 1 : vector<256x1x128xf32>, vector<256x1x128xf32> -> vector<256x2x128xf32>
    %reshape3A_32 = vector.shape_cast %concatenate3A_31 : vector<256x2x128xf32> to vector<512x128xf32>
    %get3A_33 = arith.constant 0 : index
    %get3A_34 = arith.constant 0 : index
    %get3A_35 = arith.constant 0 : index
    %get3A_36 = vector.load %arg1[%get3A_33, %get3A_34, %get3A_35] : memref<2x512x128xf32, #tpu.memory_space<vmem>>, vector<1x512x128xf32>
    %get3A_37 = vector.shape_cast %get3A_36 : vector<1x512x128xf32> to vector<512x128xf32>
    %get3A_38 = arith.constant 1 : index
    %get3A_39 = arith.constant 0 : index
    %get3A_40 = arith.constant 0 : index
    %get3A_41 = vector.load %arg1[%get3A_38, %get3A_39, %get3A_40] : memref<2x512x128xf32, #tpu.memory_space<vmem>>, vector<1x512x128xf32>
    %get3A_42 = vector.shape_cast %get3A_41 : vector<1x512x128xf32> to vector<512x128xf32>
    %add3A_43 = arith.addf %get3A_37, %get3A_42 : vector<512x128xf32>
    %get3A_44 = arith.constant 0 : index
    %get3A_45 = arith.constant 0 : index
    %get3A_46 = vector.load %arg2[%get3A_44, %get3A_45] : memref<512x128xf32, #tpu.memory_space<vmem>>, vector<512x128xf32>
    %add3A_47 = arith.addf %add3A_43, %get3A_46 : vector<512x128xf32>
    %get3A_48 = arith.constant 0 : index
    %get3A_49 = arith.constant 0 : index
    %get3A_50 = vector.load %arg5[%get3A_48, %get3A_49] : memref<32x40xf32, #tpu.memory_space<vmem>>, vector<32x40xf32>
    %broadcast_in_dim3A = arith.constant 0.000000e+00 : f32
    %broadcast_in_dim3A_51 = vector.broadcast %broadcast_in_dim3A : f32 to vector<32x88xf32>
    %concatenate3A_52 = tpu.concatenate %get3A_50, %broadcast_in_dim3A_51 in 1 : vector<32x40xf32>, vector<32x88xf32> -> vector<32x128xf32>
    %get3A_53 = arith.constant 0 : index
    %get3A_54 = arith.constant 0 : index
    %get3A_55 = vector.load %arg4[%get3A_53, %get3A_54] : memref<1x40xf32, #tpu.memory_space<vmem>>, vector<1x40xf32>
    %broadcast_in_dim3A_56 = arith.constant 0.000000e+00 : f32
    %broadcast_in_dim3A_57 = vector.broadcast %broadcast_in_dim3A_56 : f32 to vector<1x88xf32>
    %concatenate3A_58 = tpu.concatenate %get3A_55, %broadcast_in_dim3A_57 in 1 : vector<1x40xf32>, vector<1x88xf32> -> vector<1x128xf32>
    %slice3A_59 = vector.extract_strided_slice %add3A_47 {offsets = [0, 0], sizes = [512, 32], strides = [1, 1]} : vector<512x128xf32> to vector<512x32xf32>
    %dot_general3A = arith.constant dense<0.000000e+00> : vector<512x128xf32>
    %dot_general3A_60 = tpu.matmul %slice3A_59, %concatenate3A_52, %dot_general3A {dimension_numbers = #tpu.dot_dimension_numbers<[1], [0], [0], [1], [0, 0, 1, 1], [], []>, transpose_lhs_hint = false} : vector<512x32xf32>, vector<32x128xf32>, vector<512x128xf32> -> vector<512x128xf32>
    %slice3A_61 = vector.extract_strided_slice %reshape3A_32 {offsets = [0, 0], sizes = [512, 1], strides = [1, 1]} : vector<512x128xf32> to vector<512x1xf32>
    %mul3A = vector.broadcast %slice3A_61 : vector<512x1xf32> to vector<512x128xf32>
    %mul3A_62 = arith.mulf %dot_general3A_60, %mul3A : vector<512x128xf32>
    %add3A_63 = vector.broadcast %concatenate3A_58 : vector<1x128xf32> to vector<512x128xf32>
    %add3A_64 = arith.addf %mul3A_62, %add3A_63 : vector<512x128xf32>
    %reshape3A_65 = vector.shape_cast %add3A_64 : vector<512x128xf32> to vector<512x1x128xf32>
    %slice3A_66 = vector.extract_strided_slice %add3A_47 {offsets = [0, 32], sizes = [512, 32], strides = [1, 1]} : vector<512x128xf32> to vector<512x32xf32>
    %dot_general3A_67 = arith.constant dense<0.000000e+00> : vector<512x128xf32>
    %dot_general3A_68 = tpu.matmul %slice3A_66, %concatenate3A_52, %dot_general3A_67 {dimension_numbers = #tpu.dot_dimension_numbers<[1], [0], [0], [1], [0, 0, 1, 1], [], []>, transpose_lhs_hint = false} : vector<512x32xf32>, vector<32x128xf32>, vector<512x128xf32> -> vector<512x128xf32>
    %slice3A_69 = vector.extract_strided_slice %reshape3A_32 {offsets = [0, 32], sizes = [512, 1], strides = [1, 1]} : vector<512x128xf32> to vector<512x1xf32>
    %mul3A_70 = vector.broadcast %slice3A_69 : vector<512x1xf32> to vector<512x128xf32>
    %mul3A_71 = arith.mulf %dot_general3A_68, %mul3A_70 : vector<512x128xf32>
    %add3A_72 = vector.broadcast %concatenate3A_58 : vector<1x128xf32> to vector<512x128xf32>
    %add3A_73 = arith.addf %mul3A_71, %add3A_72 : vector<512x128xf32>
    %reshape3A_74 = vector.shape_cast %add3A_73 : vector<512x128xf32> to vector<512x1x128xf32>
    %slice3A_75 = vector.extract_strided_slice %add3A_47 {offsets = [0, 64], sizes = [512, 32], strides = [1, 1]} : vector<512x128xf32> to vector<512x32xf32>
    %dot_general3A_76 = arith.constant dense<0.000000e+00> : vector<512x128xf32>
    %dot_general3A_77 = tpu.matmul %slice3A_75, %concatenate3A_52, %dot_general3A_76 {dimension_numbers = #tpu.dot_dimension_numbers<[1], [0], [0], [1], [0, 0, 1, 1], [], []>, transpose_lhs_hint = false} : vector<512x32xf32>, vector<32x128xf32>, vector<512x128xf32> -> vector<512x128xf32>
    %slice3A_78 = vector.extract_strided_slice %reshape3A_32 {offsets = [0, 64], sizes = [512, 1], strides = [1, 1]} : vector<512x128xf32> to vector<512x1xf32>
    %mul3A_79 = vector.broadcast %slice3A_78 : vector<512x1xf32> to vector<512x128xf32>
    %mul3A_80 = arith.mulf %dot_general3A_77, %mul3A_79 : vector<512x128xf32>
    %add3A_81 = vector.broadcast %concatenate3A_58 : vector<1x128xf32> to vector<512x128xf32>
    %add3A_82 = arith.addf %mul3A_80, %add3A_81 : vector<512x128xf32>
    %reshape3A_83 = vector.shape_cast %add3A_82 : vector<512x128xf32> to vector<512x1x128xf32>
    %slice3A_84 = vector.extract_strided_slice %add3A_47 {offsets = [0, 96], sizes = [512, 32], strides = [1, 1]} : vector<512x128xf32> to vector<512x32xf32>
    %dot_general3A_85 = arith.constant dense<0.000000e+00> : vector<512x128xf32>
    %dot_general3A_86 = tpu.matmul %slice3A_84, %concatenate3A_52, %dot_general3A_85 {dimension_numbers = #tpu.dot_dimension_numbers<[1], [0], [0], [1], [0, 0, 1, 1], [], []>, transpose_lhs_hint = false} : vector<512x32xf32>, vector<32x128xf32>, vector<512x128xf32> -> vector<512x128xf32>
    %slice3A_87 = vector.extract_strided_slice %reshape3A_32 {offsets = [0, 96], sizes = [512, 1], strides = [1, 1]} : vector<512x128xf32> to vector<512x1xf32>
    %mul3A_88 = vector.broadcast %slice3A_87 : vector<512x1xf32> to vector<512x128xf32>
    %mul3A_89 = arith.mulf %dot_general3A_86, %mul3A_88 : vector<512x128xf32>
    %add3A_90 = vector.broadcast %concatenate3A_58 : vector<1x128xf32> to vector<512x128xf32>
    %add3A_91 = arith.addf %mul3A_89, %add3A_90 : vector<512x128xf32>
    %reshape3A_92 = vector.shape_cast %add3A_91 : vector<512x128xf32> to vector<512x1x128xf32>
    %concatenate3A_93 = tpu.concatenate %reshape3A_65, %reshape3A_74, %reshape3A_83, %reshape3A_92 in 1 : vector<512x1x128xf32>, vector<512x1x128xf32>, vector<512x1x128xf32>, vector<512x1x128xf32> -> vector<512x4x128xf32>
    %reshape3A_94 = vector.shape_cast %concatenate3A_93 : vector<512x4x128xf32> to vector<2048x128xf32>
    %iota3A = tpu.iota {dimensions = array<i32: 1>} : vector<1x128xi32>
    %lt3A = arith.constant 40 : i32
    %lt3A_95 = vector.broadcast %lt3A : i32 to vector<1x128xi32>
    %lt3A_96 = arith.cmpi slt, %iota3A, %lt3A_95 : vector<1x128xi32>
    %jit3A = arith.constant 0xFF800000 : f32
    %broadcast_in_dim3A_97 = vector.shape_cast %lt3A_96 : vector<1x128xi1> to vector<1x128xi1>
    %broadcast_in_dim3A_98 = vector.broadcast %broadcast_in_dim3A_97 : vector<1x128xi1> to vector<2048x128xi1>
    %broadcast_in_dim3A_99 = vector.broadcast %jit3A : f32 to vector<2048x128xf32>
    %select_n3A = arith.select %broadcast_in_dim3A_98, %reshape3A_94, %broadcast_in_dim3A_99 : vector<2048x128xi1>, vector<2048x128xf32>
    %reduce_max3A = arith.constant dense<0xFF800000> : vector<2048xf32>
    %reduce_max3A_100 = vector.multi_reduction <maximumf>, %select_n3A, %reduce_max3A [1] : vector<2048x128xf32> to vector<2048xf32>
    %broadcast_in_dim3A_101 = vector.shape_cast %reduce_max3A_100 : vector<2048xf32> to vector<2048x1xf32>
    %sub3A = vector.broadcast %broadcast_in_dim3A_101 : vector<2048x1xf32> to vector<2048x128xf32>
    %sub3A_102 = arith.subf %reshape3A_94, %sub3A : vector<2048x128xf32>
    %exp3A = math.exp %sub3A_102 : vector<2048x128xf32>
    %jit3A_103 = arith.constant 0.000000e+00 : f32
    %broadcast_in_dim3A_104 = vector.shape_cast %lt3A_96 : vector<1x128xi1> to vector<1x128xi1>
    %broadcast_in_dim3A_105 = vector.broadcast %broadcast_in_dim3A_104 : vector<1x128xi1> to vector<2048x128xi1>
    %broadcast_in_dim3A_106 = vector.broadcast %jit3A_103 : f32 to vector<2048x128xf32>
    %select_n3A_107 = arith.select %broadcast_in_dim3A_105, %exp3A, %broadcast_in_dim3A_106 : vector<2048x128xi1>, vector<2048x128xf32>
    %reduce_sum3A = arith.constant dense<0.000000e+00> : vector<2048xf32>
    %reduce_sum3A_108 = vector.multi_reduction <add>, %select_n3A_107, %reduce_sum3A [1] : vector<2048x128xf32> to vector<2048xf32>
    %broadcast_in_dim3A_109 = vector.shape_cast %reduce_sum3A_108 : vector<2048xf32> to vector<2048x1xf32>
    %log3A = math.log %broadcast_in_dim3A_109 : vector<2048x1xf32>
    %add3A_110 = arith.addf %log3A, %broadcast_in_dim3A_101 : vector<2048x1xf32>
    %sub3A_111 = vector.broadcast %add3A_110 : vector<2048x1xf32> to vector<2048x128xf32>
    %sub3A_112 = arith.subf %reshape3A_94, %sub3A_111 : vector<2048x128xf32>
    %swap3A = arith.constant 0 : index
    %swap3A_113 = arith.constant 0 : index
    %swap3A_114 = vector.load %arg6[%swap3A, %swap3A_113] : memref<2048x128xf32, #tpu.memory_space<vmem>>, vector<2048x128xf32>
    tpu.vector_store %arg6[%swap3A, %swap3A_113], %sub3A_112 {strides = array<i32>} : memref<2048x128xf32, #tpu.memory_space<vmem>>, vector<2048x128xf32>,
    return
  }
  func.func @transform_0(%arg0: i32) -> (i32, i32, i32) {
    %c0_i32 = arith.constant 0 : i32
    %c0_i32_0 = arith.constant 0 : i32
    %c0_i32_1 = arith.constant 0 : i32
    return %c0_i32, %arg0, %c0_i32_0 : i32, i32, i32
  }
  func.func @transform_1(%arg0: i32) -> (i32, i32) {
    %c0_i32 = arith.constant 0 : i32
    %c0_i32_0 = arith.constant 0 : i32
    return %arg0, %c0_i32 : i32, i32
  }
  func.func @transform_2(%arg0: i32) -> (i32, i32, i32) {
    %c0_i32 = arith.constant 0 : i32
    %c0_i32_0 = arith.constant 0 : i32
    %c0_i32_1 = arith.constant 0 : i32
    return %c0_i32, %arg0, %c0_i32_0 : i32, i32, i32
  }
  func.func @transform_3(%arg0: i32) -> (i32, i32) {
    %c0_i32 = arith.constant 0 : i32
    %c0_i32_0 = arith.constant 0 : i32
    %c0_i32_1 = arith.constant 0 : i32
    return %c0_i32, %c0_i32_0 : i32, i32
  }
  func.func @transform_4(%arg0: i32) -> (i32, i32) {
    %c0_i32 = arith.constant 0 : i32
    %c0_i32_0 = arith.constant 0 : i32
    %c0_i32_1 = arith.constant 0 : i32
    return %c0_i32, %c0_i32_0 : i32, i32
  }
  func.func @transform_5(%arg0: i32) -> (i32, i32) {
    %c0_i32 = arith.constant 0 : i32
    %c0_i32_0 = arith.constant 0 : i32
    return %arg0, %c0_i32 : i32, i32
  }
}

</mosaic_0001>

<sc_bundles>
// kernel: kernel.10.cloned.1.call-start
scs
__scs_entry_jumppad:
0x0: {  	(pc) =	sbr.rel $0x88, $3  }
0x1: {  	(tag) =	ssettag $0x0;
	lr =	simm.s32 $0x1  }
0x2: {  	[smem:$0x3F98] =	sst lr;
	_ =	strace $0xD0000000  }
0x3: {  	_ = 	snop  }
0x4: {  	_ = 	snop  }
0x5: {  	_ = 	snop  }
0x6: {  	_ = 	snop  }
0x7: {  	_ = 	snop  }
__scs_overlays_trampoline_lowered:
0x8: {  	[smem:$0x3FA7] =	sst s0  }
0x9: {  	[smem:$0x3FA8] =	sst s1  }
0xa: {  	[smem:$0x3FA9] =	sst s2  }
0xb: {  	[smem:$0x3FAA] =	sst s3  }
0xc: {  	[smem:$0x3FAB] =	sst s4  }
0xd: {  	[smem:$0x3FAC] =	sst s5  }
0xe: {  	[smem:$0x3FAD] =	sst s6  }
0xf: {  	[smem:$0x3FAE] =	sst s7  }
0x10: {  	[smem:$0x3FAF] =	sst s8  }
0x11: {  	[smem:$0x3FB0] =	sst s9;
	s0 =	simm.s32 @!p0 $0x0  }
0x12: {  	s1 =	sld [smem:$0x3F96];
	s0 =	simm.s32 @p0 $0x1  }
0x13: {  	[smem:$0x3FB1] =	sst s0;
	s0 =	simm.s32 @!p1 $0x0  }
0x14: {  	s2 =	sld [smem:$0x3F95];
	s0 =	simm.s32 @p1 $0x1  }
0x15: {  	[smem:$0x3FB2] =	sst s0;
	s0 =	simm.s32 @!p2 $0x0  }
0x16: {  	s3 =	sld [smem:$0x3FDB];
	s0 =	simm.s32 @p2 $0x1  }
0x17: {  	s4 =	simm.s32 $0x1BF5;
	[smem:$0x3FB4] =	sst s0  }
0x18: {  	s0 =	sld [smem:$0x3F97];
	_ =	swait.ge [sflag:s4], $0x0  }
0x19: {  	s7 =	sld [smem:$0x3F98]  }
0x1a: {  	s8 =	sadd.s32 $0xFFFFE003, lr  }
0x1b: {  	s9 =	sadd.s32 $0xFFFFFEF7, lr;
	s5 =	simm.s32 $0xFFFFFFFF;
	p2 =	slt.u32 s8, $0xFFFFF086  }
0x1c: {  	p1 =	slt.u32 s9, $0xF7A;
	s5 =	simm.s32 @!p2 $0x0  }
0x1d: {  	s5 =	simm.s32 @p1 $0x1;
	p0 =	seq.s32 s7, s2  }
0x1e: {  	s7 =	smul.u32 @!p0 $0xF7A, s2;
	p2 =	seq.s32 @!p0 s5, $0x0  }
0x1f: {  	s9 =	smul.u32 $0xF7A, s1;
	s8 =	simm.s32 @!p0 $0x1BF5;
	p2 =	por !p2, p0  }
0x20: {  	[sflag:s8] =	ssyncset.s32 @!p0 $0xFFFFF086;
	s6 =	sadd.s32 @!p0 s3, s7;
	s7 =	simm.s32 @!p0 $0x108  }
0x21: {  	s3 =	sadd.s32 s3, s9;
	s6 =	sadd.s32 @!p0 $0x88, s6;
	s7 =	simm.s32 @p2 $0x1082  }
0x22: {  	[simem:s7], [sflag:s8] =	dma.local @!p0 [hbm:s6], $0xF7A  }
0x23: {  	s9 =	sor.u32 $0xD0000000, s2;
	s6 =	simm.s32 $0x108;
	_ =	swait.ge @!p0 [sflag:s8], $0x0  }
0x24: {  	s3 =	sadd.s32 $0x88, s3;
	s6 =	simm.s32 @!p1 $0x1082;
	[sflag:s4] =	ssyncset.s32 $0xFFFFF086  }
0x25: {  	[simem:s6], [sflag:s4] =	dma.local [hbm:s3], $0xF7A  }
0x26: {  	[smem:$0x3F98] =	sst s1;
	(tag) =	ssettag s2;
	_ =	strace s9  }
0x27: {  	s1 =	sld [smem:$0x3FA8]  }
0x28: {  	s2 =	sld [smem:$0x3FA9]  }
0x29: {  	s4 =	sld [smem:$0x3FAB]  }
0x2a: {  	p0 =	seq.s32 s5, $0x0;
	s5 =	sld [smem:$0x3FAC]  }
0x2b: {  	s6 =	sld [smem:$0x3FAD]  }
0x2c: {  	s7 =	sld [smem:$0x3FAE]  }
0x2d: {  	s3 =	simm.s32 $0x108;
	s8 =	sld [smem:$0x3FAF]  }
0x2e: {  	s3 =	simm.s32 @!p0 $0x1082;
	s9 =	sld [smem:$0x3FB0]  }
0x2f: {  	lr =	sadd.s32 s0, s3;
	s0 =	sld [smem:$0x3FA7]  }
0x30: {  	s3 =	sld [smem:$0x3FAA]  }
0x31: {  	[smem:$0x3FB3] =	sst s10  }
0x32: {  	s10 =	sld [smem:$0x3FB1];
	_ =	sdelay $0x3  }
0x33: {  	p0 =	seq.s32 s10, $0x1;
	s10 =	sld [smem:$0x3FB3];
	_ =	sdelay $0x3  }
0x34: {  	[smem:$0x3FB3] =	sst s10  }
0x35: {  	s10 =	sld [smem:$0x3FB2];
	_ =	sdelay $0x3  }
0x36: {  	p1 =	seq.s32 s10, $0x1;
	s10 =	sld [smem:$0x3FB3];
	_ =	sdelay $0x3  }
0x37: {  	[smem:$0x3FB3] =	sst s10  }
0x38: {  	s10 =	sld [smem:$0x3FB4]  }
0x39: {  	_ = 	snop;
	(pc) =	sbr.ind lr, $3  }
0x3a: {  	_ = 	snop  }
0x3b: {  	_ = 	snop  }
0x3c: {  	p2 =	seq.s32 s10, $0x1;
	s10 =	sld [smem:$0x3FB3]  }
0x3d: {  	_ =	shalt  }
0x3e: {  	_ =	shalt  }
0x3f: {  	_ =	shalt  }
0x40: {  	_ =	shalt  }
0x41: {  	_ =	shalt  }
0x42: {  	_ =	shalt  }
0x43: {  	_ =	shalt  }
0x44: {  	_ =	shalt  }
0x45: {  	_ =	shalt  }
0x46: {  	_ =	shalt  }
0x47: {  	_ =	shalt  }
0x48: {  	_ =	shalt  }
0x49: {  	_ =	shalt  }
0x4a: {  	_ =	shalt  }
0x4b: {  	_ =	shalt  }
0x4c: {  	_ =	shalt  }
0x4d: {  	_ =	shalt  }
0x4e: {  	_ =	shalt  }
0x4f: {  	_ =	shalt  }
0x50: {  	_ =	shalt  }
0x51: {  	_ =	shalt  }
0x52: {  	_ =	shalt  }
0x53: {  	_ =	shalt  }
0x54: {  	_ =	shalt  }
0x55: {  	_ =	shalt  }
0x56: {  	_ =	shalt  }
0x57: {  	_ =	shalt  }
0x58: {  	_ =	shalt  }
0x59: {  	_ =	shalt  }
0x5a: {  	_ =	shalt  }
0x5b: {  	_ =	shalt  }
0x5c: {  	_ =	shalt  }
0x5d: {  	_ =	shalt  }
0x5e: {  	_ =	shalt  }
0x5f: {  	_ =	shalt  }
0x60: {  	_ =	shalt  }
0x61: {  	_ =	shalt  }
0x62: {  	_ =	shalt  }
0x63: {  	_ =	shalt  }
0x64: {  	_ =	shalt  }
0x65: {  	_ =	shalt  }
0x66: {  	_ =	shalt  }
0x67: {  	_ =	shalt  }
0x68: {  	_ =	shalt  }
0x69: {  	_ =	shalt  }
0x6a: {  	_ =	shalt  }
0x6b: {  	_ =	shalt  }
0x6c: {  	_ =	shalt  }
0x6d: {  	_ =	shalt  }
0x6e: {  	_ =	shalt  }
0x6f: {  	_ =	shalt  }
0x70: {  	_ =	shalt  }
0x71: {  	_ =	shalt  }
0x72: {  	_ =	shalt  }
0x73: {  	_ =	shalt  }
0x74: {  	_ =	shalt  }
0x75: {  	_ =	shalt  }
0x76: {  	_ =	shalt  }
0x77: {  	_ =	shalt  }
0x78: {  	_ =	shalt  }
0x79: {  	_ =	shalt  }
0x7a: {  	_ =	shalt  }
0x7b: {  	_ =	shalt  }
0x7c: {  	_ =	shalt  }
0x7d: {  	_ =	shalt  }
0x7e: {  	_ =	shalt  }
0x7f: {  	_ =	shalt  }
0x80: {  	_ =	shalt  }
0x81: {  	_ =	shalt  }
0x82: {  	_ =	shalt  }
0x83: {  	_ =	shalt  }
0x84: {  	_ =	shalt  }
0x85: {  	_ =	shalt  }
0x86: {  	_ =	shalt  }
0x87: {  	_ =	shalt  }
.Lfunc_end0:
.L_simem_size_0:
called_computation_lowered:
.L_overlay_start_0:
0x88: {  	s2 =	sld [smem:$0x3FD9]  }
0x89: {  	s3 =	sld [smem:$0x3FFE];
	_ =	sdelay $0x1  }
0x8a: {  	s1 =	srdreg.scid  }
0x8b: {  	s0 =	sand.u32 $0x1, s1  }
0x8c: {  	s17 =	sshll.u32 s0, $0xA;
	s2 =	sadd.s32 s3, s2  }
0x8d: {  	s2 =	sadd.s32 s2, s17  }
0x8e: {  	[smem:$0x3FBF] =	sst s2  }
0x8f: {  	_ = 	snop  }
0x90: {  	s2 =	sld [smem:$0x3FD0];
	(tm) =	ssettm $0x1  }
0x91: {  	s18 =	sld [smem:$0x3FFB];
	_ =	sdelay $0x3  }
0x92: {  	_ =	strace s18  }
0x93: {  	s3 =	sld [smem:$0x3FFC];
	_ =	sdelay $0x3  }
0x94: {  	_ =	strace s3  }
0x95: {  	s3 =	sld [smem:$0x3FFD];
	_ =	sdelay $0x3  }
0x96: {  	_ =	strace s3  }
0x97: {  	_ =	strace $0x8FFFFFFF  }
0x98: {  	s19 =	sld [smem:$0x3FDB];
	_ =	sdelay $0x1  }
0x99: {  	s4 =	simm.s32 $_scs_section_size  }
0x9a: {  	s5 =	simm.s32 $_size__tile_overlayer_lowered;
	s6 =	simm.s32 $_tile_overlayer_lowered  }
0x9b: {  	s22 =	simm.s32 $0x1BFF;
	s21 =	sshll.u32 s6, $0x1;
	s3 =	sadd.s32 s4, s19  }
0x9c: {  	s7 =	simm.s32 $0x0;
	s20 =	sshll.u32 s5, $0x1;
	s5 =	sadd.s32 s21, s3  }
0x9d: {  	[timem:s7], [sflag:s22] =	dma.local [hbm:s5], s20  }
0x9e: {  	_ =	swait.ge [sflag:s22], s20  }
0x9f: {  	s4 =	ssub.s32 $0x0, s20;
	[sflag:s22] =	ssyncset.done $0x0  }
0xa0: {  	[sflag:s22] =	ssyncadd.s32 s4;
	_ =	sdelay $0x1  }
0xa1: {  	s23 =	simm.s32 $0x1B8B  }
0xa2: {  	_ =	swait.ge [sflag:s23], $0x1  }
0xa3: {  	[sflag:s23] =	ssyncset.done $0x0  }
0xa4: {  	s25 =	simm.s32 $0x1B8E;
	s24 =	sld [smem:$0x3FFE];
	[sflag:s23] =	ssyncadd.s32 $0xFFFFFFFF  }
0xa5: {  	s26 =	simm.s32 $execute0_lowered;
	[smem:$0x3FD2] =	sst s25  }
0xa6: {  	s5 =	sshll.u32 s26, $0x1;
	_ =	strace $0x80000046;
	[dreg:$0x1] =	wrdreg $0xFFFFFFFF  }
0xa7: {  	s28 =	simm.s32 $_size_execute0_lowered;
	s3 =	sadd.s32 s3, s5;
	[dreg:$0x0] =	wrdreg $0x0  }
0xa8: {  	s5 =	sshll.u32 s28, $0x1;
	[dreg:$0x2] =	wrdreg s3  }
0xa9: {  	[dreg:$0x3] =	wrdreg s5  }
0xaa: {  	[dreg:$0x4] =	wrdreg $0xC0  }
0xab: {  	_ =	task [dreg:s7], $0x5FFFF  }
0xac: {  	[dreg:$0x1] =	wrdreg $0xFFFFFFFF  }
0xad: {  	[dreg:$0x0] =	wrdreg $0x60  }
0xae: {  	[dreg:$0x2] =	wrdreg s24  }
0xaf: {  	[dreg:$0x3] =	wrdreg s2  }
0xb0: {  	[dreg:$0x4] =	wrdreg $0x34D00  }
0xb1: {  	[dreg:$0x5] =	wrdreg $0x9  }
0xb2: {  	_ =	task.clear_ibuf [dreg:s7], $0x6FFFF;
	_ =	strace $0x90000046  }
0xb3: {  	s29 =	simm.s32 $0x9;
	_ =	strace $0x80000048  }
0xb4: {  	_ =	swait.ge [sflag:s29], $0x1  }
0xb5: {  	[sflag:s29] =	ssyncadd.s32 $0xFFFFFFFF  }
0xb6: {  	_ =	strace $0x90000048  }
0xb7: {  	_ =	sfence  }
0xb8: {  	s30 =	sld [smem:$0x0];
	_ =	sdelay $0x2  }
0xb9: {  	s31 =	sshll.u32 s1, $0xD;
	s1 =	sshrl.u32 s1, $0x2  }
0xba: {  	s3 =	sand.u32 $0x4000, s31;
	s1 =	sadd.s32 s1, s30  }
0xbb: {  	s0 =	sor.u32 s3, s0;
	s1 =	sshll.u32 s1, $0x11  }
0xbc: {  	s0 =	sor.u32 s1, s0  }
0xbd: {  	s0 =	sadd.s32 $0x8F2B, s0  }
0xbe: {  	[sflag:s0] =	ssyncadd.remote.s32 $0x1  }
0xbf: {  	_ =	sfence.sel $0xFFFF  }
0xc0: {  	[dreg:$0x0] =	wrdreg $0xFFFFFFFF;
	(pc) =	sbr.abs _section_cstart, $3  }
0xc1: {  	[dreg:$0x1] =	wrdreg $0xFFFFFFFF  }
0xc2: {  	_ =	task.clear_ibuf [dreg:s7], $0x2FFFF;
	_ =	strace $0x9FFFFFFF  }
0xc3: {  	(tm) =	ssettm $0x7FFFFFFF  }
tec
execute0_lowered:
.L_overlay_start_1:
0x0: {  	(tag) =	ssettag $0x1  }
0x1: {  	s5 =	rddreg [dreg:$0x0]  }
0x2: {  	s6 =	rddreg [dreg:$0x1]  }
0x3: {  	s0 =	srdreg.scid;
	s2 =	rddreg [dreg:$0x2];
	s3 =	simm.s32 $0x0  }
0x4: {  	s15 =	simm.s32 $0x2FD0;
	s16 =	simm.s32 $0x2;
	s17 =	simm.s32 $0x1  }
0x5: {  	s18 =	simm.s32 $0x7D;
	s19 =	simm.s32 $0x2800;
	s20 =	simm.s32 $0x80  }
0x6: {  	s21 =	simm.s32 $0x100;
	s22 =	simm.s32 $0x180;
	s23 =	simm.s32 $0x200  }
0x7: {  	s24 =	simm.s32 $0x280;
	s28 =	simm.s32 $0x380;
	s4 =	sand.u32 $0x1, s0  }
0x8: {  	s29 =	simm.s32 $0x0;
	s0 =	stileid.u32;
	s8 =	smul.u32 $0x28000, s4  }
0x9: {  	[smem:$0x7FF] =	sst s3;
	s1 =	sshll.u32 s4, $0x4;
	s9 =	smul.u32 $0x2800, s0  }
0xa: {  	s4 =	ssub.s32 $0x2, s4;
	s11 =	smul.u32 $0xA000, s0;
	s1 =	sor.u32 s0, s1  }
0xb: {  	s10 =	sshrl.u32 s4, $0x1;
	s7 =	smul.u32 $0x2800, s1;
	s1 =	rddreg [dreg:$0x3]  }
0xc: {  	_ =	strace $0x80000047;
	s8 =	sadd.s32 s9, s8;
	s10 =	ssub.s32 s4, s10  }
0xd: {  	s31 =	sshrl.u32 s11, $0x2;
	s25 =	sadd.s32 s9, s2;
	s7 =	sshrl.u32 s7, $0x3  }
0xe: {  	s30 =	sshrl.u32 s8, $0x3;
	s25 =	sshrl.u32 s25, $0x3;
	s26 =	sadd.s32 s5, s7  }
0xf: {  	s5 =	sadd.s32 s6, s30;
	s6 =	smax.u32 s10, $0x1;
	s7 =	sadd.s32 s31, s2  }
0x10: {  	s4 =	sadd.s32 $0xDA00, s26;
	s8 =	sadd.s32 $0x500, s7;
	s9 =	sadd.s32 $0xA00, s7  }
0x11: {  	s10 =	sadd.s32 $0xF00, s7;
	s11 =	sadd.s32 $0x1400, s7;
	s12 =	sadd.s32 $0x1900, s7  }
0x12: {  	v0 =	vimm.f32 $0.0e+00;
	v1 =	vimm.f32 $1.000000000e+00;
	s13 =	sadd.s32 $0x1E00, s7;
	s14 =	sadd.s32 $0x2300, s7;
	s26 =	simm.s32 $0x300  }
.LBB2_1:
0x13: {  	[tilespmem:s3], [sflag:$0x1] =	stream.linear.gather [hbm4b:s4+s3], $0x2800, $0x38;
	[tilespmem:$0x5CD0] =	vst v63  }
0x14: {  	s30 =	simm.s32 $0x40;
	s31 =	simm.s32 $0x0  }
.LBB2_2:
0x15: {  	p0 =	sne.s32 s30, $0x13C0;
	[tilespmem:s31+$0x2FD0] =	vst v0;
	s31 =	smov.u32 s30;
	s30 =	sadd.s32 $0x40, s30  }
.Ltmp0:
0x16: {  	(pc) =	sbr.rel @p0 .LBB2_2-.Ltmp0, $2  }
0x17: {  	_ =	sdelay $0x2  }
0x18: {  	s31 =	sshra.s32 s31, $0x2  }
0x19: {  	[tilespmem:s31+$0x2FD0] =	vst v0  }
0x1a: {  	[spmem:s7] =	stream.linear.scatter [tilespmem:s15], [sflag:$0x2], $0x500, $0x38;
	[tilespmem:$0x5CD0] =	vst v63  }
0x1b: {  	_ =	swait.ge [sflag:s16], $0x500  }
0x1c: {  	[sflag:s16] =	ssyncset.done $0x0  }
0x1d: {  	[sflag:s16] =	ssyncadd.s32 $0xFFFFFB00  }
0x1e: {  	[spmem:s8] =	stream.linear.scatter [tilespmem:s15], [sflag:$0x2], $0x500, $0x38;
	[tilespmem:$0x5CD0] =	vst v63  }
0x1f: {  	_ =	swait.ge [sflag:s16], $0x500  }
0x20: {  	[sflag:s16] =	ssyncset.done $0x0  }
0x21: {  	[sflag:s16] =	ssyncadd.s32 $0xFFFFFB00  }
0x22: {  	[spmem:s9] =	stream.linear.scatter [tilespmem:s15], [sflag:$0x2], $0x500, $0x38;
	[tilespmem:$0x5CD0] =	vst v63  }
0x23: {  	_ =	swait.ge [sflag:s16], $0x500  }
0x24: {  	[sflag:s16] =	ssyncset.done $0x0  }
0x25: {  	[sflag:s16] =	ssyncadd.s32 $0xFFFFFB00  }
0x26: {  	[spmem:s10] =	stream.linear.scatter [tilespmem:s15], [sflag:$0x2], $0x500, $0x38;
	[tilespmem:$0x5CD0] =	vst v63  }
0x27: {  	_ =	swait.ge [sflag:s16], $0x500  }
0x28: {  	[sflag:s16] =	ssyncset.done $0x0  }
0x29: {  	[sflag:s16] =	ssyncadd.s32 $0xFFFFFB00  }
0x2a: {  	[spmem:s11] =	stream.linear.scatter [tilespmem:s15], [sflag:$0x2], $0x500, $0x38;
	[tilespmem:$0x5CD0] =	vst v63  }
0x2b: {  	_ =	swait.ge [sflag:s16], $0x500  }
0x2c: {  	[sflag:s16] =	ssyncset.done $0x0  }
0x2d: {  	[sflag:s16] =	ssyncadd.s32 $0xFFFFFB00  }
0x2e: {  	[spmem:s12] =	stream.linear.scatter [tilespmem:s15], [sflag:$0x2], $0x500, $0x38;
	[tilespmem:$0x5CD0] =	vst v63  }
0x2f: {  	_ =	swait.ge [sflag:s16], $0x500  }
0x30: {  	[sflag:s16] =	ssyncset.done $0x0  }
0x31: {  	[sflag:s16] =	ssyncadd.s32 $0xFFFFFB00  }
0x32: {  	[spmem:s13] =	stream.linear.scatter [tilespmem:s15], [sflag:$0x2], $0x500, $0x38;
	[tilespmem:$0x5CD0] =	vst v63  }
0x33: {  	_ =	swait.ge [sflag:s16], $0x500  }
0x34: {  	[sflag:s16] =	ssyncset.done $0x0  }
0x35: {  	[sflag:s16] =	ssyncadd.s32 $0xFFFFFB00  }
0x36: {  	[spmem:s14] =	stream.linear.scatter [tilespmem:s15], [sflag:$0x2], $0x500, $0x38;
	[tilespmem:$0x5CD0] =	vst v63  }
0x37: {  	_ =	swait.ge [sflag:s16], $0x500  }
0x38: {  	[sflag:s16] =	ssyncset.done $0x0  }
0x39: {  	s30 =	simm.s32 $0x40;
	s31 =	simm.s32 $0x0;
	[sflag:s16] =	ssyncadd.s32 $0xFFFFFB00  }
.LBB2_4:
0x3a: {  	p0 =	sne.s32 s30, $0x1F00;
	[tilespmem:s31+$0x2800] =	vst v1;
	s31 =	smov.u32 s30;
	s30 =	sadd.s32 $0x40, s30  }
.Ltmp1:
0x3b: {  	(pc) =	sbr.rel @p0 .LBB2_4-.Ltmp1, $2  }
0x3c: {  	_ =	sdelay $0x2  }
0x3d: {  	s31 =	sshra.s32 s31, $0x2  }
0x3e: {  	[tilespmem:s31+$0x2800] =	vst v1  }
0x3f: {  	_ =	swait.ge [sflag:s17], $0x2800  }
0x40: {  	[sflag:s17] =	ssyncset.done $0x0  }
0x41: {  	[sflag:s17] =	ssyncadd.s32 $0xFFFFD800  }
0x42: {  	[bflag:$0x0] =	sbarrier.arrive $0xFFFF  }
0x43: {  	[spmem:s2] =	stream.indirect.scatter.add.f32 [tilespmem:s19], [sflag:$0x1], $0x10, s3, s18, $0xb8;
	[tilespmem:$0x5CD0] =	vst v63  }
0x44: {  	_ = 	snop  }
0x45: {  	[spmem:s2] =	stream.indirect.scatter.add.f32 [tilespmem:s19], [sflag:$0x1], $0x10, s20, s18, $0xb8;
	[tilespmem:$0x5CD0] =	vst v63  }
0x46: {  	_ = 	snop  }
0x47: {  	[spmem:s2] =	stream.indirect.scatter.add.f32 [tilespmem:s19], [sflag:$0x1], $0x10, s21, s18, $0xb8;
	[tilespmem:$0x5CD0] =	vst v63  }
0x48: {  	_ = 	snop  }
0x49: {  	[spmem:s2] =	stream.indirect.scatter.add.f32 [tilespmem:s19], [sflag:$0x1], $0x10, s22, s18, $0xb8;
	[tilespmem:$0x5CD0] =	vst v63  }
0x4a: {  	_ = 	snop  }
0x4b: {  	[spmem:s2] =	stream.indirect.scatter.add.f32 [tilespmem:s19], [sflag:$0x1], $0x10, s23, s18, $0xb8;
	[tilespmem:$0x5CD0] =	vst v63  }
0x4c: {  	_ = 	snop  }
0x4d: {  	[spmem:s2] =	stream.indirect.scatter.add.f32 [tilespmem:s19], [sflag:$0x1], $0x10, s24, s18, $0xb8;
	[tilespmem:$0x5CD0] =	vst v63  }
0x4e: {  	_ = 	snop  }
0x4f: {  	[spmem:s2] =	stream.indirect.scatter.add.f32 [tilespmem:s19], [sflag:$0x1], $0x10, s26, s18, $0xb8;
	[tilespmem:$0x5CD0] =	vst v63  }
0x50: {  	_ = 	snop  }
0x51: {  	[spmem:s2] =	stream.indirect.scatter.add.f32 [tilespmem:s19], [sflag:$0x1], $0x10, s28, s18, $0xb8;
	[tilespmem:$0x5CD0] =	vst v63  }
0x52: {  	_ =	swait.ge [sflag:s17], $0x7D0  }
0x53: {  	[sflag:s17] =	ssyncset.done $0x0  }
0x54: {  	s30 =	simm.s32 $0x1200;
	s31 =	simm.s32 $0x400;
	[sflag:s17] =	ssyncadd.s32 $0xFFFFF830  }
.LBB2_6:
0x55: {  	[spmem:s2] =	stream.indirect.scatter.add.f32 [tilespmem:s19], [sflag:$0x1], $0x10, s31, s18, $0xb8;
	[tilespmem:$0x5CD0] =	vst v63  }
0x56: {  	s31 =	smov.u32 s30;
	p0 =	sne.s32 s30, $0x9E00  }
.Ltmp2:
0x57: {  	s30 =	sadd.s32 $0x200, s30;
	(pc) =	sbr.rel @p0 .LBB2_6-.Ltmp2, $4  }
0x58: {  	_ = 	snop  }
0x59: {  	_ =	swait.ge [sflag:s17], $0x7D0  }
0x5a: {  	[sflag:s17] =	ssyncset.done $0x0  }
0x5b: {  	s31 =	sshra.s32 s31, $0x2;
	[sflag:s17] =	ssyncadd.s32 $0xFFFFF830  }
0x5c: {  	[spmem:s2] =	stream.indirect.scatter.add.f32 [tilespmem:s19], [sflag:$0x1], $0x10, s31, s18, $0xb8;
	[tilespmem:$0x5CD0] =	vst v63  }
0x5d: {  	_ =	swait.ge [sflag:s17], $0x7D0  }
0x5e: {  	[sflag:s17] =	ssyncset.done $0x0  }
0x5f: {  	[sflag:s17] =	ssyncadd.s32 $0xFFFFF830  }
0x60: {  	_ =	swait.ge [sflag:s17], $0x7D0  }
0x61: {  	[sflag:s17] =	ssyncset.done $0x0  }
0x62: {  	[sflag:s17] =	ssyncadd.s32 $0xFFFFF830  }
0x63: {  	_ =	swait.ge [sflag:s17], $0x7D0  }
0x64: {  	[sflag:s17] =	ssyncset.done $0x0  }
0x65: {  	[sflag:s17] =	ssyncadd.s32 $0xFFFFF830  }
0x66: {  	_ =	swait.ge [sflag:s17], $0x7D0  }
0x67: {  	[sflag:s17] =	ssyncset.done $0x0  }
0x68: {  	[sflag:s17] =	ssyncadd.s32 $0xFFFFF830  }
0x69: {  	_ =	swait.ge [sflag:s17], $0x7D0  }
0x6a: {  	[sflag:s17] =	ssyncset.done $0x0  }
0x6b: {  	[sflag:s17] =	ssyncadd.s32 $0xFFFFF830  }
0x6c: {  	_ =	swait.ge [sflag:s17], $0x7D0  }
0x6d: {  	[sflag:s17] =	ssyncset.done $0x0  }
0x6e: {  	[sflag:s17] =	ssyncadd.s32 $0xFFFFF830  }
0x6f: {  	_ =	swait.ge [sflag:s17], $0x7D0  }
0x70: {  	[sflag:s17] =	ssyncset.done $0x0  }
0x71: {  	[sflag:s17] =	ssyncadd.s32 $0xFFFFF830  }
0x72: {  	_ =	swait.ge [sflag:s17], $0x7D0  }
0x73: {  	s29 =	sadd.s32 $0x1, s29;
	[sflag:s17] =	ssyncset.done $0x0  }
0x74: {  	s30 =	sshll.u32 s0, $0x6;
	p0 =	sne.s32 s29, s6;
	[sflag:s17] =	ssyncadd.s32 $0xFFFFF830  }
.Ltmp3:
0x75: {  	s30 =	sor.u32 $0x1C02, s30;
	[bflag:$0x0] =	sbarrier.arrive $0xFFFF;
	(pc) =	sbr.rel @p0 .LBB2_1-.Ltmp3, $4  }
0x76: {  	[hbm:s5], [sflag:s30] =	dma.local [spmem:s25], $0x500  }
0x77: {  	_ =	swait.ge [sflag:s16], $0x500  }
0x78: {  	[sflag:s16] =	ssyncset.done $0x0  }
0x79: {  	[sflag:s16] =	ssyncadd.s32 $0xFFFFFB00  }
0x7a: {  	_ =	sfence.sel $0x180000  }
0x7b: {  	[bflag:$0x0] =	sbarrier.arrive $0xFFFF  }
0x7c: {  	p0 =	sne.s32 s0, $0x0;
	_ =	strace $0x90000047  }
0x7d: {  	s0 =	sadd.s32 @!p0 $0x100000, s1;
	[bflag:$0x2] =	sbarrier.arrive $0xFFFF  }
0x7e: {  	[sflag:s0] =	ssyncadd.tile.s32 @!p0 $0x1;
	_ =	shalt  }
.Lfunc_end2:
_tile_overlayer_lowered:
.L_overlay_start_2:
0x7f: {  	(tag) =	ssettag $0x2  }
0x80: {  	s0 =	rddreg [dreg:$0x0];
	s2 =	stileid.u32  }
0x81: {  	s1 =	rddreg [dreg:$0x1];
	p0 =	sne.s32 s2, $0x0  }
0x82: {  	s3 =	rddreg [dreg:$0x2];
	[bflag:$0x3] =	sbarrier.arrive $0xFFFF;
	s2 =	simm.s32 @!p0 $0x1C02  }
0x83: {  	[timem:s3], [sflag:s2] =	dma.local @!p0 [hbm:s0], s1  }
0x84: {  	s0 =	simm.s32 @!p0 $0x2  }
0x85: {  	_ =	swait.ge @!p0 [sflag:s0], s1  }
0x86: {  	s1 =	ssub.s32 @!p0 $0x0, s1;
	[sflag:s0] =	ssyncset.done @!p0 $0x0  }
0x87: {  	[sflag:s0] =	ssyncadd.s32 @!p0 s1  }
0x88: {  	[bflag:$0x3] =	sbarrier.arrive $0xFFFF  }
0x89: {  	_ =	shalt  }

// kernel: kernel.13.cloned.1.call-start
scs
__scs_entry_jumppad:
0x0: {  	(pc) =	sbr.rel $0x88, $3  }
0x1: {  	(tag) =	ssettag $0x0;
	lr =	simm.s32 $0x1  }
0x2: {  	[smem:$0x3F98] =	sst lr;
	_ =	strace $0xD0000000  }
0x3: {  	_ = 	snop  }
0x4: {  	_ = 	snop  }
0x5: {  	_ = 	snop  }
0x6: {  	_ = 	snop  }
0x7: {  	_ = 	snop  }
__scs_overlays_trampoline_lowered:
0x8: {  	[smem:$0x3FA7] =	sst s0  }
0x9: {  	[smem:$0x3FA8] =	sst s1  }
0xa: {  	[smem:$0x3FA9] =	sst s2  }
0xb: {  	[smem:$0x3FAA] =	sst s3  }
0xc: {  	[smem:$0x3FAB] =	sst s4  }
0xd: {  	[smem:$0x3FAC] =	sst s5  }
0xe: {  	[smem:$0x3FAD] =	sst s6  }
0xf: {  	[smem:$0x3FAE] =	sst s7  }
0x10: {  	[smem:$0x3FAF] =	sst s8  }
0x11: {  	[smem:$0x3FB0] =	sst s9;
	s0 =	simm.s32 @!p0 $0x0  }
0x12: {  	s1 =	sld [smem:$0x3F96];
	s0 =	simm.s32 @p0 $0x1  }
0x13: {  	[smem:$0x3FB1] =	sst s0;
	s0 =	simm.s32 @!p1 $0x0  }
0x14: {  	s2 =	sld [smem:$0x3F95];
	s0 =	simm.s32 @p1 $0x1  }
0x15: {  	[smem:$0x3FB2] =	sst s0;
	s0 =	simm.s32 @!p2 $0x0  }
0x16: {  	s3 =	sld [smem:$0x3FDB];
	s0 =	simm.s32 @p2 $0x1  }
0x17: {  	s4 =	simm.s32 $0x1BF5;
	[smem:$0x3FB4] =	sst s0  }
0x18: {  	s0 =	sld [smem:$0x3F97];
	_ =	swait.ge [sflag:s4], $0x0  }
0x19: {  	s7 =	sld [smem:$0x3F98]  }
0x1a: {  	s8 =	sadd.s32 $0xFFFFE003, lr  }
0x1b: {  	s9 =	sadd.s32 $0xFFFFFEF7, lr;
	s5 =	simm.s32 $0xFFFFFFFF;
	p2 =	slt.u32 s8, $0xFFFFF086  }
0x1c: {  	p1 =	slt.u32 s9, $0xF7A;
	s5 =	simm.s32 @!p2 $0x0  }
0x1d: {  	s5 =	simm.s32 @p1 $0x1;
	p0 =	seq.s32 s7, s2  }
0x1e: {  	s7 =	smul.u32 @!p0 $0xF7A, s2;
	p2 =	seq.s32 @!p0 s5, $0x0  }
0x1f: {  	s9 =	smul.u32 $0xF7A, s1;
	s8 =	simm.s32 @!p0 $0x1BF5;
	p2 =	por !p2, p0  }
0x20: {  	[sflag:s8] =	ssyncset.s32 @!p0 $0xFFFFF086;
	s6 =	sadd.s32 @!p0 s3, s7;
	s7 =	simm.s32 @!p0 $0x108  }
0x21: {  	s3 =	sadd.s32 s3, s9;
	s6 =	sadd.s32 @!p0 $0x88, s6;
	s7 =	simm.s32 @p2 $0x1082  }
0x22: {  	[simem:s7], [sflag:s8] =	dma.local @!p0 [hbm:s6], $0xF7A  }
0x23: {  	s9 =	sor.u32 $0xD0000000, s2;
	s6 =	simm.s32 $0x108;
	_ =	swait.ge @!p0 [sflag:s8], $0x0  }
0x24: {  	s3 =	sadd.s32 $0x88, s3;
	s6 =	simm.s32 @!p1 $0x1082;
	[sflag:s4] =	ssyncset.s32 $0xFFFFF086  }
0x25: {  	[simem:s6], [sflag:s4] =	dma.local [hbm:s3], $0xF7A  }
0x26: {  	[smem:$0x3F98] =	sst s1;
	(tag) =	ssettag s2;
	_ =	strace s9  }
0x27: {  	s1 =	sld [smem:$0x3FA8]  }
0x28: {  	s2 =	sld [smem:$0x3FA9]  }
0x29: {  	s4 =	sld [smem:$0x3FAB]  }
0x2a: {  	p0 =	seq.s32 s5, $0x0;
	s5 =	sld [smem:$0x3FAC]  }
0x2b: {  	s6 =	sld [smem:$0x3FAD]  }
0x2c: {  	s7 =	sld [smem:$0x3FAE]  }
0x2d: {  	s3 =	simm.s32 $0x108;
	s8 =	sld [smem:$0x3FAF]  }
0x2e: {  	s3 =	simm.s32 @!p0 $0x1082;
	s9 =	sld [smem:$0x3FB0]  }
0x2f: {  	lr =	sadd.s32 s0, s3;
	s0 =	sld [smem:$0x3FA7]  }
0x30: {  	s3 =	sld [smem:$0x3FAA]  }
0x31: {  	[smem:$0x3FB3] =	sst s10  }
0x32: {  	s10 =	sld [smem:$0x3FB1];
	_ =	sdelay $0x3  }
0x33: {  	p0 =	seq.s32 s10, $0x1;
	s10 =	sld [smem:$0x3FB3];
	_ =	sdelay $0x3  }
0x34: {  	[smem:$0x3FB3] =	sst s10  }
0x35: {  	s10 =	sld [smem:$0x3FB2];
	_ =	sdelay $0x3  }
0x36: {  	p1 =	seq.s32 s10, $0x1;
	s10 =	sld [smem:$0x3FB3];
	_ =	sdelay $0x3  }
0x37: {  	[smem:$0x3FB3] =	sst s10  }
0x38: {  	s10 =	sld [smem:$0x3FB4]  }
0x39: {  	_ = 	snop;
	(pc) =	sbr.ind lr, $3  }
0x3a: {  	_ = 	snop  }
0x3b: {  	_ = 	snop  }
0x3c: {  	p2 =	seq.s32 s10, $0x1;
	s10 =	sld [smem:$0x3FB3]  }
0x3d: {  	_ =	shalt  }
0x3e: {  	_ =	shalt  }
0x3f: {  	_ =	shalt  }
0x40: {  	_ =	shalt  }
0x41: {  	_ =	shalt  }
0x42: {  	_ =	shalt  }
0x43: {  	_ =	shalt  }
0x44: {  	_ =	shalt  }
0x45: {  	_ =	shalt  }
0x46: {  	_ =	shalt  }
0x47: {  	_ =	shalt  }
0x48: {  	_ =	shalt  }
0x49: {  	_ =	shalt  }
0x4a: {  	_ =	shalt  }
0x4b: {  	_ =	shalt  }
0x4c: {  	_ =	shalt  }
0x4d: {  	_ =	shalt  }
0x4e: {  	_ =	shalt  }
0x4f: {  	_ =	shalt  }
0x50: {  	_ =	shalt  }
0x51: {  	_ =	shalt  }
0x52: {  	_ =	shalt  }
0x53: {  	_ =	shalt  }
0x54: {  	_ =	shalt  }
0x55: {  	_ =	shalt  }
0x56: {  	_ =	shalt  }
0x57: {  	_ =	shalt  }
0x58: {  	_ =	shalt  }
0x59: {  	_ =	shalt  }
0x5a: {  	_ =	shalt  }
0x5b: {  	_ =	shalt  }
0x5c: {  	_ =	shalt  }
0x5d: {  	_ =	shalt  }
0x5e: {  	_ =	shalt  }
0x5f: {  	_ =	shalt  }
0x60: {  	_ =	shalt  }
0x61: {  	_ =	shalt  }
0x62: {  	_ =	shalt  }
0x63: {  	_ =	shalt  }
0x64: {  	_ =	shalt  }
0x65: {  	_ =	shalt  }
0x66: {  	_ =	shalt  }
0x67: {  	_ =	shalt  }
0x68: {  	_ =	shalt  }
0x69: {  	_ =	shalt  }
0x6a: {  	_ =	shalt  }
0x6b: {  	_ =	shalt  }
0x6c: {  	_ =	shalt  }
0x6d: {  	_ =	shalt  }
0x6e: {  	_ =	shalt  }
0x6f: {  	_ =	shalt  }
0x70: {  	_ =	shalt  }
0x71: {  	_ =	shalt  }
0x72: {  	_ =	shalt  }
0x73: {  	_ =	shalt  }
0x74: {  	_ =	shalt  }
0x75: {  	_ =	shalt  }
0x76: {  	_ =	shalt  }
0x77: {  	_ =	shalt  }
0x78: {  	_ =	shalt  }
0x79: {  	_ =	shalt  }
0x7a: {  	_ =	shalt  }
0x7b: {  	_ =	shalt  }
0x7c: {  	_ =	shalt  }
0x7d: {  	_ =	shalt  }
0x7e: {  	_ =	shalt  }
0x7f: {  	_ =	shalt  }
0x80: {  	_ =	shalt  }
0x81: {  	_ =	shalt  }
0x82: {  	_ =	shalt  }
0x83: {  	_ =	shalt  }
0x84: {  	_ =	shalt  }
0x85: {  	_ =	shalt  }
0x86: {  	_ =	shalt  }
0x87: {  	_ =	shalt  }
.Lfunc_end0:
.L_simem_size_0:
called_computation.1_lowered:
.L_overlay_start_0:
0x88: {  	s2 =	sld [smem:$0x3FD9]  }
0x89: {  	s3 =	sld [smem:$0x3FFE];
	_ =	sdelay $0x1  }
0x8a: {  	s1 =	srdreg.scid  }
0x8b: {  	s0 =	sand.u32 $0x1, s1  }
0x8c: {  	s17 =	sshll.u32 s0, $0xA;
	s2 =	sadd.s32 s3, s2  }
0x8d: {  	s2 =	sadd.s32 s2, s17  }
0x8e: {  	[smem:$0x3FBF] =	sst s2  }
0x8f: {  	_ = 	snop  }
0x90: {  	s2 =	sld [smem:$0x3FD0];
	(tm) =	ssettm $0x1  }
0x91: {  	s18 =	sld [smem:$0x3FFB];
	_ =	sdelay $0x3  }
0x92: {  	_ =	strace s18  }
0x93: {  	s3 =	sld [smem:$0x3FFC];
	_ =	sdelay $0x3  }
0x94: {  	_ =	strace s3  }
0x95: {  	s3 =	sld [smem:$0x3FFD];
	_ =	sdelay $0x3  }
0x96: {  	_ =	strace s3  }
0x97: {  	_ =	strace $0x8FFFFFFF  }
0x98: {  	s19 =	sld [smem:$0x3FDB];
	_ =	sdelay $0x1  }
0x99: {  	s4 =	simm.s32 $_scs_section_size  }
0x9a: {  	s5 =	simm.s32 $_size__tile_overlayer_lowered;
	s6 =	simm.s32 $_tile_overlayer_lowered  }
0x9b: {  	s22 =	simm.s32 $0x1BFF;
	s21 =	sshll.u32 s6, $0x1;
	s3 =	sadd.s32 s4, s19  }
0x9c: {  	s7 =	simm.s32 $0x0;
	s20 =	sshll.u32 s5, $0x1;
	s5 =	sadd.s32 s21, s3  }
0x9d: {  	[timem:s7], [sflag:s22] =	dma.local [hbm:s5], s20  }
0x9e: {  	_ =	swait.ge [sflag:s22], s20  }
0x9f: {  	s4 =	ssub.s32 $0x0, s20;
	[sflag:s22] =	ssyncset.done $0x0  }
0xa0: {  	[sflag:s22] =	ssyncadd.s32 s4;
	_ =	sdelay $0x1  }
0xa1: {  	s23 =	simm.s32 $0x1B8B  }
0xa2: {  	_ =	swait.ge [sflag:s23], $0x1  }
0xa3: {  	[sflag:s23] =	ssyncset.done $0x0  }
0xa4: {  	s25 =	simm.s32 $0x1B8E;
	s24 =	sld [smem:$0x3FFE];
	[sflag:s23] =	ssyncadd.s32 $0xFFFFFFFF  }
0xa5: {  	s26 =	simm.s32 $execute0_lowered;
	[smem:$0x3FD2] =	sst s25  }
0xa6: {  	s5 =	sshll.u32 s26, $0x1;
	_ =	strace $0x80000049;
	[dreg:$0x1] =	wrdreg $0xFFFFFFFF  }
0xa7: {  	s28 =	simm.s32 $_size_execute0_lowered;
	s3 =	sadd.s32 s3, s5;
	[dreg:$0x0] =	wrdreg $0x0  }
0xa8: {  	s5 =	sshll.u32 s28, $0x1;
	[dreg:$0x2] =	wrdreg s3  }
0xa9: {  	[dreg:$0x3] =	wrdreg s5  }
0xaa: {  	[dreg:$0x4] =	wrdreg $0xC0  }
0xab: {  	_ =	task [dreg:s7], $0x5FFFF  }
0xac: {  	[dreg:$0x1] =	wrdreg $0xFFFFFFFF  }
0xad: {  	[dreg:$0x0] =	wrdreg $0x60  }
0xae: {  	[dreg:$0x2] =	wrdreg s2  }
0xaf: {  	[dreg:$0x3] =	wrdreg s24  }
0xb0: {  	[dreg:$0x4] =	wrdreg $0xD7000  }
0xb1: {  	[dreg:$0x5] =	wrdreg $0x9  }
0xb2: {  	_ =	task.clear_ibuf [dreg:s7], $0x6FFFF;
	_ =	strace $0x90000049  }
0xb3: {  	s29 =	simm.s32 $0x9;
	_ =	strace $0x8000004B  }
0xb4: {  	_ =	swait.ge [sflag:s29], $0x1  }
0xb5: {  	[sflag:s29] =	ssyncadd.s32 $0xFFFFFFFF  }
0xb6: {  	_ =	strace $0x9000004B  }
0xb7: {  	_ =	sfence  }
0xb8: {  	s30 =	sld [smem:$0x0];
	_ =	sdelay $0x2  }
0xb9: {  	s31 =	sshll.u32 s1, $0xD;
	s1 =	sshrl.u32 s1, $0x2  }
0xba: {  	s3 =	sand.u32 $0x4000, s31;
	s1 =	sadd.s32 s1, s30  }
0xbb: {  	s0 =	sor.u32 s3, s0;
	s1 =	sshll.u32 s1, $0x11  }
0xbc: {  	s0 =	sor.u32 s1, s0  }
0xbd: {  	s0 =	sadd.s32 $0x8F2B, s0  }
0xbe: {  	[sflag:s0] =	ssyncadd.remote.s32 $0x1  }
0xbf: {  	_ =	sfence.sel $0xFFFF  }
0xc0: {  	[dreg:$0x0] =	wrdreg $0xFFFFFFFF;
	(pc) =	sbr.abs _section_cstart, $3  }
0xc1: {  	[dreg:$0x1] =	wrdreg $0xFFFFFFFF  }
0xc2: {  	_ =	task.clear_ibuf [dreg:s7], $0x2FFFF;
	_ =	strace $0x9FFFFFFF  }
0xc3: {  	(tm) =	ssettm $0x7FFFFFFF  }
tec
execute0_lowered:
.L_overlay_start_1:
0x0: {  	(tag) =	ssettag $0x1  }
0x1: {  	s1 =	rddreg [dreg:$0x0]  }
0x2: {  	s0 =	srdreg.scid;
	s4 =	rddreg [dreg:$0x1]  }
0x3: {  	s8 =	stileid.u32;
	s3 =	rddreg [dreg:$0x2];
	s6 =	simm.s32 $0x0  }
0x4: {  	s18 =	simm.s32 $0xCD00;
	s30 =	simm.s32 $0x7EE0;
	s28 =	simm.s32 $0x1  }
0x5: {  	s29 =	simm.s32 $0xBD60;
	s31 =	simm.s32 $0x2;
	s0 =	sand.u32 $0x1, s0  }
0x6: {  	[smem:$0x7FF] =	sst s6;
	s14 =	smul.u32 $0x5000, s8;
	s2 =	sshll.u32 s0, $0x4  }
0x7: {  	s5 =	smul.u32 $0x50000, s0;
	s0 =	ssub.s32 $0x2, s0;
	s2 =	sor.u32 s8, s2  }
0x8: {  	_ =	strace $0x8000004A;
	s7 =	sshrl.u32 s0, $0x1;
	s2 =	smul.u32 $0x2800, s2  }
0x9: {  	s8 =	smul.u32 $0x14000, s8;
	s17 =	sadd.s32 s14, s3;
	s5 =	sadd.s32 s14, s5  }
0xa: {  	s0 =	ssub.s32 s0, s7;
	s26 =	sshrl.u32 s17, $0x3;
	s2 =	sshrl.u32 s2, $0x3  }
0xb: {  	s0 =	smax.u32 s0, $0x1;
	[dreg:$0x10] =	wrdreg s26;
	s2 =	sadd.s32 s2, s4  }
0xc: {  	s5 =	sshrl.u32 s5, $0x3;
	[dreg:$0x8] =	wrdreg s0;
	s15 =	sadd.s32 $0x3A00, s2  }
0xd: {  	s4 =	sadd.s32 s5, s4;
	s2 =	sadd.s32 $0xDA00, s2;
	[dreg:$0x4] =	wrdreg s15  }
0xe: {  	s16 =	sshrl.u32 s8, $0x2;
	s4 =	sadd.s32 $0x17A00, s4;
	[dreg:$0x5] =	wrdreg s2  }
0xf: {  	s10 =	simm.s32 $0x0;
	[dreg:$0x6] =	wrdreg s4;
	s2 =	sadd.s32 s16, s3  }
0x10: {  	s6 =	simm.s32 $0x8;
	s19 =	sadd.s32 $0xA00, s2;
	[dreg:$0x7] =	wrdreg s2  }
0x11: {  	s17 =	simm.s32 $0x9E20;
	s20 =	sadd.s32 $0x1400, s2;
	[dreg:$0x9] =	wrdreg s19  }
0x12: {  	s7 =	simm.s32 $0xF;
	s21 =	sadd.s32 $0x1E00, s2;
	[dreg:$0xa] =	wrdreg s20  }
0x13: {  	s26 =	simm.s32 $0xADC0;
	s22 =	sadd.s32 $0x2800, s2;
	[dreg:$0xb] =	wrdreg s21  }
0x14: {  	s0 =	simm.s32 $0x4;
	s23 =	sadd.s32 $0x3200, s2;
	[dreg:$0xc] =	wrdreg s22  }
.Ltmp0:
0x15: {  	s24 =	sadd.s32 $0x3C00, s2;
	[dreg:$0xd] =	wrdreg s23;
	(pc) =	sbr.rel .LBB2_1-.Ltmp0, $4  }
0x16: {  	s5 =	simm.s32 $0xD;
	s25 =	sadd.s32 $0x4600, s2;
	[dreg:$0xe] =	wrdreg s24  }
0x17: {  	s4 =	simm.s32 $0x6;
	s2 =	simm.s32 $0x9;
	[dreg:$0xf] =	wrdreg s25  }
0x18: {  	s19 =	simm.s32 $0x12;
	s20 =	simm.s32 $0x11;
	s21 =	simm.s32 $0x7D  }
0x19: {  	v0 =	vimm.f32 $0.0e+00;
	s22 =	simm.s32 $0x5000;
	s24 =	simm.s32 $0x5FA0;
	s23 =	simm.s32 $0xB  }
.LBB2_6:
0x1a: {  	s8 =	simm.s32 $0x10  }
0x1b: {  	_ =	swait.ge [sflag:s8], $0xFA0  }
0x1c: {  	[sflag:s8] =	ssyncset.done $0x0  }
0x1d: {  	[sflag:s8] =	ssyncadd.s32 $0xFFFFF060  }
0x1e: {  	s16 =	stileid.u32;
	[bflag:$0x0] =	sbarrier.arrive $0xFFFF  }
0x1f: {  	s8 =	sshll.u32 s16, $0x6;
	s9 =	rddreg [dreg:$0x6]  }
0x20: {  	s8 =	sor.u32 $0x1C12, s8;
	s11 =	rddreg [dreg:$0x10]  }
0x21: {  	[hbm:s9], [sflag:s8] =	dma.local [spmem:s11], $0xA00  }
0x22: {  	_ =	swait.ge [sflag:s19], $0xA00  }
0x23: {  	s10 =	sadd.s32 $0x1, s10;
	s25 =	rddreg [dreg:$0x8]  }
0x24: {  	p0 =	sne.s32 s10, s25  }
.Ltmp1:
0x25: {  	_ = 	snop;
	(pc) =	sbr.rel @!p0 .LBB2_7-.Ltmp1, $3  }
0x26: {  	_ =	sdelay $0x1  }
0x27: {  	[sflag:s19] =	ssyncset.done $0x0  }
0x28: {  	[sflag:s19] =	ssyncadd.s32 $0xFFFFF600  }
.LBB2_1:
0x29: {  	s8 =	simm.s32 $0x0;
	s9 =	rddreg [dreg:$0x4]  }
0x2a: {  	[tilespmem:s8], [sflag:$0x11] =	stream.linear.gather [hbm4b:s9+s8], $0x2800, $0x38;
	[tilespmem:$0x12700] =	vst v63  }
0x2b: {  	s25 =	rddreg [dreg:$0x5];
	s11 =	simm.s32 $0x2800  }
0x2c: {  	[tilespmem:s11], [sflag:$0x11] =	stream.linear.gather [hbm4b:s25+s8], $0x2800, $0x38;
	[tilespmem:$0x12700] =	vst v63  }
0x2d: {  	s12 =	simm.s32 $0x0;
	s11 =	simm.s32 $0x80  }
.LBB2_2:
0x2e: {  	p0 =	sne.s32 s11, $0x2780;
	[tilespmem:s12+$0xCD00] =	vst v0;
	s13 =	smov.u32 s11;
	s11 =	sadd.s32 $0x80, s11  }
.Ltmp2:
0x2f: {  	[tilespmem:s12+$0xCD10] =	vst v0;
	(pc) =	sbr.rel @p0 .LBB2_2-.Ltmp2, $2  }
0x30: {  	_ =	sdelay $0x2  }
0x31: {  	s12 =	sshra.s32 s13, $0x2  }
0x32: {  	[tilespmem:s12+$0xCD00] =	vst v0  }
0x33: {  	[tilespmem:s12+$0xCD10] =	vst v0;
	s8 =	rddreg [dreg:$0x7]  }
0x34: {  	[spmem:s8] =	stream.linear.scatter [tilespmem:s18], [sflag:$0x12], $0xA00, $0x38;
	[tilespmem:$0x12700] =	vst v63  }
0x35: {  	_ =	swait.ge [sflag:s19], $0xA00  }
0x36: {  	[sflag:s19] =	ssyncset.done $0x0  }
0x37: {  	s11 =	rddreg [dreg:$0x9];
	[sflag:s19] =	ssyncadd.s32 $0xFFFFF600  }
0x38: {  	[spmem:s11] =	stream.linear.scatter [tilespmem:s18], [sflag:$0x12], $0xA00, $0x38;
	[tilespmem:$0x12700] =	vst v63  }
0x39: {  	_ =	swait.ge [sflag:s19], $0xA00  }
0x3a: {  	[sflag:s19] =	ssyncset.done $0x0  }
0x3b: {  	s12 =	rddreg [dreg:$0xa];
	[sflag:s19] =	ssyncadd.s32 $0xFFFFF600  }
0x3c: {  	[spmem:s12] =	stream.linear.scatter [tilespmem:s18], [sflag:$0x12], $0xA00, $0x38;
	[tilespmem:$0x12700] =	vst v63  }
0x3d: {  	_ =	swait.ge [sflag:s19], $0xA00  }
0x3e: {  	[sflag:s19] =	ssyncset.done $0x0  }
0x3f: {  	s13 =	rddreg [dreg:$0xb];
	[sflag:s19] =	ssyncadd.s32 $0xFFFFF600  }
0x40: {  	[spmem:s13] =	stream.linear.scatter [tilespmem:s18], [sflag:$0x12], $0xA00, $0x38;
	[tilespmem:$0x12700] =	vst v63  }
0x41: {  	_ =	swait.ge [sflag:s19], $0xA00  }
0x42: {  	[sflag:s19] =	ssyncset.done $0x0  }
0x43: {  	s14 =	rddreg [dreg:$0xc];
	[sflag:s19] =	ssyncadd.s32 $0xFFFFF600  }
0x44: {  	[spmem:s14] =	stream.linear.scatter [tilespmem:s18], [sflag:$0x12], $0xA00, $0x38;
	[tilespmem:$0x12700] =	vst v63  }
0x45: {  	_ =	swait.ge [sflag:s19], $0xA00  }
0x46: {  	[sflag:s19] =	ssyncset.done $0x0  }
0x47: {  	s15 =	rddreg [dreg:$0xd];
	[sflag:s19] =	ssyncadd.s32 $0xFFFFF600  }
0x48: {  	[spmem:s15] =	stream.linear.scatter [tilespmem:s18], [sflag:$0x12], $0xA00, $0x38;
	[tilespmem:$0x12700] =	vst v63  }
0x49: {  	_ =	swait.ge [sflag:s19], $0xA00  }
0x4a: {  	[sflag:s19] =	ssyncset.done $0x0  }
0x4b: {  	s16 =	rddreg [dreg:$0xe];
	[sflag:s19] =	ssyncadd.s32 $0xFFFFF600  }
0x4c: {  	[spmem:s16] =	stream.linear.scatter [tilespmem:s18], [sflag:$0x12], $0xA00, $0x38;
	[tilespmem:$0x12700] =	vst v63  }
0x4d: {  	_ =	swait.ge [sflag:s19], $0xA00  }
0x4e: {  	[sflag:s19] =	ssyncset.done $0x0  }
0x4f: {  	s25 =	rddreg [dreg:$0xf];
	[sflag:s19] =	ssyncadd.s32 $0xFFFFF600  }
0x50: {  	[spmem:s25] =	stream.linear.scatter [tilespmem:s18], [sflag:$0x12], $0xA00, $0x38;
	[tilespmem:$0x12700] =	vst v63  }
0x51: {  	_ =	swait.ge [sflag:s19], $0xA00  }
0x52: {  	[sflag:s19] =	ssyncset.done $0x0  }
0x53: {  	[sflag:s19] =	ssyncadd.s32 $0xFFFFF600  }
0x54: {  	_ =	swait.ge [sflag:s20], $0x2800  }
0x55: {  	[sflag:s20] =	ssyncset.done $0x0  }
0x56: {  	[sflag:s20] =	ssyncadd.s32 $0xFFFFD800  }
0x57: {  	_ =	swait.ge [sflag:s20], $0x2800  }
0x58: {  	[sflag:s20] =	ssyncset.done $0x0  }
0x59: {  	s11 =	simm.s32 $0x0;
	[sflag:s20] =	ssyncadd.s32 $0xFFFFD800  }
0x5a: {  	[tilespmem:s22], [sflag:$0x1] =	stream.indirect.gather [hbm4b:s1+s21], $0x20, s11, s21, $0xb8;
	[tilespmem:$0x12700] =	vst v63  }
0x5b: {  	s9 =	simm.s32 $0x80  }
0x5c: {  	[tilespmem:s24], [sflag:$0x2] =	stream.indirect.gather [hbm4b:s1+s21], $0x20, s9, s21, $0xb8;
	[tilespmem:$0x12700] =	vst v63  }
0x5d: {  	s12 =	simm.s32 $0x100;
	s9 =	simm.s32 $0x6F40  }
0x5e: {  	[tilespmem:s9], [sflag:$0x3] =	stream.indirect.gather [hbm4b:s1+s21], $0x20, s12, s21, $0xb8;
	[tilespmem:$0x12700] =	vst v63  }
0x5f: {  	s13 =	simm.s32 $0x180  }
0x60: {  	[tilespmem:s30], [sflag:$0x4] =	stream.indirect.gather [hbm4b:s1+s21], $0x20, s13, s21, $0xb8;
	[tilespmem:$0x12700] =	vst v63  }
0x61: {  	s14 =	simm.s32 $0x200;
	s15 =	simm.s32 $0x8E80  }
0x62: {  	[tilespmem:s15], [sflag:$0x5] =	stream.indirect.gather [hbm4b:s1+s21], $0x20, s14, s21, $0xb8;
	[tilespmem:$0x12700] =	vst v63  }
0x63: {  	s16 =	simm.s32 $0x280  }
0x64: {  	[tilespmem:s17], [sflag:$0x6] =	stream.indirect.gather [hbm4b:s1+s21], $0x20, s16, s21, $0xb8;
	[tilespmem:$0x12700] =	vst v63  }
0x65: {  	s25 =	simm.s32 $0x300  }
0x66: {  	[tilespmem:s26], [sflag:$0x7] =	stream.indirect.gather [hbm4b:s1+s21], $0x20, s25, s21, $0xb8;
	[tilespmem:$0x12700] =	vst v63  }
0x67: {  	[bflag:$0x0] =	sbarrier.arrive $0xFFFF  }
.LBB2_4:
0x68: {  	_ =	swait.ge [sflag:s28], $0xFA0  }
0x69: {  	s12 =	sshra.s32 s11, $0x2;
	[sflag:s28] =	ssyncset.done $0x0  }
0x6a: {  	p0 =	seq.s32 s11, $0x0;
	s13 =	sadd.s32 $0x2800, s12;
	[sflag:s28] =	ssyncadd.s32 $0xFFFFF060  }
0x6b: {  	[spmem:s3] =	stream.indirect.scatter.add.f32 [tilespmem:s22], [sflag:$0x9], $0x20, s13, s21, $0xb8;
	[tilespmem:$0x12700] =	vst v63  }
0x6c: {  	s13 =	simm.s32 @!p0 $0x10  }
0x6d: {  	_ =	swait.ge @!p0 [sflag:s13], $0xFA0  }
0x6e: {  	[sflag:s13] =	ssyncset.done @!p0 $0x0  }
0x6f: {  	s25 =	sadd.s32 $0x380, s12;
	[sflag:s13] =	ssyncadd.s32 @!p0 $0xFFFFF060  }
0x70: {  	[tilespmem:s29], [sflag:$0x8] =	stream.indirect.gather [hbm4b:s1+s21], $0x20, s25, s21, $0xb8;
	[tilespmem:$0x12700] =	vst v63  }
0x71: {  	_ =	swait.ge [sflag:s31], $0xFA0  }
0x72: {  	[sflag:s31] =	ssyncset.done $0x0  }
0x73: {  	s8 =	sadd.s32 $0x2880, s12;
	[sflag:s31] =	ssyncadd.s32 $0xFFFFF060  }
0x74: {  	[spmem:s3] =	stream.indirect.scatter.add.f32 [tilespmem:s24], [sflag:$0xA], $0x20, s8, s21, $0xb8;
	[tilespmem:$0x12700] =	vst v63  }
0x75: {  	_ =	swait.ge [sflag:s2], $0xFA0  }
0x76: {  	p0 =	seq.s32 s11, $0x9000;
	[sflag:s2] =	ssyncset.done $0x0  }
0x77: {  	s13 =	simm.s32 @p0 $0x3;
	[sflag:s2] =	ssyncadd.s32 $0xFFFFF060  }
0x78: {  	_ =	swait.ge @p0 [sflag:s13], $0xFA0  }
0x79: {  	s15 =	sshra.s32 @p0 s11, $0x2;
	s16 =	simm.s32 @p0 $0x7D;
	[sflag:s13] =	ssyncset.done @p0 $0x0  }
0x7a: {  	s14 =	simm.s32 @p0 $0x6F40;
	[sflag:s13] =	ssyncadd.s32 @p0 $0xFFFFF060;
	s13 =	sadd.s32 @p0 $0x2900, s15  }
0x7b: {  	[spmem:s3] =	stream.indirect.scatter.add.f32 @p0 [tilespmem:s14], [sflag:$0xB], $0x20, s13, s16, $0xb8;
	[tilespmem:$0x12700] =	vst v63  }
0x7c: {  	s13 =	simm.s32 @p0 $0xA  }
0x7d: {  	_ =	swait.ge @p0 [sflag:s13], $0xFA0  }
0x7e: {  	[sflag:s13] =	ssyncset.done @p0 $0x0  }
0x7f: {  	[sflag:s13] =	ssyncadd.s32 @p0 $0xFFFFF060;
	s13 =	sshra.s32 @!p0 s11, $0x2  }
0x80: {  	s8 =	simm.s32 @!p0 $0x5000;
	s14 =	simm.s32 @!p0 $0x7D;
	s25 =	sadd.s32 @!p0 $0x400, s13  }
0x81: {  	[tilespmem:s8], [sflag:$0x1] =	stream.indirect.gather @!p0 [hbm4b:s1+s14], $0x20, s25, s14, $0xb8;
	[tilespmem:$0x12700] =	vst v63  }
0x82: {  	s8 =	simm.s32 @!p0 $0x3  }
0x83: {  	_ =	swait.ge @!p0 [sflag:s8], $0xFA0  }
0x84: {  	[sflag:s8] =	ssyncset.done @!p0 $0x0  }
0x85: {  	s25 =	simm.s32 @!p0 $0x6F40;
	[sflag:s8] =	ssyncadd.s32 @!p0 $0xFFFFF060;
	s8 =	sadd.s32 @!p0 $0x2900, s13  }
0x86: {  	[spmem:s3] =	stream.indirect.scatter.add.f32 @!p0 [tilespmem:s25], [sflag:$0xB], $0x20, s8, s14, $0xb8;
	[tilespmem:$0x12700] =	vst v63  }
0x87: {  	s8 =	simm.s32 @!p0 $0xA  }
0x88: {  	_ =	swait.ge @!p0 [sflag:s8], $0xFA0  }
0x89: {  	[sflag:s8] =	ssyncset.done @!p0 $0x0  }
0x8a: {  	s9 =	simm.s32 @!p0 $0x5FA0;
	[sflag:s8] =	ssyncadd.s32 @!p0 $0xFFFFF060;
	s8 =	sadd.s32 @!p0 $0x480, s13  }
0x8b: {  	[tilespmem:s9], [sflag:$0x2] =	stream.indirect.gather @!p0 [hbm4b:s1+s14], $0x20, s8, s14, $0xb8;
	[tilespmem:$0x12700] =	vst v63  }
0x8c: {  	_ =	swait.ge [sflag:s0], $0xFA0  }
0x8d: {  	[sflag:s0] =	ssyncset.done $0x0  }
0x8e: {  	s9 =	sadd.s32 $0x2980, s12;
	[sflag:s0] =	ssyncadd.s32 $0xFFFFF060  }
0x8f: {  	[spmem:s3] =	stream.indirect.scatter.add.f32 [tilespmem:s30], [sflag:$0xC], $0x20, s9, s21, $0xb8;
	[tilespmem:$0x12700] =	vst v63  }
0x90: {  	_ =	swait.ge [sflag:s23], $0xFA0  }
0x91: {  	[sflag:s23] =	ssyncset.done $0x0  }
0x92: {  	s8 =	simm.s32 @p0 $0x5;
	[sflag:s23] =	ssyncadd.s32 $0xFFFFF060  }
0x93: {  	_ =	swait.ge @p0 [sflag:s8], $0xFA0  }
0x94: {  	[sflag:s8] =	ssyncset.done @p0 $0x0  }
0x95: {  	s9 =	simm.s32 @p0 $0x8E80;
	[sflag:s8] =	ssyncadd.s32 @p0 $0xFFFFF060;
	s8 =	sadd.s32 @p0 $0x2A00, s15  }
0x96: {  	[spmem:s3] =	stream.indirect.scatter.add.f32 @p0 [tilespmem:s9], [sflag:$0xD], $0x20, s8, s16, $0xb8;
	[tilespmem:$0x12700] =	vst v63  }
0x97: {  	s8 =	simm.s32 @p0 $0xC  }
0x98: {  	_ =	swait.ge @p0 [sflag:s8], $0xFA0  }
0x99: {  	[sflag:s8] =	ssyncset.done @p0 $0x0  }
0x9a: {  	[sflag:s8] =	ssyncadd.s32 @p0 $0xFFFFF060;
	s8 =	sadd.s32 @!p0 $0x500, s13  }
0x9b: {  	[tilespmem:s25], [sflag:$0x3] =	stream.indirect.gather @!p0 [hbm4b:s1+s14], $0x20, s8, s14, $0xb8;
	[tilespmem:$0x12700] =	vst v63  }
0x9c: {  	s8 =	simm.s32 @!p0 $0x5  }
0x9d: {  	_ =	swait.ge @!p0 [sflag:s8], $0xFA0  }
0x9e: {  	[sflag:s8] =	ssyncset.done @!p0 $0x0  }
0x9f: {  	s9 =	simm.s32 @!p0 $0x8E80;
	[sflag:s8] =	ssyncadd.s32 @!p0 $0xFFFFF060;
	s8 =	sadd.s32 @!p0 $0x2A00, s13  }
0xa0: {  	[spmem:s3] =	stream.indirect.scatter.add.f32 @!p0 [tilespmem:s9], [sflag:$0xD], $0x20, s8, s14, $0xb8;
	[tilespmem:$0x12700] =	vst v63  }
0xa1: {  	s8 =	simm.s32 @!p0 $0xC  }
0xa2: {  	_ =	swait.ge @!p0 [sflag:s8], $0xFA0  }
0xa3: {  	[sflag:s8] =	ssyncset.done @!p0 $0x0  }
0xa4: {  	s25 =	simm.s32 @!p0 $0x7EE0;
	[sflag:s8] =	ssyncadd.s32 @!p0 $0xFFFFF060;
	s8 =	sadd.s32 @!p0 $0x580, s13  }
0xa5: {  	[tilespmem:s25], [sflag:$0x4] =	stream.indirect.gather @!p0 [hbm4b:s1+s14], $0x20, s8, s14, $0xb8;
	[tilespmem:$0x12700] =	vst v63  }
0xa6: {  	_ =	swait.ge [sflag:s4], $0xFA0  }
0xa7: {  	[sflag:s4] =	ssyncset.done $0x0  }
0xa8: {  	s25 =	sadd.s32 $0x2A80, s12;
	[sflag:s4] =	ssyncadd.s32 $0xFFFFF060  }
0xa9: {  	[spmem:s3] =	stream.indirect.scatter.add.f32 [tilespmem:s17], [sflag:$0xE], $0x20, s25, s21, $0xb8;
	[tilespmem:$0x12700] =	vst v63  }
0xaa: {  	_ =	swait.ge [sflag:s5], $0xFA0  }
0xab: {  	[sflag:s5] =	ssyncset.done $0x0  }
0xac: {  	s8 =	simm.s32 @p0 $0x7;
	[sflag:s5] =	ssyncadd.s32 $0xFFFFF060  }
0xad: {  	_ =	swait.ge @p0 [sflag:s8], $0xFA0  }
0xae: {  	[sflag:s8] =	ssyncset.done @p0 $0x0  }
0xaf: {  	[sflag:s8] =	ssyncadd.s32 @p0 $0xFFFFF060;
	s8 =	sadd.s32 @p0 $0x2B00, s15;
	s15 =	simm.s32 @p0 $0xADC0  }
0xb0: {  	[spmem:s3] =	stream.indirect.scatter.add.f32 @p0 [tilespmem:s15], [sflag:$0xF], $0x20, s8, s16, $0xb8;
	[tilespmem:$0x12700] =	vst v63  }
0xb1: {  	s8 =	simm.s32 @p0 $0xE  }
0xb2: {  	_ =	swait.ge @p0 [sflag:s8], $0xFA0  }
0xb3: {  	[sflag:s8] =	ssyncset.done @p0 $0x0  }
0xb4: {  	[sflag:s8] =	ssyncadd.s32 @p0 $0xFFFFF060;
	s8 =	sadd.s32 @!p0 $0x600, s13  }
0xb5: {  	[tilespmem:s9], [sflag:$0x5] =	stream.indirect.gather @!p0 [hbm4b:s1+s14], $0x20, s8, s14, $0xb8;
	[tilespmem:$0x12700] =	vst v63  }
0xb6: {  	s8 =	simm.s32 @!p0 $0x7  }
0xb7: {  	_ =	swait.ge @!p0 [sflag:s8], $0xFA0  }
0xb8: {  	[sflag:s8] =	ssyncset.done @!p0 $0x0  }
0xb9: {  	s9 =	simm.s32 @!p0 $0xADC0;
	[sflag:s8] =	ssyncadd.s32 @!p0 $0xFFFFF060;
	s8 =	sadd.s32 @!p0 $0x2B00, s13  }
0xba: {  	[spmem:s3] =	stream.indirect.scatter.add.f32 @!p0 [tilespmem:s9], [sflag:$0xF], $0x20, s8, s14, $0xb8;
	[tilespmem:$0x12700] =	vst v63  }
0xbb: {  	s8 =	simm.s32 @!p0 $0xE  }
0xbc: {  	_ =	swait.ge @!p0 [sflag:s8], $0xFA0  }
0xbd: {  	[sflag:s8] =	ssyncset.done @!p0 $0x0  }
0xbe: {  	s9 =	simm.s32 @!p0 $0x9E20;
	[sflag:s8] =	ssyncadd.s32 @!p0 $0xFFFFF060;
	s8 =	sadd.s32 @!p0 $0x680, s13  }
0xbf: {  	[tilespmem:s9], [sflag:$0x6] =	stream.indirect.gather @!p0 [hbm4b:s1+s14], $0x20, s8, s14, $0xb8;
	[tilespmem:$0x12700] =	vst v63  }
0xc0: {  	_ =	swait.ge [sflag:s6], $0xFA0  }
0xc1: {  	[sflag:s6] =	ssyncset.done $0x0  }
.Ltmp3:
0xc2: {  	s25 =	sadd.s32 $0x2B80, s12;
	[sflag:s6] =	ssyncadd.s32 $0xFFFFF060;
	(pc) =	sbr.rel @p0 .LBB2_6-.Ltmp3, $4  }
0xc3: {  	[spmem:s3] =	stream.indirect.scatter.add.f32 [tilespmem:s29], [sflag:$0x10], $0x20, s25, s21, $0xb8;
	[tilespmem:$0x12700] =	vst v63  }
0xc4: {  	_ =	swait.ge [sflag:s7], $0xFA0  }
0xc5: {  	[sflag:s7] =	ssyncset.done $0x0  }
0xc6: {  	[sflag:s7] =	ssyncadd.s32 $0xFFFFF060  }
.Ltmp4:
0xc7: {  	(pc) =	sbr.rel .LBB2_4-.Ltmp4, $3  }
0xc8: {  	_ =	sdelay $0x1  }
0xc9: {  	s8 =	sadd.s32 $0x700, s12;
	s11 =	sadd.s32 $0x1000, s11  }
0xca: {  	[tilespmem:s26], [sflag:$0x7] =	stream.indirect.gather [hbm4b:s1+s21], $0x20, s8, s21, $0xb8;
	[tilespmem:$0x12700] =	vst v63  }
.LBB2_7:
0xcb: {  	_ =	sfence.sel $0x180000  }
0xcc: {  	[bflag:$0x0] =	sbarrier.arrive $0xFFFF  }
0xcd: {  	_ =	strace $0x9000004A  }
0xce: {  	s0 =	stileid.u32;
	[bflag:$0x2] =	sbarrier.arrive $0xFFFF  }
0xcf: {  	p0 =	sne.s32 s0, $0x0;
	s0 =	rddreg [dreg:$0x3]  }
0xd0: {  	s0 =	sadd.s32 @!p0 $0x100000, s0  }
0xd1: {  	[sflag:s0] =	ssyncadd.tile.s32 @!p0 $0x1;
	_ =	shalt  }
.Lfunc_end2:
_tile_overlayer_lowered:
.L_overlay_start_2:
0xd2: {  	(tag) =	ssettag $0x2  }
0xd3: {  	s0 =	rddreg [dreg:$0x0];
	s2 =	stileid.u32  }
0xd4: {  	s1 =	rddreg [dreg:$0x1];
	p0 =	sne.s32 s2, $0x0  }
0xd5: {  	s3 =	rddreg [dreg:$0x2];
	[bflag:$0x3] =	sbarrier.arrive $0xFFFF;
	s2 =	simm.s32 @!p0 $0x1C12  }
0xd6: {  	[timem:s3], [sflag:s2] =	dma.local @!p0 [hbm:s0], s1  }
0xd7: {  	s0 =	simm.s32 @!p0 $0x12  }
0xd8: {  	_ =	swait.ge @!p0 [sflag:s0], s1  }
0xd9: {  	s1 =	ssub.s32 @!p0 $0x0, s1;
	[sflag:s0] =	ssyncset.done @!p0 $0x0  }
0xda: {  	[sflag:s0] =	ssyncadd.s32 @!p0 s1  }
0xdb: {  	[bflag:$0x3] =	sbarrier.arrive $0xFFFF  }
0xdc: {  	_ =	shalt  }

// kernel: kernel.16.cloned.1.call-start
scs
__scs_entry_jumppad:
0x0: {  	(pc) =	sbr.rel $0x88, $3  }
0x1: {  	(tag) =	ssettag $0x0;
	lr =	simm.s32 $0x1  }
0x2: {  	[smem:$0x3F98] =	sst lr;
	_ =	strace $0xD0000000  }
0x3: {  	_ = 	snop  }
0x4: {  	_ = 	snop  }
0x5: {  	_ = 	snop  }
0x6: {  	_ = 	snop  }
0x7: {  	_ = 	snop  }
__scs_overlays_trampoline_lowered:
0x8: {  	[smem:$0x3FA7] =	sst s0  }
0x9: {  	[smem:$0x3FA8] =	sst s1  }
0xa: {  	[smem:$0x3FA9] =	sst s2  }
0xb: {  	[smem:$0x3FAA] =	sst s3  }
0xc: {  	[smem:$0x3FAB] =	sst s4  }
0xd: {  	[smem:$0x3FAC] =	sst s5  }
0xe: {  	[smem:$0x3FAD] =	sst s6  }
0xf: {  	[smem:$0x3FAE] =	sst s7  }
0x10: {  	[smem:$0x3FAF] =	sst s8  }
0x11: {  	[smem:$0x3FB0] =	sst s9;
	s0 =	simm.s32 @!p0 $0x0  }
0x12: {  	s1 =	sld [smem:$0x3F96];
	s0 =	simm.s32 @p0 $0x1  }
0x13: {  	[smem:$0x3FB1] =	sst s0;
	s0 =	simm.s32 @!p1 $0x0  }
0x14: {  	s2 =	sld [smem:$0x3F95];
	s0 =	simm.s32 @p1 $0x1  }
0x15: {  	[smem:$0x3FB2] =	sst s0;
	s0 =	simm.s32 @!p2 $0x0  }
0x16: {  	s3 =	sld [smem:$0x3FDB];
	s0 =	simm.s32 @p2 $0x1  }
0x17: {  	s4 =	simm.s32 $0x1BF5;
	[smem:$0x3FB4] =	sst s0  }
0x18: {  	s0 =	sld [smem:$0x3F97];
	_ =	swait.ge [sflag:s4], $0x0  }
0x19: {  	s7 =	sld [smem:$0x3F98]  }
0x1a: {  	s8 =	sadd.s32 $0xFFFFE003, lr  }
0x1b: {  	s9 =	sadd.s32 $0xFFFFFEF7, lr;
	s5 =	simm.s32 $0xFFFFFFFF;
	p2 =	slt.u32 s8, $0xFFFFF086  }
0x1c: {  	p1 =	slt.u32 s9, $0xF7A;
	s5 =	simm.s32 @!p2 $0x0  }
0x1d: {  	s5 =	simm.s32 @p1 $0x1;
	p0 =	seq.s32 s7, s2  }
0x1e: {  	s7 =	smul.u32 @!p0 $0xF7A, s2;
	p2 =	seq.s32 @!p0 s5, $0x0  }
0x1f: {  	s9 =	smul.u32 $0xF7A, s1;
	s8 =	simm.s32 @!p0 $0x1BF5;
	p2 =	por !p2, p0  }
0x20: {  	[sflag:s8] =	ssyncset.s32 @!p0 $0xFFFFF086;
	s6 =	sadd.s32 @!p0 s3, s7;
	s7 =	simm.s32 @!p0 $0x108  }
0x21: {  	s3 =	sadd.s32 s3, s9;
	s6 =	sadd.s32 @!p0 $0x88, s6;
	s7 =	simm.s32 @p2 $0x1082  }
0x22: {  	[simem:s7], [sflag:s8] =	dma.local @!p0 [hbm:s6], $0xF7A  }
0x23: {  	s9 =	sor.u32 $0xD0000000, s2;
	s6 =	simm.s32 $0x108;
	_ =	swait.ge @!p0 [sflag:s8], $0x0  }
0x24: {  	s3 =	sadd.s32 $0x88, s3;
	s6 =	simm.s32 @!p1 $0x1082;
	[sflag:s4] =	ssyncset.s32 $0xFFFFF086  }
0x25: {  	[simem:s6], [sflag:s4] =	dma.local [hbm:s3], $0xF7A  }
0x26: {  	[smem:$0x3F98] =	sst s1;
	(tag) =	ssettag s2;
	_ =	strace s9  }
0x27: {  	s1 =	sld [smem:$0x3FA8]  }
0x28: {  	s2 =	sld [smem:$0x3FA9]  }
0x29: {  	s4 =	sld [smem:$0x3FAB]  }
0x2a: {  	p0 =	seq.s32 s5, $0x0;
	s5 =	sld [smem:$0x3FAC]  }
0x2b: {  	s6 =	sld [smem:$0x3FAD]  }
0x2c: {  	s7 =	sld [smem:$0x3FAE]  }
0x2d: {  	s3 =	simm.s32 $0x108;
	s8 =	sld [smem:$0x3FAF]  }
0x2e: {  	s3 =	simm.s32 @!p0 $0x1082;
	s9 =	sld [smem:$0x3FB0]  }
0x2f: {  	lr =	sadd.s32 s0, s3;
	s0 =	sld [smem:$0x3FA7]  }
0x30: {  	s3 =	sld [smem:$0x3FAA]  }
0x31: {  	[smem:$0x3FB3] =	sst s10  }
0x32: {  	s10 =	sld [smem:$0x3FB1];
	_ =	sdelay $0x3  }
0x33: {  	p0 =	seq.s32 s10, $0x1;
	s10 =	sld [smem:$0x3FB3];
	_ =	sdelay $0x3  }
0x34: {  	[smem:$0x3FB3] =	sst s10  }
0x35: {  	s10 =	sld [smem:$0x3FB2];
	_ =	sdelay $0x3  }
0x36: {  	p1 =	seq.s32 s10, $0x1;
	s10 =	sld [smem:$0x3FB3];
	_ =	sdelay $0x3  }
0x37: {  	[smem:$0x3FB3] =	sst s10  }
0x38: {  	s10 =	sld [smem:$0x3FB4]  }
0x39: {  	_ = 	snop;
	(pc) =	sbr.ind lr, $3  }
0x3a: {  	_ = 	snop  }
0x3b: {  	_ = 	snop  }
0x3c: {  	p2 =	seq.s32 s10, $0x1;
	s10 =	sld [smem:$0x3FB3]  }
0x3d: {  	_ =	shalt  }
0x3e: {  	_ =	shalt  }
0x3f: {  	_ =	shalt  }
0x40: {  	_ =	shalt  }
0x41: {  	_ =	shalt  }
0x42: {  	_ =	shalt  }
0x43: {  	_ =	shalt  }
0x44: {  	_ =	shalt  }
0x45: {  	_ =	shalt  }
0x46: {  	_ =	shalt  }
0x47: {  	_ =	shalt  }
0x48: {  	_ =	shalt  }
0x49: {  	_ =	shalt  }
0x4a: {  	_ =	shalt  }
0x4b: {  	_ =	shalt  }
0x4c: {  	_ =	shalt  }
0x4d: {  	_ =	shalt  }
0x4e: {  	_ =	shalt  }
0x4f: {  	_ =	shalt  }
0x50: {  	_ =	shalt  }
0x51: {  	_ =	shalt  }
0x52: {  	_ =	shalt  }
0x53: {  	_ =	shalt  }
0x54: {  	_ =	shalt  }
0x55: {  	_ =	shalt  }
0x56: {  	_ =	shalt  }
0x57: {  	_ =	shalt  }
0x58: {  	_ =	shalt  }
0x59: {  	_ =	shalt  }
0x5a: {  	_ =	shalt  }
0x5b: {  	_ =	shalt  }
0x5c: {  	_ =	shalt  }
0x5d: {  	_ =	shalt  }
0x5e: {  	_ =	shalt  }
0x5f: {  	_ =	shalt  }
0x60: {  	_ =	shalt  }
0x61: {  	_ =	shalt  }
0x62: {  	_ =	shalt  }
0x63: {  	_ =	shalt  }
0x64: {  	_ =	shalt  }
0x65: {  	_ =	shalt  }
0x66: {  	_ =	shalt  }
0x67: {  	_ =	shalt  }
0x68: {  	_ =	shalt  }
0x69: {  	_ =	shalt  }
0x6a: {  	_ =	shalt  }
0x6b: {  	_ =	shalt  }
0x6c: {  	_ =	shalt  }
0x6d: {  	_ =	shalt  }
0x6e: {  	_ =	shalt  }
0x6f: {  	_ =	shalt  }
0x70: {  	_ =	shalt  }
0x71: {  	_ =	shalt  }
0x72: {  	_ =	shalt  }
0x73: {  	_ =	shalt  }
0x74: {  	_ =	shalt  }
0x75: {  	_ =	shalt  }
0x76: {  	_ =	shalt  }
0x77: {  	_ =	shalt  }
0x78: {  	_ =	shalt  }
0x79: {  	_ =	shalt  }
0x7a: {  	_ =	shalt  }
0x7b: {  	_ =	shalt  }
0x7c: {  	_ =	shalt  }
0x7d: {  	_ =	shalt  }
0x7e: {  	_ =	shalt  }
0x7f: {  	_ =	shalt  }
0x80: {  	_ =	shalt  }
0x81: {  	_ =	shalt  }
0x82: {  	_ =	shalt  }
0x83: {  	_ =	shalt  }
0x84: {  	_ =	shalt  }
0x85: {  	_ =	shalt  }
0x86: {  	_ =	shalt  }
0x87: {  	_ =	shalt  }
.Lfunc_end0:
.L_simem_size_0:
called_computation.2_lowered:
.L_overlay_start_0:
0x88: {  	s2 =	sld [smem:$0x3FD9]  }
0x89: {  	s3 =	sld [smem:$0x3FFE];
	_ =	sdelay $0x1  }
0x8a: {  	s1 =	srdreg.scid  }
0x8b: {  	s0 =	sand.u32 $0x1, s1  }
0x8c: {  	s17 =	sshll.u32 s0, $0xA;
	s2 =	sadd.s32 s3, s2  }
0x8d: {  	s2 =	sadd.s32 s2, s17  }
0x8e: {  	[smem:$0x3FBF] =	sst s2  }
0x8f: {  	_ = 	snop  }
0x90: {  	s2 =	sld [smem:$0x3FD0];
	(tm) =	ssettm $0x1  }
0x91: {  	s18 =	sld [smem:$0x3FFB];
	_ =	sdelay $0x3  }
0x92: {  	_ =	strace s18  }
0x93: {  	s3 =	sld [smem:$0x3FFC];
	_ =	sdelay $0x3  }
0x94: {  	_ =	strace s3  }
0x95: {  	s3 =	sld [smem:$0x3FFD];
	_ =	sdelay $0x3  }
0x96: {  	_ =	strace s3  }
0x97: {  	_ =	strace $0x8FFFFFFF  }
0x98: {  	s19 =	sld [smem:$0x3FDB];
	_ =	sdelay $0x1  }
0x99: {  	s4 =	simm.s32 $_scs_section_size  }
0x9a: {  	s5 =	simm.s32 $_size__tile_overlayer_lowered;
	s6 =	simm.s32 $_tile_overlayer_lowered  }
0x9b: {  	s22 =	simm.s32 $0x1BFF;
	s21 =	sshll.u32 s6, $0x1;
	s3 =	sadd.s32 s4, s19  }
0x9c: {  	s7 =	simm.s32 $0x0;
	s20 =	sshll.u32 s5, $0x1;
	s5 =	sadd.s32 s21, s3  }
0x9d: {  	[timem:s7], [sflag:s22] =	dma.local [hbm:s5], s20  }
0x9e: {  	_ =	swait.ge [sflag:s22], s20  }
0x9f: {  	s4 =	ssub.s32 $0x0, s20;
	[sflag:s22] =	ssyncset.done $0x0  }
0xa0: {  	[sflag:s22] =	ssyncadd.s32 s4;
	_ =	sdelay $0x1  }
0xa1: {  	s23 =	simm.s32 $0x1B8B  }
0xa2: {  	_ =	swait.ge [sflag:s23], $0x1  }
0xa3: {  	[sflag:s23] =	ssyncset.done $0x0  }
0xa4: {  	s25 =	simm.s32 $0x1B8E;
	s24 =	sld [smem:$0x3FFE];
	[sflag:s23] =	ssyncadd.s32 $0xFFFFFFFF  }
0xa5: {  	s26 =	simm.s32 $execute0_lowered;
	[smem:$0x3FD2] =	sst s25  }
0xa6: {  	s5 =	sshll.u32 s26, $0x1;
	_ =	strace $0x8000004C;
	[dreg:$0x1] =	wrdreg $0xFFFFFFFF  }
0xa7: {  	s28 =	simm.s32 $_size_execute0_lowered;
	s3 =	sadd.s32 s3, s5;
	[dreg:$0x0] =	wrdreg $0x0  }
0xa8: {  	s5 =	sshll.u32 s28, $0x1;
	[dreg:$0x2] =	wrdreg s3  }
0xa9: {  	[dreg:$0x3] =	wrdreg s5  }
0xaa: {  	[dreg:$0x4] =	wrdreg $0xC0  }
0xab: {  	_ =	task [dreg:s7], $0x5FFFF  }
0xac: {  	[dreg:$0x1] =	wrdreg $0xFFFFFFFF  }
0xad: {  	[dreg:$0x0] =	wrdreg $0x60  }
0xae: {  	[dreg:$0x2] =	wrdreg s2  }
0xaf: {  	[dreg:$0x3] =	wrdreg s24  }
0xb0: {  	[dreg:$0x4] =	wrdreg $0xD7000  }
0xb1: {  	[dreg:$0x5] =	wrdreg $0x9  }
0xb2: {  	_ =	task.clear_ibuf [dreg:s7], $0x6FFFF;
	_ =	strace $0x9000004C  }
0xb3: {  	s29 =	simm.s32 $0x9;
	_ =	strace $0x8000004E  }
0xb4: {  	_ =	swait.ge [sflag:s29], $0x1  }
0xb5: {  	[sflag:s29] =	ssyncadd.s32 $0xFFFFFFFF  }
0xb6: {  	_ =	strace $0x9000004E  }
0xb7: {  	_ =	sfence  }
0xb8: {  	s30 =	sld [smem:$0x0];
	_ =	sdelay $0x2  }
0xb9: {  	s31 =	sshll.u32 s1, $0xD;
	s1 =	sshrl.u32 s1, $0x2  }
0xba: {  	s3 =	sand.u32 $0x4000, s31;
	s1 =	sadd.s32 s1, s30  }
0xbb: {  	s0 =	sor.u32 s3, s0;
	s1 =	sshll.u32 s1, $0x11  }
0xbc: {  	s0 =	sor.u32 s1, s0  }
0xbd: {  	s0 =	sadd.s32 $0x8F2B, s0  }
0xbe: {  	[sflag:s0] =	ssyncadd.remote.s32 $0x1  }
0xbf: {  	_ =	sfence.sel $0xFFFF  }
0xc0: {  	[dreg:$0x0] =	wrdreg $0xFFFFFFFF;
	(pc) =	sbr.abs _section_cstart, $3  }
0xc1: {  	[dreg:$0x1] =	wrdreg $0xFFFFFFFF  }
0xc2: {  	_ =	task.clear_ibuf [dreg:s7], $0x2FFFF;
	_ =	strace $0x9FFFFFFF  }
0xc3: {  	(tm) =	ssettm $0x7FFFFFFF  }
tec
execute0_lowered:
.L_overlay_start_1:
0x0: {  	(tag) =	ssettag $0x1  }
0x1: {  	s1 =	rddreg [dreg:$0x0]  }
0x2: {  	s0 =	srdreg.scid;
	s4 =	rddreg [dreg:$0x1]  }
0x3: {  	s8 =	stileid.u32;
	s3 =	rddreg [dreg:$0x2];
	s6 =	simm.s32 $0x0  }
0x4: {  	s18 =	simm.s32 $0xCD00;
	s30 =	simm.s32 $0x7EE0;
	s28 =	simm.s32 $0x1  }
0x5: {  	s29 =	simm.s32 $0xBD60;
	s31 =	simm.s32 $0x2;
	s0 =	sand.u32 $0x1, s0  }
0x6: {  	[smem:$0x7FF] =	sst s6;
	s14 =	smul.u32 $0x5000, s8;
	s2 =	sshll.u32 s0, $0x4  }
0x7: {  	s5 =	smul.u32 $0x50000, s0;
	s0 =	ssub.s32 $0x2, s0;
	s2 =	sor.u32 s8, s2  }
0x8: {  	_ =	strace $0x8000004D;
	s7 =	sshrl.u32 s0, $0x1;
	s2 =	smul.u32 $0x2800, s2  }
0x9: {  	s8 =	smul.u32 $0x14000, s8;
	s17 =	sadd.s32 s14, s3;
	s5 =	sadd.s32 s14, s5  }
0xa: {  	s0 =	ssub.s32 s0, s7;
	s26 =	sshrl.u32 s17, $0x3;
	s2 =	sshrl.u32 s2, $0x3  }
0xb: {  	s0 =	smax.u32 s0, $0x1;
	[dreg:$0x10] =	wrdreg s26;
	s2 =	sadd.s32 s2, s4  }
0xc: {  	s5 =	sshrl.u32 s5, $0x3;
	[dreg:$0x8] =	wrdreg s0;
	s15 =	sadd.s32 $0x3A00, s2  }
0xd: {  	s4 =	sadd.s32 s5, s4;
	s2 =	sadd.s32 $0xDA00, s2;
	[dreg:$0x4] =	wrdreg s15  }
0xe: {  	s16 =	sshrl.u32 s8, $0x2;
	s4 =	sadd.s32 $0x17A00, s4;
	[dreg:$0x5] =	wrdreg s2  }
0xf: {  	s10 =	simm.s32 $0x0;
	[dreg:$0x6] =	wrdreg s4;
	s2 =	sadd.s32 s16, s3  }
0x10: {  	s6 =	simm.s32 $0x8;
	s19 =	sadd.s32 $0xA00, s2;
	[dreg:$0x7] =	wrdreg s2  }
0x11: {  	s17 =	simm.s32 $0x9E20;
	s20 =	sadd.s32 $0x1400, s2;
	[dreg:$0x9] =	wrdreg s19  }
0x12: {  	s7 =	simm.s32 $0xF;
	s21 =	sadd.s32 $0x1E00, s2;
	[dreg:$0xa] =	wrdreg s20  }
0x13: {  	s26 =	simm.s32 $0xADC0;
	s22 =	sadd.s32 $0x2800, s2;
	[dreg:$0xb] =	wrdreg s21  }
0x14: {  	s0 =	simm.s32 $0x4;
	s23 =	sadd.s32 $0x3200, s2;
	[dreg:$0xc] =	wrdreg s22  }
.Ltmp0:
0x15: {  	s24 =	sadd.s32 $0x3C00, s2;
	[dreg:$0xd] =	wrdreg s23;
	(pc) =	sbr.rel .LBB2_1-.Ltmp0, $4  }
0x16: {  	s5 =	simm.s32 $0xD;
	s25 =	sadd.s32 $0x4600, s2;
	[dreg:$0xe] =	wrdreg s24  }
0x17: {  	s4 =	simm.s32 $0x6;
	s2 =	simm.s32 $0x9;
	[dreg:$0xf] =	wrdreg s25  }
0x18: {  	s19 =	simm.s32 $0x12;
	s20 =	simm.s32 $0x11;
	s21 =	simm.s32 $0x7D  }
0x19: {  	v0 =	vimm.f32 $0.0e+00;
	s22 =	simm.s32 $0x5000;
	s24 =	simm.s32 $0x5FA0;
	s23 =	simm.s32 $0xB  }
.LBB2_6:
0x1a: {  	s8 =	simm.s32 $0x10  }
0x1b: {  	_ =	swait.ge [sflag:s8], $0xFA0  }
0x1c: {  	[sflag:s8] =	ssyncset.done $0x0  }
0x1d: {  	[sflag:s8] =	ssyncadd.s32 $0xFFFFF060  }
0x1e: {  	s16 =	stileid.u32;
	[bflag:$0x0] =	sbarrier.arrive $0xFFFF  }
0x1f: {  	s8 =	sshll.u32 s16, $0x6;
	s9 =	rddreg [dreg:$0x6]  }
0x20: {  	s8 =	sor.u32 $0x1C12, s8;
	s11 =	rddreg [dreg:$0x10]  }
0x21: {  	[hbm:s9], [sflag:s8] =	dma.local [spmem:s11], $0xA00  }
0x22: {  	_ =	swait.ge [sflag:s19], $0xA00  }
0x23: {  	s10 =	sadd.s32 $0x1, s10;
	s25 =	rddreg [dreg:$0x8]  }
0x24: {  	p0 =	sne.s32 s10, s25  }
.Ltmp1:
0x25: {  	_ = 	snop;
	(pc) =	sbr.rel @!p0 .LBB2_7-.Ltmp1, $3  }
0x26: {  	_ =	sdelay $0x1  }
0x27: {  	[sflag:s19] =	ssyncset.done $0x0  }
0x28: {  	[sflag:s19] =	ssyncadd.s32 $0xFFFFF600  }
.LBB2_1:
0x29: {  	s8 =	simm.s32 $0x0;
	s9 =	rddreg [dreg:$0x4]  }
0x2a: {  	[tilespmem:s8], [sflag:$0x11] =	stream.linear.gather [hbm4b:s9+s8], $0x2800, $0x38;
	[tilespmem:$0x12700] =	vst v63  }
0x2b: {  	s25 =	rddreg [dreg:$0x5];
	s11 =	simm.s32 $0x2800  }
0x2c: {  	[tilespmem:s11], [sflag:$0x11] =	stream.linear.gather [hbm4b:s25+s8], $0x2800, $0x38;
	[tilespmem:$0x12700] =	vst v63  }
0x2d: {  	s12 =	simm.s32 $0x0;
	s11 =	simm.s32 $0x80  }
.LBB2_2:
0x2e: {  	p0 =	sne.s32 s11, $0x2780;
	[tilespmem:s12+$0xCD00] =	vst v0;
	s13 =	smov.u32 s11;
	s11 =	sadd.s32 $0x80, s11  }
.Ltmp2:
0x2f: {  	[tilespmem:s12+$0xCD10] =	vst v0;
	(pc) =	sbr.rel @p0 .LBB2_2-.Ltmp2, $2  }
0x30: {  	_ =	sdelay $0x2  }
0x31: {  	s12 =	sshra.s32 s13, $0x2  }
0x32: {  	[tilespmem:s12+$0xCD00] =	vst v0  }
0x33: {  	[tilespmem:s12+$0xCD10] =	vst v0;
	s8 =	rddreg [dreg:$0x7]  }
0x34: {  	[spmem:s8] =	stream.linear.scatter [tilespmem:s18], [sflag:$0x12], $0xA00, $0x38;
	[tilespmem:$0x12700] =	vst v63  }
0x35: {  	_ =	swait.ge [sflag:s19], $0xA00  }
0x36: {  	[sflag:s19] =	ssyncset.done $0x0  }
0x37: {  	s11 =	rddreg [dreg:$0x9];
	[sflag:s19] =	ssyncadd.s32 $0xFFFFF600  }
0x38: {  	[spmem:s11] =	stream.linear.scatter [tilespmem:s18], [sflag:$0x12], $0xA00, $0x38;
	[tilespmem:$0x12700] =	vst v63  }
0x39: {  	_ =	swait.ge [sflag:s19], $0xA00  }
0x3a: {  	[sflag:s19] =	ssyncset.done $0x0  }
0x3b: {  	s12 =	rddreg [dreg:$0xa];
	[sflag:s19] =	ssyncadd.s32 $0xFFFFF600  }
0x3c: {  	[spmem:s12] =	stream.linear.scatter [tilespmem:s18], [sflag:$0x12], $0xA00, $0x38;
	[tilespmem:$0x12700] =	vst v63  }
0x3d: {  	_ =	swait.ge [sflag:s19], $0xA00  }
0x3e: {  	[sflag:s19] =	ssyncset.done $0x0  }
0x3f: {  	s13 =	rddreg [dreg:$0xb];
	[sflag:s19] =	ssyncadd.s32 $0xFFFFF600  }
0x40: {  	[spmem:s13] =	stream.linear.scatter [tilespmem:s18], [sflag:$0x12], $0xA00, $0x38;
	[tilespmem:$0x12700] =	vst v63  }
0x41: {  	_ =	swait.ge [sflag:s19], $0xA00  }
0x42: {  	[sflag:s19] =	ssyncset.done $0x0  }
0x43: {  	s14 =	rddreg [dreg:$0xc];
	[sflag:s19] =	ssyncadd.s32 $0xFFFFF600  }
0x44: {  	[spmem:s14] =	stream.linear.scatter [tilespmem:s18], [sflag:$0x12], $0xA00, $0x38;
	[tilespmem:$0x12700] =	vst v63  }
0x45: {  	_ =	swait.ge [sflag:s19], $0xA00  }
0x46: {  	[sflag:s19] =	ssyncset.done $0x0  }
0x47: {  	s15 =	rddreg [dreg:$0xd];
	[sflag:s19] =	ssyncadd.s32 $0xFFFFF600  }
0x48: {  	[spmem:s15] =	stream.linear.scatter [tilespmem:s18], [sflag:$0x12], $0xA00, $0x38;
	[tilespmem:$0x12700] =	vst v63  }
0x49: {  	_ =	swait.ge [sflag:s19], $0xA00  }
0x4a: {  	[sflag:s19] =	ssyncset.done $0x0  }
0x4b: {  	s16 =	rddreg [dreg:$0xe];
	[sflag:s19] =	ssyncadd.s32 $0xFFFFF600  }
0x4c: {  	[spmem:s16] =	stream.linear.scatter [tilespmem:s18], [sflag:$0x12], $0xA00, $0x38;
	[tilespmem:$0x12700] =	vst v63  }
0x4d: {  	_ =	swait.ge [sflag:s19], $0xA00  }
0x4e: {  	[sflag:s19] =	ssyncset.done $0x0  }
0x4f: {  	s25 =	rddreg [dreg:$0xf];
	[sflag:s19] =	ssyncadd.s32 $0xFFFFF600  }
0x50: {  	[spmem:s25] =	stream.linear.scatter [tilespmem:s18], [sflag:$0x12], $0xA00, $0x38;
	[tilespmem:$0x12700] =	vst v63  }
0x51: {  	_ =	swait.ge [sflag:s19], $0xA00  }
0x52: {  	[sflag:s19] =	ssyncset.done $0x0  }
0x53: {  	[sflag:s19] =	ssyncadd.s32 $0xFFFFF600  }
0x54: {  	_ =	swait.ge [sflag:s20], $0x2800  }
0x55: {  	[sflag:s20] =	ssyncset.done $0x0  }
0x56: {  	[sflag:s20] =	ssyncadd.s32 $0xFFFFD800  }
0x57: {  	_ =	swait.ge [sflag:s20], $0x2800  }
0x58: {  	[sflag:s20] =	ssyncset.done $0x0  }
0x59: {  	s11 =	simm.s32 $0x0;
	[sflag:s20] =	ssyncadd.s32 $0xFFFFD800  }
0x5a: {  	[tilespmem:s22], [sflag:$0x1] =	stream.indirect.gather [hbm4b:s1+s21], $0x20, s11, s21, $0xb8;
	[tilespmem:$0x12700] =	vst v63  }
0x5b: {  	s9 =	simm.s32 $0x80  }
0x5c: {  	[tilespmem:s24], [sflag:$0x2] =	stream.indirect.gather [hbm4b:s1+s21], $0x20, s9, s21, $0xb8;
	[tilespmem:$0x12700] =	vst v63  }
0x5d: {  	s12 =	simm.s32 $0x100;
	s9 =	simm.s32 $0x6F40  }
0x5e: {  	[tilespmem:s9], [sflag:$0x3] =	stream.indirect.gather [hbm4b:s1+s21], $0x20, s12, s21, $0xb8;
	[tilespmem:$0x12700] =	vst v63  }
0x5f: {  	s13 =	simm.s32 $0x180  }
0x60: {  	[tilespmem:s30], [sflag:$0x4] =	stream.indirect.gather [hbm4b:s1+s21], $0x20, s13, s21, $0xb8;
	[tilespmem:$0x12700] =	vst v63  }
0x61: {  	s14 =	simm.s32 $0x200;
	s15 =	simm.s32 $0x8E80  }
0x62: {  	[tilespmem:s15], [sflag:$0x5] =	stream.indirect.gather [hbm4b:s1+s21], $0x20, s14, s21, $0xb8;
	[tilespmem:$0x12700] =	vst v63  }
0x63: {  	s16 =	simm.s32 $0x280  }
0x64: {  	[tilespmem:s17], [sflag:$0x6] =	stream.indirect.gather [hbm4b:s1+s21], $0x20, s16, s21, $0xb8;
	[tilespmem:$0x12700] =	vst v63  }
0x65: {  	s25 =	simm.s32 $0x300  }
0x66: {  	[tilespmem:s26], [sflag:$0x7] =	stream.indirect.gather [hbm4b:s1+s21], $0x20, s25, s21, $0xb8;
	[tilespmem:$0x12700] =	vst v63  }
0x67: {  	[bflag:$0x0] =	sbarrier.arrive $0xFFFF  }
.LBB2_4:
0x68: {  	_ =	swait.ge [sflag:s28], $0xFA0  }
0x69: {  	s12 =	sshra.s32 s11, $0x2;
	[sflag:s28] =	ssyncset.done $0x0  }
0x6a: {  	p0 =	seq.s32 s11, $0x0;
	s13 =	sadd.s32 $0x2800, s12;
	[sflag:s28] =	ssyncadd.s32 $0xFFFFF060  }
0x6b: {  	[spmem:s3] =	stream.indirect.scatter.add.f32 [tilespmem:s22], [sflag:$0x9], $0x20, s13, s21, $0xb8;
	[tilespmem:$0x12700] =	vst v63  }
0x6c: {  	s13 =	simm.s32 @!p0 $0x10  }
0x6d: {  	_ =	swait.ge @!p0 [sflag:s13], $0xFA0  }
0x6e: {  	[sflag:s13] =	ssyncset.done @!p0 $0x0  }
0x6f: {  	s25 =	sadd.s32 $0x380, s12;
	[sflag:s13] =	ssyncadd.s32 @!p0 $0xFFFFF060  }
0x70: {  	[tilespmem:s29], [sflag:$0x8] =	stream.indirect.gather [hbm4b:s1+s21], $0x20, s25, s21, $0xb8;
	[tilespmem:$0x12700] =	vst v63  }
0x71: {  	_ =	swait.ge [sflag:s31], $0xFA0  }
0x72: {  	[sflag:s31] =	ssyncset.done $0x0  }
0x73: {  	s8 =	sadd.s32 $0x2880, s12;
	[sflag:s31] =	ssyncadd.s32 $0xFFFFF060  }
0x74: {  	[spmem:s3] =	stream.indirect.scatter.add.f32 [tilespmem:s24], [sflag:$0xA], $0x20, s8, s21, $0xb8;
	[tilespmem:$0x12700] =	vst v63  }
0x75: {  	_ =	swait.ge [sflag:s2], $0xFA0  }
0x76: {  	p0 =	seq.s32 s11, $0x9000;
	[sflag:s2] =	ssyncset.done $0x0  }
0x77: {  	s13 =	simm.s32 @p0 $0x3;
	[sflag:s2] =	ssyncadd.s32 $0xFFFFF060  }
0x78: {  	_ =	swait.ge @p0 [sflag:s13], $0xFA0  }
0x79: {  	s15 =	sshra.s32 @p0 s11, $0x2;
	s16 =	simm.s32 @p0 $0x7D;
	[sflag:s13] =	ssyncset.done @p0 $0x0  }
0x7a: {  	s14 =	simm.s32 @p0 $0x6F40;
	[sflag:s13] =	ssyncadd.s32 @p0 $0xFFFFF060;
	s13 =	sadd.s32 @p0 $0x2900, s15  }
0x7b: {  	[spmem:s3] =	stream.indirect.scatter.add.f32 @p0 [tilespmem:s14], [sflag:$0xB], $0x20, s13, s16, $0xb8;
	[tilespmem:$0x12700] =	vst v63  }
0x7c: {  	s13 =	simm.s32 @p0 $0xA  }
0x7d: {  	_ =	swait.ge @p0 [sflag:s13], $0xFA0  }
0x7e: {  	[sflag:s13] =	ssyncset.done @p0 $0x0  }
0x7f: {  	[sflag:s13] =	ssyncadd.s32 @p0 $0xFFFFF060;
	s13 =	sshra.s32 @!p0 s11, $0x2  }
0x80: {  	s8 =	simm.s32 @!p0 $0x5000;
	s14 =	simm.s32 @!p0 $0x7D;
	s25 =	sadd.s32 @!p0 $0x400, s13  }
0x81: {  	[tilespmem:s8], [sflag:$0x1] =	stream.indirect.gather @!p0 [hbm4b:s1+s14], $0x20, s25, s14, $0xb8;
	[tilespmem:$0x12700] =	vst v63  }
0x82: {  	s8 =	simm.s32 @!p0 $0x3  }
0x83: {  	_ =	swait.ge @!p0 [sflag:s8], $0xFA0  }
0x84: {  	[sflag:s8] =	ssyncset.done @!p0 $0x0  }
0x85: {  	s25 =	simm.s32 @!p0 $0x6F40;
	[sflag:s8] =	ssyncadd.s32 @!p0 $0xFFFFF060;
	s8 =	sadd.s32 @!p0 $0x2900, s13  }
0x86: {  	[spmem:s3] =	stream.indirect.scatter.add.f32 @!p0 [tilespmem:s25], [sflag:$0xB], $0x20, s8, s14, $0xb8;
	[tilespmem:$0x12700] =	vst v63  }
0x87: {  	s8 =	simm.s32 @!p0 $0xA  }
0x88: {  	_ =	swait.ge @!p0 [sflag:s8], $0xFA0  }
0x89: {  	[sflag:s8] =	ssyncset.done @!p0 $0x0  }
0x8a: {  	s9 =	simm.s32 @!p0 $0x5FA0;
	[sflag:s8] =	ssyncadd.s32 @!p0 $0xFFFFF060;
	s8 =	sadd.s32 @!p0 $0x480, s13  }
0x8b: {  	[tilespmem:s9], [sflag:$0x2] =	stream.indirect.gather @!p0 [hbm4b:s1+s14], $0x20, s8, s14, $0xb8;
	[tilespmem:$0x12700] =	vst v63  }
0x8c: {  	_ =	swait.ge [sflag:s0], $0xFA0  }
0x8d: {  	[sflag:s0] =	ssyncset.done $0x0  }
0x8e: {  	s9 =	sadd.s32 $0x2980, s12;
	[sflag:s0] =	ssyncadd.s32 $0xFFFFF060  }
0x8f: {  	[spmem:s3] =	stream.indirect.scatter.add.f32 [tilespmem:s30], [sflag:$0xC], $0x20, s9, s21, $0xb8;
	[tilespmem:$0x12700] =	vst v63  }
0x90: {  	_ =	swait.ge [sflag:s23], $0xFA0  }
0x91: {  	[sflag:s23] =	ssyncset.done $0x0  }
0x92: {  	s8 =	simm.s32 @p0 $0x5;
	[sflag:s23] =	ssyncadd.s32 $0xFFFFF060  }
0x93: {  	_ =	swait.ge @p0 [sflag:s8], $0xFA0  }
0x94: {  	[sflag:s8] =	ssyncset.done @p0 $0x0  }
0x95: {  	s9 =	simm.s32 @p0 $0x8E80;
	[sflag:s8] =	ssyncadd.s32 @p0 $0xFFFFF060;
	s8 =	sadd.s32 @p0 $0x2A00, s15  }
0x96: {  	[spmem:s3] =	stream.indirect.scatter.add.f32 @p0 [tilespmem:s9], [sflag:$0xD], $0x20, s8, s16, $0xb8;
	[tilespmem:$0x12700] =	vst v63  }
0x97: {  	s8 =	simm.s32 @p0 $0xC  }
0x98: {  	_ =	swait.ge @p0 [sflag:s8], $0xFA0  }
0x99: {  	[sflag:s8] =	ssyncset.done @p0 $0x0  }
0x9a: {  	[sflag:s8] =	ssyncadd.s32 @p0 $0xFFFFF060;
	s8 =	sadd.s32 @!p0 $0x500, s13  }
0x9b: {  	[tilespmem:s25], [sflag:$0x3] =	stream.indirect.gather @!p0 [hbm4b:s1+s14], $0x20, s8, s14, $0xb8;
	[tilespmem:$0x12700] =	vst v63  }
0x9c: {  	s8 =	simm.s32 @!p0 $0x5  }
0x9d: {  	_ =	swait.ge @!p0 [sflag:s8], $0xFA0  }
0x9e: {  	[sflag:s8] =	ssyncset.done @!p0 $0x0  }
0x9f: {  	s9 =	simm.s32 @!p0 $0x8E80;
	[sflag:s8] =	ssyncadd.s32 @!p0 $0xFFFFF060;
	s8 =	sadd.s32 @!p0 $0x2A00, s13  }
0xa0: {  	[spmem:s3] =	stream.indirect.scatter.add.f32 @!p0 [tilespmem:s9], [sflag:$0xD], $0x20, s8, s14, $0xb8;
	[tilespmem:$0x12700] =	vst v63  }
0xa1: {  	s8 =	simm.s32 @!p0 $0xC  }
0xa2: {  	_ =	swait.ge @!p0 [sflag:s8], $0xFA0  }
0xa3: {  	[sflag:s8] =	ssyncset.done @!p0 $0x0  }
0xa4: {  	s25 =	simm.s32 @!p0 $0x7EE0;
	[sflag:s8] =	ssyncadd.s32 @!p0 $0xFFFFF060;
	s8 =	sadd.s32 @!p0 $0x580, s13  }
0xa5: {  	[tilespmem:s25], [sflag:$0x4] =	stream.indirect.gather @!p0 [hbm4b:s1+s14], $0x20, s8, s14, $0xb8;
	[tilespmem:$0x12700] =	vst v63  }
0xa6: {  	_ =	swait.ge [sflag:s4], $0xFA0  }
0xa7: {  	[sflag:s4] =	ssyncset.done $0x0  }
0xa8: {  	s25 =	sadd.s32 $0x2A80, s12;
	[sflag:s4] =	ssyncadd.s32 $0xFFFFF060  }
0xa9: {  	[spmem:s3] =	stream.indirect.scatter.add.f32 [tilespmem:s17], [sflag:$0xE], $0x20, s25, s21, $0xb8;
	[tilespmem:$0x12700] =	vst v63  }
0xaa: {  	_ =	swait.ge [sflag:s5], $0xFA0  }
0xab: {  	[sflag:s5] =	ssyncset.done $0x0  }
0xac: {  	s8 =	simm.s32 @p0 $0x7;
	[sflag:s5] =	ssyncadd.s32 $0xFFFFF060  }
0xad: {  	_ =	swait.ge @p0 [sflag:s8], $0xFA0  }
0xae: {  	[sflag:s8] =	ssyncset.done @p0 $0x0  }
0xaf: {  	[sflag:s8] =	ssyncadd.s32 @p0 $0xFFFFF060;
	s8 =	sadd.s32 @p0 $0x2B00, s15;
	s15 =	simm.s32 @p0 $0xADC0  }
0xb0: {  	[spmem:s3] =	stream.indirect.scatter.add.f32 @p0 [tilespmem:s15], [sflag:$0xF], $0x20, s8, s16, $0xb8;
	[tilespmem:$0x12700] =	vst v63  }
0xb1: {  	s8 =	simm.s32 @p0 $0xE  }
0xb2: {  	_ =	swait.ge @p0 [sflag:s8], $0xFA0  }
0xb3: {  	[sflag:s8] =	ssyncset.done @p0 $0x0  }
0xb4: {  	[sflag:s8] =	ssyncadd.s32 @p0 $0xFFFFF060;
	s8 =	sadd.s32 @!p0 $0x600, s13  }
0xb5: {  	[tilespmem:s9], [sflag:$0x5] =	stream.indirect.gather @!p0 [hbm4b:s1+s14], $0x20, s8, s14, $0xb8;
	[tilespmem:$0x12700] =	vst v63  }
0xb6: {  	s8 =	simm.s32 @!p0 $0x7  }
0xb7: {  	_ =	swait.ge @!p0 [sflag:s8], $0xFA0  }
0xb8: {  	[sflag:s8] =	ssyncset.done @!p0 $0x0  }
0xb9: {  	s9 =	simm.s32 @!p0 $0xADC0;
	[sflag:s8] =	ssyncadd.s32 @!p0 $0xFFFFF060;
	s8 =	sadd.s32 @!p0 $0x2B00, s13  }
0xba: {  	[spmem:s3] =	stream.indirect.scatter.add.f32 @!p0 [tilespmem:s9], [sflag:$0xF], $0x20, s8, s14, $0xb8;
	[tilespmem:$0x12700] =	vst v63  }
0xbb: {  	s8 =	simm.s32 @!p0 $0xE  }
0xbc: {  	_ =	swait.ge @!p0 [sflag:s8], $0xFA0  }
0xbd: {  	[sflag:s8] =	ssyncset.done @!p0 $0x0  }
0xbe: {  	s9 =	simm.s32 @!p0 $0x9E20;
	[sflag:s8] =	ssyncadd.s32 @!p0 $0xFFFFF060;
	s8 =	sadd.s32 @!p0 $0x680, s13  }
0xbf: {  	[tilespmem:s9], [sflag:$0x6] =	stream.indirect.gather @!p0 [hbm4b:s1+s14], $0x20, s8, s14, $0xb8;
	[tilespmem:$0x12700] =	vst v63  }
0xc0: {  	_ =	swait.ge [sflag:s6], $0xFA0  }
0xc1: {  	[sflag:s6] =	ssyncset.done $0x0  }
.Ltmp3:
0xc2: {  	s25 =	sadd.s32 $0x2B80, s12;
	[sflag:s6] =	ssyncadd.s32 $0xFFFFF060;
	(pc) =	sbr.rel @p0 .LBB2_6-.Ltmp3, $4  }
0xc3: {  	[spmem:s3] =	stream.indirect.scatter.add.f32 [tilespmem:s29], [sflag:$0x10], $0x20, s25, s21, $0xb8;
	[tilespmem:$0x12700] =	vst v63  }
0xc4: {  	_ =	swait.ge [sflag:s7], $0xFA0  }
0xc5: {  	[sflag:s7] =	ssyncset.done $0x0  }
0xc6: {  	[sflag:s7] =	ssyncadd.s32 $0xFFFFF060  }
.Ltmp4:
0xc7: {  	(pc) =	sbr.rel .LBB2_4-.Ltmp4, $3  }
0xc8: {  	_ =	sdelay $0x1  }
0xc9: {  	s8 =	sadd.s32 $0x700, s12;
	s11 =	sadd.s32 $0x1000, s11  }
0xca: {  	[tilespmem:s26], [sflag:$0x7] =	stream.indirect.gather [hbm4b:s1+s21], $0x20, s8, s21, $0xb8;
	[tilespmem:$0x12700] =	vst v63  }
.LBB2_7:
0xcb: {  	_ =	sfence.sel $0x180000  }
0xcc: {  	[bflag:$0x0] =	sbarrier.arrive $0xFFFF  }
0xcd: {  	_ =	strace $0x9000004D  }
0xce: {  	s0 =	stileid.u32;
	[bflag:$0x2] =	sbarrier.arrive $0xFFFF  }
0xcf: {  	p0 =	sne.s32 s0, $0x0;
	s0 =	rddreg [dreg:$0x3]  }
0xd0: {  	s0 =	sadd.s32 @!p0 $0x100000, s0  }
0xd1: {  	[sflag:s0] =	ssyncadd.tile.s32 @!p0 $0x1;
	_ =	shalt  }
.Lfunc_end2:
_tile_overlayer_lowered:
.L_overlay_start_2:
0xd2: {  	(tag) =	ssettag $0x2  }
0xd3: {  	s0 =	rddreg [dreg:$0x0];
	s2 =	stileid.u32  }
0xd4: {  	s1 =	rddreg [dreg:$0x1];
	p0 =	sne.s32 s2, $0x0  }
0xd5: {  	s3 =	rddreg [dreg:$0x2];
	[bflag:$0x3] =	sbarrier.arrive $0xFFFF;
	s2 =	simm.s32 @!p0 $0x1C12  }
0xd6: {  	[timem:s3], [sflag:s2] =	dma.local @!p0 [hbm:s0], s1  }
0xd7: {  	s0 =	simm.s32 @!p0 $0x12  }
0xd8: {  	_ =	swait.ge @!p0 [sflag:s0], s1  }
0xd9: {  	s1 =	ssub.s32 @!p0 $0x0, s1;
	[sflag:s0] =	ssyncset.done @!p0 $0x0  }
0xda: {  	[sflag:s0] =	ssyncadd.s32 @!p0 s1  }
0xdb: {  	[bflag:$0x3] =	sbarrier.arrive $0xFFFF  }
0xdc: {  	_ =	shalt  }

// kernel: kernel.19.cloned.1.call-start
scs
__scs_entry_jumppad:
0x0: {  	(pc) =	sbr.rel $0x88, $3  }
0x1: {  	(tag) =	ssettag $0x0;
	lr =	simm.s32 $0x1  }
0x2: {  	[smem:$0x3F98] =	sst lr;
	_ =	strace $0xD0000000  }
0x3: {  	_ = 	snop  }
0x4: {  	_ = 	snop  }
0x5: {  	_ = 	snop  }
0x6: {  	_ = 	snop  }
0x7: {  	_ = 	snop  }
__scs_overlays_trampoline_lowered:
0x8: {  	[smem:$0x3FA7] =	sst s0  }
0x9: {  	[smem:$0x3FA8] =	sst s1  }
0xa: {  	[smem:$0x3FA9] =	sst s2  }
0xb: {  	[smem:$0x3FAA] =	sst s3  }
0xc: {  	[smem:$0x3FAB] =	sst s4  }
0xd: {  	[smem:$0x3FAC] =	sst s5  }
0xe: {  	[smem:$0x3FAD] =	sst s6  }
0xf: {  	[smem:$0x3FAE] =	sst s7  }
0x10: {  	[smem:$0x3FAF] =	sst s8  }
0x11: {  	[smem:$0x3FB0] =	sst s9;
	s0 =	simm.s32 @!p0 $0x0  }
0x12: {  	s1 =	sld [smem:$0x3F96];
	s0 =	simm.s32 @p0 $0x1  }
0x13: {  	[smem:$0x3FB1] =	sst s0;
	s0 =	simm.s32 @!p1 $0x0  }
0x14: {  	s2 =	sld [smem:$0x3F95];
	s0 =	simm.s32 @p1 $0x1  }
0x15: {  	[smem:$0x3FB2] =	sst s0;
	s0 =	simm.s32 @!p2 $0x0  }
0x16: {  	s3 =	sld [smem:$0x3FDB];
	s0 =	simm.s32 @p2 $0x1  }
0x17: {  	s4 =	simm.s32 $0x1BF5;
	[smem:$0x3FB4] =	sst s0  }
0x18: {  	s0 =	sld [smem:$0x3F97];
	_ =	swait.ge [sflag:s4], $0x0  }
0x19: {  	s7 =	sld [smem:$0x3F98]  }
0x1a: {  	s8 =	sadd.s32 $0xFFFFE003, lr  }
0x1b: {  	s9 =	sadd.s32 $0xFFFFFEF7, lr;
	s5 =	simm.s32 $0xFFFFFFFF;
	p2 =	slt.u32 s8, $0xFFFFF086  }
0x1c: {  	p1 =	slt.u32 s9, $0xF7A;
	s5 =	simm.s32 @!p2 $0x0  }
0x1d: {  	s5 =	simm.s32 @p1 $0x1;
	p0 =	seq.s32 s7, s2  }
0x1e: {  	s7 =	smul.u32 @!p0 $0xF7A, s2;
	p2 =	seq.s32 @!p0 s5, $0x0  }
0x1f: {  	s9 =	smul.u32 $0xF7A, s1;
	s8 =	simm.s32 @!p0 $0x1BF5;
	p2 =	por !p2, p0  }
0x20: {  	[sflag:s8] =	ssyncset.s32 @!p0 $0xFFFFF086;
	s6 =	sadd.s32 @!p0 s3, s7;
	s7 =	simm.s32 @!p0 $0x108  }
0x21: {  	s3 =	sadd.s32 s3, s9;
	s6 =	sadd.s32 @!p0 $0x88, s6;
	s7 =	simm.s32 @p2 $0x1082  }
0x22: {  	[simem:s7], [sflag:s8] =	dma.local @!p0 [hbm:s6], $0xF7A  }
0x23: {  	s9 =	sor.u32 $0xD0000000, s2;
	s6 =	simm.s32 $0x108;
	_ =	swait.ge @!p0 [sflag:s8], $0x0  }
0x24: {  	s3 =	sadd.s32 $0x88, s3;
	s6 =	simm.s32 @!p1 $0x1082;
	[sflag:s4] =	ssyncset.s32 $0xFFFFF086  }
0x25: {  	[simem:s6], [sflag:s4] =	dma.local [hbm:s3], $0xF7A  }
0x26: {  	[smem:$0x3F98] =	sst s1;
	(tag) =	ssettag s2;
	_ =	strace s9  }
0x27: {  	s1 =	sld [smem:$0x3FA8]  }
0x28: {  	s2 =	sld [smem:$0x3FA9]  }
0x29: {  	s4 =	sld [smem:$0x3FAB]  }
0x2a: {  	p0 =	seq.s32 s5, $0x0;
	s5 =	sld [smem:$0x3FAC]  }
0x2b: {  	s6 =	sld [smem:$0x3FAD]  }
0x2c: {  	s7 =	sld [smem:$0x3FAE]  }
0x2d: {  	s3 =	simm.s32 $0x108;
	s8 =	sld [smem:$0x3FAF]  }
0x2e: {  	s3 =	simm.s32 @!p0 $0x1082;
	s9 =	sld [smem:$0x3FB0]  }
0x2f: {  	lr =	sadd.s32 s0, s3;
	s0 =	sld [smem:$0x3FA7]  }
0x30: {  	s3 =	sld [smem:$0x3FAA]  }
0x31: {  	[smem:$0x3FB3] =	sst s10  }
0x32: {  	s10 =	sld [smem:$0x3FB1];
	_ =	sdelay $0x3  }
0x33: {  	p0 =	seq.s32 s10, $0x1;
	s10 =	sld [smem:$0x3FB3];
	_ =	sdelay $0x3  }
0x34: {  	[smem:$0x3FB3] =	sst s10  }
0x35: {  	s10 =	sld [smem:$0x3FB2];
	_ =	sdelay $0x3  }
0x36: {  	p1 =	seq.s32 s10, $0x1;
	s10 =	sld [smem:$0x3FB3];
	_ =	sdelay $0x3  }
0x37: {  	[smem:$0x3FB3] =	sst s10  }
0x38: {  	s10 =	sld [smem:$0x3FB4]  }
0x39: {  	_ = 	snop;
	(pc) =	sbr.ind lr, $3  }
0x3a: {  	_ = 	snop  }
0x3b: {  	_ = 	snop  }
0x3c: {  	p2 =	seq.s32 s10, $0x1;
	s10 =	sld [smem:$0x3FB3]  }
0x3d: {  	_ =	shalt  }
0x3e: {  	_ =	shalt  }
0x3f: {  	_ =	shalt  }
0x40: {  	_ =	shalt  }
0x41: {  	_ =	shalt  }
0x42: {  	_ =	shalt  }
0x43: {  	_ =	shalt  }
0x44: {  	_ =	shalt  }
0x45: {  	_ =	shalt  }
0x46: {  	_ =	shalt  }
0x47: {  	_ =	shalt  }
0x48: {  	_ =	shalt  }
0x49: {  	_ =	shalt  }
0x4a: {  	_ =	shalt  }
0x4b: {  	_ =	shalt  }
0x4c: {  	_ =	shalt  }
0x4d: {  	_ =	shalt  }
0x4e: {  	_ =	shalt  }
0x4f: {  	_ =	shalt  }
0x50: {  	_ =	shalt  }
0x51: {  	_ =	shalt  }
0x52: {  	_ =	shalt  }
0x53: {  	_ =	shalt  }
0x54: {  	_ =	shalt  }
0x55: {  	_ =	shalt  }
0x56: {  	_ =	shalt  }
0x57: {  	_ =	shalt  }
0x58: {  	_ =	shalt  }
0x59: {  	_ =	shalt  }
0x5a: {  	_ =	shalt  }
0x5b: {  	_ =	shalt  }
0x5c: {  	_ =	shalt  }
0x5d: {  	_ =	shalt  }
0x5e: {  	_ =	shalt  }
0x5f: {  	_ =	shalt  }
0x60: {  	_ =	shalt  }
0x61: {  	_ =	shalt  }
0x62: {  	_ =	shalt  }
0x63: {  	_ =	shalt  }
0x64: {  	_ =	shalt  }
0x65: {  	_ =	shalt  }
0x66: {  	_ =	shalt  }
0x67: {  	_ =	shalt  }
0x68: {  	_ =	shalt  }
0x69: {  	_ =	shalt  }
0x6a: {  	_ =	shalt  }
0x6b: {  	_ =	shalt  }
0x6c: {  	_ =	shalt  }
0x6d: {  	_ =	shalt  }
0x6e: {  	_ =	shalt  }
0x6f: {  	_ =	shalt  }
0x70: {  	_ =	shalt  }
0x71: {  	_ =	shalt  }
0x72: {  	_ =	shalt  }
0x73: {  	_ =	shalt  }
0x74: {  	_ =	shalt  }
0x75: {  	_ =	shalt  }
0x76: {  	_ =	shalt  }
0x77: {  	_ =	shalt  }
0x78: {  	_ =	shalt  }
0x79: {  	_ =	shalt  }
0x7a: {  	_ =	shalt  }
0x7b: {  	_ =	shalt  }
0x7c: {  	_ =	shalt  }
0x7d: {  	_ =	shalt  }
0x7e: {  	_ =	shalt  }
0x7f: {  	_ =	shalt  }
0x80: {  	_ =	shalt  }
0x81: {  	_ =	shalt  }
0x82: {  	_ =	shalt  }
0x83: {  	_ =	shalt  }
0x84: {  	_ =	shalt  }
0x85: {  	_ =	shalt  }
0x86: {  	_ =	shalt  }
0x87: {  	_ =	shalt  }
.Lfunc_end0:
.L_simem_size_0:
called_computation.3_lowered:
.L_overlay_start_0:
0x88: {  	s2 =	sld [smem:$0x3FD9]  }
0x89: {  	s3 =	sld [smem:$0x3FFE];
	_ =	sdelay $0x1  }
0x8a: {  	s1 =	srdreg.scid  }
0x8b: {  	s0 =	sand.u32 $0x1, s1  }
0x8c: {  	s17 =	sshll.u32 s0, $0xA;
	s2 =	sadd.s32 s3, s2  }
0x8d: {  	s2 =	sadd.s32 s2, s17  }
0x8e: {  	[smem:$0x3FBF] =	sst s2  }
0x8f: {  	_ = 	snop  }
0x90: {  	s2 =	sld [smem:$0x3FD0];
	(tm) =	ssettm $0x1  }
0x91: {  	s18 =	sld [smem:$0x3FFB];
	_ =	sdelay $0x3  }
0x92: {  	_ =	strace s18  }
0x93: {  	s3 =	sld [smem:$0x3FFC];
	_ =	sdelay $0x3  }
0x94: {  	_ =	strace s3  }
0x95: {  	s3 =	sld [smem:$0x3FFD];
	_ =	sdelay $0x3  }
0x96: {  	_ =	strace s3  }
0x97: {  	_ =	strace $0x8FFFFFFF  }
0x98: {  	s19 =	sld [smem:$0x3FDB];
	_ =	sdelay $0x1  }
0x99: {  	s4 =	simm.s32 $_scs_section_size  }
0x9a: {  	s5 =	simm.s32 $_size__tile_overlayer_lowered;
	s6 =	simm.s32 $_tile_overlayer_lowered  }
0x9b: {  	s22 =	simm.s32 $0x1BFF;
	s21 =	sshll.u32 s6, $0x1;
	s3 =	sadd.s32 s4, s19  }
0x9c: {  	s7 =	simm.s32 $0x0;
	s20 =	sshll.u32 s5, $0x1;
	s5 =	sadd.s32 s21, s3  }
0x9d: {  	[timem:s7], [sflag:s22] =	dma.local [hbm:s5], s20  }
0x9e: {  	_ =	swait.ge [sflag:s22], s20  }
0x9f: {  	s4 =	ssub.s32 $0x0, s20;
	[sflag:s22] =	ssyncset.done $0x0  }
0xa0: {  	[sflag:s22] =	ssyncadd.s32 s4;
	_ =	sdelay $0x1  }
0xa1: {  	s23 =	simm.s32 $0x1B8B  }
0xa2: {  	_ =	swait.ge [sflag:s23], $0x1  }
0xa3: {  	[sflag:s23] =	ssyncset.done $0x0  }
0xa4: {  	s25 =	simm.s32 $0x1B8E;
	s24 =	sld [smem:$0x3FFE];
	[sflag:s23] =	ssyncadd.s32 $0xFFFFFFFF  }
0xa5: {  	s26 =	simm.s32 $execute0_lowered;
	[smem:$0x3FD2] =	sst s25  }
0xa6: {  	s5 =	sshll.u32 s26, $0x1;
	_ =	strace $0x8000004F;
	[dreg:$0x1] =	wrdreg $0xFFFFFFFF  }
0xa7: {  	s28 =	simm.s32 $_size_execute0_lowered;
	s3 =	sadd.s32 s3, s5;
	[dreg:$0x0] =	wrdreg $0x0  }
0xa8: {  	s5 =	sshll.u32 s28, $0x1;
	[dreg:$0x2] =	wrdreg s3  }
0xa9: {  	[dreg:$0x3] =	wrdreg s5  }
0xaa: {  	[dreg:$0x4] =	wrdreg $0xC0  }
0xab: {  	_ =	task [dreg:s7], $0x5FFFF  }
0xac: {  	[dreg:$0x1] =	wrdreg $0xFFFFFFFF  }
0xad: {  	[dreg:$0x0] =	wrdreg $0x60  }
0xae: {  	[dreg:$0x2] =	wrdreg s2  }
0xaf: {  	[dreg:$0x3] =	wrdreg s24  }
0xb0: {  	[dreg:$0x4] =	wrdreg $0xD7000  }
0xb1: {  	[dreg:$0x5] =	wrdreg $0x9  }
0xb2: {  	_ =	task.clear_ibuf [dreg:s7], $0x6FFFF;
	_ =	strace $0x9000004F  }
0xb3: {  	s29 =	simm.s32 $0x9;
	_ =	strace $0x80000051  }
0xb4: {  	_ =	swait.ge [sflag:s29], $0x1  }
0xb5: {  	[sflag:s29] =	ssyncadd.s32 $0xFFFFFFFF  }
0xb6: {  	_ =	strace $0x90000051  }
0xb7: {  	_ =	sfence  }
0xb8: {  	s30 =	sld [smem:$0x0];
	_ =	sdelay $0x2  }
0xb9: {  	s31 =	sshll.u32 s1, $0xD;
	s1 =	sshrl.u32 s1, $0x2  }
0xba: {  	s3 =	sand.u32 $0x4000, s31;
	s1 =	sadd.s32 s1, s30  }
0xbb: {  	s0 =	sor.u32 s3, s0;
	s1 =	sshll.u32 s1, $0x11  }
0xbc: {  	s0 =	sor.u32 s1, s0  }
0xbd: {  	s0 =	sadd.s32 $0x8F2B, s0  }
0xbe: {  	[sflag:s0] =	ssyncadd.remote.s32 $0x1  }
0xbf: {  	_ =	sfence.sel $0xFFFF  }
0xc0: {  	[dreg:$0x0] =	wrdreg $0xFFFFFFFF;
	(pc) =	sbr.abs _section_cstart, $3  }
0xc1: {  	[dreg:$0x1] =	wrdreg $0xFFFFFFFF  }
0xc2: {  	_ =	task.clear_ibuf [dreg:s7], $0x2FFFF;
	_ =	strace $0x9FFFFFFF  }
0xc3: {  	(tm) =	ssettm $0x7FFFFFFF  }
tec
execute0_lowered:
.L_overlay_start_1:
0x0: {  	(tag) =	ssettag $0x1  }
0x1: {  	s1 =	rddreg [dreg:$0x0]  }
0x2: {  	s0 =	srdreg.scid;
	s4 =	rddreg [dreg:$0x1]  }
0x3: {  	s8 =	stileid.u32;
	s3 =	rddreg [dreg:$0x2];
	s6 =	simm.s32 $0x0  }
0x4: {  	s18 =	simm.s32 $0xCD00;
	s30 =	simm.s32 $0x7EE0;
	s28 =	simm.s32 $0x1  }
0x5: {  	s29 =	simm.s32 $0xBD60;
	s31 =	simm.s32 $0x2;
	s0 =	sand.u32 $0x1, s0  }
0x6: {  	[smem:$0x7FF] =	sst s6;
	s14 =	smul.u32 $0x5000, s8;
	s2 =	sshll.u32 s0, $0x4  }
0x7: {  	s5 =	smul.u32 $0x50000, s0;
	s0 =	ssub.s32 $0x2, s0;
	s2 =	sor.u32 s8, s2  }
0x8: {  	_ =	strace $0x80000050;
	s7 =	sshrl.u32 s0, $0x1;
	s2 =	smul.u32 $0x2800, s2  }
0x9: {  	s8 =	smul.u32 $0x14000, s8;
	s17 =	sadd.s32 s14, s3;
	s5 =	sadd.s32 s14, s5  }
0xa: {  	s0 =	ssub.s32 s0, s7;
	s26 =	sshrl.u32 s17, $0x3;
	s2 =	sshrl.u32 s2, $0x3  }
0xb: {  	s0 =	smax.u32 s0, $0x1;
	[dreg:$0x10] =	wrdreg s26;
	s2 =	sadd.s32 s2, s4  }
0xc: {  	s5 =	sshrl.u32 s5, $0x3;
	[dreg:$0x8] =	wrdreg s0;
	s15 =	sadd.s32 $0x3A00, s2  }
0xd: {  	s4 =	sadd.s32 s5, s4;
	s2 =	sadd.s32 $0xDA00, s2;
	[dreg:$0x4] =	wrdreg s15  }
0xe: {  	s16 =	sshrl.u32 s8, $0x2;
	s4 =	sadd.s32 $0x17A00, s4;
	[dreg:$0x5] =	wrdreg s2  }
0xf: {  	s10 =	simm.s32 $0x0;
	[dreg:$0x6] =	wrdreg s4;
	s2 =	sadd.s32 s16, s3  }
0x10: {  	s6 =	simm.s32 $0x8;
	s19 =	sadd.s32 $0xA00, s2;
	[dreg:$0x7] =	wrdreg s2  }
0x11: {  	s17 =	simm.s32 $0x9E20;
	s20 =	sadd.s32 $0x1400, s2;
	[dreg:$0x9] =	wrdreg s19  }
0x12: {  	s7 =	simm.s32 $0xF;
	s21 =	sadd.s32 $0x1E00, s2;
	[dreg:$0xa] =	wrdreg s20  }
0x13: {  	s26 =	simm.s32 $0xADC0;
	s22 =	sadd.s32 $0x2800, s2;
	[dreg:$0xb] =	wrdreg s21  }
0x14: {  	s0 =	simm.s32 $0x4;
	s23 =	sadd.s32 $0x3200, s2;
	[dreg:$0xc] =	wrdreg s22  }
.Ltmp0:
0x15: {  	s24 =	sadd.s32 $0x3C00, s2;
	[dreg:$0xd] =	wrdreg s23;
	(pc) =	sbr.rel .LBB2_1-.Ltmp0, $4  }
0x16: {  	s5 =	simm.s32 $0xD;
	s25 =	sadd.s32 $0x4600, s2;
	[dreg:$0xe] =	wrdreg s24  }
0x17: {  	s4 =	simm.s32 $0x6;
	s2 =	simm.s32 $0x9;
	[dreg:$0xf] =	wrdreg s25  }
0x18: {  	s19 =	simm.s32 $0x12;
	s20 =	simm.s32 $0x11;
	s21 =	simm.s32 $0x7D  }
0x19: {  	v0 =	vimm.f32 $0.0e+00;
	s22 =	simm.s32 $0x5000;
	s24 =	simm.s32 $0x5FA0;
	s23 =	simm.s32 $0xB  }
.LBB2_6:
0x1a: {  	s8 =	simm.s32 $0x10  }
0x1b: {  	_ =	swait.ge [sflag:s8], $0xFA0  }
0x1c: {  	[sflag:s8] =	ssyncset.done $0x0  }
0x1d: {  	[sflag:s8] =	ssyncadd.s32 $0xFFFFF060  }
0x1e: {  	s16 =	stileid.u32;
	[bflag:$0x0] =	sbarrier.arrive $0xFFFF  }
0x1f: {  	s8 =	sshll.u32 s16, $0x6;
	s9 =	rddreg [dreg:$0x6]  }
0x20: {  	s8 =	sor.u32 $0x1C12, s8;
	s11 =	rddreg [dreg:$0x10]  }
0x21: {  	[hbm:s9], [sflag:s8] =	dma.local [spmem:s11], $0xA00  }
0x22: {  	_ =	swait.ge [sflag:s19], $0xA00  }
0x23: {  	s10 =	sadd.s32 $0x1, s10;
	s25 =	rddreg [dreg:$0x8]  }
0x24: {  	p0 =	sne.s32 s10, s25  }
.Ltmp1:
0x25: {  	_ = 	snop;
	(pc) =	sbr.rel @!p0 .LBB2_7-.Ltmp1, $3  }
0x26: {  	_ =	sdelay $0x1  }
0x27: {  	[sflag:s19] =	ssyncset.done $0x0  }
0x28: {  	[sflag:s19] =	ssyncadd.s32 $0xFFFFF600  }
.LBB2_1:
0x29: {  	s8 =	simm.s32 $0x0;
	s9 =	rddreg [dreg:$0x4]  }
0x2a: {  	[tilespmem:s8], [sflag:$0x11] =	stream.linear.gather [hbm4b:s9+s8], $0x2800, $0x38;
	[tilespmem:$0x12700] =	vst v63  }
0x2b: {  	s25 =	rddreg [dreg:$0x5];
	s11 =	simm.s32 $0x2800  }
0x2c: {  	[tilespmem:s11], [sflag:$0x11] =	stream.linear.gather [hbm4b:s25+s8], $0x2800, $0x38;
	[tilespmem:$0x12700] =	vst v63  }
0x2d: {  	s12 =	simm.s32 $0x0;
	s11 =	simm.s32 $0x80  }
.LBB2_2:
0x2e: {  	p0 =	sne.s32 s11, $0x2780;
	[tilespmem:s12+$0xCD00] =	vst v0;
	s13 =	smov.u32 s11;
	s11 =	sadd.s32 $0x80, s11  }
.Ltmp2:
0x2f: {  	[tilespmem:s12+$0xCD10] =	vst v0;
	(pc) =	sbr.rel @p0 .LBB2_2-.Ltmp2, $2  }
0x30: {  	_ =	sdelay $0x2  }
0x31: {  	s12 =	sshra.s32 s13, $0x2  }
0x32: {  	[tilespmem:s12+$0xCD00] =	vst v0  }
0x33: {  	[tilespmem:s12+$0xCD10] =	vst v0;
	s8 =	rddreg [dreg:$0x7]  }
0x34: {  	[spmem:s8] =	stream.linear.scatter [tilespmem:s18], [sflag:$0x12], $0xA00, $0x38;
	[tilespmem:$0x12700] =	vst v63  }
0x35: {  	_ =	swait.ge [sflag:s19], $0xA00  }
0x36: {  	[sflag:s19] =	ssyncset.done $0x0  }
0x37: {  	s11 =	rddreg [dreg:$0x9];
	[sflag:s19] =	ssyncadd.s32 $0xFFFFF600  }
0x38: {  	[spmem:s11] =	stream.linear.scatter [tilespmem:s18], [sflag:$0x12], $0xA00, $0x38;
	[tilespmem:$0x12700] =	vst v63  }
0x39: {  	_ =	swait.ge [sflag:s19], $0xA00  }
0x3a: {  	[sflag:s19] =	ssyncset.done $0x0  }
0x3b: {  	s12 =	rddreg [dreg:$0xa];
	[sflag:s19] =	ssyncadd.s32 $0xFFFFF600  }
0x3c: {  	[spmem:s12] =	stream.linear.scatter [tilespmem:s18], [sflag:$0x12], $0xA00, $0x38;
	[tilespmem:$0x12700] =	vst v63  }
0x3d: {  	_ =	swait.ge [sflag:s19], $0xA00  }
0x3e: {  	[sflag:s19] =	ssyncset.done $0x0  }
0x3f: {  	s13 =	rddreg [dreg:$0xb];
	[sflag:s19] =	ssyncadd.s32 $0xFFFFF600  }
0x40: {  	[spmem:s13] =	stream.linear.scatter [tilespmem:s18], [sflag:$0x12], $0xA00, $0x38;
	[tilespmem:$0x12700] =	vst v63  }
0x41: {  	_ =	swait.ge [sflag:s19], $0xA00  }
0x42: {  	[sflag:s19] =	ssyncset.done $0x0  }
0x43: {  	s14 =	rddreg [dreg:$0xc];
	[sflag:s19] =	ssyncadd.s32 $0xFFFFF600  }
0x44: {  	[spmem:s14] =	stream.linear.scatter [tilespmem:s18], [sflag:$0x12], $0xA00, $0x38;
	[tilespmem:$0x12700] =	vst v63  }
0x45: {  	_ =	swait.ge [sflag:s19], $0xA00  }
0x46: {  	[sflag:s19] =	ssyncset.done $0x0  }
0x47: {  	s15 =	rddreg [dreg:$0xd];
	[sflag:s19] =	ssyncadd.s32 $0xFFFFF600  }
0x48: {  	[spmem:s15] =	stream.linear.scatter [tilespmem:s18], [sflag:$0x12], $0xA00, $0x38;
	[tilespmem:$0x12700] =	vst v63  }
0x49: {  	_ =	swait.ge [sflag:s19], $0xA00  }
0x4a: {  	[sflag:s19] =	ssyncset.done $0x0  }
0x4b: {  	s16 =	rddreg [dreg:$0xe];
	[sflag:s19] =	ssyncadd.s32 $0xFFFFF600  }
0x4c: {  	[spmem:s16] =	stream.linear.scatter [tilespmem:s18], [sflag:$0x12], $0xA00, $0x38;
	[tilespmem:$0x12700] =	vst v63  }
0x4d: {  	_ =	swait.ge [sflag:s19], $0xA00  }
0x4e: {  	[sflag:s19] =	ssyncset.done $0x0  }
0x4f: {  	s25 =	rddreg [dreg:$0xf];
	[sflag:s19] =	ssyncadd.s32 $0xFFFFF600  }
0x50: {  	[spmem:s25] =	stream.linear.scatter [tilespmem:s18], [sflag:$0x12], $0xA00, $0x38;
	[tilespmem:$0x12700] =	vst v63  }
0x51: {  	_ =	swait.ge [sflag:s19], $0xA00  }
0x52: {  	[sflag:s19] =	ssyncset.done $0x0  }
0x53: {  	[sflag:s19] =	ssyncadd.s32 $0xFFFFF600  }
0x54: {  	_ =	swait.ge [sflag:s20], $0x2800  }
0x55: {  	[sflag:s20] =	ssyncset.done $0x0  }
0x56: {  	[sflag:s20] =	ssyncadd.s32 $0xFFFFD800  }
0x57: {  	_ =	swait.ge [sflag:s20], $0x2800  }
0x58: {  	[sflag:s20] =	ssyncset.done $0x0  }
0x59: {  	s11 =	simm.s32 $0x0;
	[sflag:s20] =	ssyncadd.s32 $0xFFFFD800  }
0x5a: {  	[tilespmem:s22], [sflag:$0x1] =	stream.indirect.gather [hbm4b:s1+s21], $0x20, s11, s21, $0xb8;
	[tilespmem:$0x12700] =	vst v63  }
0x5b: {  	s9 =	simm.s32 $0x80  }
0x5c: {  	[tilespmem:s24], [sflag:$0x2] =	stream.indirect.gather [hbm4b:s1+s21], $0x20, s9, s21, $0xb8;
	[tilespmem:$0x12700] =	vst v63  }
0x5d: {  	s12 =	simm.s32 $0x100;
	s9 =	simm.s32 $0x6F40  }
0x5e: {  	[tilespmem:s9], [sflag:$0x3] =	stream.indirect.gather [hbm4b:s1+s21], $0x20, s12, s21, $0xb8;
	[tilespmem:$0x12700] =	vst v63  }
0x5f: {  	s13 =	simm.s32 $0x180  }
0x60: {  	[tilespmem:s30], [sflag:$0x4] =	stream.indirect.gather [hbm4b:s1+s21], $0x20, s13, s21, $0xb8;
	[tilespmem:$0x12700] =	vst v63  }
0x61: {  	s14 =	simm.s32 $0x200;
	s15 =	simm.s32 $0x8E80  }
0x62: {  	[tilespmem:s15], [sflag:$0x5] =	stream.indirect.gather [hbm4b:s1+s21], $0x20, s14, s21, $0xb8;
	[tilespmem:$0x12700] =	vst v63  }
0x63: {  	s16 =	simm.s32 $0x280  }
0x64: {  	[tilespmem:s17], [sflag:$0x6] =	stream.indirect.gather [hbm4b:s1+s21], $0x20, s16, s21, $0xb8;
	[tilespmem:$0x12700] =	vst v63  }
0x65: {  	s25 =	simm.s32 $0x300  }
0x66: {  	[tilespmem:s26], [sflag:$0x7] =	stream.indirect.gather [hbm4b:s1+s21], $0x20, s25, s21, $0xb8;
	[tilespmem:$0x12700] =	vst v63  }
0x67: {  	[bflag:$0x0] =	sbarrier.arrive $0xFFFF  }
.LBB2_4:
0x68: {  	_ =	swait.ge [sflag:s28], $0xFA0  }
0x69: {  	s12 =	sshra.s32 s11, $0x2;
	[sflag:s28] =	ssyncset.done $0x0  }
0x6a: {  	p0 =	seq.s32 s11, $0x0;
	s13 =	sadd.s32 $0x2800, s12;
	[sflag:s28] =	ssyncadd.s32 $0xFFFFF060  }
0x6b: {  	[spmem:s3] =	stream.indirect.scatter.add.f32 [tilespmem:s22], [sflag:$0x9], $0x20, s13, s21, $0xb8;
	[tilespmem:$0x12700] =	vst v63  }
0x6c: {  	s13 =	simm.s32 @!p0 $0x10  }
0x6d: {  	_ =	swait.ge @!p0 [sflag:s13], $0xFA0  }
0x6e: {  	[sflag:s13] =	ssyncset.done @!p0 $0x0  }
0x6f: {  	s25 =	sadd.s32 $0x380, s12;
	[sflag:s13] =	ssyncadd.s32 @!p0 $0xFFFFF060  }
0x70: {  	[tilespmem:s29], [sflag:$0x8] =	stream.indirect.gather [hbm4b:s1+s21], $0x20, s25, s21, $0xb8;
	[tilespmem:$0x12700] =	vst v63  }
0x71: {  	_ =	swait.ge [sflag:s31], $0xFA0  }
0x72: {  	[sflag:s31] =	ssyncset.done $0x0  }
0x73: {  	s8 =	sadd.s32 $0x2880, s12;
	[sflag:s31] =	ssyncadd.s32 $0xFFFFF060  }
0x74: {  	[spmem:s3] =	stream.indirect.scatter.add.f32 [tilespmem:s24], [sflag:$0xA], $0x20, s8, s21, $0xb8;
	[tilespmem:$0x12700] =	vst v63  }
0x75: {  	_ =	swait.ge [sflag:s2], $0xFA0  }
0x76: {  	p0 =	seq.s32 s11, $0x9000;
	[sflag:s2] =	ssyncset.done $0x0  }
0x77: {  	s13 =	simm.s32 @p0 $0x3;
	[sflag:s2] =	ssyncadd.s32 $0xFFFFF060  }
0x78: {  	_ =	swait.ge @p0 [sflag:s13], $0xFA0  }
0x79: {  	s15 =	sshra.s32 @p0 s11, $0x2;
	s16 =	simm.s32 @p0 $0x7D;
	[sflag:s13] =	ssyncset.done @p0 $0x0  }
0x7a: {  	s14 =	simm.s32 @p0 $0x6F40;
	[sflag:s13] =	ssyncadd.s32 @p0 $0xFFFFF060;
	s13 =	sadd.s32 @p0 $0x2900, s15  }
0x7b: {  	[spmem:s3] =	stream.indirect.scatter.add.f32 @p0 [tilespmem:s14], [sflag:$0xB], $0x20, s13, s16, $0xb8;
	[tilespmem:$0x12700] =	vst v63  }
0x7c: {  	s13 =	simm.s32 @p0 $0xA  }
0x7d: {  	_ =	swait.ge @p0 [sflag:s13], $0xFA0  }
0x7e: {  	[sflag:s13] =	ssyncset.done @p0 $0x0  }
0x7f: {  	[sflag:s13] =	ssyncadd.s32 @p0 $0xFFFFF060;
	s13 =	sshra.s32 @!p0 s11, $0x2  }
0x80: {  	s8 =	simm.s32 @!p0 $0x5000;
	s14 =	simm.s32 @!p0 $0x7D;
	s25 =	sadd.s32 @!p0 $0x400, s13  }
0x81: {  	[tilespmem:s8], [sflag:$0x1] =	stream.indirect.gather @!p0 [hbm4b:s1+s14], $0x20, s25, s14, $0xb8;
	[tilespmem:$0x12700] =	vst v63  }
0x82: {  	s8 =	simm.s32 @!p0 $0x3  }
0x83: {  	_ =	swait.ge @!p0 [sflag:s8], $0xFA0  }
0x84: {  	[sflag:s8] =	ssyncset.done @!p0 $0x0  }
0x85: {  	s25 =	simm.s32 @!p0 $0x6F40;
	[sflag:s8] =	ssyncadd.s32 @!p0 $0xFFFFF060;
	s8 =	sadd.s32 @!p0 $0x2900, s13  }
0x86: {  	[spmem:s3] =	stream.indirect.scatter.add.f32 @!p0 [tilespmem:s25], [sflag:$0xB], $0x20, s8, s14, $0xb8;
	[tilespmem:$0x12700] =	vst v63  }
0x87: {  	s8 =	simm.s32 @!p0 $0xA  }
0x88: {  	_ =	swait.ge @!p0 [sflag:s8], $0xFA0  }
0x89: {  	[sflag:s8] =	ssyncset.done @!p0 $0x0  }
0x8a: {  	s9 =	simm.s32 @!p0 $0x5FA0;
	[sflag:s8] =	ssyncadd.s32 @!p0 $0xFFFFF060;
	s8 =	sadd.s32 @!p0 $0x480, s13  }
0x8b: {  	[tilespmem:s9], [sflag:$0x2] =	stream.indirect.gather @!p0 [hbm4b:s1+s14], $0x20, s8, s14, $0xb8;
	[tilespmem:$0x12700] =	vst v63  }
0x8c: {  	_ =	swait.ge [sflag:s0], $0xFA0  }
0x8d: {  	[sflag:s0] =	ssyncset.done $0x0  }
0x8e: {  	s9 =	sadd.s32 $0x2980, s12;
	[sflag:s0] =	ssyncadd.s32 $0xFFFFF060  }
0x8f: {  	[spmem:s3] =	stream.indirect.scatter.add.f32 [tilespmem:s30], [sflag:$0xC], $0x20, s9, s21, $0xb8;
	[tilespmem:$0x12700] =	vst v63  }
0x90: {  	_ =	swait.ge [sflag:s23], $0xFA0  }
0x91: {  	[sflag:s23] =	ssyncset.done $0x0  }
0x92: {  	s8 =	simm.s32 @p0 $0x5;
	[sflag:s23] =	ssyncadd.s32 $0xFFFFF060  }
0x93: {  	_ =	swait.ge @p0 [sflag:s8], $0xFA0  }
0x94: {  	[sflag:s8] =	ssyncset.done @p0 $0x0  }
0x95: {  	s9 =	simm.s32 @p0 $0x8E80;
	[sflag:s8] =	ssyncadd.s32 @p0 $0xFFFFF060;
	s8 =	sadd.s32 @p0 $0x2A00, s15  }
0x96: {  	[spmem:s3] =	stream.indirect.scatter.add.f32 @p0 [tilespmem:s9], [sflag:$0xD], $0x20, s8, s16, $0xb8;
	[tilespmem:$0x12700] =	vst v63  }
0x97: {  	s8 =	simm.s32 @p0 $0xC  }
0x98: {  	_ =	swait.ge @p0 [sflag:s8], $0xFA0  }
0x99: {  	[sflag:s8] =	ssyncset.done @p0 $0x0  }
0x9a: {  	[sflag:s8] =	ssyncadd.s32 @p0 $0xFFFFF060;
	s8 =	sadd.s32 @!p0 $0x500, s13  }
0x9b: {  	[tilespmem:s25], [sflag:$0x3] =	stream.indirect.gather @!p0 [hbm4b:s1+s14], $0x20, s8, s14, $0xb8;
	[tilespmem:$0x12700] =	vst v63  }
0x9c: {  	s8 =	simm.s32 @!p0 $0x5  }
0x9d: {  	_ =	swait.ge @!p0 [sflag:s8], $0xFA0  }
0x9e: {  	[sflag:s8] =	ssyncset.done @!p0 $0x0  }
0x9f: {  	s9 =	simm.s32 @!p0 $0x8E80;
	[sflag:s8] =	ssyncadd.s32 @!p0 $0xFFFFF060;
	s8 =	sadd.s32 @!p0 $0x2A00, s13  }
0xa0: {  	[spmem:s3] =	stream.indirect.scatter.add.f32 @!p0 [tilespmem:s9], [sflag:$0xD], $0x20, s8, s14, $0xb8;
	[tilespmem:$0x12700] =	vst v63  }
0xa1: {  	s8 =	simm.s32 @!p0 $0xC  }
0xa2: {  	_ =	swait.ge @!p0 [sflag:s8], $0xFA0  }
0xa3: {  	[sflag:s8] =	ssyncset.done @!p0 $0x0  }
0xa4: {  	s25 =	simm.s32 @!p0 $0x7EE0;
	[sflag:s8] =	ssyncadd.s32 @!p0 $0xFFFFF060;
	s8 =	sadd.s32 @!p0 $0x580, s13  }
0xa5: {  	[tilespmem:s25], [sflag:$0x4] =	stream.indirect.gather @!p0 [hbm4b:s1+s14], $0x20, s8, s14, $0xb8;
	[tilespmem:$0x12700] =	vst v63  }
0xa6: {  	_ =	swait.ge [sflag:s4], $0xFA0  }
0xa7: {  	[sflag:s4] =	ssyncset.done $0x0  }
0xa8: {  	s25 =	sadd.s32 $0x2A80, s12;
	[sflag:s4] =	ssyncadd.s32 $0xFFFFF060  }
0xa9: {  	[spmem:s3] =	stream.indirect.scatter.add.f32 [tilespmem:s17], [sflag:$0xE], $0x20, s25, s21, $0xb8;
	[tilespmem:$0x12700] =	vst v63  }
0xaa: {  	_ =	swait.ge [sflag:s5], $0xFA0  }
0xab: {  	[sflag:s5] =	ssyncset.done $0x0  }
0xac: {  	s8 =	simm.s32 @p0 $0x7;
	[sflag:s5] =	ssyncadd.s32 $0xFFFFF060  }
0xad: {  	_ =	swait.ge @p0 [sflag:s8], $0xFA0  }
0xae: {  	[sflag:s8] =	ssyncset.done @p0 $0x0  }
0xaf: {  	[sflag:s8] =	ssyncadd.s32 @p0 $0xFFFFF060;
	s8 =	sadd.s32 @p0 $0x2B00, s15;
	s15 =	simm.s32 @p0 $0xADC0  }
0xb0: {  	[spmem:s3] =	stream.indirect.scatter.add.f32 @p0 [tilespmem:s15], [sflag:$0xF], $0x20, s8, s16, $0xb8;
	[tilespmem:$0x12700] =	vst v63  }
0xb1: {  	s8 =	simm.s32 @p0 $0xE  }
0xb2: {  	_ =	swait.ge @p0 [sflag:s8], $0xFA0  }
0xb3: {  	[sflag:s8] =	ssyncset.done @p0 $0x0  }
0xb4: {  	[sflag:s8] =	ssyncadd.s32 @p0 $0xFFFFF060;
	s8 =	sadd.s32 @!p0 $0x600, s13  }
0xb5: {  	[tilespmem:s9], [sflag:$0x5] =	stream.indirect.gather @!p0 [hbm4b:s1+s14], $0x20, s8, s14, $0xb8;
	[tilespmem:$0x12700] =	vst v63  }
0xb6: {  	s8 =	simm.s32 @!p0 $0x7  }
0xb7: {  	_ =	swait.ge @!p0 [sflag:s8], $0xFA0  }
0xb8: {  	[sflag:s8] =	ssyncset.done @!p0 $0x0  }
0xb9: {  	s9 =	simm.s32 @!p0 $0xADC0;
	[sflag:s8] =	ssyncadd.s32 @!p0 $0xFFFFF060;
	s8 =	sadd.s32 @!p0 $0x2B00, s13  }
0xba: {  	[spmem:s3] =	stream.indirect.scatter.add.f32 @!p0 [tilespmem:s9], [sflag:$0xF], $0x20, s8, s14, $0xb8;
	[tilespmem:$0x12700] =	vst v63  }
0xbb: {  	s8 =	simm.s32 @!p0 $0xE  }
0xbc: {  	_ =	swait.ge @!p0 [sflag:s8], $0xFA0  }
0xbd: {  	[sflag:s8] =	ssyncset.done @!p0 $0x0  }
0xbe: {  	s9 =	simm.s32 @!p0 $0x9E20;
	[sflag:s8] =	ssyncadd.s32 @!p0 $0xFFFFF060;
	s8 =	sadd.s32 @!p0 $0x680, s13  }
0xbf: {  	[tilespmem:s9], [sflag:$0x6] =	stream.indirect.gather @!p0 [hbm4b:s1+s14], $0x20, s8, s14, $0xb8;
	[tilespmem:$0x12700] =	vst v63  }
0xc0: {  	_ =	swait.ge [sflag:s6], $0xFA0  }
0xc1: {  	[sflag:s6] =	ssyncset.done $0x0  }
.Ltmp3:
0xc2: {  	s25 =	sadd.s32 $0x2B80, s12;
	[sflag:s6] =	ssyncadd.s32 $0xFFFFF060;
	(pc) =	sbr.rel @p0 .LBB2_6-.Ltmp3, $4  }
0xc3: {  	[spmem:s3] =	stream.indirect.scatter.add.f32 [tilespmem:s29], [sflag:$0x10], $0x20, s25, s21, $0xb8;
	[tilespmem:$0x12700] =	vst v63  }
0xc4: {  	_ =	swait.ge [sflag:s7], $0xFA0  }
0xc5: {  	[sflag:s7] =	ssyncset.done $0x0  }
0xc6: {  	[sflag:s7] =	ssyncadd.s32 $0xFFFFF060  }
.Ltmp4:
0xc7: {  	(pc) =	sbr.rel .LBB2_4-.Ltmp4, $3  }
0xc8: {  	_ =	sdelay $0x1  }
0xc9: {  	s8 =	sadd.s32 $0x700, s12;
	s11 =	sadd.s32 $0x1000, s11  }
0xca: {  	[tilespmem:s26], [sflag:$0x7] =	stream.indirect.gather [hbm4b:s1+s21], $0x20, s8, s21, $0xb8;
	[tilespmem:$0x12700] =	vst v63  }
.LBB2_7:
0xcb: {  	_ =	sfence.sel $0x180000  }
0xcc: {  	[bflag:$0x0] =	sbarrier.arrive $0xFFFF  }
0xcd: {  	_ =	strace $0x90000050  }
0xce: {  	s0 =	stileid.u32;
	[bflag:$0x2] =	sbarrier.arrive $0xFFFF  }
0xcf: {  	p0 =	sne.s32 s0, $0x0;
	s0 =	rddreg [dreg:$0x3]  }
0xd0: {  	s0 =	sadd.s32 @!p0 $0x100000, s0  }
0xd1: {  	[sflag:s0] =	ssyncadd.tile.s32 @!p0 $0x1;
	_ =	shalt  }
.Lfunc_end2:
_tile_overlayer_lowered:
.L_overlay_start_2:
0xd2: {  	(tag) =	ssettag $0x2  }
0xd3: {  	s0 =	rddreg [dreg:$0x0];
	s2 =	stileid.u32  }
0xd4: {  	s1 =	rddreg [dreg:$0x1];
	p0 =	sne.s32 s2, $0x0  }
0xd5: {  	s3 =	rddreg [dreg:$0x2];
	[bflag:$0x3] =	sbarrier.arrive $0xFFFF;
	s2 =	simm.s32 @!p0 $0x1C12  }
0xd6: {  	[timem:s3], [sflag:s2] =	dma.local @!p0 [hbm:s0], s1  }
0xd7: {  	s0 =	simm.s32 @!p0 $0x12  }
0xd8: {  	_ =	swait.ge @!p0 [sflag:s0], s1  }
0xd9: {  	s1 =	ssub.s32 @!p0 $0x0, s1;
	[sflag:s0] =	ssyncset.done @!p0 $0x0  }
0xda: {  	[sflag:s0] =	ssyncadd.s32 @!p0 s1  }
0xdb: {  	[bflag:$0x3] =	sbarrier.arrive $0xFFFF  }
0xdc: {  	_ =	shalt  }

</sc_bundles>
